<compile_context>
chip_gen: v7x
topology: tpu7x:2x2x1
jax: 0.10.2.dev20260603
libtpu: 0.0.44.dev20260713+nightly
codegen_flags: <defaults>
</compile_context>

<pallas_src>
import jax
import jax.numpy as jnp
from jax import lax
from jax.experimental import pallas as pl
from jax.experimental.pallas import tpu as pltpu
from jax.experimental.pallas import tpu_sc as plsc

H = 1024
HW = H // 2
N = 4 * 8192
NC, NS, LANES = 2, 16, 16
NW = NC * NS
TPW = N // NW
T = 8
G = 4 * T
NCHUNK = TPW // T
PAIRS = NCHUNK // 2
WPT = HW // LANES

OFF_PCT = 512
OFF_FRAC = 616
NROWS_PAD = 1624


def _body(tab_h, pos_h, exp_h, pct_h, frac_h, d_h, out_h, dum_h,
          pe_i, pct_i, fb_i, d_v, gidx,
          buf_a, buf_b, o_a, o_b, semg_a, semg_b, semo_a, semo_b):
  wid = lax.axis_index("s") * NC + lax.axis_index("c")
  wbase = wid * TPW

  pltpu.sync_copy(pos_h.at[pl.ds(wbase, TPW)], pe_i)
  pltpu.sync_copy(exp_h.at[pl.ds(wbase, TPW)], pct_i)
  pltpu.sync_copy(frac_h.at[pl.ds(wbase, TPW)], fb_i)
  pltpu.sync_copy(d_h.at[pl.ds(wbase, TPW)], d_v.at[pl.ds(0, TPW)])

  @plsc.parallel_loop(0, TPW // LANES, unroll=4)
  def _(i):
    sl = pl.ds(i * LANES, LANES)
    pe_i[sl] = pe_i[sl] * 256 + pct_i[sl]
  pltpu.sync_copy(pct_h.at[pl.ds(wbase, TPW)], pct_i)

  lanes = lax.iota(jnp.int32, LANES)
  dest0 = jnp.where(lanes < T, 0, G) + (lanes & (T - 1))

  @plsc.parallel_loop(0, PAIRS, unroll=2)
  def _(p):
    tb = p * 2 * T
    dest = dest0 + p * (2 * G)
    pe16 = pe_i[pl.ds(tb, LANES)]
    pc16 = pct_i[pl.ds(tb, LANES)] + OFF_PCT
    fb16 = fb_i[pl.ds(tb, LANES)]
    plsc.store_scatter(gidx, [dest], pe16)
    plsc.store_scatter(gidx, [dest + T], pc16)
    plsc.store_scatter(gidx, [dest + 2 * T], fb16 + OFF_FRAC)
    plsc.store_scatter(gidx, [dest + 3 * T], fb16 + (OFF_FRAC + 1))

  def fire_gather(c, buf, sem):
    return pltpu.async_copy(tab_h.at[gidx.at[pl.ds(c * G, G)]], buf, sem)

  def drain_gather(buf, sem):
    pltpu.make_async_copy(tab_h.at[gidx.at[pl.ds(0, G)]], buf, sem).wait()

  def fire_scatter(c, o, sem):
    return pltpu.async_copy(o, out_h.at[pl.ds(wbase + c * T, T)], sem)

  def drain_scatter(o, sem):
    pltpu.make_async_copy(o, out_h.at[pl.ds(wbase, T)], sem).wait()

  fire_gather(0, buf_a, semg_a)
  fire_gather(1, buf_b, semg_b)
  pltpu.async_copy(o_a, dum_h.at[pl.ds(0, T)], semo_a)
  pltpu.async_copy(o_b, dum_h.at[pl.ds(T, T)], semo_b)

  def compute(c, buf, o):
    cb = c * T
    d16 = d_v[pl.ds(cb, LANES)]

    for t in range(T):
      dsp = jnp.broadcast_to(d16[t], (LANES,))
      one_m = 1.0 - dsp
      d32 = plsc.pack(dsp, dsp, format=plsc.PackFormat.INTERLEAVED)
      om32 = plsc.pack(one_m, one_m, format=plsc.PackFormat.INTERLEAVED)

      @plsc.parallel_loop(0, WPT, unroll=8)
      def _(w, t=t, d32=d32, om32=om32):
        slw = pl.ds(w * LANES, LANES)
        pe = plsc.bitcast(buf[t, slw], jnp.bfloat16)
        pc = plsc.bitcast(buf[T + t, slw], jnp.bfloat16)
        lo = plsc.bitcast(buf[2 * T + t, slw], jnp.bfloat16)
        hi = plsc.bitcast(buf[3 * T + t, slw], jnp.bfloat16)
        acc = pe + pc + om32 * lo + d32 * hi
        v = plsc.bitcast(acc, jnp.int32)
        ev = plsc.bitcast(lax.shift_left(v, 16), jnp.float32)
        od = plsc.bitcast(lax.bitwise_and(v, jnp.int32(-65536)), jnp.float32)
        col = w * LANES
        o[t, pl.ds(col, LANES)] = ev
        o[t, pl.ds(col + HW, LANES)] = od

  def pair_body(k, _):
    ca = 2 * k
    cb_ = 2 * k + 1
    drain_gather(buf_a, semg_a)
    drain_scatter(o_a, semo_a)
    compute(ca, buf_a, o_a)
    fire_scatter(ca, o_a, semo_a)
    fire_gather(jnp.minimum(ca + 2, NCHUNK - 2), buf_a, semg_a)
    drain_gather(buf_b, semg_b)
    drain_scatter(o_b, semo_b)
    compute(cb_, buf_b, o_b)
    fire_scatter(cb_, o_b, semo_b)
    fire_gather(jnp.minimum(cb_ + 2, NCHUNK - 1), buf_b, semg_b)
    return 0

  lax.fori_loop(0, PAIRS, pair_body, 0)

  drain_gather(buf_a, semg_a)
  drain_gather(buf_b, semg_b)
  drain_scatter(o_a, semo_a)
  drain_scatter(o_b, semo_b)


def _run(tab, pos, exp, pct, frac, delta):
  mesh = plsc.VectorSubcoreMesh(core_axis_name="c", subcore_axis_name="s")
  fn = pl.kernel(
      _body,
      out_type=(jax.ShapeDtypeStruct((N, H), jnp.float32),
                jax.ShapeDtypeStruct((2 * T, H), jnp.float32)),
      mesh=mesh,
      compiler_params=pltpu.CompilerParams(needs_layout_passes=False),
      scratch_types=[
          pltpu.VMEM((TPW,), jnp.int32),
          pltpu.VMEM((TPW,), jnp.int32),
          pltpu.VMEM((TPW,), jnp.int32),
          pltpu.VMEM((TPW + LANES,), jnp.float32),
          pltpu.VMEM((NCHUNK * G,), jnp.int32),
          pltpu.VMEM((G, HW), jnp.int32),
          pltpu.VMEM((G, HW), jnp.int32),
          pltpu.VMEM((T, H), jnp.float32),
          pltpu.VMEM((T, H), jnp.float32),
          pltpu.SemaphoreType.DMA,
          pltpu.SemaphoreType.DMA,
          pltpu.SemaphoreType.DMA,
          pltpu.SemaphoreType.DMA,
      ],
  )
  out, _ = fn(tab, pos, exp, pct, frac, delta)
  return out


def _prep_table(W_pos, W_exp, W_pct, W_frac):

  def pack(x):
    xb = x.astype(jnp.bfloat16)
    a = lax.bitcast_convert_type(xb[..., :HW], jnp.uint16).astype(jnp.uint32)
    b = lax.bitcast_convert_type(xb[..., HW:], jnp.uint16).astype(jnp.uint32)
    return lax.bitcast_convert_type(a | (b << 16), jnp.int32)

  def body(p_ref, e_ref, c_ref, f_ref, o_ref):
    pe = p_ref[...][:, None, :] + e_ref[...][None, :, :]
    o_ref[0:512] = pack(pe.reshape(512, H))
    o_ref[OFF_PCT:OFF_PCT + 102] = pack(c_ref[...])
    o_ref[OFF_FRAC:OFF_FRAC + 1001] = pack(f_ref[...])

  return pl.pallas_call(
      body,
      out_shape=jax.ShapeDtypeStruct((NROWS_PAD, HW), jnp.int32),
  )(W_pos, W_exp, W_pct, W_frac)


def kernel(is_positive, exponent, fraction_bin, delta, percentile_values,
           W_pos, W_exp, W_frac, W_pct):
  B, L = is_positive.shape
  tab_p = _prep_table(W_pos, W_exp, W_pct, W_frac)
  pos = is_positive.astype(jnp.int32).reshape(N)
  exp = exponent.astype(jnp.int32).reshape(N)
  pct = percentile_values.astype(jnp.int32).reshape(N)
  frac = fraction_bin.astype(jnp.int32).reshape(N)
  d = delta.astype(jnp.float32).reshape(N)
  out = _run(tab_p, pos, exp, pct, frac, d)
  return out.reshape(B, L, H)

# --- scband reference (transcript-rebuilt; emitter-appended) ---
"""Pipeline reference for scband-number-embeddings-53953379172500 (READ-ONLY COPY).

The authoritative reference and input builder live on the scoring server;
editing this copy changes nothing except your own understanding.
"""

import jax, jax.numpy as jnp
import numpy as np

H = 1024
B, L = 4, 8192

def setup_inputs(seed: int = 0) -> dict:
    key = jax.random.key(seed)
    ks = jax.random.split(key, 9)
    is_positive = jax.random.randint(ks[0], (B, L), 0, 2, dtype=jnp.int64 if jax.config.read('jax_enable_x64') else jnp.int32)
    exponent = jax.random.randint(ks[1], (B, L), 0, 256)
    fraction_bin = jax.random.randint(ks[2], (B, L), 0, 1000)
    delta = jax.random.uniform(ks[3], (B, L), dtype=jnp.float32)
    percentile_values = jax.random.randint(ks[4], (B, L), 0, 102)
    W_pos = jax.random.normal(ks[5], (2, H), dtype=jnp.float32) * 0.02
    W_exp = jax.random.normal(ks[6], (256, H), dtype=jnp.float32) * 0.02
    W_frac = jax.random.normal(ks[7], (1001, H), dtype=jnp.float32) * 0.02
    W_pct = jax.random.normal(ks[8], (102, H), dtype=jnp.float32) * 0.02
    return {
        'is_positive': is_positive,
        'exponent': exponent,
        'fraction_bin': fraction_bin,
        'delta': delta,
        'percentile_values': percentile_values,
        'W_pos': W_pos,
        'W_exp': W_exp,
        'W_frac': W_frac,
        'W_pct': W_pct,
    }

def reference(is_positive, exponent, fraction_bin, delta, percentile_values, W_pos, W_exp, W_frac, W_pct):
    is_positive_embeds = jnp.take(W_pos, is_positive, axis=0)
    exponent_embeds = jnp.take(W_exp, exponent, axis=0)
    percentile_embeds = jnp.take(W_pct, percentile_values, axis=0)
    d = jnp.expand_dims(delta, 2)
    frac_lo = jnp.take(W_frac, fraction_bin, axis=0)
    frac_hi = jnp.take(W_frac, fraction_bin + 1, axis=0)
    fraction_bin_embeds = frac_lo * (1.0 - d) + frac_hi * d
    out = is_positive_embeds + exponent_embeds + fraction_bin_embeds + percentile_embeds
    return out.astype(is_positive_embeds.dtype)

if __name__ == "__main__":
    import jax
    _d = setup_inputs()
    print(jax.jit(kernel)(*tuple(_d.values())))

</pallas_src>

<mosaic_0001>
#map = affine_map<(d0, d1) -> (0, 0)>
#map1 = affine_map<(d0, d1) -> (0)>
module attributes {stable_mosaic.version = 14 : i64} {
  func.func @_body(%arg0: i32, %arg1: i32, %arg2: memref<1624x512xi32, #tpu.memory_space<hbm>>, %arg3: memref<32768xi32, #tpu.memory_space<hbm>>, %arg4: memref<32768xi32, #tpu.memory_space<hbm>>, %arg5: memref<32768xi32, #tpu.memory_space<hbm>>, %arg6: memref<32768xi32, #tpu.memory_space<hbm>>, %arg7: memref<32768xf32, #tpu.memory_space<hbm>>, %arg8: memref<32768x1024xf32, #tpu.memory_space<hbm>>, %arg9: memref<16x1024xf32, #tpu.memory_space<hbm>>, %arg10: memref<1024xi32, #tpu.memory_space<vmem>>, %arg11: memref<1024xi32, #tpu.memory_space<vmem>>, %arg12: memref<1024xi32, #tpu.memory_space<vmem>>, %arg13: memref<1040xf32, #tpu.memory_space<vmem>>, %arg14: memref<4096xi32, #tpu.memory_space<vmem>>, %arg15: memref<32x512xi32, #tpu.memory_space<vmem>>, %arg16: memref<32x512xi32, #tpu.memory_space<vmem>>, %arg17: memref<8x1024xf32, #tpu.memory_space<vmem>>, %arg18: memref<8x1024xf32, #tpu.memory_space<vmem>>, %arg19: memref<!tpu.dma_semaphore, #tpu.memory_space<semaphore_mem>>, %arg20: memref<!tpu.dma_semaphore, #tpu.memory_space<semaphore_mem>>, %arg21: memref<!tpu.dma_semaphore, #tpu.memory_space<semaphore_mem>>, %arg22: memref<!tpu.dma_semaphore, #tpu.memory_space<semaphore_mem>>) attributes {dimension_semantics = [#tpu.dimension_semantics<core_parallel>, #tpu.dimension_semantics<subcore_parallel>], iteration_bounds = array<i64: 2, 16>, scalar_prefetch = 0 : i64, scratch_operands = 13 : i64, tpu.core_type = #tpu.core_type<sc_vector_subcore>, window_params = [{transform_indices = #map}, {transform_indices = #map1}, {transform_indices = #map1}, {transform_indices = #map1}, {transform_indices = #map1}, {transform_indices = #map1}, {transform_indices = #map}, {transform_indices = #map}]} {
    %mul3A = arith.constant 2 : i32
    %mul3A_0 = arith.muli %arg1, %mul3A : i32
    %add3A = arith.addi %mul3A_0, %arg0 : i32
    %mul3A_1 = arith.constant 1024 : i32
    %mul3A_2 = arith.muli %add3A, %mul3A_1 : i32
    "tpu.region"() ({
      %run_scoped3A = tpu.sem_alloc : memref<!tpu.dma_semaphore, #tpu.memory_space<semaphore_mem>>
      %dma_start3A_59 = tpu.memref_slice %arg3[%mul3A_2] : memref<32768xi32, #tpu.memory_space<hbm>> -> memref<1024xi32, #tpu.memory_space<hbm>>
      %dma_start3A_60 = tpu.memref_slice %arg3[%mul3A_2] : memref<32768xi32, #tpu.memory_space<hbm>> -> memref<1024xi32, #tpu.memory_space<hbm>>
      tpu.enqueue_dma source(%dma_start3A_60 : memref<1024xi32, #tpu.memory_space<hbm>>) target(%arg10 : memref<1024xi32, #tpu.memory_space<vmem>>) target_semaphore(%run_scoped3A : memref<!tpu.dma_semaphore, #tpu.memory_space<semaphore_mem>>)
      %dma_wait3A_61 = tpu.memref_slice %arg3[%mul3A_2] : memref<32768xi32, #tpu.memory_space<hbm>> -> memref<1024xi32, #tpu.memory_space<hbm>>
      %dma_wait3A_62 = tpu.memref_slice %arg3[%mul3A_2] : memref<32768xi32, #tpu.memory_space<hbm>> -> memref<1024xi32, #tpu.memory_space<hbm>>
      tpu.wait_dma2 semaphore(%run_scoped3A : memref<!tpu.dma_semaphore, #tpu.memory_space<semaphore_mem>>) src(%dma_wait3A_62 : memref<1024xi32, #tpu.memory_space<hbm>>) dst(%arg10 : memref<1024xi32, #tpu.memory_space<vmem>>)
      tpu.yield
    }) : () -> ()
    "tpu.region"() ({
      %run_scoped3A = tpu.sem_alloc : memref<!tpu.dma_semaphore, #tpu.memory_space<semaphore_mem>>
      %dma_start3A_59 = tpu.memref_slice %arg4[%mul3A_2] : memref<32768xi32, #tpu.memory_space<hbm>> -> memref<1024xi32, #tpu.memory_space<hbm>>
      %dma_start3A_60 = tpu.memref_slice %arg4[%mul3A_2] : memref<32768xi32, #tpu.memory_space<hbm>> -> memref<1024xi32, #tpu.memory_space<hbm>>
      tpu.enqueue_dma source(%dma_start3A_60 : memref<1024xi32, #tpu.memory_space<hbm>>) target(%arg11 : memref<1024xi32, #tpu.memory_space<vmem>>) target_semaphore(%run_scoped3A : memref<!tpu.dma_semaphore, #tpu.memory_space<semaphore_mem>>)
      %dma_wait3A_61 = tpu.memref_slice %arg4[%mul3A_2] : memref<32768xi32, #tpu.memory_space<hbm>> -> memref<1024xi32, #tpu.memory_space<hbm>>
      %dma_wait3A_62 = tpu.memref_slice %arg4[%mul3A_2] : memref<32768xi32, #tpu.memory_space<hbm>> -> memref<1024xi32, #tpu.memory_space<hbm>>
      tpu.wait_dma2 semaphore(%run_scoped3A : memref<!tpu.dma_semaphore, #tpu.memory_space<semaphore_mem>>) src(%dma_wait3A_62 : memref<1024xi32, #tpu.memory_space<hbm>>) dst(%arg11 : memref<1024xi32, #tpu.memory_space<vmem>>)
      tpu.yield
    }) : () -> ()
    "tpu.region"() ({
      %run_scoped3A = tpu.sem_alloc : memref<!tpu.dma_semaphore, #tpu.memory_space<semaphore_mem>>
      %dma_start3A_59 = tpu.memref_slice %arg6[%mul3A_2] : memref<32768xi32, #tpu.memory_space<hbm>> -> memref<1024xi32, #tpu.memory_space<hbm>>
      %dma_start3A_60 = tpu.memref_slice %arg6[%mul3A_2] : memref<32768xi32, #tpu.memory_space<hbm>> -> memref<1024xi32, #tpu.memory_space<hbm>>
      tpu.enqueue_dma source(%dma_start3A_60 : memref<1024xi32, #tpu.memory_space<hbm>>) target(%arg12 : memref<1024xi32, #tpu.memory_space<vmem>>) target_semaphore(%run_scoped3A : memref<!tpu.dma_semaphore, #tpu.memory_space<semaphore_mem>>)
      %dma_wait3A_61 = tpu.memref_slice %arg6[%mul3A_2] : memref<32768xi32, #tpu.memory_space<hbm>> -> memref<1024xi32, #tpu.memory_space<hbm>>
      %dma_wait3A_62 = tpu.memref_slice %arg6[%mul3A_2] : memref<32768xi32, #tpu.memory_space<hbm>> -> memref<1024xi32, #tpu.memory_space<hbm>>
      tpu.wait_dma2 semaphore(%run_scoped3A : memref<!tpu.dma_semaphore, #tpu.memory_space<semaphore_mem>>) src(%dma_wait3A_62 : memref<1024xi32, #tpu.memory_space<hbm>>) dst(%arg12 : memref<1024xi32, #tpu.memory_space<vmem>>)
      tpu.yield
    }) : () -> ()
    "tpu.region"() ({
      %run_scoped3A = tpu.sem_alloc : memref<!tpu.dma_semaphore, #tpu.memory_space<semaphore_mem>>
      %dma_start3A_59 = arith.constant 0 : i32
      %dma_start3A_60 = tpu.memref_slice %arg13[%dma_start3A_59] : memref<1040xf32, #tpu.memory_space<vmem>> -> memref<1024xf32, #tpu.memory_space<vmem>>
      %dma_start3A_61 = tpu.memref_slice %arg7[%mul3A_2] : memref<32768xf32, #tpu.memory_space<hbm>> -> memref<1024xf32, #tpu.memory_space<hbm>>
      %dma_start3A_62 = arith.constant 0 : i32
      %dma_start3A_63 = tpu.memref_slice %arg13[%dma_start3A_62] : memref<1040xf32, #tpu.memory_space<vmem>> -> memref<1024xf32, #tpu.memory_space<vmem>>
      %dma_start3A_64 = tpu.memref_slice %arg7[%mul3A_2] : memref<32768xf32, #tpu.memory_space<hbm>> -> memref<1024xf32, #tpu.memory_space<hbm>>
      tpu.enqueue_dma source(%dma_start3A_64 : memref<1024xf32, #tpu.memory_space<hbm>>) target(%dma_start3A_63 : memref<1024xf32, #tpu.memory_space<vmem>>) target_semaphore(%run_scoped3A : memref<!tpu.dma_semaphore, #tpu.memory_space<semaphore_mem>>)
      %dma_wait3A_65 = arith.constant 0 : i32
      %dma_wait3A_66 = tpu.memref_slice %arg13[%dma_wait3A_65] : memref<1040xf32, #tpu.memory_space<vmem>> -> memref<1024xf32, #tpu.memory_space<vmem>>
      %dma_wait3A_67 = tpu.memref_slice %arg7[%mul3A_2] : memref<32768xf32, #tpu.memory_space<hbm>> -> memref<1024xf32, #tpu.memory_space<hbm>>
      %dma_wait3A_68 = arith.constant 0 : i32
      %dma_wait3A_69 = tpu.memref_slice %arg13[%dma_wait3A_68] : memref<1040xf32, #tpu.memory_space<vmem>> -> memref<1024xf32, #tpu.memory_space<vmem>>
      %dma_wait3A_70 = tpu.memref_slice %arg7[%mul3A_2] : memref<32768xf32, #tpu.memory_space<hbm>> -> memref<1024xf32, #tpu.memory_space<hbm>>
      tpu.wait_dma2 semaphore(%run_scoped3A : memref<!tpu.dma_semaphore, #tpu.memory_space<semaphore_mem>>) src(%dma_wait3A_70 : memref<1024xf32, #tpu.memory_space<hbm>>) dst(%dma_wait3A_69 : memref<1024xf32, #tpu.memory_space<vmem>>)
      tpu.yield
    }) : () -> ()
    %parallel_loop3A = arith.constant 0 : i32
    %parallel_loop3A_3 = arith.constant 64 : i32
    %parallel_loop3A_4 = arith.constant 1 : i32
    scf.for %parallel_loop3A_59 = %parallel_loop3A to %parallel_loop3A_3 step %parallel_loop3A_4  : i32 {
      %parallel_loop3A_60 = arith.constant 16 : i32
      %parallel_loop3A_61 = arith.muli %parallel_loop3A_59, %parallel_loop3A_60 : i32
      %parallel_loop3A_62 = arith.index_cast %parallel_loop3A_61 : i32 to index
      %parallel_loop3A_63 = tpu.vector_load %arg10[%parallel_loop3A_62] {strides = array<i32>} : memref<1024xi32, #tpu.memory_space<vmem>>, vector<16xi32>,
      %parallel_loop3A_64 = arith.constant 256 : i32
      %parallel_loop3A_65 = vector.broadcast %parallel_loop3A_64 : i32 to vector<16xi32>
      %parallel_loop3A_66 = arith.muli %parallel_loop3A_63, %parallel_loop3A_65 : vector<16xi32>
      %parallel_loop3A_67 = arith.index_cast %parallel_loop3A_61 : i32 to index
      %parallel_loop3A_68 = tpu.vector_load %arg11[%parallel_loop3A_67] {strides = array<i32>} : memref<1024xi32, #tpu.memory_space<vmem>>, vector<16xi32>,
      %parallel_loop3A_69 = arith.addi %parallel_loop3A_66, %parallel_loop3A_68 : vector<16xi32>
      %parallel_loop3A_70 = arith.index_cast %parallel_loop3A_61 : i32 to index
      %parallel_loop3A_71 = tpu.vector_load %arg10[%parallel_loop3A_70] {strides = array<i32>} : memref<1024xi32, #tpu.memory_space<vmem>>, vector<16xi32>,
      tpu.vector_store %arg10[%parallel_loop3A_70], %parallel_loop3A_69 {strides = array<i32>} : memref<1024xi32, #tpu.memory_space<vmem>>, vector<16xi32>,
    } {sc.loop_unroll_factor = 4 : i64, sc.parallel_access}
    "tpu.region"() ({
      %run_scoped3A = tpu.sem_alloc : memref<!tpu.dma_semaphore, #tpu.memory_space<semaphore_mem>>
      %dma_start3A_59 = tpu.memref_slice %arg5[%mul3A_2] : memref<32768xi32, #tpu.memory_space<hbm>> -> memref<1024xi32, #tpu.memory_space<hbm>>
      %dma_start3A_60 = tpu.memref_slice %arg5[%mul3A_2] : memref<32768xi32, #tpu.memory_space<hbm>> -> memref<1024xi32, #tpu.memory_space<hbm>>
      tpu.enqueue_dma source(%dma_start3A_60 : memref<1024xi32, #tpu.memory_space<hbm>>) target(%arg11 : memref<1024xi32, #tpu.memory_space<vmem>>) target_semaphore(%run_scoped3A : memref<!tpu.dma_semaphore, #tpu.memory_space<semaphore_mem>>)
      %dma_wait3A_61 = tpu.memref_slice %arg5[%mul3A_2] : memref<32768xi32, #tpu.memory_space<hbm>> -> memref<1024xi32, #tpu.memory_space<hbm>>
      %dma_wait3A_62 = tpu.memref_slice %arg5[%mul3A_2] : memref<32768xi32, #tpu.memory_space<hbm>> -> memref<1024xi32, #tpu.memory_space<hbm>>
      tpu.wait_dma2 semaphore(%run_scoped3A : memref<!tpu.dma_semaphore, #tpu.memory_space<semaphore_mem>>) src(%dma_wait3A_62 : memref<1024xi32, #tpu.memory_space<hbm>>) dst(%arg11 : memref<1024xi32, #tpu.memory_space<vmem>>)
      tpu.yield
    }) : () -> ()
    %iota3A = tpu.iota {dimensions = array<i32: 0>} : vector<16xi32>
    %lt3A = arith.constant 8 : i32
    %lt3A_5 = vector.broadcast %lt3A : i32 to vector<16xi32>
    %lt3A_6 = arith.cmpi slt, %iota3A, %lt3A_5 : vector<16xi32>
    %jit3A = arith.constant 0 : i32
    %jit3A_7 = arith.constant 32 : i32
    %broadcast_in_dim3A = vector.broadcast %jit3A : i32 to vector<16xi32>
    %broadcast_in_dim3A_8 = vector.broadcast %jit3A_7 : i32 to vector<16xi32>
    %select_n3A = arith.select %lt3A_6, %broadcast_in_dim3A, %broadcast_in_dim3A_8 : vector<16xi1>, vector<16xi32>
    %and3A = arith.constant 7 : i32
    %and3A_9 = vector.broadcast %and3A : i32 to vector<16xi32>
    %and3A_10 = arith.andi %iota3A, %and3A_9 : vector<16xi32>
    %add3A_11 = arith.addi %select_n3A, %and3A_10 : vector<16xi32>
    %parallel_loop3A_12 = arith.constant 0 : i32
    %parallel_loop3A_13 = arith.constant 64 : i32
    %parallel_loop3A_14 = arith.constant 1 : i32
    scf.for %parallel_loop3A_59 = %parallel_loop3A_12 to %parallel_loop3A_13 step %parallel_loop3A_14  : i32 {
      %parallel_loop3A_60 = arith.constant 2 : i32
      %parallel_loop3A_61 = arith.muli %parallel_loop3A_59, %parallel_loop3A_60 : i32
      %parallel_loop3A_62 = arith.constant 8 : i32
      %parallel_loop3A_63 = arith.muli %parallel_loop3A_61, %parallel_loop3A_62 : i32
      %parallel_loop3A_64 = arith.constant 64 : i32
      %parallel_loop3A_65 = arith.muli %parallel_loop3A_59, %parallel_loop3A_64 : i32
      %parallel_loop3A_66 = vector.broadcast %parallel_loop3A_65 : i32 to vector<16xi32>
      %parallel_loop3A_67 = arith.addi %add3A_11, %parallel_loop3A_66 : vector<16xi32>
      %parallel_loop3A_68 = arith.index_cast %parallel_loop3A_63 : i32 to index
      %parallel_loop3A_69 = tpu.vector_load %arg10[%parallel_loop3A_68] {strides = array<i32>} : memref<1024xi32, #tpu.memory_space<vmem>>, vector<16xi32>,
      %parallel_loop3A_70 = arith.index_cast %parallel_loop3A_63 : i32 to index
      %parallel_loop3A_71 = tpu.vector_load %arg11[%parallel_loop3A_70] {strides = array<i32>} : memref<1024xi32, #tpu.memory_space<vmem>>, vector<16xi32>,
      %parallel_loop3A_72 = arith.constant 512 : i32
      %parallel_loop3A_73 = vector.broadcast %parallel_loop3A_72 : i32 to vector<16xi32>
      %parallel_loop3A_74 = arith.addi %parallel_loop3A_71, %parallel_loop3A_73 : vector<16xi32>
      %parallel_loop3A_75 = arith.index_cast %parallel_loop3A_63 : i32 to index
      %parallel_loop3A_76 = tpu.vector_load %arg12[%parallel_loop3A_75] {strides = array<i32>} : memref<1024xi32, #tpu.memory_space<vmem>>, vector<16xi32>,
      tpu.vector_store_idx %arg14[%parallel_loop3A_67], %parallel_loop3A_69 : memref<4096xi32, #tpu.memory_space<vmem>>[vector<16xi32>], vector<16xi32>,
      %parallel_loop3A_77 = arith.constant 8 : i32
      %parallel_loop3A_78 = vector.broadcast %parallel_loop3A_77 : i32 to vector<16xi32>
      %parallel_loop3A_79 = arith.addi %parallel_loop3A_67, %parallel_loop3A_78 : vector<16xi32>
      tpu.vector_store_idx %arg14[%parallel_loop3A_79], %parallel_loop3A_74 : memref<4096xi32, #tpu.memory_space<vmem>>[vector<16xi32>], vector<16xi32>,
      %parallel_loop3A_80 = arith.constant 16 : i32
      %parallel_loop3A_81 = vector.broadcast %parallel_loop3A_80 : i32 to vector<16xi32>
      %parallel_loop3A_82 = arith.addi %parallel_loop3A_67, %parallel_loop3A_81 : vector<16xi32>
      %parallel_loop3A_83 = arith.constant 616 : i32
      %parallel_loop3A_84 = vector.broadcast %parallel_loop3A_83 : i32 to vector<16xi32>
      %parallel_loop3A_85 = arith.addi %parallel_loop3A_76, %parallel_loop3A_84 : vector<16xi32>
      tpu.vector_store_idx %arg14[%parallel_loop3A_82], %parallel_loop3A_85 : memref<4096xi32, #tpu.memory_space<vmem>>[vector<16xi32>], vector<16xi32>,
      %parallel_loop3A_86 = arith.constant 24 : i32
      %parallel_loop3A_87 = vector.broadcast %parallel_loop3A_86 : i32 to vector<16xi32>
      %parallel_loop3A_88 = arith.addi %parallel_loop3A_67, %parallel_loop3A_87 : vector<16xi32>
      %parallel_loop3A_89 = arith.constant 617 : i32
      %parallel_loop3A_90 = vector.broadcast %parallel_loop3A_89 : i32 to vector<16xi32>
      %parallel_loop3A_91 = arith.addi %parallel_loop3A_76, %parallel_loop3A_90 : vector<16xi32>
      tpu.vector_store_idx %arg14[%parallel_loop3A_88], %parallel_loop3A_91 : memref<4096xi32, #tpu.memory_space<vmem>>[vector<16xi32>], vector<16xi32>,
    } {sc.loop_unroll_factor = 2 : i64, sc.parallel_access}
    %dma_start3A = arith.constant 0 : i32
    %dma_start3A_15 = tpu.memref_slice %arg14[%dma_start3A] : memref<4096xi32, #tpu.memory_space<vmem>> -> memref<32xi32, #tpu.memory_space<vmem>>
    %dma_start3A_16 = arith.constant 0 : i32
    %dma_start3A_17 = arith.constant 0 : i32
    %dma_start3A_18 = tpu.memref_slice %arg2[%dma_start3A_16, %dma_start3A_17] : memref<1624x512xi32, #tpu.memory_space<hbm>> -> memref<1624x512xi32, #tpu.memory_space<hbm>>
    tpu.enqueue_indirect_dma source(%dma_start3A_18 : memref<1624x512xi32, #tpu.memory_space<hbm>>) target(%arg15 : memref<32x512xi32, #tpu.memory_space<vmem>>) offsets(%dma_start3A_15 : memref<32xi32, #tpu.memory_space<vmem>>) semaphore(%arg19 : memref<!tpu.dma_semaphore, #tpu.memory_space<semaphore_mem>>)
    %dma_start3A_19 = arith.constant 32 : i32
    %dma_start3A_20 = tpu.memref_slice %arg14[%dma_start3A_19] : memref<4096xi32, #tpu.memory_space<vmem>> -> memref<32xi32, #tpu.memory_space<vmem>>
    %dma_start3A_21 = arith.constant 0 : i32
    %dma_start3A_22 = arith.constant 0 : i32
    %dma_start3A_23 = tpu.memref_slice %arg2[%dma_start3A_21, %dma_start3A_22] : memref<1624x512xi32, #tpu.memory_space<hbm>> -> memref<1624x512xi32, #tpu.memory_space<hbm>>
    tpu.enqueue_indirect_dma source(%dma_start3A_23 : memref<1624x512xi32, #tpu.memory_space<hbm>>) target(%arg16 : memref<32x512xi32, #tpu.memory_space<vmem>>) offsets(%dma_start3A_20 : memref<32xi32, #tpu.memory_space<vmem>>) semaphore(%arg20 : memref<!tpu.dma_semaphore, #tpu.memory_space<semaphore_mem>>)
    %dma_start3A_24 = arith.constant 0 : i32
    %dma_start3A_25 = arith.constant 0 : i32
    %dma_start3A_26 = tpu.memref_slice %arg9[%dma_start3A_24, %dma_start3A_25] : memref<16x1024xf32, #tpu.memory_space<hbm>> -> memref<8x1024xf32, #tpu.memory_space<hbm>>
    %dma_start3A_27 = arith.constant 0 : i32
    %dma_start3A_28 = arith.constant 0 : i32
    %dma_start3A_29 = tpu.memref_slice %arg9[%dma_start3A_27, %dma_start3A_28] : memref<16x1024xf32, #tpu.memory_space<hbm>> -> memref<8x1024xf32, #tpu.memory_space<hbm>>
    tpu.enqueue_dma source(%arg17 : memref<8x1024xf32, #tpu.memory_space<vmem>>) target(%dma_start3A_29 : memref<8x1024xf32, #tpu.memory_space<hbm>>) target_semaphore(%arg21 : memref<!tpu.dma_semaphore, #tpu.memory_space<semaphore_mem>>)
    %dma_start3A_30 = arith.constant 8 : i32
    %dma_start3A_31 = arith.constant 0 : i32
    %dma_start3A_32 = tpu.memref_slice %arg9[%dma_start3A_30, %dma_start3A_31] : memref<16x1024xf32, #tpu.memory_space<hbm>> -> memref<8x1024xf32, #tpu.memory_space<hbm>>
    %dma_start3A_33 = arith.constant 8 : i32
    %dma_start3A_34 = arith.constant 0 : i32
    %dma_start3A_35 = tpu.memref_slice %arg9[%dma_start3A_33, %dma_start3A_34] : memref<16x1024xf32, #tpu.memory_space<hbm>> -> memref<8x1024xf32, #tpu.memory_space<hbm>>
    tpu.enqueue_dma source(%arg18 : memref<8x1024xf32, #tpu.memory_space<vmem>>) target(%dma_start3A_35 : memref<8x1024xf32, #tpu.memory_space<hbm>>) target_semaphore(%arg22 : memref<!tpu.dma_semaphore, #tpu.memory_space<semaphore_mem>>)
    %scan3A = arith.constant 0 : i32
    %scan3A_36 = arith.constant 0 : i32
    %scan3A_37 = arith.constant 64 : i32
    %scan3A_38 = arith.addi %scan3A_36, %scan3A_37 : i32
    %scan3A_39 = arith.constant 1 : i32
    %scan3A_40 = scf.for %scan3A_59 = %scan3A_36 to %scan3A_38 step %scan3A_39 iter_args(%scan3A_60 = %scan3A) -> (i32)  : i32 {
      %mul3A_61 = arith.constant 2 : i32
      %mul3A_62 = arith.muli %mul3A_61, %scan3A_59 : i32
      %mul3A_63 = arith.constant 2 : i32
      %mul3A_64 = arith.muli %mul3A_63, %scan3A_59 : i32
      %add3A_65 = arith.constant 1 : i32
      %add3A_66 = arith.addi %mul3A_64, %add3A_65 : i32
      %dma_wait3A_67 = arith.constant 0 : i32
      %dma_wait3A_68 = tpu.memref_slice %arg14[%dma_wait3A_67] : memref<4096xi32, #tpu.memory_space<vmem>> -> memref<32xi32, #tpu.memory_space<vmem>>
      %dma_wait3A_69 = arith.constant 0 : i32
      %dma_wait3A_70 = arith.constant 0 : i32
      %dma_wait3A_71 = tpu.memref_slice %arg2[%dma_wait3A_69, %dma_wait3A_70] : memref<1624x512xi32, #tpu.memory_space<hbm>> -> memref<1624x512xi32, #tpu.memory_space<hbm>>
      tpu.wait_indirect_dma semaphore(%arg19 : memref<!tpu.dma_semaphore, #tpu.memory_space<semaphore_mem>>) src(%dma_wait3A_71 : memref<1624x512xi32, #tpu.memory_space<hbm>>) dst(%arg15 : memref<32x512xi32, #tpu.memory_space<vmem>>)
      %dma_wait3A_72 = arith.constant 0 : i32
      %dma_wait3A_73 = tpu.memref_slice %arg8[%mul3A_2, %dma_wait3A_72] : memref<32768x1024xf32, #tpu.memory_space<hbm>> -> memref<8x1024xf32, #tpu.memory_space<hbm>>
      %dma_wait3A_74 = arith.constant 0 : i32
      %dma_wait3A_75 = tpu.memref_slice %arg8[%mul3A_2, %dma_wait3A_74] : memref<32768x1024xf32, #tpu.memory_space<hbm>> -> memref<8x1024xf32, #tpu.memory_space<hbm>>
      tpu.wait_dma2 semaphore(%arg21 : memref<!tpu.dma_semaphore, #tpu.memory_space<semaphore_mem>>) src(%arg17 : memref<8x1024xf32, #tpu.memory_space<vmem>>) dst(%dma_wait3A_75 : memref<8x1024xf32, #tpu.memory_space<hbm>>)
      %mul3A_76 = arith.constant 8 : i32
      %mul3A_77 = arith.muli %mul3A_62, %mul3A_76 : i32
      %get3A = arith.index_cast %mul3A_77 : i32 to index
      %get3A_78 = tpu.vector_load %arg13[%get3A] {strides = array<i32>} : memref<1040xf32, #tpu.memory_space<vmem>>, vector<16xf32>,
      %slice3A = vector.extract_strided_slice %get3A_78 {offsets = [0], sizes = [1], strides = [1]} : vector<16xf32> to vector<1xf32>
      %squeeze3A = vector.extract %slice3A[0] : f32 from vector<1xf32>
      %broadcast_in_dim3A_79 = vector.broadcast %squeeze3A : f32 to vector<16xf32>
      %sub3A = arith.constant 1.000000e+00 : f32
      %sub3A_80 = vector.broadcast %sub3A : f32 to vector<16xf32>
      %sub3A_81 = arith.subf %sub3A_80, %broadcast_in_dim3A_79 : vector<16xf32>
      %pack3A = tpu.pack_subelements %broadcast_in_dim3A_79, %broadcast_in_dim3A_79 {pack_format = #tpu.pack_format<interleaved>, positions = array<i32: 0, 1>} : vector<16xf32>, vector<16xf32> -> vector<32xbf16>
      %pack3A_82 = tpu.pack_subelements %sub3A_81, %sub3A_81 {pack_format = #tpu.pack_format<interleaved>, positions = array<i32: 0, 1>} : vector<16xf32>, vector<16xf32> -> vector<32xbf16>
      %parallel_loop3A_83 = arith.constant 0 : i32
      %parallel_loop3A_84 = arith.constant 32 : i32
      %parallel_loop3A_85 = arith.constant 1 : i32
      scf.for %parallel_loop3A_298 = %parallel_loop3A_83 to %parallel_loop3A_84 step %parallel_loop3A_85  : i32 {
        %parallel_loop3A_299 = arith.constant 16 : i32
        %parallel_loop3A_300 = arith.muli %parallel_loop3A_298, %parallel_loop3A_299 : i32
        %parallel_loop3A_301 = arith.constant 0 : i32
        %parallel_loop3A_302 = arith.index_cast %parallel_loop3A_301 : i32 to index
        %parallel_loop3A_303 = arith.index_cast %parallel_loop3A_300 : i32 to index
        %parallel_loop3A_304 = tpu.vector_load %arg15[%parallel_loop3A_302, %parallel_loop3A_303] {strides = array<i32>} : memref<32x512xi32, #tpu.memory_space<vmem>>, vector<16xi32>,
        %parallel_loop3A_305 = vector.bitcast %parallel_loop3A_304 : vector<16xi32> to vector<32xbf16>
        %parallel_loop3A_306 = arith.constant 8 : i32
        %parallel_loop3A_307 = arith.index_cast %parallel_loop3A_306 : i32 to index
        %parallel_loop3A_308 = arith.index_cast %parallel_loop3A_300 : i32 to index
        %parallel_loop3A_309 = tpu.vector_load %arg15[%parallel_loop3A_307, %parallel_loop3A_308] {strides = array<i32>} : memref<32x512xi32, #tpu.memory_space<vmem>>, vector<16xi32>,
        %parallel_loop3A_310 = vector.bitcast %parallel_loop3A_309 : vector<16xi32> to vector<32xbf16>
        %parallel_loop3A_311 = arith.constant 16 : i32
        %parallel_loop3A_312 = arith.index_cast %parallel_loop3A_311 : i32 to index
        %parallel_loop3A_313 = arith.index_cast %parallel_loop3A_300 : i32 to index
        %parallel_loop3A_314 = tpu.vector_load %arg15[%parallel_loop3A_312, %parallel_loop3A_313] {strides = array<i32>} : memref<32x512xi32, #tpu.memory_space<vmem>>, vector<16xi32>,
        %parallel_loop3A_315 = vector.bitcast %parallel_loop3A_314 : vector<16xi32> to vector<32xbf16>
        %parallel_loop3A_316 = arith.constant 24 : i32
        %parallel_loop3A_317 = arith.index_cast %parallel_loop3A_316 : i32 to index
        %parallel_loop3A_318 = arith.index_cast %parallel_loop3A_300 : i32 to index
        %parallel_loop3A_319 = tpu.vector_load %arg15[%parallel_loop3A_317, %parallel_loop3A_318] {strides = array<i32>} : memref<32x512xi32, #tpu.memory_space<vmem>>, vector<16xi32>,
        %parallel_loop3A_320 = vector.bitcast %parallel_loop3A_319 : vector<16xi32> to vector<32xbf16>
        %parallel_loop3A_321 = arith.addf %parallel_loop3A_305, %parallel_loop3A_310 : vector<32xbf16>
        %parallel_loop3A_322 = arith.mulf %pack3A_82, %parallel_loop3A_315 : vector<32xbf16>
        %parallel_loop3A_323 = arith.addf %parallel_loop3A_321, %parallel_loop3A_322 : vector<32xbf16>
        %parallel_loop3A_324 = arith.mulf %pack3A, %parallel_loop3A_320 : vector<32xbf16>
        %parallel_loop3A_325 = arith.addf %parallel_loop3A_323, %parallel_loop3A_324 : vector<32xbf16>
        %parallel_loop3A_326 = vector.bitcast %parallel_loop3A_325 : vector<32xbf16> to vector<16xi32>
        %parallel_loop3A_327 = arith.constant 16 : i32
        %parallel_loop3A_328 = vector.broadcast %parallel_loop3A_327 : i32 to vector<16xi32>
        %parallel_loop3A_329 = arith.shli %parallel_loop3A_326, %parallel_loop3A_328 : vector<16xi32>
        %parallel_loop3A_330 = vector.bitcast %parallel_loop3A_329 : vector<16xi32> to vector<16xf32>
        %parallel_loop3A_331 = arith.constant -65536 : i32
        %parallel_loop3A_332 = vector.broadcast %parallel_loop3A_331 : i32 to vector<16xi32>
        %parallel_loop3A_333 = arith.andi %parallel_loop3A_326, %parallel_loop3A_332 : vector<16xi32>
        %parallel_loop3A_334 = vector.bitcast %parallel_loop3A_333 : vector<16xi32> to vector<16xf32>
        %parallel_loop3A_335 = arith.constant 16 : i32
        %parallel_loop3A_336 = arith.muli %parallel_loop3A_298, %parallel_loop3A_335 : i32
        %parallel_loop3A_337 = arith.constant 0 : i32
        %parallel_loop3A_338 = arith.index_cast %parallel_loop3A_337 : i32 to index
        %parallel_loop3A_339 = arith.index_cast %parallel_loop3A_336 : i32 to index
        %parallel_loop3A_340 = tpu.vector_load %arg17[%parallel_loop3A_338, %parallel_loop3A_339] {strides = array<i32>} : memref<8x1024xf32, #tpu.memory_space<vmem>>, vector<16xf32>,
        tpu.vector_store %arg17[%parallel_loop3A_338, %parallel_loop3A_339], %parallel_loop3A_330 {strides = array<i32>} : memref<8x1024xf32, #tpu.memory_space<vmem>>, vector<16xf32>,
        %parallel_loop3A_341 = arith.constant 512 : i32
        %parallel_loop3A_342 = arith.addi %parallel_loop3A_336, %parallel_loop3A_341 : i32
        %parallel_loop3A_343 = arith.constant 0 : i32
        %parallel_loop3A_344 = arith.index_cast %parallel_loop3A_343 : i32 to index
        %parallel_loop3A_345 = arith.index_cast %parallel_loop3A_342 : i32 to index
        %parallel_loop3A_346 = tpu.vector_load %arg17[%parallel_loop3A_344, %parallel_loop3A_345] {strides = array<i32>} : memref<8x1024xf32, #tpu.memory_space<vmem>>, vector<16xf32>,
        tpu.vector_store %arg17[%parallel_loop3A_344, %parallel_loop3A_345], %parallel_loop3A_334 {strides = array<i32>} : memref<8x1024xf32, #tpu.memory_space<vmem>>, vector<16xf32>,
      } {sc.loop_unroll_factor = 8 : i64, sc.parallel_access}
      %slice3A_86 = vector.extract_strided_slice %get3A_78 {offsets = [1], sizes = [1], strides = [1]} : vector<16xf32> to vector<1xf32>
      %squeeze3A_87 = vector.extract %slice3A_86[0] : f32 from vector<1xf32>
      %broadcast_in_dim3A_88 = vector.broadcast %squeeze3A_87 : f32 to vector<16xf32>
      %sub3A_89 = arith.constant 1.000000e+00 : f32
      %sub3A_90 = vector.broadcast %sub3A_89 : f32 to vector<16xf32>
      %sub3A_91 = arith.subf %sub3A_90, %broadcast_in_dim3A_88 : vector<16xf32>
      %pack3A_92 = tpu.pack_subelements %broadcast_in_dim3A_88, %broadcast_in_dim3A_88 {pack_format = #tpu.pack_format<interleaved>, positions = array<i32: 0, 1>} : vector<16xf32>, vector<16xf32> -> vector<32xbf16>
      %pack3A_93 = tpu.pack_subelements %sub3A_91, %sub3A_91 {pack_format = #tpu.pack_format<interleaved>, positions = array<i32: 0, 1>} : vector<16xf32>, vector<16xf32> -> vector<32xbf16>
      %parallel_loop3A_94 = arith.constant 0 : i32
      %parallel_loop3A_95 = arith.constant 32 : i32
      %parallel_loop3A_96 = arith.constant 1 : i32
      scf.for %parallel_loop3A_298 = %parallel_loop3A_94 to %parallel_loop3A_95 step %parallel_loop3A_96  : i32 {
        %parallel_loop3A_299 = arith.constant 16 : i32
        %parallel_loop3A_300 = arith.muli %parallel_loop3A_298, %parallel_loop3A_299 : i32
        %parallel_loop3A_301 = arith.constant 1 : i32
        %parallel_loop3A_302 = arith.index_cast %parallel_loop3A_301 : i32 to index
        %parallel_loop3A_303 = arith.index_cast %parallel_loop3A_300 : i32 to index
        %parallel_loop3A_304 = tpu.vector_load %arg15[%parallel_loop3A_302, %parallel_loop3A_303] {strides = array<i32>} : memref<32x512xi32, #tpu.memory_space<vmem>>, vector<16xi32>,
        %parallel_loop3A_305 = vector.bitcast %parallel_loop3A_304 : vector<16xi32> to vector<32xbf16>
        %parallel_loop3A_306 = arith.constant 9 : i32
        %parallel_loop3A_307 = arith.index_cast %parallel_loop3A_306 : i32 to index
        %parallel_loop3A_308 = arith.index_cast %parallel_loop3A_300 : i32 to index
        %parallel_loop3A_309 = tpu.vector_load %arg15[%parallel_loop3A_307, %parallel_loop3A_308] {strides = array<i32>} : memref<32x512xi32, #tpu.memory_space<vmem>>, vector<16xi32>,
        %parallel_loop3A_310 = vector.bitcast %parallel_loop3A_309 : vector<16xi32> to vector<32xbf16>
        %parallel_loop3A_311 = arith.constant 17 : i32
        %parallel_loop3A_312 = arith.index_cast %parallel_loop3A_311 : i32 to index
        %parallel_loop3A_313 = arith.index_cast %parallel_loop3A_300 : i32 to index
        %parallel_loop3A_314 = tpu.vector_load %arg15[%parallel_loop3A_312, %parallel_loop3A_313] {strides = array<i32>} : memref<32x512xi32, #tpu.memory_space<vmem>>, vector<16xi32>,
        %parallel_loop3A_315 = vector.bitcast %parallel_loop3A_314 : vector<16xi32> to vector<32xbf16>
        %parallel_loop3A_316 = arith.constant 25 : i32
        %parallel_loop3A_317 = arith.index_cast %parallel_loop3A_316 : i32 to index
        %parallel_loop3A_318 = arith.index_cast %parallel_loop3A_300 : i32 to index
        %parallel_loop3A_319 = tpu.vector_load %arg15[%parallel_loop3A_317, %parallel_loop3A_318] {strides = array<i32>} : memref<32x512xi32, #tpu.memory_space<vmem>>, vector<16xi32>,
        %parallel_loop3A_320 = vector.bitcast %parallel_loop3A_319 : vector<16xi32> to vector<32xbf16>
        %parallel_loop3A_321 = arith.addf %parallel_loop3A_305, %parallel_loop3A_310 : vector<32xbf16>
        %parallel_loop3A_322 = arith.mulf %pack3A_93, %parallel_loop3A_315 : vector<32xbf16>
        %parallel_loop3A_323 = arith.addf %parallel_loop3A_321, %parallel_loop3A_322 : vector<32xbf16>
        %parallel_loop3A_324 = arith.mulf %pack3A_92, %parallel_loop3A_320 : vector<32xbf16>
        %parallel_loop3A_325 = arith.addf %parallel_loop3A_323, %parallel_loop3A_324 : vector<32xbf16>
        %parallel_loop3A_326 = vector.bitcast %parallel_loop3A_325 : vector<32xbf16> to vector<16xi32>
        %parallel_loop3A_327 = arith.constant 16 : i32
        %parallel_loop3A_328 = vector.broadcast %parallel_loop3A_327 : i32 to vector<16xi32>
        %parallel_loop3A_329 = arith.shli %parallel_loop3A_326, %parallel_loop3A_328 : vector<16xi32>
        %parallel_loop3A_330 = vector.bitcast %parallel_loop3A_329 : vector<16xi32> to vector<16xf32>
        %parallel_loop3A_331 = arith.constant -65536 : i32
        %parallel_loop3A_332 = vector.broadcast %parallel_loop3A_331 : i32 to vector<16xi32>
        %parallel_loop3A_333 = arith.andi %parallel_loop3A_326, %parallel_loop3A_332 : vector<16xi32>
        %parallel_loop3A_334 = vector.bitcast %parallel_loop3A_333 : vector<16xi32> to vector<16xf32>
        %parallel_loop3A_335 = arith.constant 16 : i32
        %parallel_loop3A_336 = arith.muli %parallel_loop3A_298, %parallel_loop3A_335 : i32
        %parallel_loop3A_337 = arith.constant 1 : i32
        %parallel_loop3A_338 = arith.index_cast %parallel_loop3A_337 : i32 to index
        %parallel_loop3A_339 = arith.index_cast %parallel_loop3A_336 : i32 to index
        %parallel_loop3A_340 = tpu.vector_load %arg17[%parallel_loop3A_338, %parallel_loop3A_339] {strides = array<i32>} : memref<8x1024xf32, #tpu.memory_space<vmem>>, vector<16xf32>,
        tpu.vector_store %arg17[%parallel_loop3A_338, %parallel_loop3A_339], %parallel_loop3A_330 {strides = array<i32>} : memref<8x1024xf32, #tpu.memory_space<vmem>>, vector<16xf32>,
        %parallel_loop3A_341 = arith.constant 512 : i32
        %parallel_loop3A_342 = arith.addi %parallel_loop3A_336, %parallel_loop3A_341 : i32
        %parallel_loop3A_343 = arith.constant 1 : i32
        %parallel_loop3A_344 = arith.index_cast %parallel_loop3A_343 : i32 to index
        %parallel_loop3A_345 = arith.index_cast %parallel_loop3A_342 : i32 to index
        %parallel_loop3A_346 = tpu.vector_load %arg17[%parallel_loop3A_344, %parallel_loop3A_345] {strides = array<i32>} : memref<8x1024xf32, #tpu.memory_space<vmem>>, vector<16xf32>,
        tpu.vector_store %arg17[%parallel_loop3A_344, %parallel_loop3A_345], %parallel_loop3A_334 {strides = array<i32>} : memref<8x1024xf32, #tpu.memory_space<vmem>>, vector<16xf32>,
      } {sc.loop_unroll_factor = 8 : i64, sc.parallel_access}
      %slice3A_97 = vector.extract_strided_slice %get3A_78 {offsets = [2], sizes = [1], strides = [1]} : vector<16xf32> to vector<1xf32>
      %squeeze3A_98 = vector.extract %slice3A_97[0] : f32 from vector<1xf32>
      %broadcast_in_dim3A_99 = vector.broadcast %squeeze3A_98 : f32 to vector<16xf32>
      %sub3A_100 = arith.constant 1.000000e+00 : f32
      %sub3A_101 = vector.broadcast %sub3A_100 : f32 to vector<16xf32>
      %sub3A_102 = arith.subf %sub3A_101, %broadcast_in_dim3A_99 : vector<16xf32>
      %pack3A_103 = tpu.pack_subelements %broadcast_in_dim3A_99, %broadcast_in_dim3A_99 {pack_format = #tpu.pack_format<interleaved>, positions = array<i32: 0, 1>} : vector<16xf32>, vector<16xf32> -> vector<32xbf16>
      %pack3A_104 = tpu.pack_subelements %sub3A_102, %sub3A_102 {pack_format = #tpu.pack_format<interleaved>, positions = array<i32: 0, 1>} : vector<16xf32>, vector<16xf32> -> vector<32xbf16>
      %parallel_loop3A_105 = arith.constant 0 : i32
      %parallel_loop3A_106 = arith.constant 32 : i32
      %parallel_loop3A_107 = arith.constant 1 : i32
      scf.for %parallel_loop3A_298 = %parallel_loop3A_105 to %parallel_loop3A_106 step %parallel_loop3A_107  : i32 {
        %parallel_loop3A_299 = arith.constant 16 : i32
        %parallel_loop3A_300 = arith.muli %parallel_loop3A_298, %parallel_loop3A_299 : i32
        %parallel_loop3A_301 = arith.constant 2 : i32
        %parallel_loop3A_302 = arith.index_cast %parallel_loop3A_301 : i32 to index
        %parallel_loop3A_303 = arith.index_cast %parallel_loop3A_300 : i32 to index
        %parallel_loop3A_304 = tpu.vector_load %arg15[%parallel_loop3A_302, %parallel_loop3A_303] {strides = array<i32>} : memref<32x512xi32, #tpu.memory_space<vmem>>, vector<16xi32>,
        %parallel_loop3A_305 = vector.bitcast %parallel_loop3A_304 : vector<16xi32> to vector<32xbf16>
        %parallel_loop3A_306 = arith.constant 10 : i32
        %parallel_loop3A_307 = arith.index_cast %parallel_loop3A_306 : i32 to index
        %parallel_loop3A_308 = arith.index_cast %parallel_loop3A_300 : i32 to index
        %parallel_loop3A_309 = tpu.vector_load %arg15[%parallel_loop3A_307, %parallel_loop3A_308] {strides = array<i32>} : memref<32x512xi32, #tpu.memory_space<vmem>>, vector<16xi32>,
        %parallel_loop3A_310 = vector.bitcast %parallel_loop3A_309 : vector<16xi32> to vector<32xbf16>
        %parallel_loop3A_311 = arith.constant 18 : i32
        %parallel_loop3A_312 = arith.index_cast %parallel_loop3A_311 : i32 to index
        %parallel_loop3A_313 = arith.index_cast %parallel_loop3A_300 : i32 to index
        %parallel_loop3A_314 = tpu.vector_load %arg15[%parallel_loop3A_312, %parallel_loop3A_313] {strides = array<i32>} : memref<32x512xi32, #tpu.memory_space<vmem>>, vector<16xi32>,
        %parallel_loop3A_315 = vector.bitcast %parallel_loop3A_314 : vector<16xi32> to vector<32xbf16>
        %parallel_loop3A_316 = arith.constant 26 : i32
        %parallel_loop3A_317 = arith.index_cast %parallel_loop3A_316 : i32 to index
        %parallel_loop3A_318 = arith.index_cast %parallel_loop3A_300 : i32 to index
        %parallel_loop3A_319 = tpu.vector_load %arg15[%parallel_loop3A_317, %parallel_loop3A_318] {strides = array<i32>} : memref<32x512xi32, #tpu.memory_space<vmem>>, vector<16xi32>,
        %parallel_loop3A_320 = vector.bitcast %parallel_loop3A_319 : vector<16xi32> to vector<32xbf16>
        %parallel_loop3A_321 = arith.addf %parallel_loop3A_305, %parallel_loop3A_310 : vector<32xbf16>
        %parallel_loop3A_322 = arith.mulf %pack3A_104, %parallel_loop3A_315 : vector<32xbf16>
        %parallel_loop3A_323 = arith.addf %parallel_loop3A_321, %parallel_loop3A_322 : vector<32xbf16>
        %parallel_loop3A_324 = arith.mulf %pack3A_103, %parallel_loop3A_320 : vector<32xbf16>
        %parallel_loop3A_325 = arith.addf %parallel_loop3A_323, %parallel_loop3A_324 : vector<32xbf16>
        %parallel_loop3A_326 = vector.bitcast %parallel_loop3A_325 : vector<32xbf16> to vector<16xi32>
        %parallel_loop3A_327 = arith.constant 16 : i32
        %parallel_loop3A_328 = vector.broadcast %parallel_loop3A_327 : i32 to vector<16xi32>
        %parallel_loop3A_329 = arith.shli %parallel_loop3A_326, %parallel_loop3A_328 : vector<16xi32>
        %parallel_loop3A_330 = vector.bitcast %parallel_loop3A_329 : vector<16xi32> to vector<16xf32>
        %parallel_loop3A_331 = arith.constant -65536 : i32
        %parallel_loop3A_332 = vector.broadcast %parallel_loop3A_331 : i32 to vector<16xi32>
        %parallel_loop3A_333 = arith.andi %parallel_loop3A_326, %parallel_loop3A_332 : vector<16xi32>
        %parallel_loop3A_334 = vector.bitcast %parallel_loop3A_333 : vector<16xi32> to vector<16xf32>
        %parallel_loop3A_335 = arith.constant 16 : i32
        %parallel_loop3A_336 = arith.muli %parallel_loop3A_298, %parallel_loop3A_335 : i32
        %parallel_loop3A_337 = arith.constant 2 : i32
        %parallel_loop3A_338 = arith.index_cast %parallel_loop3A_337 : i32 to index
        %parallel_loop3A_339 = arith.index_cast %parallel_loop3A_336 : i32 to index
        %parallel_loop3A_340 = tpu.vector_load %arg17[%parallel_loop3A_338, %parallel_loop3A_339] {strides = array<i32>} : memref<8x1024xf32, #tpu.memory_space<vmem>>, vector<16xf32>,
        tpu.vector_store %arg17[%parallel_loop3A_338, %parallel_loop3A_339], %parallel_loop3A_330 {strides = array<i32>} : memref<8x1024xf32, #tpu.memory_space<vmem>>, vector<16xf32>,
        %parallel_loop3A_341 = arith.constant 512 : i32
        %parallel_loop3A_342 = arith.addi %parallel_loop3A_336, %parallel_loop3A_341 : i32
        %parallel_loop3A_343 = arith.constant 2 : i32
        %parallel_loop3A_344 = arith.index_cast %parallel_loop3A_343 : i32 to index
        %parallel_loop3A_345 = arith.index_cast %parallel_loop3A_342 : i32 to index
        %parallel_loop3A_346 = tpu.vector_load %arg17[%parallel_loop3A_344, %parallel_loop3A_345] {strides = array<i32>} : memref<8x1024xf32, #tpu.memory_space<vmem>>, vector<16xf32>,
        tpu.vector_store %arg17[%parallel_loop3A_344, %parallel_loop3A_345], %parallel_loop3A_334 {strides = array<i32>} : memref<8x1024xf32, #tpu.memory_space<vmem>>, vector<16xf32>,
      } {sc.loop_unroll_factor = 8 : i64, sc.parallel_access}
      %slice3A_108 = vector.extract_strided_slice %get3A_78 {offsets = [3], sizes = [1], strides = [1]} : vector<16xf32> to vector<1xf32>
      %squeeze3A_109 = vector.extract %slice3A_108[0] : f32 from vector<1xf32>
      %broadcast_in_dim3A_110 = vector.broadcast %squeeze3A_109 : f32 to vector<16xf32>
      %sub3A_111 = arith.constant 1.000000e+00 : f32
      %sub3A_112 = vector.broadcast %sub3A_111 : f32 to vector<16xf32>
      %sub3A_113 = arith.subf %sub3A_112, %broadcast_in_dim3A_110 : vector<16xf32>
      %pack3A_114 = tpu.pack_subelements %broadcast_in_dim3A_110, %broadcast_in_dim3A_110 {pack_format = #tpu.pack_format<interleaved>, positions = array<i32: 0, 1>} : vector<16xf32>, vector<16xf32> -> vector<32xbf16>
      %pack3A_115 = tpu.pack_subelements %sub3A_113, %sub3A_113 {pack_format = #tpu.pack_format<interleaved>, positions = array<i32: 0, 1>} : vector<16xf32>, vector<16xf32> -> vector<32xbf16>
      %parallel_loop3A_116 = arith.constant 0 : i32
      %parallel_loop3A_117 = arith.constant 32 : i32
      %parallel_loop3A_118 = arith.constant 1 : i32
      scf.for %parallel_loop3A_298 = %parallel_loop3A_116 to %parallel_loop3A_117 step %parallel_loop3A_118  : i32 {
        %parallel_loop3A_299 = arith.constant 16 : i32
        %parallel_loop3A_300 = arith.muli %parallel_loop3A_298, %parallel_loop3A_299 : i32
        %parallel_loop3A_301 = arith.constant 3 : i32
        %parallel_loop3A_302 = arith.index_cast %parallel_loop3A_301 : i32 to index
        %parallel_loop3A_303 = arith.index_cast %parallel_loop3A_300 : i32 to index
        %parallel_loop3A_304 = tpu.vector_load %arg15[%parallel_loop3A_302, %parallel_loop3A_303] {strides = array<i32>} : memref<32x512xi32, #tpu.memory_space<vmem>>, vector<16xi32>,
        %parallel_loop3A_305 = vector.bitcast %parallel_loop3A_304 : vector<16xi32> to vector<32xbf16>
        %parallel_loop3A_306 = arith.constant 11 : i32
        %parallel_loop3A_307 = arith.index_cast %parallel_loop3A_306 : i32 to index
        %parallel_loop3A_308 = arith.index_cast %parallel_loop3A_300 : i32 to index
        %parallel_loop3A_309 = tpu.vector_load %arg15[%parallel_loop3A_307, %parallel_loop3A_308] {strides = array<i32>} : memref<32x512xi32, #tpu.memory_space<vmem>>, vector<16xi32>,
        %parallel_loop3A_310 = vector.bitcast %parallel_loop3A_309 : vector<16xi32> to vector<32xbf16>
        %parallel_loop3A_311 = arith.constant 19 : i32
        %parallel_loop3A_312 = arith.index_cast %parallel_loop3A_311 : i32 to index
        %parallel_loop3A_313 = arith.index_cast %parallel_loop3A_300 : i32 to index
        %parallel_loop3A_314 = tpu.vector_load %arg15[%parallel_loop3A_312, %parallel_loop3A_313] {strides = array<i32>} : memref<32x512xi32, #tpu.memory_space<vmem>>, vector<16xi32>,
        %parallel_loop3A_315 = vector.bitcast %parallel_loop3A_314 : vector<16xi32> to vector<32xbf16>
        %parallel_loop3A_316 = arith.constant 27 : i32
        %parallel_loop3A_317 = arith.index_cast %parallel_loop3A_316 : i32 to index
        %parallel_loop3A_318 = arith.index_cast %parallel_loop3A_300 : i32 to index
        %parallel_loop3A_319 = tpu.vector_load %arg15[%parallel_loop3A_317, %parallel_loop3A_318] {strides = array<i32>} : memref<32x512xi32, #tpu.memory_space<vmem>>, vector<16xi32>,
        %parallel_loop3A_320 = vector.bitcast %parallel_loop3A_319 : vector<16xi32> to vector<32xbf16>
        %parallel_loop3A_321 = arith.addf %parallel_loop3A_305, %parallel_loop3A_310 : vector<32xbf16>
        %parallel_loop3A_322 = arith.mulf %pack3A_115, %parallel_loop3A_315 : vector<32xbf16>
        %parallel_loop3A_323 = arith.addf %parallel_loop3A_321, %parallel_loop3A_322 : vector<32xbf16>
        %parallel_loop3A_324 = arith.mulf %pack3A_114, %parallel_loop3A_320 : vector<32xbf16>
        %parallel_loop3A_325 = arith.addf %parallel_loop3A_323, %parallel_loop3A_324 : vector<32xbf16>
        %parallel_loop3A_326 = vector.bitcast %parallel_loop3A_325 : vector<32xbf16> to vector<16xi32>
        %parallel_loop3A_327 = arith.constant 16 : i32
        %parallel_loop3A_328 = vector.broadcast %parallel_loop3A_327 : i32 to vector<16xi32>
        %parallel_loop3A_329 = arith.shli %parallel_loop3A_326, %parallel_loop3A_328 : vector<16xi32>
        %parallel_loop3A_330 = vector.bitcast %parallel_loop3A_329 : vector<16xi32> to vector<16xf32>
        %parallel_loop3A_331 = arith.constant -65536 : i32
        %parallel_loop3A_332 = vector.broadcast %parallel_loop3A_331 : i32 to vector<16xi32>
        %parallel_loop3A_333 = arith.andi %parallel_loop3A_326, %parallel_loop3A_332 : vector<16xi32>
        %parallel_loop3A_334 = vector.bitcast %parallel_loop3A_333 : vector<16xi32> to vector<16xf32>
        %parallel_loop3A_335 = arith.constant 16 : i32
        %parallel_loop3A_336 = arith.muli %parallel_loop3A_298, %parallel_loop3A_335 : i32
        %parallel_loop3A_337 = arith.constant 3 : i32
        %parallel_loop3A_338 = arith.index_cast %parallel_loop3A_337 : i32 to index
        %parallel_loop3A_339 = arith.index_cast %parallel_loop3A_336 : i32 to index
        %parallel_loop3A_340 = tpu.vector_load %arg17[%parallel_loop3A_338, %parallel_loop3A_339] {strides = array<i32>} : memref<8x1024xf32, #tpu.memory_space<vmem>>, vector<16xf32>,
        tpu.vector_store %arg17[%parallel_loop3A_338, %parallel_loop3A_339], %parallel_loop3A_330 {strides = array<i32>} : memref<8x1024xf32, #tpu.memory_space<vmem>>, vector<16xf32>,
        %parallel_loop3A_341 = arith.constant 512 : i32
        %parallel_loop3A_342 = arith.addi %parallel_loop3A_336, %parallel_loop3A_341 : i32
        %parallel_loop3A_343 = arith.constant 3 : i32
        %parallel_loop3A_344 = arith.index_cast %parallel_loop3A_343 : i32 to index
        %parallel_loop3A_345 = arith.index_cast %parallel_loop3A_342 : i32 to index
        %parallel_loop3A_346 = tpu.vector_load %arg17[%parallel_loop3A_344, %parallel_loop3A_345] {strides = array<i32>} : memref<8x1024xf32, #tpu.memory_space<vmem>>, vector<16xf32>,
        tpu.vector_store %arg17[%parallel_loop3A_344, %parallel_loop3A_345], %parallel_loop3A_334 {strides = array<i32>} : memref<8x1024xf32, #tpu.memory_space<vmem>>, vector<16xf32>,
      } {sc.loop_unroll_factor = 8 : i64, sc.parallel_access}
      %slice3A_119 = vector.extract_strided_slice %get3A_78 {offsets = [4], sizes = [1], strides = [1]} : vector<16xf32> to vector<1xf32>
      %squeeze3A_120 = vector.extract %slice3A_119[0] : f32 from vector<1xf32>
      %broadcast_in_dim3A_121 = vector.broadcast %squeeze3A_120 : f32 to vector<16xf32>
      %sub3A_122 = arith.constant 1.000000e+00 : f32
      %sub3A_123 = vector.broadcast %sub3A_122 : f32 to vector<16xf32>
      %sub3A_124 = arith.subf %sub3A_123, %broadcast_in_dim3A_121 : vector<16xf32>
      %pack3A_125 = tpu.pack_subelements %broadcast_in_dim3A_121, %broadcast_in_dim3A_121 {pack_format = #tpu.pack_format<interleaved>, positions = array<i32: 0, 1>} : vector<16xf32>, vector<16xf32> -> vector<32xbf16>
      %pack3A_126 = tpu.pack_subelements %sub3A_124, %sub3A_124 {pack_format = #tpu.pack_format<interleaved>, positions = array<i32: 0, 1>} : vector<16xf32>, vector<16xf32> -> vector<32xbf16>
      %parallel_loop3A_127 = arith.constant 0 : i32
      %parallel_loop3A_128 = arith.constant 32 : i32
      %parallel_loop3A_129 = arith.constant 1 : i32
      scf.for %parallel_loop3A_298 = %parallel_loop3A_127 to %parallel_loop3A_128 step %parallel_loop3A_129  : i32 {
        %parallel_loop3A_299 = arith.constant 16 : i32
        %parallel_loop3A_300 = arith.muli %parallel_loop3A_298, %parallel_loop3A_299 : i32
        %parallel_loop3A_301 = arith.constant 4 : i32
        %parallel_loop3A_302 = arith.index_cast %parallel_loop3A_301 : i32 to index
        %parallel_loop3A_303 = arith.index_cast %parallel_loop3A_300 : i32 to index
        %parallel_loop3A_304 = tpu.vector_load %arg15[%parallel_loop3A_302, %parallel_loop3A_303] {strides = array<i32>} : memref<32x512xi32, #tpu.memory_space<vmem>>, vector<16xi32>,
        %parallel_loop3A_305 = vector.bitcast %parallel_loop3A_304 : vector<16xi32> to vector<32xbf16>
        %parallel_loop3A_306 = arith.constant 12 : i32
        %parallel_loop3A_307 = arith.index_cast %parallel_loop3A_306 : i32 to index
        %parallel_loop3A_308 = arith.index_cast %parallel_loop3A_300 : i32 to index
        %parallel_loop3A_309 = tpu.vector_load %arg15[%parallel_loop3A_307, %parallel_loop3A_308] {strides = array<i32>} : memref<32x512xi32, #tpu.memory_space<vmem>>, vector<16xi32>,
        %parallel_loop3A_310 = vector.bitcast %parallel_loop3A_309 : vector<16xi32> to vector<32xbf16>
        %parallel_loop3A_311 = arith.constant 20 : i32
        %parallel_loop3A_312 = arith.index_cast %parallel_loop3A_311 : i32 to index
        %parallel_loop3A_313 = arith.index_cast %parallel_loop3A_300 : i32 to index
        %parallel_loop3A_314 = tpu.vector_load %arg15[%parallel_loop3A_312, %parallel_loop3A_313] {strides = array<i32>} : memref<32x512xi32, #tpu.memory_space<vmem>>, vector<16xi32>,
        %parallel_loop3A_315 = vector.bitcast %parallel_loop3A_314 : vector<16xi32> to vector<32xbf16>
        %parallel_loop3A_316 = arith.constant 28 : i32
        %parallel_loop3A_317 = arith.index_cast %parallel_loop3A_316 : i32 to index
        %parallel_loop3A_318 = arith.index_cast %parallel_loop3A_300 : i32 to index
        %parallel_loop3A_319 = tpu.vector_load %arg15[%parallel_loop3A_317, %parallel_loop3A_318] {strides = array<i32>} : memref<32x512xi32, #tpu.memory_space<vmem>>, vector<16xi32>,
        %parallel_loop3A_320 = vector.bitcast %parallel_loop3A_319 : vector<16xi32> to vector<32xbf16>
        %parallel_loop3A_321 = arith.addf %parallel_loop3A_305, %parallel_loop3A_310 : vector<32xbf16>
        %parallel_loop3A_322 = arith.mulf %pack3A_126, %parallel_loop3A_315 : vector<32xbf16>
        %parallel_loop3A_323 = arith.addf %parallel_loop3A_321, %parallel_loop3A_322 : vector<32xbf16>
        %parallel_loop3A_324 = arith.mulf %pack3A_125, %parallel_loop3A_320 : vector<32xbf16>
        %parallel_loop3A_325 = arith.addf %parallel_loop3A_323, %parallel_loop3A_324 : vector<32xbf16>
        %parallel_loop3A_326 = vector.bitcast %parallel_loop3A_325 : vector<32xbf16> to vector<16xi32>
        %parallel_loop3A_327 = arith.constant 16 : i32
        %parallel_loop3A_328 = vector.broadcast %parallel_loop3A_327 : i32 to vector<16xi32>
        %parallel_loop3A_329 = arith.shli %parallel_loop3A_326, %parallel_loop3A_328 : vector<16xi32>
        %parallel_loop3A_330 = vector.bitcast %parallel_loop3A_329 : vector<16xi32> to vector<16xf32>
        %parallel_loop3A_331 = arith.constant -65536 : i32
        %parallel_loop3A_332 = vector.broadcast %parallel_loop3A_331 : i32 to vector<16xi32>
        %parallel_loop3A_333 = arith.andi %parallel_loop3A_326, %parallel_loop3A_332 : vector<16xi32>
        %parallel_loop3A_334 = vector.bitcast %parallel_loop3A_333 : vector<16xi32> to vector<16xf32>
        %parallel_loop3A_335 = arith.constant 16 : i32
        %parallel_loop3A_336 = arith.muli %parallel_loop3A_298, %parallel_loop3A_335 : i32
        %parallel_loop3A_337 = arith.constant 4 : i32
        %parallel_loop3A_338 = arith.index_cast %parallel_loop3A_337 : i32 to index
        %parallel_loop3A_339 = arith.index_cast %parallel_loop3A_336 : i32 to index
        %parallel_loop3A_340 = tpu.vector_load %arg17[%parallel_loop3A_338, %parallel_loop3A_339] {strides = array<i32>} : memref<8x1024xf32, #tpu.memory_space<vmem>>, vector<16xf32>,
        tpu.vector_store %arg17[%parallel_loop3A_338, %parallel_loop3A_339], %parallel_loop3A_330 {strides = array<i32>} : memref<8x1024xf32, #tpu.memory_space<vmem>>, vector<16xf32>,
        %parallel_loop3A_341 = arith.constant 512 : i32
        %parallel_loop3A_342 = arith.addi %parallel_loop3A_336, %parallel_loop3A_341 : i32
        %parallel_loop3A_343 = arith.constant 4 : i32
        %parallel_loop3A_344 = arith.index_cast %parallel_loop3A_343 : i32 to index
        %parallel_loop3A_345 = arith.index_cast %parallel_loop3A_342 : i32 to index
        %parallel_loop3A_346 = tpu.vector_load %arg17[%parallel_loop3A_344, %parallel_loop3A_345] {strides = array<i32>} : memref<8x1024xf32, #tpu.memory_space<vmem>>, vector<16xf32>,
        tpu.vector_store %arg17[%parallel_loop3A_344, %parallel_loop3A_345], %parallel_loop3A_334 {strides = array<i32>} : memref<8x1024xf32, #tpu.memory_space<vmem>>, vector<16xf32>,
      } {sc.loop_unroll_factor = 8 : i64, sc.parallel_access}
      %slice3A_130 = vector.extract_strided_slice %get3A_78 {offsets = [5], sizes = [1], strides = [1]} : vector<16xf32> to vector<1xf32>
      %squeeze3A_131 = vector.extract %slice3A_130[0] : f32 from vector<1xf32>
      %broadcast_in_dim3A_132 = vector.broadcast %squeeze3A_131 : f32 to vector<16xf32>
      %sub3A_133 = arith.constant 1.000000e+00 : f32
      %sub3A_134 = vector.broadcast %sub3A_133 : f32 to vector<16xf32>
      %sub3A_135 = arith.subf %sub3A_134, %broadcast_in_dim3A_132 : vector<16xf32>
      %pack3A_136 = tpu.pack_subelements %broadcast_in_dim3A_132, %broadcast_in_dim3A_132 {pack_format = #tpu.pack_format<interleaved>, positions = array<i32: 0, 1>} : vector<16xf32>, vector<16xf32> -> vector<32xbf16>
      %pack3A_137 = tpu.pack_subelements %sub3A_135, %sub3A_135 {pack_format = #tpu.pack_format<interleaved>, positions = array<i32: 0, 1>} : vector<16xf32>, vector<16xf32> -> vector<32xbf16>
      %parallel_loop3A_138 = arith.constant 0 : i32
      %parallel_loop3A_139 = arith.constant 32 : i32
      %parallel_loop3A_140 = arith.constant 1 : i32
      scf.for %parallel_loop3A_298 = %parallel_loop3A_138 to %parallel_loop3A_139 step %parallel_loop3A_140  : i32 {
        %parallel_loop3A_299 = arith.constant 16 : i32
        %parallel_loop3A_300 = arith.muli %parallel_loop3A_298, %parallel_loop3A_299 : i32
        %parallel_loop3A_301 = arith.constant 5 : i32
        %parallel_loop3A_302 = arith.index_cast %parallel_loop3A_301 : i32 to index
        %parallel_loop3A_303 = arith.index_cast %parallel_loop3A_300 : i32 to index
        %parallel_loop3A_304 = tpu.vector_load %arg15[%parallel_loop3A_302, %parallel_loop3A_303] {strides = array<i32>} : memref<32x512xi32, #tpu.memory_space<vmem>>, vector<16xi32>,
        %parallel_loop3A_305 = vector.bitcast %parallel_loop3A_304 : vector<16xi32> to vector<32xbf16>
        %parallel_loop3A_306 = arith.constant 13 : i32
        %parallel_loop3A_307 = arith.index_cast %parallel_loop3A_306 : i32 to index
        %parallel_loop3A_308 = arith.index_cast %parallel_loop3A_300 : i32 to index
        %parallel_loop3A_309 = tpu.vector_load %arg15[%parallel_loop3A_307, %parallel_loop3A_308] {strides = array<i32>} : memref<32x512xi32, #tpu.memory_space<vmem>>, vector<16xi32>,
        %parallel_loop3A_310 = vector.bitcast %parallel_loop3A_309 : vector<16xi32> to vector<32xbf16>
        %parallel_loop3A_311 = arith.constant 21 : i32
        %parallel_loop3A_312 = arith.index_cast %parallel_loop3A_311 : i32 to index
        %parallel_loop3A_313 = arith.index_cast %parallel_loop3A_300 : i32 to index
        %parallel_loop3A_314 = tpu.vector_load %arg15[%parallel_loop3A_312, %parallel_loop3A_313] {strides = array<i32>} : memref<32x512xi32, #tpu.memory_space<vmem>>, vector<16xi32>,
        %parallel_loop3A_315 = vector.bitcast %parallel_loop3A_314 : vector<16xi32> to vector<32xbf16>
        %parallel_loop3A_316 = arith.constant 29 : i32
        %parallel_loop3A_317 = arith.index_cast %parallel_loop3A_316 : i32 to index
        %parallel_loop3A_318 = arith.index_cast %parallel_loop3A_300 : i32 to index
        %parallel_loop3A_319 = tpu.vector_load %arg15[%parallel_loop3A_317, %parallel_loop3A_318] {strides = array<i32>} : memref<32x512xi32, #tpu.memory_space<vmem>>, vector<16xi32>,
        %parallel_loop3A_320 = vector.bitcast %parallel_loop3A_319 : vector<16xi32> to vector<32xbf16>
        %parallel_loop3A_321 = arith.addf %parallel_loop3A_305, %parallel_loop3A_310 : vector<32xbf16>
        %parallel_loop3A_322 = arith.mulf %pack3A_137, %parallel_loop3A_315 : vector<32xbf16>
        %parallel_loop3A_323 = arith.addf %parallel_loop3A_321, %parallel_loop3A_322 : vector<32xbf16>
        %parallel_loop3A_324 = arith.mulf %pack3A_136, %parallel_loop3A_320 : vector<32xbf16>
        %parallel_loop3A_325 = arith.addf %parallel_loop3A_323, %parallel_loop3A_324 : vector<32xbf16>
        %parallel_loop3A_326 = vector.bitcast %parallel_loop3A_325 : vector<32xbf16> to vector<16xi32>
        %parallel_loop3A_327 = arith.constant 16 : i32
        %parallel_loop3A_328 = vector.broadcast %parallel_loop3A_327 : i32 to vector<16xi32>
        %parallel_loop3A_329 = arith.shli %parallel_loop3A_326, %parallel_loop3A_328 : vector<16xi32>
        %parallel_loop3A_330 = vector.bitcast %parallel_loop3A_329 : vector<16xi32> to vector<16xf32>
        %parallel_loop3A_331 = arith.constant -65536 : i32
        %parallel_loop3A_332 = vector.broadcast %parallel_loop3A_331 : i32 to vector<16xi32>
        %parallel_loop3A_333 = arith.andi %parallel_loop3A_326, %parallel_loop3A_332 : vector<16xi32>
        %parallel_loop3A_334 = vector.bitcast %parallel_loop3A_333 : vector<16xi32> to vector<16xf32>
        %parallel_loop3A_335 = arith.constant 16 : i32
        %parallel_loop3A_336 = arith.muli %parallel_loop3A_298, %parallel_loop3A_335 : i32
        %parallel_loop3A_337 = arith.constant 5 : i32
        %parallel_loop3A_338 = arith.index_cast %parallel_loop3A_337 : i32 to index
        %parallel_loop3A_339 = arith.index_cast %parallel_loop3A_336 : i32 to index
        %parallel_loop3A_340 = tpu.vector_load %arg17[%parallel_loop3A_338, %parallel_loop3A_339] {strides = array<i32>} : memref<8x1024xf32, #tpu.memory_space<vmem>>, vector<16xf32>,
        tpu.vector_store %arg17[%parallel_loop3A_338, %parallel_loop3A_339], %parallel_loop3A_330 {strides = array<i32>} : memref<8x1024xf32, #tpu.memory_space<vmem>>, vector<16xf32>,
        %parallel_loop3A_341 = arith.constant 512 : i32
        %parallel_loop3A_342 = arith.addi %parallel_loop3A_336, %parallel_loop3A_341 : i32
        %parallel_loop3A_343 = arith.constant 5 : i32
        %parallel_loop3A_344 = arith.index_cast %parallel_loop3A_343 : i32 to index
        %parallel_loop3A_345 = arith.index_cast %parallel_loop3A_342 : i32 to index
        %parallel_loop3A_346 = tpu.vector_load %arg17[%parallel_loop3A_344, %parallel_loop3A_345] {strides = array<i32>} : memref<8x1024xf32, #tpu.memory_space<vmem>>, vector<16xf32>,
        tpu.vector_store %arg17[%parallel_loop3A_344, %parallel_loop3A_345], %parallel_loop3A_334 {strides = array<i32>} : memref<8x1024xf32, #tpu.memory_space<vmem>>, vector<16xf32>,
      } {sc.loop_unroll_factor = 8 : i64, sc.parallel_access}
      %slice3A_141 = vector.extract_strided_slice %get3A_78 {offsets = [6], sizes = [1], strides = [1]} : vector<16xf32> to vector<1xf32>
      %squeeze3A_142 = vector.extract %slice3A_141[0] : f32 from vector<1xf32>
      %broadcast_in_dim3A_143 = vector.broadcast %squeeze3A_142 : f32 to vector<16xf32>
      %sub3A_144 = arith.constant 1.000000e+00 : f32
      %sub3A_145 = vector.broadcast %sub3A_144 : f32 to vector<16xf32>
      %sub3A_146 = arith.subf %sub3A_145, %broadcast_in_dim3A_143 : vector<16xf32>
      %pack3A_147 = tpu.pack_subelements %broadcast_in_dim3A_143, %broadcast_in_dim3A_143 {pack_format = #tpu.pack_format<interleaved>, positions = array<i32: 0, 1>} : vector<16xf32>, vector<16xf32> -> vector<32xbf16>
      %pack3A_148 = tpu.pack_subelements %sub3A_146, %sub3A_146 {pack_format = #tpu.pack_format<interleaved>, positions = array<i32: 0, 1>} : vector<16xf32>, vector<16xf32> -> vector<32xbf16>
      %parallel_loop3A_149 = arith.constant 0 : i32
      %parallel_loop3A_150 = arith.constant 32 : i32
      %parallel_loop3A_151 = arith.constant 1 : i32
      scf.for %parallel_loop3A_298 = %parallel_loop3A_149 to %parallel_loop3A_150 step %parallel_loop3A_151  : i32 {
        %parallel_loop3A_299 = arith.constant 16 : i32
        %parallel_loop3A_300 = arith.muli %parallel_loop3A_298, %parallel_loop3A_299 : i32
        %parallel_loop3A_301 = arith.constant 6 : i32
        %parallel_loop3A_302 = arith.index_cast %parallel_loop3A_301 : i32 to index
        %parallel_loop3A_303 = arith.index_cast %parallel_loop3A_300 : i32 to index
        %parallel_loop3A_304 = tpu.vector_load %arg15[%parallel_loop3A_302, %parallel_loop3A_303] {strides = array<i32>} : memref<32x512xi32, #tpu.memory_space<vmem>>, vector<16xi32>,
        %parallel_loop3A_305 = vector.bitcast %parallel_loop3A_304 : vector<16xi32> to vector<32xbf16>
        %parallel_loop3A_306 = arith.constant 14 : i32
        %parallel_loop3A_307 = arith.index_cast %parallel_loop3A_306 : i32 to index
        %parallel_loop3A_308 = arith.index_cast %parallel_loop3A_300 : i32 to index
        %parallel_loop3A_309 = tpu.vector_load %arg15[%parallel_loop3A_307, %parallel_loop3A_308] {strides = array<i32>} : memref<32x512xi32, #tpu.memory_space<vmem>>, vector<16xi32>,
        %parallel_loop3A_310 = vector.bitcast %parallel_loop3A_309 : vector<16xi32> to vector<32xbf16>
        %parallel_loop3A_311 = arith.constant 22 : i32
        %parallel_loop3A_312 = arith.index_cast %parallel_loop3A_311 : i32 to index
        %parallel_loop3A_313 = arith.index_cast %parallel_loop3A_300 : i32 to index
        %parallel_loop3A_314 = tpu.vector_load %arg15[%parallel_loop3A_312, %parallel_loop3A_313] {strides = array<i32>} : memref<32x512xi32, #tpu.memory_space<vmem>>, vector<16xi32>,
        %parallel_loop3A_315 = vector.bitcast %parallel_loop3A_314 : vector<16xi32> to vector<32xbf16>
        %parallel_loop3A_316 = arith.constant 30 : i32
        %parallel_loop3A_317 = arith.index_cast %parallel_loop3A_316 : i32 to index
        %parallel_loop3A_318 = arith.index_cast %parallel_loop3A_300 : i32 to index
        %parallel_loop3A_319 = tpu.vector_load %arg15[%parallel_loop3A_317, %parallel_loop3A_318] {strides = array<i32>} : memref<32x512xi32, #tpu.memory_space<vmem>>, vector<16xi32>,
        %parallel_loop3A_320 = vector.bitcast %parallel_loop3A_319 : vector<16xi32> to vector<32xbf16>
        %parallel_loop3A_321 = arith.addf %parallel_loop3A_305, %parallel_loop3A_310 : vector<32xbf16>
        %parallel_loop3A_322 = arith.mulf %pack3A_148, %parallel_loop3A_315 : vector<32xbf16>
        %parallel_loop3A_323 = arith.addf %parallel_loop3A_321, %parallel_loop3A_322 : vector<32xbf16>
        %parallel_loop3A_324 = arith.mulf %pack3A_147, %parallel_loop3A_320 : vector<32xbf16>
        %parallel_loop3A_325 = arith.addf %parallel_loop3A_323, %parallel_loop3A_324 : vector<32xbf16>
        %parallel_loop3A_326 = vector.bitcast %parallel_loop3A_325 : vector<32xbf16> to vector<16xi32>
        %parallel_loop3A_327 = arith.constant 16 : i32
        %parallel_loop3A_328 = vector.broadcast %parallel_loop3A_327 : i32 to vector<16xi32>
        %parallel_loop3A_329 = arith.shli %parallel_loop3A_326, %parallel_loop3A_328 : vector<16xi32>
        %parallel_loop3A_330 = vector.bitcast %parallel_loop3A_329 : vector<16xi32> to vector<16xf32>
        %parallel_loop3A_331 = arith.constant -65536 : i32
        %parallel_loop3A_332 = vector.broadcast %parallel_loop3A_331 : i32 to vector<16xi32>
        %parallel_loop3A_333 = arith.andi %parallel_loop3A_326, %parallel_loop3A_332 : vector<16xi32>
        %parallel_loop3A_334 = vector.bitcast %parallel_loop3A_333 : vector<16xi32> to vector<16xf32>
        %parallel_loop3A_335 = arith.constant 16 : i32
        %parallel_loop3A_336 = arith.muli %parallel_loop3A_298, %parallel_loop3A_335 : i32
        %parallel_loop3A_337 = arith.constant 6 : i32
        %parallel_loop3A_338 = arith.index_cast %parallel_loop3A_337 : i32 to index
        %parallel_loop3A_339 = arith.index_cast %parallel_loop3A_336 : i32 to index
        %parallel_loop3A_340 = tpu.vector_load %arg17[%parallel_loop3A_338, %parallel_loop3A_339] {strides = array<i32>} : memref<8x1024xf32, #tpu.memory_space<vmem>>, vector<16xf32>,
        tpu.vector_store %arg17[%parallel_loop3A_338, %parallel_loop3A_339], %parallel_loop3A_330 {strides = array<i32>} : memref<8x1024xf32, #tpu.memory_space<vmem>>, vector<16xf32>,
        %parallel_loop3A_341 = arith.constant 512 : i32
        %parallel_loop3A_342 = arith.addi %parallel_loop3A_336, %parallel_loop3A_341 : i32
        %parallel_loop3A_343 = arith.constant 6 : i32
        %parallel_loop3A_344 = arith.index_cast %parallel_loop3A_343 : i32 to index
        %parallel_loop3A_345 = arith.index_cast %parallel_loop3A_342 : i32 to index
        %parallel_loop3A_346 = tpu.vector_load %arg17[%parallel_loop3A_344, %parallel_loop3A_345] {strides = array<i32>} : memref<8x1024xf32, #tpu.memory_space<vmem>>, vector<16xf32>,
        tpu.vector_store %arg17[%parallel_loop3A_344, %parallel_loop3A_345], %parallel_loop3A_334 {strides = array<i32>} : memref<8x1024xf32, #tpu.memory_space<vmem>>, vector<16xf32>,
      } {sc.loop_unroll_factor = 8 : i64, sc.parallel_access}
      %slice3A_152 = vector.extract_strided_slice %get3A_78 {offsets = [7], sizes = [1], strides = [1]} : vector<16xf32> to vector<1xf32>
      %squeeze3A_153 = vector.extract %slice3A_152[0] : f32 from vector<1xf32>
      %broadcast_in_dim3A_154 = vector.broadcast %squeeze3A_153 : f32 to vector<16xf32>
      %sub3A_155 = arith.constant 1.000000e+00 : f32
      %sub3A_156 = vector.broadcast %sub3A_155 : f32 to vector<16xf32>
      %sub3A_157 = arith.subf %sub3A_156, %broadcast_in_dim3A_154 : vector<16xf32>
      %pack3A_158 = tpu.pack_subelements %broadcast_in_dim3A_154, %broadcast_in_dim3A_154 {pack_format = #tpu.pack_format<interleaved>, positions = array<i32: 0, 1>} : vector<16xf32>, vector<16xf32> -> vector<32xbf16>
      %pack3A_159 = tpu.pack_subelements %sub3A_157, %sub3A_157 {pack_format = #tpu.pack_format<interleaved>, positions = array<i32: 0, 1>} : vector<16xf32>, vector<16xf32> -> vector<32xbf16>
      %parallel_loop3A_160 = arith.constant 0 : i32
      %parallel_loop3A_161 = arith.constant 32 : i32
      %parallel_loop3A_162 = arith.constant 1 : i32
      scf.for %parallel_loop3A_298 = %parallel_loop3A_160 to %parallel_loop3A_161 step %parallel_loop3A_162  : i32 {
        %parallel_loop3A_299 = arith.constant 16 : i32
        %parallel_loop3A_300 = arith.muli %parallel_loop3A_298, %parallel_loop3A_299 : i32
        %parallel_loop3A_301 = arith.constant 7 : i32
        %parallel_loop3A_302 = arith.index_cast %parallel_loop3A_301 : i32 to index
        %parallel_loop3A_303 = arith.index_cast %parallel_loop3A_300 : i32 to index
        %parallel_loop3A_304 = tpu.vector_load %arg15[%parallel_loop3A_302, %parallel_loop3A_303] {strides = array<i32>} : memref<32x512xi32, #tpu.memory_space<vmem>>, vector<16xi32>,
        %parallel_loop3A_305 = vector.bitcast %parallel_loop3A_304 : vector<16xi32> to vector<32xbf16>
        %parallel_loop3A_306 = arith.constant 15 : i32
        %parallel_loop3A_307 = arith.index_cast %parallel_loop3A_306 : i32 to index
        %parallel_loop3A_308 = arith.index_cast %parallel_loop3A_300 : i32 to index
        %parallel_loop3A_309 = tpu.vector_load %arg15[%parallel_loop3A_307, %parallel_loop3A_308] {strides = array<i32>} : memref<32x512xi32, #tpu.memory_space<vmem>>, vector<16xi32>,
        %parallel_loop3A_310 = vector.bitcast %parallel_loop3A_309 : vector<16xi32> to vector<32xbf16>
        %parallel_loop3A_311 = arith.constant 23 : i32
        %parallel_loop3A_312 = arith.index_cast %parallel_loop3A_311 : i32 to index
        %parallel_loop3A_313 = arith.index_cast %parallel_loop3A_300 : i32 to index
        %parallel_loop3A_314 = tpu.vector_load %arg15[%parallel_loop3A_312, %parallel_loop3A_313] {strides = array<i32>} : memref<32x512xi32, #tpu.memory_space<vmem>>, vector<16xi32>,
        %parallel_loop3A_315 = vector.bitcast %parallel_loop3A_314 : vector<16xi32> to vector<32xbf16>
        %parallel_loop3A_316 = arith.constant 31 : i32
        %parallel_loop3A_317 = arith.index_cast %parallel_loop3A_316 : i32 to index
        %parallel_loop3A_318 = arith.index_cast %parallel_loop3A_300 : i32 to index
        %parallel_loop3A_319 = tpu.vector_load %arg15[%parallel_loop3A_317, %parallel_loop3A_318] {strides = array<i32>} : memref<32x512xi32, #tpu.memory_space<vmem>>, vector<16xi32>,
        %parallel_loop3A_320 = vector.bitcast %parallel_loop3A_319 : vector<16xi32> to vector<32xbf16>
        %parallel_loop3A_321 = arith.addf %parallel_loop3A_305, %parallel_loop3A_310 : vector<32xbf16>
        %parallel_loop3A_322 = arith.mulf %pack3A_159, %parallel_loop3A_315 : vector<32xbf16>
        %parallel_loop3A_323 = arith.addf %parallel_loop3A_321, %parallel_loop3A_322 : vector<32xbf16>
        %parallel_loop3A_324 = arith.mulf %pack3A_158, %parallel_loop3A_320 : vector<32xbf16>
        %parallel_loop3A_325 = arith.addf %parallel_loop3A_323, %parallel_loop3A_324 : vector<32xbf16>
        %parallel_loop3A_326 = vector.bitcast %parallel_loop3A_325 : vector<32xbf16> to vector<16xi32>
        %parallel_loop3A_327 = arith.constant 16 : i32
        %parallel_loop3A_328 = vector.broadcast %parallel_loop3A_327 : i32 to vector<16xi32>
        %parallel_loop3A_329 = arith.shli %parallel_loop3A_326, %parallel_loop3A_328 : vector<16xi32>
        %parallel_loop3A_330 = vector.bitcast %parallel_loop3A_329 : vector<16xi32> to vector<16xf32>
        %parallel_loop3A_331 = arith.constant -65536 : i32
        %parallel_loop3A_332 = vector.broadcast %parallel_loop3A_331 : i32 to vector<16xi32>
        %parallel_loop3A_333 = arith.andi %parallel_loop3A_326, %parallel_loop3A_332 : vector<16xi32>
        %parallel_loop3A_334 = vector.bitcast %parallel_loop3A_333 : vector<16xi32> to vector<16xf32>
        %parallel_loop3A_335 = arith.constant 16 : i32
        %parallel_loop3A_336 = arith.muli %parallel_loop3A_298, %parallel_loop3A_335 : i32
        %parallel_loop3A_337 = arith.constant 7 : i32
        %parallel_loop3A_338 = arith.index_cast %parallel_loop3A_337 : i32 to index
        %parallel_loop3A_339 = arith.index_cast %parallel_loop3A_336 : i32 to index
        %parallel_loop3A_340 = tpu.vector_load %arg17[%parallel_loop3A_338, %parallel_loop3A_339] {strides = array<i32>} : memref<8x1024xf32, #tpu.memory_space<vmem>>, vector<16xf32>,
        tpu.vector_store %arg17[%parallel_loop3A_338, %parallel_loop3A_339], %parallel_loop3A_330 {strides = array<i32>} : memref<8x1024xf32, #tpu.memory_space<vmem>>, vector<16xf32>,
        %parallel_loop3A_341 = arith.constant 512 : i32
        %parallel_loop3A_342 = arith.addi %parallel_loop3A_336, %parallel_loop3A_341 : i32
        %parallel_loop3A_343 = arith.constant 7 : i32
        %parallel_loop3A_344 = arith.index_cast %parallel_loop3A_343 : i32 to index
        %parallel_loop3A_345 = arith.index_cast %parallel_loop3A_342 : i32 to index
        %parallel_loop3A_346 = tpu.vector_load %arg17[%parallel_loop3A_344, %parallel_loop3A_345] {strides = array<i32>} : memref<8x1024xf32, #tpu.memory_space<vmem>>, vector<16xf32>,
        tpu.vector_store %arg17[%parallel_loop3A_344, %parallel_loop3A_345], %parallel_loop3A_334 {strides = array<i32>} : memref<8x1024xf32, #tpu.memory_space<vmem>>, vector<16xf32>,
      } {sc.loop_unroll_factor = 8 : i64, sc.parallel_access}
      %mul3A_163 = arith.constant 8 : i32
      %mul3A_164 = arith.muli %mul3A_62, %mul3A_163 : i32
      %add3A_165 = arith.addi %mul3A_2, %mul3A_164 : i32
      %dma_start3A_166 = arith.constant 0 : i32
      %dma_start3A_167 = tpu.memref_slice %arg8[%add3A_165, %dma_start3A_166] : memref<32768x1024xf32, #tpu.memory_space<hbm>> -> memref<8x1024xf32, #tpu.memory_space<hbm>>
      %dma_start3A_168 = arith.constant 0 : i32
      %dma_start3A_169 = tpu.memref_slice %arg8[%add3A_165, %dma_start3A_168] : memref<32768x1024xf32, #tpu.memory_space<hbm>> -> memref<8x1024xf32, #tpu.memory_space<hbm>>
      tpu.enqueue_dma source(%arg17 : memref<8x1024xf32, #tpu.memory_space<vmem>>) target(%dma_start3A_169 : memref<8x1024xf32, #tpu.memory_space<hbm>>) target_semaphore(%arg21 : memref<!tpu.dma_semaphore, #tpu.memory_space<semaphore_mem>>)
      %add3A_170 = arith.constant 2 : i32
      %add3A_171 = arith.addi %mul3A_62, %add3A_170 : i32
      %min3A = arith.constant 126 : i32
      %min3A_172 = arith.minsi %add3A_171, %min3A : i32
      %mul3A_173 = arith.constant 32 : i32
      %mul3A_174 = arith.muli %min3A_172, %mul3A_173 : i32
      %dma_start3A_175 = tpu.memref_slice %arg14[%mul3A_174] : memref<4096xi32, #tpu.memory_space<vmem>> -> memref<32xi32, #tpu.memory_space<vmem>>
      %dma_start3A_176 = arith.constant 0 : i32
      %dma_start3A_177 = arith.constant 0 : i32
      %dma_start3A_178 = tpu.memref_slice %arg2[%dma_start3A_176, %dma_start3A_177] : memref<1624x512xi32, #tpu.memory_space<hbm>> -> memref<1624x512xi32, #tpu.memory_space<hbm>>
      tpu.enqueue_indirect_dma source(%dma_start3A_178 : memref<1624x512xi32, #tpu.memory_space<hbm>>) target(%arg15 : memref<32x512xi32, #tpu.memory_space<vmem>>) offsets(%dma_start3A_175 : memref<32xi32, #tpu.memory_space<vmem>>) semaphore(%arg19 : memref<!tpu.dma_semaphore, #tpu.memory_space<semaphore_mem>>)
      %dma_wait3A_179 = arith.constant 0 : i32
      %dma_wait3A_180 = tpu.memref_slice %arg14[%dma_wait3A_179] : memref<4096xi32, #tpu.memory_space<vmem>> -> memref<32xi32, #tpu.memory_space<vmem>>
      %dma_wait3A_181 = arith.constant 0 : i32
      %dma_wait3A_182 = arith.constant 0 : i32
      %dma_wait3A_183 = tpu.memref_slice %arg2[%dma_wait3A_181, %dma_wait3A_182] : memref<1624x512xi32, #tpu.memory_space<hbm>> -> memref<1624x512xi32, #tpu.memory_space<hbm>>
      tpu.wait_indirect_dma semaphore(%arg20 : memref<!tpu.dma_semaphore, #tpu.memory_space<semaphore_mem>>) src(%dma_wait3A_183 : memref<1624x512xi32, #tpu.memory_space<hbm>>) dst(%arg16 : memref<32x512xi32, #tpu.memory_space<vmem>>)
      %dma_wait3A_184 = arith.constant 0 : i32
      %dma_wait3A_185 = tpu.memref_slice %arg8[%mul3A_2, %dma_wait3A_184] : memref<32768x1024xf32, #tpu.memory_space<hbm>> -> memref<8x1024xf32, #tpu.memory_space<hbm>>
      %dma_wait3A_186 = arith.constant 0 : i32
      %dma_wait3A_187 = tpu.memref_slice %arg8[%mul3A_2, %dma_wait3A_186] : memref<32768x1024xf32, #tpu.memory_space<hbm>> -> memref<8x1024xf32, #tpu.memory_space<hbm>>
      tpu.wait_dma2 semaphore(%arg22 : memref<!tpu.dma_semaphore, #tpu.memory_space<semaphore_mem>>) src(%arg18 : memref<8x1024xf32, #tpu.memory_space<vmem>>) dst(%dma_wait3A_187 : memref<8x1024xf32, #tpu.memory_space<hbm>>)
      %mul3A_188 = arith.constant 8 : i32
      %mul3A_189 = arith.muli %add3A_66, %mul3A_188 : i32
      %get3A_190 = arith.index_cast %mul3A_189 : i32 to index
      %get3A_191 = tpu.vector_load %arg13[%get3A_190] {strides = array<i32>} : memref<1040xf32, #tpu.memory_space<vmem>>, vector<16xf32>,
      %slice3A_192 = vector.extract_strided_slice %get3A_191 {offsets = [0], sizes = [1], strides = [1]} : vector<16xf32> to vector<1xf32>
      %squeeze3A_193 = vector.extract %slice3A_192[0] : f32 from vector<1xf32>
      %broadcast_in_dim3A_194 = vector.broadcast %squeeze3A_193 : f32 to vector<16xf32>
      %sub3A_195 = arith.constant 1.000000e+00 : f32
      %sub3A_196 = vector.broadcast %sub3A_195 : f32 to vector<16xf32>
      %sub3A_197 = arith.subf %sub3A_196, %broadcast_in_dim3A_194 : vector<16xf32>
      %pack3A_198 = tpu.pack_subelements %broadcast_in_dim3A_194, %broadcast_in_dim3A_194 {pack_format = #tpu.pack_format<interleaved>, positions = array<i32: 0, 1>} : vector<16xf32>, vector<16xf32> -> vector<32xbf16>
      %pack3A_199 = tpu.pack_subelements %sub3A_197, %sub3A_197 {pack_format = #tpu.pack_format<interleaved>, positions = array<i32: 0, 1>} : vector<16xf32>, vector<16xf32> -> vector<32xbf16>
      %parallel_loop3A_200 = arith.constant 0 : i32
      %parallel_loop3A_201 = arith.constant 32 : i32
      %parallel_loop3A_202 = arith.constant 1 : i32
      scf.for %parallel_loop3A_298 = %parallel_loop3A_200 to %parallel_loop3A_201 step %parallel_loop3A_202  : i32 {
        %parallel_loop3A_299 = arith.constant 16 : i32
        %parallel_loop3A_300 = arith.muli %parallel_loop3A_298, %parallel_loop3A_299 : i32
        %parallel_loop3A_301 = arith.constant 0 : i32
        %parallel_loop3A_302 = arith.index_cast %parallel_loop3A_301 : i32 to index
        %parallel_loop3A_303 = arith.index_cast %parallel_loop3A_300 : i32 to index
        %parallel_loop3A_304 = tpu.vector_load %arg16[%parallel_loop3A_302, %parallel_loop3A_303] {strides = array<i32>} : memref<32x512xi32, #tpu.memory_space<vmem>>, vector<16xi32>,
        %parallel_loop3A_305 = vector.bitcast %parallel_loop3A_304 : vector<16xi32> to vector<32xbf16>
        %parallel_loop3A_306 = arith.constant 8 : i32
        %parallel_loop3A_307 = arith.index_cast %parallel_loop3A_306 : i32 to index
        %parallel_loop3A_308 = arith.index_cast %parallel_loop3A_300 : i32 to index
        %parallel_loop3A_309 = tpu.vector_load %arg16[%parallel_loop3A_307, %parallel_loop3A_308] {strides = array<i32>} : memref<32x512xi32, #tpu.memory_space<vmem>>, vector<16xi32>,
        %parallel_loop3A_310 = vector.bitcast %parallel_loop3A_309 : vector<16xi32> to vector<32xbf16>
        %parallel_loop3A_311 = arith.constant 16 : i32
        %parallel_loop3A_312 = arith.index_cast %parallel_loop3A_311 : i32 to index
        %parallel_loop3A_313 = arith.index_cast %parallel_loop3A_300 : i32 to index
        %parallel_loop3A_314 = tpu.vector_load %arg16[%parallel_loop3A_312, %parallel_loop3A_313] {strides = array<i32>} : memref<32x512xi32, #tpu.memory_space<vmem>>, vector<16xi32>,
        %parallel_loop3A_315 = vector.bitcast %parallel_loop3A_314 : vector<16xi32> to vector<32xbf16>
        %parallel_loop3A_316 = arith.constant 24 : i32
        %parallel_loop3A_317 = arith.index_cast %parallel_loop3A_316 : i32 to index
        %parallel_loop3A_318 = arith.index_cast %parallel_loop3A_300 : i32 to index
        %parallel_loop3A_319 = tpu.vector_load %arg16[%parallel_loop3A_317, %parallel_loop3A_318] {strides = array<i32>} : memref<32x512xi32, #tpu.memory_space<vmem>>, vector<16xi32>,
        %parallel_loop3A_320 = vector.bitcast %parallel_loop3A_319 : vector<16xi32> to vector<32xbf16>
        %parallel_loop3A_321 = arith.addf %parallel_loop3A_305, %parallel_loop3A_310 : vector<32xbf16>
        %parallel_loop3A_322 = arith.mulf %pack3A_199, %parallel_loop3A_315 : vector<32xbf16>
        %parallel_loop3A_323 = arith.addf %parallel_loop3A_321, %parallel_loop3A_322 : vector<32xbf16>
        %parallel_loop3A_324 = arith.mulf %pack3A_198, %parallel_loop3A_320 : vector<32xbf16>
        %parallel_loop3A_325 = arith.addf %parallel_loop3A_323, %parallel_loop3A_324 : vector<32xbf16>
        %parallel_loop3A_326 = vector.bitcast %parallel_loop3A_325 : vector<32xbf16> to vector<16xi32>
        %parallel_loop3A_327 = arith.constant 16 : i32
        %parallel_loop3A_328 = vector.broadcast %parallel_loop3A_327 : i32 to vector<16xi32>
        %parallel_loop3A_329 = arith.shli %parallel_loop3A_326, %parallel_loop3A_328 : vector<16xi32>
        %parallel_loop3A_330 = vector.bitcast %parallel_loop3A_329 : vector<16xi32> to vector<16xf32>
        %parallel_loop3A_331 = arith.constant -65536 : i32
        %parallel_loop3A_332 = vector.broadcast %parallel_loop3A_331 : i32 to vector<16xi32>
        %parallel_loop3A_333 = arith.andi %parallel_loop3A_326, %parallel_loop3A_332 : vector<16xi32>
        %parallel_loop3A_334 = vector.bitcast %parallel_loop3A_333 : vector<16xi32> to vector<16xf32>
        %parallel_loop3A_335 = arith.constant 16 : i32
        %parallel_loop3A_336 = arith.muli %parallel_loop3A_298, %parallel_loop3A_335 : i32
        %parallel_loop3A_337 = arith.constant 0 : i32
        %parallel_loop3A_338 = arith.index_cast %parallel_loop3A_337 : i32 to index
        %parallel_loop3A_339 = arith.index_cast %parallel_loop3A_336 : i32 to index
        %parallel_loop3A_340 = tpu.vector_load %arg18[%parallel_loop3A_338, %parallel_loop3A_339] {strides = array<i32>} : memref<8x1024xf32, #tpu.memory_space<vmem>>, vector<16xf32>,
        tpu.vector_store %arg18[%parallel_loop3A_338, %parallel_loop3A_339], %parallel_loop3A_330 {strides = array<i32>} : memref<8x1024xf32, #tpu.memory_space<vmem>>, vector<16xf32>,
        %parallel_loop3A_341 = arith.constant 512 : i32
        %parallel_loop3A_342 = arith.addi %parallel_loop3A_336, %parallel_loop3A_341 : i32
        %parallel_loop3A_343 = arith.constant 0 : i32
        %parallel_loop3A_344 = arith.index_cast %parallel_loop3A_343 : i32 to index
        %parallel_loop3A_345 = arith.index_cast %parallel_loop3A_342 : i32 to index
        %parallel_loop3A_346 = tpu.vector_load %arg18[%parallel_loop3A_344, %parallel_loop3A_345] {strides = array<i32>} : memref<8x1024xf32, #tpu.memory_space<vmem>>, vector<16xf32>,
        tpu.vector_store %arg18[%parallel_loop3A_344, %parallel_loop3A_345], %parallel_loop3A_334 {strides = array<i32>} : memref<8x1024xf32, #tpu.memory_space<vmem>>, vector<16xf32>,
      } {sc.loop_unroll_factor = 8 : i64, sc.parallel_access}
      %slice3A_203 = vector.extract_strided_slice %get3A_191 {offsets = [1], sizes = [1], strides = [1]} : vector<16xf32> to vector<1xf32>
      %squeeze3A_204 = vector.extract %slice3A_203[0] : f32 from vector<1xf32>
      %broadcast_in_dim3A_205 = vector.broadcast %squeeze3A_204 : f32 to vector<16xf32>
      %sub3A_206 = arith.constant 1.000000e+00 : f32
      %sub3A_207 = vector.broadcast %sub3A_206 : f32 to vector<16xf32>
      %sub3A_208 = arith.subf %sub3A_207, %broadcast_in_dim3A_205 : vector<16xf32>
      %pack3A_209 = tpu.pack_subelements %broadcast_in_dim3A_205, %broadcast_in_dim3A_205 {pack_format = #tpu.pack_format<interleaved>, positions = array<i32: 0, 1>} : vector<16xf32>, vector<16xf32> -> vector<32xbf16>
      %pack3A_210 = tpu.pack_subelements %sub3A_208, %sub3A_208 {pack_format = #tpu.pack_format<interleaved>, positions = array<i32: 0, 1>} : vector<16xf32>, vector<16xf32> -> vector<32xbf16>
      %parallel_loop3A_211 = arith.constant 0 : i32
      %parallel_loop3A_212 = arith.constant 32 : i32
      %parallel_loop3A_213 = arith.constant 1 : i32
      scf.for %parallel_loop3A_298 = %parallel_loop3A_211 to %parallel_loop3A_212 step %parallel_loop3A_213  : i32 {
        %parallel_loop3A_299 = arith.constant 16 : i32
        %parallel_loop3A_300 = arith.muli %parallel_loop3A_298, %parallel_loop3A_299 : i32
        %parallel_loop3A_301 = arith.constant 1 : i32
        %parallel_loop3A_302 = arith.index_cast %parallel_loop3A_301 : i32 to index
        %parallel_loop3A_303 = arith.index_cast %parallel_loop3A_300 : i32 to index
        %parallel_loop3A_304 = tpu.vector_load %arg16[%parallel_loop3A_302, %parallel_loop3A_303] {strides = array<i32>} : memref<32x512xi32, #tpu.memory_space<vmem>>, vector<16xi32>,
        %parallel_loop3A_305 = vector.bitcast %parallel_loop3A_304 : vector<16xi32> to vector<32xbf16>
        %parallel_loop3A_306 = arith.constant 9 : i32
        %parallel_loop3A_307 = arith.index_cast %parallel_loop3A_306 : i32 to index
        %parallel_loop3A_308 = arith.index_cast %parallel_loop3A_300 : i32 to index
        %parallel_loop3A_309 = tpu.vector_load %arg16[%parallel_loop3A_307, %parallel_loop3A_308] {strides = array<i32>} : memref<32x512xi32, #tpu.memory_space<vmem>>, vector<16xi32>,
        %parallel_loop3A_310 = vector.bitcast %parallel_loop3A_309 : vector<16xi32> to vector<32xbf16>
        %parallel_loop3A_311 = arith.constant 17 : i32
        %parallel_loop3A_312 = arith.index_cast %parallel_loop3A_311 : i32 to index
        %parallel_loop3A_313 = arith.index_cast %parallel_loop3A_300 : i32 to index
        %parallel_loop3A_314 = tpu.vector_load %arg16[%parallel_loop3A_312, %parallel_loop3A_313] {strides = array<i32>} : memref<32x512xi32, #tpu.memory_space<vmem>>, vector<16xi32>,
        %parallel_loop3A_315 = vector.bitcast %parallel_loop3A_314 : vector<16xi32> to vector<32xbf16>
        %parallel_loop3A_316 = arith.constant 25 : i32
        %parallel_loop3A_317 = arith.index_cast %parallel_loop3A_316 : i32 to index
        %parallel_loop3A_318 = arith.index_cast %parallel_loop3A_300 : i32 to index
        %parallel_loop3A_319 = tpu.vector_load %arg16[%parallel_loop3A_317, %parallel_loop3A_318] {strides = array<i32>} : memref<32x512xi32, #tpu.memory_space<vmem>>, vector<16xi32>,
        %parallel_loop3A_320 = vector.bitcast %parallel_loop3A_319 : vector<16xi32> to vector<32xbf16>
        %parallel_loop3A_321 = arith.addf %parallel_loop3A_305, %parallel_loop3A_310 : vector<32xbf16>
        %parallel_loop3A_322 = arith.mulf %pack3A_210, %parallel_loop3A_315 : vector<32xbf16>
        %parallel_loop3A_323 = arith.addf %parallel_loop3A_321, %parallel_loop3A_322 : vector<32xbf16>
        %parallel_loop3A_324 = arith.mulf %pack3A_209, %parallel_loop3A_320 : vector<32xbf16>
        %parallel_loop3A_325 = arith.addf %parallel_loop3A_323, %parallel_loop3A_324 : vector<32xbf16>
        %parallel_loop3A_326 = vector.bitcast %parallel_loop3A_325 : vector<32xbf16> to vector<16xi32>
        %parallel_loop3A_327 = arith.constant 16 : i32
        %parallel_loop3A_328 = vector.broadcast %parallel_loop3A_327 : i32 to vector<16xi32>
        %parallel_loop3A_329 = arith.shli %parallel_loop3A_326, %parallel_loop3A_328 : vector<16xi32>
        %parallel_loop3A_330 = vector.bitcast %parallel_loop3A_329 : vector<16xi32> to vector<16xf32>
        %parallel_loop3A_331 = arith.constant -65536 : i32
        %parallel_loop3A_332 = vector.broadcast %parallel_loop3A_331 : i32 to vector<16xi32>
        %parallel_loop3A_333 = arith.andi %parallel_loop3A_326, %parallel_loop3A_332 : vector<16xi32>
        %parallel_loop3A_334 = vector.bitcast %parallel_loop3A_333 : vector<16xi32> to vector<16xf32>
        %parallel_loop3A_335 = arith.constant 16 : i32
        %parallel_loop3A_336 = arith.muli %parallel_loop3A_298, %parallel_loop3A_335 : i32
        %parallel_loop3A_337 = arith.constant 1 : i32
        %parallel_loop3A_338 = arith.index_cast %parallel_loop3A_337 : i32 to index
        %parallel_loop3A_339 = arith.index_cast %parallel_loop3A_336 : i32 to index
        %parallel_loop3A_340 = tpu.vector_load %arg18[%parallel_loop3A_338, %parallel_loop3A_339] {strides = array<i32>} : memref<8x1024xf32, #tpu.memory_space<vmem>>, vector<16xf32>,
        tpu.vector_store %arg18[%parallel_loop3A_338, %parallel_loop3A_339], %parallel_loop3A_330 {strides = array<i32>} : memref<8x1024xf32, #tpu.memory_space<vmem>>, vector<16xf32>,
        %parallel_loop3A_341 = arith.constant 512 : i32
        %parallel_loop3A_342 = arith.addi %parallel_loop3A_336, %parallel_loop3A_341 : i32
        %parallel_loop3A_343 = arith.constant 1 : i32
        %parallel_loop3A_344 = arith.index_cast %parallel_loop3A_343 : i32 to index
        %parallel_loop3A_345 = arith.index_cast %parallel_loop3A_342 : i32 to index
        %parallel_loop3A_346 = tpu.vector_load %arg18[%parallel_loop3A_344, %parallel_loop3A_345] {strides = array<i32>} : memref<8x1024xf32, #tpu.memory_space<vmem>>, vector<16xf32>,
        tpu.vector_store %arg18[%parallel_loop3A_344, %parallel_loop3A_345], %parallel_loop3A_334 {strides = array<i32>} : memref<8x1024xf32, #tpu.memory_space<vmem>>, vector<16xf32>,
      } {sc.loop_unroll_factor = 8 : i64, sc.parallel_access}
      %slice3A_214 = vector.extract_strided_slice %get3A_191 {offsets = [2], sizes = [1], strides = [1]} : vector<16xf32> to vector<1xf32>
      %squeeze3A_215 = vector.extract %slice3A_214[0] : f32 from vector<1xf32>
      %broadcast_in_dim3A_216 = vector.broadcast %squeeze3A_215 : f32 to vector<16xf32>
      %sub3A_217 = arith.constant 1.000000e+00 : f32
      %sub3A_218 = vector.broadcast %sub3A_217 : f32 to vector<16xf32>
      %sub3A_219 = arith.subf %sub3A_218, %broadcast_in_dim3A_216 : vector<16xf32>
      %pack3A_220 = tpu.pack_subelements %broadcast_in_dim3A_216, %broadcast_in_dim3A_216 {pack_format = #tpu.pack_format<interleaved>, positions = array<i32: 0, 1>} : vector<16xf32>, vector<16xf32> -> vector<32xbf16>
      %pack3A_221 = tpu.pack_subelements %sub3A_219, %sub3A_219 {pack_format = #tpu.pack_format<interleaved>, positions = array<i32: 0, 1>} : vector<16xf32>, vector<16xf32> -> vector<32xbf16>
      %parallel_loop3A_222 = arith.constant 0 : i32
      %parallel_loop3A_223 = arith.constant 32 : i32
      %parallel_loop3A_224 = arith.constant 1 : i32
      scf.for %parallel_loop3A_298 = %parallel_loop3A_222 to %parallel_loop3A_223 step %parallel_loop3A_224  : i32 {
        %parallel_loop3A_299 = arith.constant 16 : i32
        %parallel_loop3A_300 = arith.muli %parallel_loop3A_298, %parallel_loop3A_299 : i32
        %parallel_loop3A_301 = arith.constant 2 : i32
        %parallel_loop3A_302 = arith.index_cast %parallel_loop3A_301 : i32 to index
        %parallel_loop3A_303 = arith.index_cast %parallel_loop3A_300 : i32 to index
        %parallel_loop3A_304 = tpu.vector_load %arg16[%parallel_loop3A_302, %parallel_loop3A_303] {strides = array<i32>} : memref<32x512xi32, #tpu.memory_space<vmem>>, vector<16xi32>,
        %parallel_loop3A_305 = vector.bitcast %parallel_loop3A_304 : vector<16xi32> to vector<32xbf16>
        %parallel_loop3A_306 = arith.constant 10 : i32
        %parallel_loop3A_307 = arith.index_cast %parallel_loop3A_306 : i32 to index
        %parallel_loop3A_308 = arith.index_cast %parallel_loop3A_300 : i32 to index
        %parallel_loop3A_309 = tpu.vector_load %arg16[%parallel_loop3A_307, %parallel_loop3A_308] {strides = array<i32>} : memref<32x512xi32, #tpu.memory_space<vmem>>, vector<16xi32>,
        %parallel_loop3A_310 = vector.bitcast %parallel_loop3A_309 : vector<16xi32> to vector<32xbf16>
        %parallel_loop3A_311 = arith.constant 18 : i32
        %parallel_loop3A_312 = arith.index_cast %parallel_loop3A_311 : i32 to index
        %parallel_loop3A_313 = arith.index_cast %parallel_loop3A_300 : i32 to index
        %parallel_loop3A_314 = tpu.vector_load %arg16[%parallel_loop3A_312, %parallel_loop3A_313] {strides = array<i32>} : memref<32x512xi32, #tpu.memory_space<vmem>>, vector<16xi32>,
        %parallel_loop3A_315 = vector.bitcast %parallel_loop3A_314 : vector<16xi32> to vector<32xbf16>
        %parallel_loop3A_316 = arith.constant 26 : i32
        %parallel_loop3A_317 = arith.index_cast %parallel_loop3A_316 : i32 to index
        %parallel_loop3A_318 = arith.index_cast %parallel_loop3A_300 : i32 to index
        %parallel_loop3A_319 = tpu.vector_load %arg16[%parallel_loop3A_317, %parallel_loop3A_318] {strides = array<i32>} : memref<32x512xi32, #tpu.memory_space<vmem>>, vector<16xi32>,
        %parallel_loop3A_320 = vector.bitcast %parallel_loop3A_319 : vector<16xi32> to vector<32xbf16>
        %parallel_loop3A_321 = arith.addf %parallel_loop3A_305, %parallel_loop3A_310 : vector<32xbf16>
        %parallel_loop3A_322 = arith.mulf %pack3A_221, %parallel_loop3A_315 : vector<32xbf16>
        %parallel_loop3A_323 = arith.addf %parallel_loop3A_321, %parallel_loop3A_322 : vector<32xbf16>
        %parallel_loop3A_324 = arith.mulf %pack3A_220, %parallel_loop3A_320 : vector<32xbf16>
        %parallel_loop3A_325 = arith.addf %parallel_loop3A_323, %parallel_loop3A_324 : vector<32xbf16>
        %parallel_loop3A_326 = vector.bitcast %parallel_loop3A_325 : vector<32xbf16> to vector<16xi32>
        %parallel_loop3A_327 = arith.constant 16 : i32
        %parallel_loop3A_328 = vector.broadcast %parallel_loop3A_327 : i32 to vector<16xi32>
        %parallel_loop3A_329 = arith.shli %parallel_loop3A_326, %parallel_loop3A_328 : vector<16xi32>
        %parallel_loop3A_330 = vector.bitcast %parallel_loop3A_329 : vector<16xi32> to vector<16xf32>
        %parallel_loop3A_331 = arith.constant -65536 : i32
        %parallel_loop3A_332 = vector.broadcast %parallel_loop3A_331 : i32 to vector<16xi32>
        %parallel_loop3A_333 = arith.andi %parallel_loop3A_326, %parallel_loop3A_332 : vector<16xi32>
        %parallel_loop3A_334 = vector.bitcast %parallel_loop3A_333 : vector<16xi32> to vector<16xf32>
        %parallel_loop3A_335 = arith.constant 16 : i32
        %parallel_loop3A_336 = arith.muli %parallel_loop3A_298, %parallel_loop3A_335 : i32
        %parallel_loop3A_337 = arith.constant 2 : i32
        %parallel_loop3A_338 = arith.index_cast %parallel_loop3A_337 : i32 to index
        %parallel_loop3A_339 = arith.index_cast %parallel_loop3A_336 : i32 to index
        %parallel_loop3A_340 = tpu.vector_load %arg18[%parallel_loop3A_338, %parallel_loop3A_339] {strides = array<i32>} : memref<8x1024xf32, #tpu.memory_space<vmem>>, vector<16xf32>,
        tpu.vector_store %arg18[%parallel_loop3A_338, %parallel_loop3A_339], %parallel_loop3A_330 {strides = array<i32>} : memref<8x1024xf32, #tpu.memory_space<vmem>>, vector<16xf32>,
        %parallel_loop3A_341 = arith.constant 512 : i32
        %parallel_loop3A_342 = arith.addi %parallel_loop3A_336, %parallel_loop3A_341 : i32
        %parallel_loop3A_343 = arith.constant 2 : i32
        %parallel_loop3A_344 = arith.index_cast %parallel_loop3A_343 : i32 to index
        %parallel_loop3A_345 = arith.index_cast %parallel_loop3A_342 : i32 to index
        %parallel_loop3A_346 = tpu.vector_load %arg18[%parallel_loop3A_344, %parallel_loop3A_345] {strides = array<i32>} : memref<8x1024xf32, #tpu.memory_space<vmem>>, vector<16xf32>,
        tpu.vector_store %arg18[%parallel_loop3A_344, %parallel_loop3A_345], %parallel_loop3A_334 {strides = array<i32>} : memref<8x1024xf32, #tpu.memory_space<vmem>>, vector<16xf32>,
      } {sc.loop_unroll_factor = 8 : i64, sc.parallel_access}
      %slice3A_225 = vector.extract_strided_slice %get3A_191 {offsets = [3], sizes = [1], strides = [1]} : vector<16xf32> to vector<1xf32>
      %squeeze3A_226 = vector.extract %slice3A_225[0] : f32 from vector<1xf32>
      %broadcast_in_dim3A_227 = vector.broadcast %squeeze3A_226 : f32 to vector<16xf32>
      %sub3A_228 = arith.constant 1.000000e+00 : f32
      %sub3A_229 = vector.broadcast %sub3A_228 : f32 to vector<16xf32>
      %sub3A_230 = arith.subf %sub3A_229, %broadcast_in_dim3A_227 : vector<16xf32>
      %pack3A_231 = tpu.pack_subelements %broadcast_in_dim3A_227, %broadcast_in_dim3A_227 {pack_format = #tpu.pack_format<interleaved>, positions = array<i32: 0, 1>} : vector<16xf32>, vector<16xf32> -> vector<32xbf16>
      %pack3A_232 = tpu.pack_subelements %sub3A_230, %sub3A_230 {pack_format = #tpu.pack_format<interleaved>, positions = array<i32: 0, 1>} : vector<16xf32>, vector<16xf32> -> vector<32xbf16>
      %parallel_loop3A_233 = arith.constant 0 : i32
      %parallel_loop3A_234 = arith.constant 32 : i32
      %parallel_loop3A_235 = arith.constant 1 : i32
      scf.for %parallel_loop3A_298 = %parallel_loop3A_233 to %parallel_loop3A_234 step %parallel_loop3A_235  : i32 {
        %parallel_loop3A_299 = arith.constant 16 : i32
        %parallel_loop3A_300 = arith.muli %parallel_loop3A_298, %parallel_loop3A_299 : i32
        %parallel_loop3A_301 = arith.constant 3 : i32
        %parallel_loop3A_302 = arith.index_cast %parallel_loop3A_301 : i32 to index
        %parallel_loop3A_303 = arith.index_cast %parallel_loop3A_300 : i32 to index
        %parallel_loop3A_304 = tpu.vector_load %arg16[%parallel_loop3A_302, %parallel_loop3A_303] {strides = array<i32>} : memref<32x512xi32, #tpu.memory_space<vmem>>, vector<16xi32>,
        %parallel_loop3A_305 = vector.bitcast %parallel_loop3A_304 : vector<16xi32> to vector<32xbf16>
        %parallel_loop3A_306 = arith.constant 11 : i32
        %parallel_loop3A_307 = arith.index_cast %parallel_loop3A_306 : i32 to index
        %parallel_loop3A_308 = arith.index_cast %parallel_loop3A_300 : i32 to index
        %parallel_loop3A_309 = tpu.vector_load %arg16[%parallel_loop3A_307, %parallel_loop3A_308] {strides = array<i32>} : memref<32x512xi32, #tpu.memory_space<vmem>>, vector<16xi32>,
        %parallel_loop3A_310 = vector.bitcast %parallel_loop3A_309 : vector<16xi32> to vector<32xbf16>
        %parallel_loop3A_311 = arith.constant 19 : i32
        %parallel_loop3A_312 = arith.index_cast %parallel_loop3A_311 : i32 to index
        %parallel_loop3A_313 = arith.index_cast %parallel_loop3A_300 : i32 to index
        %parallel_loop3A_314 = tpu.vector_load %arg16[%parallel_loop3A_312, %parallel_loop3A_313] {strides = array<i32>} : memref<32x512xi32, #tpu.memory_space<vmem>>, vector<16xi32>,
        %parallel_loop3A_315 = vector.bitcast %parallel_loop3A_314 : vector<16xi32> to vector<32xbf16>
        %parallel_loop3A_316 = arith.constant 27 : i32
        %parallel_loop3A_317 = arith.index_cast %parallel_loop3A_316 : i32 to index
        %parallel_loop3A_318 = arith.index_cast %parallel_loop3A_300 : i32 to index
        %parallel_loop3A_319 = tpu.vector_load %arg16[%parallel_loop3A_317, %parallel_loop3A_318] {strides = array<i32>} : memref<32x512xi32, #tpu.memory_space<vmem>>, vector<16xi32>,
        %parallel_loop3A_320 = vector.bitcast %parallel_loop3A_319 : vector<16xi32> to vector<32xbf16>
        %parallel_loop3A_321 = arith.addf %parallel_loop3A_305, %parallel_loop3A_310 : vector<32xbf16>
        %parallel_loop3A_322 = arith.mulf %pack3A_232, %parallel_loop3A_315 : vector<32xbf16>
        %parallel_loop3A_323 = arith.addf %parallel_loop3A_321, %parallel_loop3A_322 : vector<32xbf16>
        %parallel_loop3A_324 = arith.mulf %pack3A_231, %parallel_loop3A_320 : vector<32xbf16>
        %parallel_loop3A_325 = arith.addf %parallel_loop3A_323, %parallel_loop3A_324 : vector<32xbf16>
        %parallel_loop3A_326 = vector.bitcast %parallel_loop3A_325 : vector<32xbf16> to vector<16xi32>
        %parallel_loop3A_327 = arith.constant 16 : i32
        %parallel_loop3A_328 = vector.broadcast %parallel_loop3A_327 : i32 to vector<16xi32>
        %parallel_loop3A_329 = arith.shli %parallel_loop3A_326, %parallel_loop3A_328 : vector<16xi32>
        %parallel_loop3A_330 = vector.bitcast %parallel_loop3A_329 : vector<16xi32> to vector<16xf32>
        %parallel_loop3A_331 = arith.constant -65536 : i32
        %parallel_loop3A_332 = vector.broadcast %parallel_loop3A_331 : i32 to vector<16xi32>
        %parallel_loop3A_333 = arith.andi %parallel_loop3A_326, %parallel_loop3A_332 : vector<16xi32>
        %parallel_loop3A_334 = vector.bitcast %parallel_loop3A_333 : vector<16xi32> to vector<16xf32>
        %parallel_loop3A_335 = arith.constant 16 : i32
        %parallel_loop3A_336 = arith.muli %parallel_loop3A_298, %parallel_loop3A_335 : i32
        %parallel_loop3A_337 = arith.constant 3 : i32
        %parallel_loop3A_338 = arith.index_cast %parallel_loop3A_337 : i32 to index
        %parallel_loop3A_339 = arith.index_cast %parallel_loop3A_336 : i32 to index
        %parallel_loop3A_340 = tpu.vector_load %arg18[%parallel_loop3A_338, %parallel_loop3A_339] {strides = array<i32>} : memref<8x1024xf32, #tpu.memory_space<vmem>>, vector<16xf32>,
        tpu.vector_store %arg18[%parallel_loop3A_338, %parallel_loop3A_339], %parallel_loop3A_330 {strides = array<i32>} : memref<8x1024xf32, #tpu.memory_space<vmem>>, vector<16xf32>,
        %parallel_loop3A_341 = arith.constant 512 : i32
        %parallel_loop3A_342 = arith.addi %parallel_loop3A_336, %parallel_loop3A_341 : i32
        %parallel_loop3A_343 = arith.constant 3 : i32
        %parallel_loop3A_344 = arith.index_cast %parallel_loop3A_343 : i32 to index
        %parallel_loop3A_345 = arith.index_cast %parallel_loop3A_342 : i32 to index
        %parallel_loop3A_346 = tpu.vector_load %arg18[%parallel_loop3A_344, %parallel_loop3A_345] {strides = array<i32>} : memref<8x1024xf32, #tpu.memory_space<vmem>>, vector<16xf32>,
        tpu.vector_store %arg18[%parallel_loop3A_344, %parallel_loop3A_345], %parallel_loop3A_334 {strides = array<i32>} : memref<8x1024xf32, #tpu.memory_space<vmem>>, vector<16xf32>,
      } {sc.loop_unroll_factor = 8 : i64, sc.parallel_access}
      %slice3A_236 = vector.extract_strided_slice %get3A_191 {offsets = [4], sizes = [1], strides = [1]} : vector<16xf32> to vector<1xf32>
      %squeeze3A_237 = vector.extract %slice3A_236[0] : f32 from vector<1xf32>
      %broadcast_in_dim3A_238 = vector.broadcast %squeeze3A_237 : f32 to vector<16xf32>
      %sub3A_239 = arith.constant 1.000000e+00 : f32
      %sub3A_240 = vector.broadcast %sub3A_239 : f32 to vector<16xf32>
      %sub3A_241 = arith.subf %sub3A_240, %broadcast_in_dim3A_238 : vector<16xf32>
      %pack3A_242 = tpu.pack_subelements %broadcast_in_dim3A_238, %broadcast_in_dim3A_238 {pack_format = #tpu.pack_format<interleaved>, positions = array<i32: 0, 1>} : vector<16xf32>, vector<16xf32> -> vector<32xbf16>
      %pack3A_243 = tpu.pack_subelements %sub3A_241, %sub3A_241 {pack_format = #tpu.pack_format<interleaved>, positions = array<i32: 0, 1>} : vector<16xf32>, vector<16xf32> -> vector<32xbf16>
      %parallel_loop3A_244 = arith.constant 0 : i32
      %parallel_loop3A_245 = arith.constant 32 : i32
      %parallel_loop3A_246 = arith.constant 1 : i32
      scf.for %parallel_loop3A_298 = %parallel_loop3A_244 to %parallel_loop3A_245 step %parallel_loop3A_246  : i32 {
        %parallel_loop3A_299 = arith.constant 16 : i32
        %parallel_loop3A_300 = arith.muli %parallel_loop3A_298, %parallel_loop3A_299 : i32
        %parallel_loop3A_301 = arith.constant 4 : i32
        %parallel_loop3A_302 = arith.index_cast %parallel_loop3A_301 : i32 to index
        %parallel_loop3A_303 = arith.index_cast %parallel_loop3A_300 : i32 to index
        %parallel_loop3A_304 = tpu.vector_load %arg16[%parallel_loop3A_302, %parallel_loop3A_303] {strides = array<i32>} : memref<32x512xi32, #tpu.memory_space<vmem>>, vector<16xi32>,
        %parallel_loop3A_305 = vector.bitcast %parallel_loop3A_304 : vector<16xi32> to vector<32xbf16>
        %parallel_loop3A_306 = arith.constant 12 : i32
        %parallel_loop3A_307 = arith.index_cast %parallel_loop3A_306 : i32 to index
        %parallel_loop3A_308 = arith.index_cast %parallel_loop3A_300 : i32 to index
        %parallel_loop3A_309 = tpu.vector_load %arg16[%parallel_loop3A_307, %parallel_loop3A_308] {strides = array<i32>} : memref<32x512xi32, #tpu.memory_space<vmem>>, vector<16xi32>,
        %parallel_loop3A_310 = vector.bitcast %parallel_loop3A_309 : vector<16xi32> to vector<32xbf16>
        %parallel_loop3A_311 = arith.constant 20 : i32
        %parallel_loop3A_312 = arith.index_cast %parallel_loop3A_311 : i32 to index
        %parallel_loop3A_313 = arith.index_cast %parallel_loop3A_300 : i32 to index
        %parallel_loop3A_314 = tpu.vector_load %arg16[%parallel_loop3A_312, %parallel_loop3A_313] {strides = array<i32>} : memref<32x512xi32, #tpu.memory_space<vmem>>, vector<16xi32>,
        %parallel_loop3A_315 = vector.bitcast %parallel_loop3A_314 : vector<16xi32> to vector<32xbf16>
        %parallel_loop3A_316 = arith.constant 28 : i32
        %parallel_loop3A_317 = arith.index_cast %parallel_loop3A_316 : i32 to index
        %parallel_loop3A_318 = arith.index_cast %parallel_loop3A_300 : i32 to index
        %parallel_loop3A_319 = tpu.vector_load %arg16[%parallel_loop3A_317, %parallel_loop3A_318] {strides = array<i32>} : memref<32x512xi32, #tpu.memory_space<vmem>>, vector<16xi32>,
        %parallel_loop3A_320 = vector.bitcast %parallel_loop3A_319 : vector<16xi32> to vector<32xbf16>
        %parallel_loop3A_321 = arith.addf %parallel_loop3A_305, %parallel_loop3A_310 : vector<32xbf16>
        %parallel_loop3A_322 = arith.mulf %pack3A_243, %parallel_loop3A_315 : vector<32xbf16>
        %parallel_loop3A_323 = arith.addf %parallel_loop3A_321, %parallel_loop3A_322 : vector<32xbf16>
        %parallel_loop3A_324 = arith.mulf %pack3A_242, %parallel_loop3A_320 : vector<32xbf16>
        %parallel_loop3A_325 = arith.addf %parallel_loop3A_323, %parallel_loop3A_324 : vector<32xbf16>
        %parallel_loop3A_326 = vector.bitcast %parallel_loop3A_325 : vector<32xbf16> to vector<16xi32>
        %parallel_loop3A_327 = arith.constant 16 : i32
        %parallel_loop3A_328 = vector.broadcast %parallel_loop3A_327 : i32 to vector<16xi32>
        %parallel_loop3A_329 = arith.shli %parallel_loop3A_326, %parallel_loop3A_328 : vector<16xi32>
        %parallel_loop3A_330 = vector.bitcast %parallel_loop3A_329 : vector<16xi32> to vector<16xf32>
        %parallel_loop3A_331 = arith.constant -65536 : i32
        %parallel_loop3A_332 = vector.broadcast %parallel_loop3A_331 : i32 to vector<16xi32>
        %parallel_loop3A_333 = arith.andi %parallel_loop3A_326, %parallel_loop3A_332 : vector<16xi32>
        %parallel_loop3A_334 = vector.bitcast %parallel_loop3A_333 : vector<16xi32> to vector<16xf32>
        %parallel_loop3A_335 = arith.constant 16 : i32
        %parallel_loop3A_336 = arith.muli %parallel_loop3A_298, %parallel_loop3A_335 : i32
        %parallel_loop3A_337 = arith.constant 4 : i32
        %parallel_loop3A_338 = arith.index_cast %parallel_loop3A_337 : i32 to index
        %parallel_loop3A_339 = arith.index_cast %parallel_loop3A_336 : i32 to index
        %parallel_loop3A_340 = tpu.vector_load %arg18[%parallel_loop3A_338, %parallel_loop3A_339] {strides = array<i32>} : memref<8x1024xf32, #tpu.memory_space<vmem>>, vector<16xf32>,
        tpu.vector_store %arg18[%parallel_loop3A_338, %parallel_loop3A_339], %parallel_loop3A_330 {strides = array<i32>} : memref<8x1024xf32, #tpu.memory_space<vmem>>, vector<16xf32>,
        %parallel_loop3A_341 = arith.constant 512 : i32
        %parallel_loop3A_342 = arith.addi %parallel_loop3A_336, %parallel_loop3A_341 : i32
        %parallel_loop3A_343 = arith.constant 4 : i32
        %parallel_loop3A_344 = arith.index_cast %parallel_loop3A_343 : i32 to index
        %parallel_loop3A_345 = arith.index_cast %parallel_loop3A_342 : i32 to index
        %parallel_loop3A_346 = tpu.vector_load %arg18[%parallel_loop3A_344, %parallel_loop3A_345] {strides = array<i32>} : memref<8x1024xf32, #tpu.memory_space<vmem>>, vector<16xf32>,
        tpu.vector_store %arg18[%parallel_loop3A_344, %parallel_loop3A_345], %parallel_loop3A_334 {strides = array<i32>} : memref<8x1024xf32, #tpu.memory_space<vmem>>, vector<16xf32>,
      } {sc.loop_unroll_factor = 8 : i64, sc.parallel_access}
      %slice3A_247 = vector.extract_strided_slice %get3A_191 {offsets = [5], sizes = [1], strides = [1]} : vector<16xf32> to vector<1xf32>
      %squeeze3A_248 = vector.extract %slice3A_247[0] : f32 from vector<1xf32>
      %broadcast_in_dim3A_249 = vector.broadcast %squeeze3A_248 : f32 to vector<16xf32>
      %sub3A_250 = arith.constant 1.000000e+00 : f32
      %sub3A_251 = vector.broadcast %sub3A_250 : f32 to vector<16xf32>
      %sub3A_252 = arith.subf %sub3A_251, %broadcast_in_dim3A_249 : vector<16xf32>
      %pack3A_253 = tpu.pack_subelements %broadcast_in_dim3A_249, %broadcast_in_dim3A_249 {pack_format = #tpu.pack_format<interleaved>, positions = array<i32: 0, 1>} : vector<16xf32>, vector<16xf32> -> vector<32xbf16>
      %pack3A_254 = tpu.pack_subelements %sub3A_252, %sub3A_252 {pack_format = #tpu.pack_format<interleaved>, positions = array<i32: 0, 1>} : vector<16xf32>, vector<16xf32> -> vector<32xbf16>
      %parallel_loop3A_255 = arith.constant 0 : i32
      %parallel_loop3A_256 = arith.constant 32 : i32
      %parallel_loop3A_257 = arith.constant 1 : i32
      scf.for %parallel_loop3A_298 = %parallel_loop3A_255 to %parallel_loop3A_256 step %parallel_loop3A_257  : i32 {
        %parallel_loop3A_299 = arith.constant 16 : i32
        %parallel_loop3A_300 = arith.muli %parallel_loop3A_298, %parallel_loop3A_299 : i32
        %parallel_loop3A_301 = arith.constant 5 : i32
        %parallel_loop3A_302 = arith.index_cast %parallel_loop3A_301 : i32 to index
        %parallel_loop3A_303 = arith.index_cast %parallel_loop3A_300 : i32 to index
        %parallel_loop3A_304 = tpu.vector_load %arg16[%parallel_loop3A_302, %parallel_loop3A_303] {strides = array<i32>} : memref<32x512xi32, #tpu.memory_space<vmem>>, vector<16xi32>,
        %parallel_loop3A_305 = vector.bitcast %parallel_loop3A_304 : vector<16xi32> to vector<32xbf16>
        %parallel_loop3A_306 = arith.constant 13 : i32
        %parallel_loop3A_307 = arith.index_cast %parallel_loop3A_306 : i32 to index
        %parallel_loop3A_308 = arith.index_cast %parallel_loop3A_300 : i32 to index
        %parallel_loop3A_309 = tpu.vector_load %arg16[%parallel_loop3A_307, %parallel_loop3A_308] {strides = array<i32>} : memref<32x512xi32, #tpu.memory_space<vmem>>, vector<16xi32>,
        %parallel_loop3A_310 = vector.bitcast %parallel_loop3A_309 : vector<16xi32> to vector<32xbf16>
        %parallel_loop3A_311 = arith.constant 21 : i32
        %parallel_loop3A_312 = arith.index_cast %parallel_loop3A_311 : i32 to index
        %parallel_loop3A_313 = arith.index_cast %parallel_loop3A_300 : i32 to index
        %parallel_loop3A_314 = tpu.vector_load %arg16[%parallel_loop3A_312, %parallel_loop3A_313] {strides = array<i32>} : memref<32x512xi32, #tpu.memory_space<vmem>>, vector<16xi32>,
        %parallel_loop3A_315 = vector.bitcast %parallel_loop3A_314 : vector<16xi32> to vector<32xbf16>
        %parallel_loop3A_316 = arith.constant 29 : i32
        %parallel_loop3A_317 = arith.index_cast %parallel_loop3A_316 : i32 to index
        %parallel_loop3A_318 = arith.index_cast %parallel_loop3A_300 : i32 to index
        %parallel_loop3A_319 = tpu.vector_load %arg16[%parallel_loop3A_317, %parallel_loop3A_318] {strides = array<i32>} : memref<32x512xi32, #tpu.memory_space<vmem>>, vector<16xi32>,
        %parallel_loop3A_320 = vector.bitcast %parallel_loop3A_319 : vector<16xi32> to vector<32xbf16>
        %parallel_loop3A_321 = arith.addf %parallel_loop3A_305, %parallel_loop3A_310 : vector<32xbf16>
        %parallel_loop3A_322 = arith.mulf %pack3A_254, %parallel_loop3A_315 : vector<32xbf16>
        %parallel_loop3A_323 = arith.addf %parallel_loop3A_321, %parallel_loop3A_322 : vector<32xbf16>
        %parallel_loop3A_324 = arith.mulf %pack3A_253, %parallel_loop3A_320 : vector<32xbf16>
        %parallel_loop3A_325 = arith.addf %parallel_loop3A_323, %parallel_loop3A_324 : vector<32xbf16>
        %parallel_loop3A_326 = vector.bitcast %parallel_loop3A_325 : vector<32xbf16> to vector<16xi32>
        %parallel_loop3A_327 = arith.constant 16 : i32
        %parallel_loop3A_328 = vector.broadcast %parallel_loop3A_327 : i32 to vector<16xi32>
        %parallel_loop3A_329 = arith.shli %parallel_loop3A_326, %parallel_loop3A_328 : vector<16xi32>
        %parallel_loop3A_330 = vector.bitcast %parallel_loop3A_329 : vector<16xi32> to vector<16xf32>
        %parallel_loop3A_331 = arith.constant -65536 : i32
        %parallel_loop3A_332 = vector.broadcast %parallel_loop3A_331 : i32 to vector<16xi32>
        %parallel_loop3A_333 = arith.andi %parallel_loop3A_326, %parallel_loop3A_332 : vector<16xi32>
        %parallel_loop3A_334 = vector.bitcast %parallel_loop3A_333 : vector<16xi32> to vector<16xf32>
        %parallel_loop3A_335 = arith.constant 16 : i32
        %parallel_loop3A_336 = arith.muli %parallel_loop3A_298, %parallel_loop3A_335 : i32
        %parallel_loop3A_337 = arith.constant 5 : i32
        %parallel_loop3A_338 = arith.index_cast %parallel_loop3A_337 : i32 to index
        %parallel_loop3A_339 = arith.index_cast %parallel_loop3A_336 : i32 to index
        %parallel_loop3A_340 = tpu.vector_load %arg18[%parallel_loop3A_338, %parallel_loop3A_339] {strides = array<i32>} : memref<8x1024xf32, #tpu.memory_space<vmem>>, vector<16xf32>,
        tpu.vector_store %arg18[%parallel_loop3A_338, %parallel_loop3A_339], %parallel_loop3A_330 {strides = array<i32>} : memref<8x1024xf32, #tpu.memory_space<vmem>>, vector<16xf32>,
        %parallel_loop3A_341 = arith.constant 512 : i32
        %parallel_loop3A_342 = arith.addi %parallel_loop3A_336, %parallel_loop3A_341 : i32
        %parallel_loop3A_343 = arith.constant 5 : i32
        %parallel_loop3A_344 = arith.index_cast %parallel_loop3A_343 : i32 to index
        %parallel_loop3A_345 = arith.index_cast %parallel_loop3A_342 : i32 to index
        %parallel_loop3A_346 = tpu.vector_load %arg18[%parallel_loop3A_344, %parallel_loop3A_345] {strides = array<i32>} : memref<8x1024xf32, #tpu.memory_space<vmem>>, vector<16xf32>,
        tpu.vector_store %arg18[%parallel_loop3A_344, %parallel_loop3A_345], %parallel_loop3A_334 {strides = array<i32>} : memref<8x1024xf32, #tpu.memory_space<vmem>>, vector<16xf32>,
      } {sc.loop_unroll_factor = 8 : i64, sc.parallel_access}
      %slice3A_258 = vector.extract_strided_slice %get3A_191 {offsets = [6], sizes = [1], strides = [1]} : vector<16xf32> to vector<1xf32>
      %squeeze3A_259 = vector.extract %slice3A_258[0] : f32 from vector<1xf32>
      %broadcast_in_dim3A_260 = vector.broadcast %squeeze3A_259 : f32 to vector<16xf32>
      %sub3A_261 = arith.constant 1.000000e+00 : f32
      %sub3A_262 = vector.broadcast %sub3A_261 : f32 to vector<16xf32>
      %sub3A_263 = arith.subf %sub3A_262, %broadcast_in_dim3A_260 : vector<16xf32>
      %pack3A_264 = tpu.pack_subelements %broadcast_in_dim3A_260, %broadcast_in_dim3A_260 {pack_format = #tpu.pack_format<interleaved>, positions = array<i32: 0, 1>} : vector<16xf32>, vector<16xf32> -> vector<32xbf16>
      %pack3A_265 = tpu.pack_subelements %sub3A_263, %sub3A_263 {pack_format = #tpu.pack_format<interleaved>, positions = array<i32: 0, 1>} : vector<16xf32>, vector<16xf32> -> vector<32xbf16>
      %parallel_loop3A_266 = arith.constant 0 : i32
      %parallel_loop3A_267 = arith.constant 32 : i32
      %parallel_loop3A_268 = arith.constant 1 : i32
      scf.for %parallel_loop3A_298 = %parallel_loop3A_266 to %parallel_loop3A_267 step %parallel_loop3A_268  : i32 {
        %parallel_loop3A_299 = arith.constant 16 : i32
        %parallel_loop3A_300 = arith.muli %parallel_loop3A_298, %parallel_loop3A_299 : i32
        %parallel_loop3A_301 = arith.constant 6 : i32
        %parallel_loop3A_302 = arith.index_cast %parallel_loop3A_301 : i32 to index
        %parallel_loop3A_303 = arith.index_cast %parallel_loop3A_300 : i32 to index
        %parallel_loop3A_304 = tpu.vector_load %arg16[%parallel_loop3A_302, %parallel_loop3A_303] {strides = array<i32>} : memref<32x512xi32, #tpu.memory_space<vmem>>, vector<16xi32>,
        %parallel_loop3A_305 = vector.bitcast %parallel_loop3A_304 : vector<16xi32> to vector<32xbf16>
        %parallel_loop3A_306 = arith.constant 14 : i32
        %parallel_loop3A_307 = arith.index_cast %parallel_loop3A_306 : i32 to index
        %parallel_loop3A_308 = arith.index_cast %parallel_loop3A_300 : i32 to index
        %parallel_loop3A_309 = tpu.vector_load %arg16[%parallel_loop3A_307, %parallel_loop3A_308] {strides = array<i32>} : memref<32x512xi32, #tpu.memory_space<vmem>>, vector<16xi32>,
        %parallel_loop3A_310 = vector.bitcast %parallel_loop3A_309 : vector<16xi32> to vector<32xbf16>
        %parallel_loop3A_311 = arith.constant 22 : i32
        %parallel_loop3A_312 = arith.index_cast %parallel_loop3A_311 : i32 to index
        %parallel_loop3A_313 = arith.index_cast %parallel_loop3A_300 : i32 to index
        %parallel_loop3A_314 = tpu.vector_load %arg16[%parallel_loop3A_312, %parallel_loop3A_313] {strides = array<i32>} : memref<32x512xi32, #tpu.memory_space<vmem>>, vector<16xi32>,
        %parallel_loop3A_315 = vector.bitcast %parallel_loop3A_314 : vector<16xi32> to vector<32xbf16>
        %parallel_loop3A_316 = arith.constant 30 : i32
        %parallel_loop3A_317 = arith.index_cast %parallel_loop3A_316 : i32 to index
        %parallel_loop3A_318 = arith.index_cast %parallel_loop3A_300 : i32 to index
        %parallel_loop3A_319 = tpu.vector_load %arg16[%parallel_loop3A_317, %parallel_loop3A_318] {strides = array<i32>} : memref<32x512xi32, #tpu.memory_space<vmem>>, vector<16xi32>,
        %parallel_loop3A_320 = vector.bitcast %parallel_loop3A_319 : vector<16xi32> to vector<32xbf16>
        %parallel_loop3A_321 = arith.addf %parallel_loop3A_305, %parallel_loop3A_310 : vector<32xbf16>
        %parallel_loop3A_322 = arith.mulf %pack3A_265, %parallel_loop3A_315 : vector<32xbf16>
        %parallel_loop3A_323 = arith.addf %parallel_loop3A_321, %parallel_loop3A_322 : vector<32xbf16>
        %parallel_loop3A_324 = arith.mulf %pack3A_264, %parallel_loop3A_320 : vector<32xbf16>
        %parallel_loop3A_325 = arith.addf %parallel_loop3A_323, %parallel_loop3A_324 : vector<32xbf16>
        %parallel_loop3A_326 = vector.bitcast %parallel_loop3A_325 : vector<32xbf16> to vector<16xi32>
        %parallel_loop3A_327 = arith.constant 16 : i32
        %parallel_loop3A_328 = vector.broadcast %parallel_loop3A_327 : i32 to vector<16xi32>
        %parallel_loop3A_329 = arith.shli %parallel_loop3A_326, %parallel_loop3A_328 : vector<16xi32>
        %parallel_loop3A_330 = vector.bitcast %parallel_loop3A_329 : vector<16xi32> to vector<16xf32>
        %parallel_loop3A_331 = arith.constant -65536 : i32
        %parallel_loop3A_332 = vector.broadcast %parallel_loop3A_331 : i32 to vector<16xi32>
        %parallel_loop3A_333 = arith.andi %parallel_loop3A_326, %parallel_loop3A_332 : vector<16xi32>
        %parallel_loop3A_334 = vector.bitcast %parallel_loop3A_333 : vector<16xi32> to vector<16xf32>
        %parallel_loop3A_335 = arith.constant 16 : i32
        %parallel_loop3A_336 = arith.muli %parallel_loop3A_298, %parallel_loop3A_335 : i32
        %parallel_loop3A_337 = arith.constant 6 : i32
        %parallel_loop3A_338 = arith.index_cast %parallel_loop3A_337 : i32 to index
        %parallel_loop3A_339 = arith.index_cast %parallel_loop3A_336 : i32 to index
        %parallel_loop3A_340 = tpu.vector_load %arg18[%parallel_loop3A_338, %parallel_loop3A_339] {strides = array<i32>} : memref<8x1024xf32, #tpu.memory_space<vmem>>, vector<16xf32>,
        tpu.vector_store %arg18[%parallel_loop3A_338, %parallel_loop3A_339], %parallel_loop3A_330 {strides = array<i32>} : memref<8x1024xf32, #tpu.memory_space<vmem>>, vector<16xf32>,
        %parallel_loop3A_341 = arith.constant 512 : i32
        %parallel_loop3A_342 = arith.addi %parallel_loop3A_336, %parallel_loop3A_341 : i32
        %parallel_loop3A_343 = arith.constant 6 : i32
        %parallel_loop3A_344 = arith.index_cast %parallel_loop3A_343 : i32 to index
        %parallel_loop3A_345 = arith.index_cast %parallel_loop3A_342 : i32 to index
        %parallel_loop3A_346 = tpu.vector_load %arg18[%parallel_loop3A_344, %parallel_loop3A_345] {strides = array<i32>} : memref<8x1024xf32, #tpu.memory_space<vmem>>, vector<16xf32>,
        tpu.vector_store %arg18[%parallel_loop3A_344, %parallel_loop3A_345], %parallel_loop3A_334 {strides = array<i32>} : memref<8x1024xf32, #tpu.memory_space<vmem>>, vector<16xf32>,
      } {sc.loop_unroll_factor = 8 : i64, sc.parallel_access}
      %slice3A_269 = vector.extract_strided_slice %get3A_191 {offsets = [7], sizes = [1], strides = [1]} : vector<16xf32> to vector<1xf32>
      %squeeze3A_270 = vector.extract %slice3A_269[0] : f32 from vector<1xf32>
      %broadcast_in_dim3A_271 = vector.broadcast %squeeze3A_270 : f32 to vector<16xf32>
      %sub3A_272 = arith.constant 1.000000e+00 : f32
      %sub3A_273 = vector.broadcast %sub3A_272 : f32 to vector<16xf32>
      %sub3A_274 = arith.subf %sub3A_273, %broadcast_in_dim3A_271 : vector<16xf32>
      %pack3A_275 = tpu.pack_subelements %broadcast_in_dim3A_271, %broadcast_in_dim3A_271 {pack_format = #tpu.pack_format<interleaved>, positions = array<i32: 0, 1>} : vector<16xf32>, vector<16xf32> -> vector<32xbf16>
      %pack3A_276 = tpu.pack_subelements %sub3A_274, %sub3A_274 {pack_format = #tpu.pack_format<interleaved>, positions = array<i32: 0, 1>} : vector<16xf32>, vector<16xf32> -> vector<32xbf16>
      %parallel_loop3A_277 = arith.constant 0 : i32
      %parallel_loop3A_278 = arith.constant 32 : i32
      %parallel_loop3A_279 = arith.constant 1 : i32
      scf.for %parallel_loop3A_298 = %parallel_loop3A_277 to %parallel_loop3A_278 step %parallel_loop3A_279  : i32 {
        %parallel_loop3A_299 = arith.constant 16 : i32
        %parallel_loop3A_300 = arith.muli %parallel_loop3A_298, %parallel_loop3A_299 : i32
        %parallel_loop3A_301 = arith.constant 7 : i32
        %parallel_loop3A_302 = arith.index_cast %parallel_loop3A_301 : i32 to index
        %parallel_loop3A_303 = arith.index_cast %parallel_loop3A_300 : i32 to index
        %parallel_loop3A_304 = tpu.vector_load %arg16[%parallel_loop3A_302, %parallel_loop3A_303] {strides = array<i32>} : memref<32x512xi32, #tpu.memory_space<vmem>>, vector<16xi32>,
        %parallel_loop3A_305 = vector.bitcast %parallel_loop3A_304 : vector<16xi32> to vector<32xbf16>
        %parallel_loop3A_306 = arith.constant 15 : i32
        %parallel_loop3A_307 = arith.index_cast %parallel_loop3A_306 : i32 to index
        %parallel_loop3A_308 = arith.index_cast %parallel_loop3A_300 : i32 to index
        %parallel_loop3A_309 = tpu.vector_load %arg16[%parallel_loop3A_307, %parallel_loop3A_308] {strides = array<i32>} : memref<32x512xi32, #tpu.memory_space<vmem>>, vector<16xi32>,
        %parallel_loop3A_310 = vector.bitcast %parallel_loop3A_309 : vector<16xi32> to vector<32xbf16>
        %parallel_loop3A_311 = arith.constant 23 : i32
        %parallel_loop3A_312 = arith.index_cast %parallel_loop3A_311 : i32 to index
        %parallel_loop3A_313 = arith.index_cast %parallel_loop3A_300 : i32 to index
        %parallel_loop3A_314 = tpu.vector_load %arg16[%parallel_loop3A_312, %parallel_loop3A_313] {strides = array<i32>} : memref<32x512xi32, #tpu.memory_space<vmem>>, vector<16xi32>,
        %parallel_loop3A_315 = vector.bitcast %parallel_loop3A_314 : vector<16xi32> to vector<32xbf16>
        %parallel_loop3A_316 = arith.constant 31 : i32
        %parallel_loop3A_317 = arith.index_cast %parallel_loop3A_316 : i32 to index
        %parallel_loop3A_318 = arith.index_cast %parallel_loop3A_300 : i32 to index
        %parallel_loop3A_319 = tpu.vector_load %arg16[%parallel_loop3A_317, %parallel_loop3A_318] {strides = array<i32>} : memref<32x512xi32, #tpu.memory_space<vmem>>, vector<16xi32>,
        %parallel_loop3A_320 = vector.bitcast %parallel_loop3A_319 : vector<16xi32> to vector<32xbf16>
        %parallel_loop3A_321 = arith.addf %parallel_loop3A_305, %parallel_loop3A_310 : vector<32xbf16>
        %parallel_loop3A_322 = arith.mulf %pack3A_276, %parallel_loop3A_315 : vector<32xbf16>
        %parallel_loop3A_323 = arith.addf %parallel_loop3A_321, %parallel_loop3A_322 : vector<32xbf16>
        %parallel_loop3A_324 = arith.mulf %pack3A_275, %parallel_loop3A_320 : vector<32xbf16>
        %parallel_loop3A_325 = arith.addf %parallel_loop3A_323, %parallel_loop3A_324 : vector<32xbf16>
        %parallel_loop3A_326 = vector.bitcast %parallel_loop3A_325 : vector<32xbf16> to vector<16xi32>
        %parallel_loop3A_327 = arith.constant 16 : i32
        %parallel_loop3A_328 = vector.broadcast %parallel_loop3A_327 : i32 to vector<16xi32>
        %parallel_loop3A_329 = arith.shli %parallel_loop3A_326, %parallel_loop3A_328 : vector<16xi32>
        %parallel_loop3A_330 = vector.bitcast %parallel_loop3A_329 : vector<16xi32> to vector<16xf32>
        %parallel_loop3A_331 = arith.constant -65536 : i32
        %parallel_loop3A_332 = vector.broadcast %parallel_loop3A_331 : i32 to vector<16xi32>
        %parallel_loop3A_333 = arith.andi %parallel_loop3A_326, %parallel_loop3A_332 : vector<16xi32>
        %parallel_loop3A_334 = vector.bitcast %parallel_loop3A_333 : vector<16xi32> to vector<16xf32>
        %parallel_loop3A_335 = arith.constant 16 : i32
        %parallel_loop3A_336 = arith.muli %parallel_loop3A_298, %parallel_loop3A_335 : i32
        %parallel_loop3A_337 = arith.constant 7 : i32
        %parallel_loop3A_338 = arith.index_cast %parallel_loop3A_337 : i32 to index
        %parallel_loop3A_339 = arith.index_cast %parallel_loop3A_336 : i32 to index
        %parallel_loop3A_340 = tpu.vector_load %arg18[%parallel_loop3A_338, %parallel_loop3A_339] {strides = array<i32>} : memref<8x1024xf32, #tpu.memory_space<vmem>>, vector<16xf32>,
        tpu.vector_store %arg18[%parallel_loop3A_338, %parallel_loop3A_339], %parallel_loop3A_330 {strides = array<i32>} : memref<8x1024xf32, #tpu.memory_space<vmem>>, vector<16xf32>,
        %parallel_loop3A_341 = arith.constant 512 : i32
        %parallel_loop3A_342 = arith.addi %parallel_loop3A_336, %parallel_loop3A_341 : i32
        %parallel_loop3A_343 = arith.constant 7 : i32
        %parallel_loop3A_344 = arith.index_cast %parallel_loop3A_343 : i32 to index
        %parallel_loop3A_345 = arith.index_cast %parallel_loop3A_342 : i32 to index
        %parallel_loop3A_346 = tpu.vector_load %arg18[%parallel_loop3A_344, %parallel_loop3A_345] {strides = array<i32>} : memref<8x1024xf32, #tpu.memory_space<vmem>>, vector<16xf32>,
        tpu.vector_store %arg18[%parallel_loop3A_344, %parallel_loop3A_345], %parallel_loop3A_334 {strides = array<i32>} : memref<8x1024xf32, #tpu.memory_space<vmem>>, vector<16xf32>,
      } {sc.loop_unroll_factor = 8 : i64, sc.parallel_access}
      %mul3A_280 = arith.constant 8 : i32
      %mul3A_281 = arith.muli %add3A_66, %mul3A_280 : i32
      %add3A_282 = arith.addi %mul3A_2, %mul3A_281 : i32
      %dma_start3A_283 = arith.constant 0 : i32
      %dma_start3A_284 = tpu.memref_slice %arg8[%add3A_282, %dma_start3A_283] : memref<32768x1024xf32, #tpu.memory_space<hbm>> -> memref<8x1024xf32, #tpu.memory_space<hbm>>
      %dma_start3A_285 = arith.constant 0 : i32
      %dma_start3A_286 = tpu.memref_slice %arg8[%add3A_282, %dma_start3A_285] : memref<32768x1024xf32, #tpu.memory_space<hbm>> -> memref<8x1024xf32, #tpu.memory_space<hbm>>
      tpu.enqueue_dma source(%arg18 : memref<8x1024xf32, #tpu.memory_space<vmem>>) target(%dma_start3A_286 : memref<8x1024xf32, #tpu.memory_space<hbm>>) target_semaphore(%arg22 : memref<!tpu.dma_semaphore, #tpu.memory_space<semaphore_mem>>)
      %add3A_287 = arith.constant 2 : i32
      %add3A_288 = arith.addi %add3A_66, %add3A_287 : i32
      %min3A_289 = arith.constant 127 : i32
      %min3A_290 = arith.minsi %add3A_288, %min3A_289 : i32
      %mul3A_291 = arith.constant 32 : i32
      %mul3A_292 = arith.muli %min3A_290, %mul3A_291 : i32
      %dma_start3A_293 = tpu.memref_slice %arg14[%mul3A_292] : memref<4096xi32, #tpu.memory_space<vmem>> -> memref<32xi32, #tpu.memory_space<vmem>>
      %dma_start3A_294 = arith.constant 0 : i32
      %dma_start3A_295 = arith.constant 0 : i32
      %dma_start3A_296 = tpu.memref_slice %arg2[%dma_start3A_294, %dma_start3A_295] : memref<1624x512xi32, #tpu.memory_space<hbm>> -> memref<1624x512xi32, #tpu.memory_space<hbm>>
      tpu.enqueue_indirect_dma source(%dma_start3A_296 : memref<1624x512xi32, #tpu.memory_space<hbm>>) target(%arg16 : memref<32x512xi32, #tpu.memory_space<vmem>>) offsets(%dma_start3A_293 : memref<32xi32, #tpu.memory_space<vmem>>) semaphore(%arg20 : memref<!tpu.dma_semaphore, #tpu.memory_space<semaphore_mem>>)
      %scan3A_297 = arith.constant 0 : i32
      scf.yield %scan3A_297 : i32
    }
    %scan3A_41 = arith.constant 64 : i32
    %dma_wait3A = arith.constant 0 : i32
    %dma_wait3A_42 = tpu.memref_slice %arg14[%dma_wait3A] : memref<4096xi32, #tpu.memory_space<vmem>> -> memref<32xi32, #tpu.memory_space<vmem>>
    %dma_wait3A_43 = arith.constant 0 : i32
    %dma_wait3A_44 = arith.constant 0 : i32
    %dma_wait3A_45 = tpu.memref_slice %arg2[%dma_wait3A_43, %dma_wait3A_44] : memref<1624x512xi32, #tpu.memory_space<hbm>> -> memref<1624x512xi32, #tpu.memory_space<hbm>>
    tpu.wait_indirect_dma semaphore(%arg19 : memref<!tpu.dma_semaphore, #tpu.memory_space<semaphore_mem>>) src(%dma_wait3A_45 : memref<1624x512xi32, #tpu.memory_space<hbm>>) dst(%arg15 : memref<32x512xi32, #tpu.memory_space<vmem>>)
    %dma_wait3A_46 = arith.constant 0 : i32
    %dma_wait3A_47 = tpu.memref_slice %arg14[%dma_wait3A_46] : memref<4096xi32, #tpu.memory_space<vmem>> -> memref<32xi32, #tpu.memory_space<vmem>>
    %dma_wait3A_48 = arith.constant 0 : i32
    %dma_wait3A_49 = arith.constant 0 : i32
    %dma_wait3A_50 = tpu.memref_slice %arg2[%dma_wait3A_48, %dma_wait3A_49] : memref<1624x512xi32, #tpu.memory_space<hbm>> -> memref<1624x512xi32, #tpu.memory_space<hbm>>
    tpu.wait_indirect_dma semaphore(%arg20 : memref<!tpu.dma_semaphore, #tpu.memory_space<semaphore_mem>>) src(%dma_wait3A_50 : memref<1624x512xi32, #tpu.memory_space<hbm>>) dst(%arg16 : memref<32x512xi32, #tpu.memory_space<vmem>>)
    %dma_wait3A_51 = arith.constant 0 : i32
    %dma_wait3A_52 = tpu.memref_slice %arg8[%mul3A_2, %dma_wait3A_51] : memref<32768x1024xf32, #tpu.memory_space<hbm>> -> memref<8x1024xf32, #tpu.memory_space<hbm>>
    %dma_wait3A_53 = arith.constant 0 : i32
    %dma_wait3A_54 = tpu.memref_slice %arg8[%mul3A_2, %dma_wait3A_53] : memref<32768x1024xf32, #tpu.memory_space<hbm>> -> memref<8x1024xf32, #tpu.memory_space<hbm>>
    tpu.wait_dma2 semaphore(%arg21 : memref<!tpu.dma_semaphore, #tpu.memory_space<semaphore_mem>>) src(%arg17 : memref<8x1024xf32, #tpu.memory_space<vmem>>) dst(%dma_wait3A_54 : memref<8x1024xf32, #tpu.memory_space<hbm>>)
    %dma_wait3A_55 = arith.constant 0 : i32
    %dma_wait3A_56 = tpu.memref_slice %arg8[%mul3A_2, %dma_wait3A_55] : memref<32768x1024xf32, #tpu.memory_space<hbm>> -> memref<8x1024xf32, #tpu.memory_space<hbm>>
    %dma_wait3A_57 = arith.constant 0 : i32
    %dma_wait3A_58 = tpu.memref_slice %arg8[%mul3A_2, %dma_wait3A_57] : memref<32768x1024xf32, #tpu.memory_space<hbm>> -> memref<8x1024xf32, #tpu.memory_space<hbm>>
    tpu.wait_dma2 semaphore(%arg22 : memref<!tpu.dma_semaphore, #tpu.memory_space<semaphore_mem>>) src(%arg18 : memref<8x1024xf32, #tpu.memory_space<vmem>>) dst(%dma_wait3A_58 : memref<8x1024xf32, #tpu.memory_space<hbm>>)
    return
  }
}

module attributes {stable_mosaic.version = 14 : i64} {
  func.func @body(%arg0: memref<2x1024xf32, #tpu.memory_space<vmem>>, %arg1: memref<256x1024xf32, #tpu.memory_space<vmem>>, %arg2: memref<102x1024xf32, #tpu.memory_space<vmem>>, %arg3: memref<1001x1024xf32, #tpu.memory_space<vmem>>, %arg4: memref<1624x512xi32, #tpu.memory_space<vmem>>) attributes {dimension_semantics = [], scalar_prefetch = 0 : i64, scratch_operands = 0 : i64, tpu.core_type = #tpu.core_type<tc>} {
    %get3A = arith.constant 0 : index
    %get3A_0 = arith.constant 0 : index
    %get3A_1 = vector.load %arg0[%get3A, %get3A_0] : memref<2x1024xf32, #tpu.memory_space<vmem>>, vector<2x1024xf32>
    %broadcast_in_dim3A = vector.shape_cast %get3A_1 : vector<2x1024xf32> to vector<2x1x1024xf32>
    %get3A_2 = arith.constant 0 : index
    %get3A_3 = arith.constant 0 : index
    %get3A_4 = vector.load %arg1[%get3A_2, %get3A_3] : memref<256x1024xf32, #tpu.memory_space<vmem>>, vector<256x1024xf32>
    %broadcast_in_dim3A_5 = vector.shape_cast %get3A_4 : vector<256x1024xf32> to vector<1x256x1024xf32>
    %add3A = vector.broadcast %broadcast_in_dim3A : vector<2x1x1024xf32> to vector<2x256x1024xf32>
    %add3A_6 = vector.broadcast %broadcast_in_dim3A_5 : vector<1x256x1024xf32> to vector<2x256x1024xf32>
    %add3A_7 = arith.addf %add3A, %add3A_6 : vector<2x256x1024xf32>
    %reshape3A = vector.shape_cast %add3A_7 : vector<2x256x1024xf32> to vector<512x1024xf32>
    %convert_element_type3A = arith.truncf %reshape3A : vector<512x1024xf32> to vector<512x1024xbf16>
    %slice3A = vector.extract_strided_slice %convert_element_type3A {offsets = [0, 0], sizes = [512, 512], strides = [1, 1]} : vector<512x1024xbf16> to vector<512x512xbf16>
    %bitcast_convert_type3A = tpu.bitcast %slice3A : vector<512x512xbf16> -> vector<512x512xi16>
    %convert_element_type3A_8 = arith.extui %bitcast_convert_type3A : vector<512x512xi16> to vector<512x512xi32>
    %slice3A_9 = vector.extract_strided_slice %convert_element_type3A {offsets = [0, 512], sizes = [512, 512], strides = [1, 1]} : vector<512x1024xbf16> to vector<512x512xbf16>
    %bitcast_convert_type3A_10 = tpu.bitcast %slice3A_9 : vector<512x512xbf16> -> vector<512x512xi16>
    %convert_element_type3A_11 = arith.extui %bitcast_convert_type3A_10 : vector<512x512xi16> to vector<512x512xi32>
    %shift_left3A = arith.constant 16 : i32
    %shift_left3A_12 = vector.broadcast %shift_left3A : i32 to vector<512x512xi32>
    %shift_left3A_13 = arith.shli %convert_element_type3A_11, %shift_left3A_12 : vector<512x512xi32>
    %or3A = arith.ori %convert_element_type3A_8, %shift_left3A_13 : vector<512x512xi32>
    %bitcast_convert_type3A_14 = tpu.bitcast %or3A : vector<512x512xi32> -> vector<512x512xi32>
    %swap3A = arith.constant 0 : index
    %swap3A_15 = arith.constant 0 : index
    %swap3A_16 = vector.load %arg4[%swap3A, %swap3A_15] : memref<1624x512xi32, #tpu.memory_space<vmem>>, vector<512x512xi32>
    tpu.vector_store %arg4[%swap3A, %swap3A_15], %bitcast_convert_type3A_14 {strides = array<i32>} : memref<1624x512xi32, #tpu.memory_space<vmem>>, vector<512x512xi32>,
    %get3A_17 = arith.constant 0 : index
    %get3A_18 = arith.constant 0 : index
    %get3A_19 = vector.load %arg2[%get3A_17, %get3A_18] : memref<102x1024xf32, #tpu.memory_space<vmem>>, vector<102x1024xf32>
    %convert_element_type3A_20 = arith.truncf %get3A_19 : vector<102x1024xf32> to vector<102x1024xbf16>
    %slice3A_21 = vector.extract_strided_slice %convert_element_type3A_20 {offsets = [0, 0], sizes = [102, 512], strides = [1, 1]} : vector<102x1024xbf16> to vector<102x512xbf16>
    %bitcast_convert_type3A_22 = tpu.bitcast %slice3A_21 : vector<102x512xbf16> -> vector<102x512xi16>
    %convert_element_type3A_23 = arith.extui %bitcast_convert_type3A_22 : vector<102x512xi16> to vector<102x512xi32>
    %slice3A_24 = vector.extract_strided_slice %convert_element_type3A_20 {offsets = [0, 512], sizes = [102, 512], strides = [1, 1]} : vector<102x1024xbf16> to vector<102x512xbf16>
    %bitcast_convert_type3A_25 = tpu.bitcast %slice3A_24 : vector<102x512xbf16> -> vector<102x512xi16>
    %convert_element_type3A_26 = arith.extui %bitcast_convert_type3A_25 : vector<102x512xi16> to vector<102x512xi32>
    %shift_left3A_27 = arith.constant 16 : i32
    %shift_left3A_28 = vector.broadcast %shift_left3A_27 : i32 to vector<102x512xi32>
    %shift_left3A_29 = arith.shli %convert_element_type3A_26, %shift_left3A_28 : vector<102x512xi32>
    %or3A_30 = arith.ori %convert_element_type3A_23, %shift_left3A_29 : vector<102x512xi32>
    %bitcast_convert_type3A_31 = tpu.bitcast %or3A_30 : vector<102x512xi32> -> vector<102x512xi32>
    %swap3A_32 = arith.constant 512 : index
    %swap3A_33 = arith.constant 0 : index
    %swap3A_34 = vector.load %arg4[%swap3A_32, %swap3A_33] : memref<1624x512xi32, #tpu.memory_space<vmem>>, vector<102x512xi32>
    tpu.vector_store %arg4[%swap3A_32, %swap3A_33], %bitcast_convert_type3A_31 {strides = array<i32>} : memref<1624x512xi32, #tpu.memory_space<vmem>>, vector<102x512xi32>,
    %get3A_35 = arith.constant 0 : index
    %get3A_36 = arith.constant 0 : index
    %get3A_37 = vector.load %arg3[%get3A_35, %get3A_36] : memref<1001x1024xf32, #tpu.memory_space<vmem>>, vector<1001x1024xf32>
    %convert_element_type3A_38 = arith.truncf %get3A_37 : vector<1001x1024xf32> to vector<1001x1024xbf16>
    %slice3A_39 = vector.extract_strided_slice %convert_element_type3A_38 {offsets = [0, 0], sizes = [1001, 512], strides = [1, 1]} : vector<1001x1024xbf16> to vector<1001x512xbf16>
    %bitcast_convert_type3A_40 = tpu.bitcast %slice3A_39 : vector<1001x512xbf16> -> vector<1001x512xi16>
    %convert_element_type3A_41 = arith.extui %bitcast_convert_type3A_40 : vector<1001x512xi16> to vector<1001x512xi32>
    %slice3A_42 = vector.extract_strided_slice %convert_element_type3A_38 {offsets = [0, 512], sizes = [1001, 512], strides = [1, 1]} : vector<1001x1024xbf16> to vector<1001x512xbf16>
    %bitcast_convert_type3A_43 = tpu.bitcast %slice3A_42 : vector<1001x512xbf16> -> vector<1001x512xi16>
    %convert_element_type3A_44 = arith.extui %bitcast_convert_type3A_43 : vector<1001x512xi16> to vector<1001x512xi32>
    %shift_left3A_45 = arith.constant 16 : i32
    %shift_left3A_46 = vector.broadcast %shift_left3A_45 : i32 to vector<1001x512xi32>
    %shift_left3A_47 = arith.shli %convert_element_type3A_44, %shift_left3A_46 : vector<1001x512xi32>
    %or3A_48 = arith.ori %convert_element_type3A_41, %shift_left3A_47 : vector<1001x512xi32>
    %bitcast_convert_type3A_49 = tpu.bitcast %or3A_48 : vector<1001x512xi32> -> vector<1001x512xi32>
    %swap3A_50 = arith.constant 616 : index
    %swap3A_51 = arith.constant 0 : index
    %swap3A_52 = vector.load %arg4[%swap3A_50, %swap3A_51] : memref<1624x512xi32, #tpu.memory_space<vmem>>, vector<1001x512xi32>
    tpu.vector_store %arg4[%swap3A_50, %swap3A_51], %bitcast_convert_type3A_49 {strides = array<i32>} : memref<1624x512xi32, #tpu.memory_space<vmem>>, vector<1001x512xi32>,
    return
  }
}

</mosaic_0001>

<sc_bundles>
// kernel: kernel.4.cloned.1.call-start
scs
__scs_entry_jumppad:
0x0: {  	(pc) =	sbr.rel $0x88, $3  }
0x1: {  	(tag) =	ssettag $0x0;
	lr =	simm.s32 $0x1  }
0x2: {  	[smem:$0x3F98] =	sst lr;
	_ =	strace $0xD0000000  }
0x3: {  	_ = 	snop  }
0x4: {  	_ = 	snop  }
0x5: {  	_ = 	snop  }
0x6: {  	_ = 	snop  }
0x7: {  	_ = 	snop  }
__scs_overlays_trampoline_lowered:
0x8: {  	[smem:$0x3FA7] =	sst s0  }
0x9: {  	[smem:$0x3FA8] =	sst s1  }
0xa: {  	[smem:$0x3FA9] =	sst s2  }
0xb: {  	[smem:$0x3FAA] =	sst s3  }
0xc: {  	[smem:$0x3FAB] =	sst s4  }
0xd: {  	[smem:$0x3FAC] =	sst s5  }
0xe: {  	[smem:$0x3FAD] =	sst s6  }
0xf: {  	[smem:$0x3FAE] =	sst s7  }
0x10: {  	[smem:$0x3FAF] =	sst s8  }
0x11: {  	[smem:$0x3FB0] =	sst s9;
	s0 =	simm.s32 @!p0 $0x0  }
0x12: {  	s1 =	sld [smem:$0x3F96];
	s0 =	simm.s32 @p0 $0x1  }
0x13: {  	[smem:$0x3FB1] =	sst s0;
	s0 =	simm.s32 @!p1 $0x0  }
0x14: {  	s2 =	sld [smem:$0x3F95];
	s0 =	simm.s32 @p1 $0x1  }
0x15: {  	[smem:$0x3FB2] =	sst s0;
	s0 =	simm.s32 @!p2 $0x0  }
0x16: {  	s3 =	sld [smem:$0x3FDB];
	s0 =	simm.s32 @p2 $0x1  }
0x17: {  	s4 =	simm.s32 $0x1BF5;
	[smem:$0x3FB4] =	sst s0  }
0x18: {  	s0 =	sld [smem:$0x3F97];
	_ =	swait.ge [sflag:s4], $0x0  }
0x19: {  	s7 =	sld [smem:$0x3F98]  }
0x1a: {  	s8 =	sadd.s32 $0xFFFFE003, lr  }
0x1b: {  	s9 =	sadd.s32 $0xFFFFFEF7, lr;
	s5 =	simm.s32 $0xFFFFFFFF;
	p2 =	slt.u32 s8, $0xFFFFF086  }
0x1c: {  	p1 =	slt.u32 s9, $0xF7A;
	s5 =	simm.s32 @!p2 $0x0  }
0x1d: {  	s5 =	simm.s32 @p1 $0x1;
	p0 =	seq.s32 s7, s2  }
0x1e: {  	s7 =	smul.u32 @!p0 $0xF7A, s2;
	p2 =	seq.s32 @!p0 s5, $0x0  }
0x1f: {  	s9 =	smul.u32 $0xF7A, s1;
	s8 =	simm.s32 @!p0 $0x1BF5;
	p2 =	por !p2, p0  }
0x20: {  	[sflag:s8] =	ssyncset.s32 @!p0 $0xFFFFF086;
	s6 =	sadd.s32 @!p0 s3, s7;
	s7 =	simm.s32 @!p0 $0x108  }
0x21: {  	s3 =	sadd.s32 s3, s9;
	s6 =	sadd.s32 @!p0 $0x88, s6;
	s7 =	simm.s32 @p2 $0x1082  }
0x22: {  	[simem:s7], [sflag:s8] =	dma.local @!p0 [hbm:s6], $0xF7A  }
0x23: {  	s9 =	sor.u32 $0xD0000000, s2;
	s6 =	simm.s32 $0x108;
	_ =	swait.ge @!p0 [sflag:s8], $0x0  }
0x24: {  	s3 =	sadd.s32 $0x88, s3;
	s6 =	simm.s32 @!p1 $0x1082;
	[sflag:s4] =	ssyncset.s32 $0xFFFFF086  }
0x25: {  	[simem:s6], [sflag:s4] =	dma.local [hbm:s3], $0xF7A  }
0x26: {  	[smem:$0x3F98] =	sst s1;
	(tag) =	ssettag s2;
	_ =	strace s9  }
0x27: {  	s1 =	sld [smem:$0x3FA8]  }
0x28: {  	s2 =	sld [smem:$0x3FA9]  }
0x29: {  	s4 =	sld [smem:$0x3FAB]  }
0x2a: {  	p0 =	seq.s32 s5, $0x0;
	s5 =	sld [smem:$0x3FAC]  }
0x2b: {  	s6 =	sld [smem:$0x3FAD]  }
0x2c: {  	s7 =	sld [smem:$0x3FAE]  }
0x2d: {  	s3 =	simm.s32 $0x108;
	s8 =	sld [smem:$0x3FAF]  }
0x2e: {  	s3 =	simm.s32 @!p0 $0x1082;
	s9 =	sld [smem:$0x3FB0]  }
0x2f: {  	lr =	sadd.s32 s0, s3;
	s0 =	sld [smem:$0x3FA7]  }
0x30: {  	s3 =	sld [smem:$0x3FAA]  }
0x31: {  	[smem:$0x3FB3] =	sst s10  }
0x32: {  	s10 =	sld [smem:$0x3FB1];
	_ =	sdelay $0x3  }
0x33: {  	p0 =	seq.s32 s10, $0x1;
	s10 =	sld [smem:$0x3FB3];
	_ =	sdelay $0x3  }
0x34: {  	[smem:$0x3FB3] =	sst s10  }
0x35: {  	s10 =	sld [smem:$0x3FB2];
	_ =	sdelay $0x3  }
0x36: {  	p1 =	seq.s32 s10, $0x1;
	s10 =	sld [smem:$0x3FB3];
	_ =	sdelay $0x3  }
0x37: {  	[smem:$0x3FB3] =	sst s10  }
0x38: {  	s10 =	sld [smem:$0x3FB4]  }
0x39: {  	_ = 	snop;
	(pc) =	sbr.ind lr, $3  }
0x3a: {  	_ = 	snop  }
0x3b: {  	_ = 	snop  }
0x3c: {  	p2 =	seq.s32 s10, $0x1;
	s10 =	sld [smem:$0x3FB3]  }
0x3d: {  	_ =	shalt  }
0x3e: {  	_ =	shalt  }
0x3f: {  	_ =	shalt  }
0x40: {  	_ =	shalt  }
0x41: {  	_ =	shalt  }
0x42: {  	_ =	shalt  }
0x43: {  	_ =	shalt  }
0x44: {  	_ =	shalt  }
0x45: {  	_ =	shalt  }
0x46: {  	_ =	shalt  }
0x47: {  	_ =	shalt  }
0x48: {  	_ =	shalt  }
0x49: {  	_ =	shalt  }
0x4a: {  	_ =	shalt  }
0x4b: {  	_ =	shalt  }
0x4c: {  	_ =	shalt  }
0x4d: {  	_ =	shalt  }
0x4e: {  	_ =	shalt  }
0x4f: {  	_ =	shalt  }
0x50: {  	_ =	shalt  }
0x51: {  	_ =	shalt  }
0x52: {  	_ =	shalt  }
0x53: {  	_ =	shalt  }
0x54: {  	_ =	shalt  }
0x55: {  	_ =	shalt  }
0x56: {  	_ =	shalt  }
0x57: {  	_ =	shalt  }
0x58: {  	_ =	shalt  }
0x59: {  	_ =	shalt  }
0x5a: {  	_ =	shalt  }
0x5b: {  	_ =	shalt  }
0x5c: {  	_ =	shalt  }
0x5d: {  	_ =	shalt  }
0x5e: {  	_ =	shalt  }
0x5f: {  	_ =	shalt  }
0x60: {  	_ =	shalt  }
0x61: {  	_ =	shalt  }
0x62: {  	_ =	shalt  }
0x63: {  	_ =	shalt  }
0x64: {  	_ =	shalt  }
0x65: {  	_ =	shalt  }
0x66: {  	_ =	shalt  }
0x67: {  	_ =	shalt  }
0x68: {  	_ =	shalt  }
0x69: {  	_ =	shalt  }
0x6a: {  	_ =	shalt  }
0x6b: {  	_ =	shalt  }
0x6c: {  	_ =	shalt  }
0x6d: {  	_ =	shalt  }
0x6e: {  	_ =	shalt  }
0x6f: {  	_ =	shalt  }
0x70: {  	_ =	shalt  }
0x71: {  	_ =	shalt  }
0x72: {  	_ =	shalt  }
0x73: {  	_ =	shalt  }
0x74: {  	_ =	shalt  }
0x75: {  	_ =	shalt  }
0x76: {  	_ =	shalt  }
0x77: {  	_ =	shalt  }
0x78: {  	_ =	shalt  }
0x79: {  	_ =	shalt  }
0x7a: {  	_ =	shalt  }
0x7b: {  	_ =	shalt  }
0x7c: {  	_ =	shalt  }
0x7d: {  	_ =	shalt  }
0x7e: {  	_ =	shalt  }
0x7f: {  	_ =	shalt  }
0x80: {  	_ =	shalt  }
0x81: {  	_ =	shalt  }
0x82: {  	_ =	shalt  }
0x83: {  	_ =	shalt  }
0x84: {  	_ =	shalt  }
0x85: {  	_ =	shalt  }
0x86: {  	_ =	shalt  }
0x87: {  	_ =	shalt  }
.Lfunc_end0:
.L_simem_size_0:
called_computation_lowered:
.L_overlay_start_0:
0x88: {  	s2 =	sld [smem:$0x3FD9]  }
0x89: {  	s3 =	sld [smem:$0x3FFE];
	_ =	sdelay $0x1  }
0x8a: {  	s1 =	srdreg.scid  }
0x8b: {  	s0 =	sand.u32 $0x1, s1  }
0x8c: {  	s17 =	sshll.u32 s0, $0xA;
	s2 =	sadd.s32 s3, s2  }
0x8d: {  	s2 =	sadd.s32 s2, s17  }
0x8e: {  	[smem:$0x3FBF] =	sst s2  }
0x8f: {  	_ = 	snop  }
0x90: {  	s2 =	sld [smem:$0x3FD0];
	(tm) =	ssettm $0x1  }
0x91: {  	s18 =	sld [smem:$0x3FFB];
	_ =	sdelay $0x3  }
0x92: {  	_ =	strace s18  }
0x93: {  	s3 =	sld [smem:$0x3FFC];
	_ =	sdelay $0x3  }
0x94: {  	_ =	strace s3  }
0x95: {  	s3 =	sld [smem:$0x3FFD];
	_ =	sdelay $0x3  }
0x96: {  	_ =	strace s3  }
0x97: {  	_ =	strace $0x8FFFFFFF  }
0x98: {  	s19 =	sld [smem:$0x3FDB];
	_ =	sdelay $0x1  }
0x99: {  	s4 =	simm.s32 $_scs_section_size  }
0x9a: {  	s5 =	simm.s32 $_size__tile_overlayer_lowered;
	s6 =	simm.s32 $_tile_overlayer_lowered  }
0x9b: {  	s22 =	simm.s32 $0x1BFF;
	s21 =	sshll.u32 s6, $0x1;
	s3 =	sadd.s32 s4, s19  }
0x9c: {  	s7 =	simm.s32 $0x0;
	s20 =	sshll.u32 s5, $0x1;
	s5 =	sadd.s32 s21, s3  }
0x9d: {  	[timem:s7], [sflag:s22] =	dma.local [hbm:s5], s20  }
0x9e: {  	_ =	swait.ge [sflag:s22], s20  }
0x9f: {  	s4 =	ssub.s32 $0x0, s20;
	[sflag:s22] =	ssyncset.done $0x0  }
0xa0: {  	[sflag:s22] =	ssyncadd.s32 s4;
	_ =	sdelay $0x1  }
0xa1: {  	s23 =	simm.s32 $0x1B8B  }
0xa2: {  	_ =	swait.ge [sflag:s23], $0x1  }
0xa3: {  	[sflag:s23] =	ssyncset.done $0x0  }
0xa4: {  	s25 =	simm.s32 $0x1B8E;
	s24 =	sld [smem:$0x3FFE];
	[sflag:s23] =	ssyncadd.s32 $0xFFFFFFFF  }
0xa5: {  	s26 =	simm.s32 $execute0_lowered;
	[smem:$0x3FD2] =	sst s25  }
0xa6: {  	s5 =	sshll.u32 s26, $0x1;
	_ =	strace $0x80000046;
	[dreg:$0x1] =	wrdreg $0xFFFFFFFF  }
0xa7: {  	s28 =	simm.s32 $_size_execute0_lowered;
	s3 =	sadd.s32 s3, s5;
	[dreg:$0x0] =	wrdreg $0x0  }
0xa8: {  	s5 =	sshll.u32 s28, $0x1;
	[dreg:$0x2] =	wrdreg s3  }
0xa9: {  	[dreg:$0x3] =	wrdreg s5  }
0xaa: {  	[dreg:$0x4] =	wrdreg $0xC0  }
0xab: {  	_ =	task [dreg:s7], $0x5FFFF  }
0xac: {  	[dreg:$0x1] =	wrdreg $0xFFFFFFFF  }
0xad: {  	[dreg:$0x0] =	wrdreg $0x60  }
0xae: {  	[dreg:$0x2] =	wrdreg s24  }
0xaf: {  	[dreg:$0x3] =	wrdreg s2  }
0xb0: {  	[dreg:$0x4] =	wrdreg $0x9  }
0xb1: {  	_ =	task.clear_ibuf [dreg:s7], $0x5FFFF;
	_ =	strace $0x90000046  }
0xb2: {  	s29 =	simm.s32 $0x9;
	_ =	strace $0x80000048  }
0xb3: {  	_ =	swait.ge [sflag:s29], $0x1  }
0xb4: {  	[sflag:s29] =	ssyncadd.s32 $0xFFFFFFFF  }
0xb5: {  	_ =	strace $0x90000048  }
0xb6: {  	_ =	sfence  }
0xb7: {  	s30 =	sld [smem:$0x0];
	_ =	sdelay $0x2  }
0xb8: {  	s31 =	sshll.u32 s1, $0xD;
	s1 =	sshrl.u32 s1, $0x2  }
0xb9: {  	s3 =	sand.u32 $0x4000, s31;
	s1 =	sadd.s32 s1, s30  }
0xba: {  	s0 =	sor.u32 s3, s0;
	s1 =	sshll.u32 s1, $0x11  }
0xbb: {  	s0 =	sor.u32 s1, s0  }
0xbc: {  	s0 =	sadd.s32 $0x8F2B, s0  }
0xbd: {  	[sflag:s0] =	ssyncadd.remote.s32 $0x1  }
0xbe: {  	_ =	sfence.sel $0xFFFF  }
0xbf: {  	[dreg:$0x0] =	wrdreg $0xFFFFFFFF;
	(pc) =	sbr.abs _section_cstart, $3  }
0xc0: {  	[dreg:$0x1] =	wrdreg $0xFFFFFFFF  }
0xc1: {  	_ =	task.clear_ibuf [dreg:s7], $0x2FFFF;
	_ =	strace $0x9FFFFFFF  }
0xc2: {  	(tm) =	ssettm $0x7FFFFFFF  }
0xc3: {  	_ =	shalt  }
tec
execute0_lowered:
.L_overlay_start_1:
0x0: {  	(tag) =	ssettag $0x1  }
0x1: {  	v0 =	vimm.s32 $0x23222120  }
0x2: {  	v1 =	vimm.s32 $0x27262524;
	v2 =	vimm.s32 $0x76543210;
	vm0 =	vcmask $0x1F10  }
0x3: {  	v3 =	vimm.s32 $0xFEDCBA98;
	v4 =	vimm.s32 $0x2B2A2928;
	v5 =	vimm.s32 $0x2F2E2D2C  }
0x4: {  	v6 =	vimm.s32 $0x33323130;
	v7 =	vimm.s32 $0x37363534;
	v8 =	vimm.s32 $0x1F1E1D1C  }
0x5: {  	v9 =	vimm.s32 $0x53525150;
	v10 =	vimm.s32 $0x57565554;
	v0 =	vunpack.c.0.s8.s32 v0  }
0x6: {  	v1 =	vunpack.c.0.s8.s32 v1;
	v2 =	vunpack.c.l.s4.s8 v2;
	v3 =	vunpack.c.l.s4.s8 v3  }
0x7: {  	v4 =	vunpack.c.0.s8.s32 v4;
	v5 =	vunpack.c.0.s8.s32 v5;
	v6 =	vunpack.c.0.s8.s32 v6  }
0x8: {  	v7 =	vunpack.c.0.s8.s32 v7;
	v2 =	vunpack.c.0.s8.s32 v2;
	v3 =	vunpack.c.0.s8.s32 v3  }
0x9: {  	s0 =	rddreg [dreg:$0x0];
	v0 =	vsel vm0, v1, v0;
	v1 =	vsel vm0, v5, v4;
	v4 =	vimm.s32 $0x17161514  }
0xa: {  	s1 =	rddreg [dreg:$0x1];
	v5 =	vimm.s32 $0x3B3A3938;
	v0 =	vcombine.low v2, v0;
	v2 =	vand.u32 $0xF, v3  }
0xb: {  	s2 =	srdreg.scid;
	s4 =	stileid.u32;
	s3 =	simm.s32 $0x0;
	v4 =	vunpack.c.0.s8.s32 v4;
	v3 =	vimm.s32 $0x13121110;
	v1 =	vcombine.low v2, v1  }
0xc: {  	s21 =	simm.s32 $0x400;
	s18 =	simm.s32 $0x1080;
	s28 =	simm.s32 $0x5880;
	v2 =	vsel vm0, v7, v6;
	v3 =	vunpack.c.0.s8.s32 v3;
	v6 =	vimm.s32 $0x3F3E3D3C  }
0xd: {  	s29 =	simm.s32 $0x6080;
	s30 =	simm.s32 $0x6880;
	s31 =	simm.s32 $0x7080;
	v5 =	vunpack.c.0.s8.s32 v5;
	v7 =	vimm.s32 $0x1B1A1918;
	v6 =	vunpack.c.0.s8.s32 v6  }
0xe: {  	s16 =	simm.s32 $0x8880;
	s17 =	simm.s32 $0x9080;
	s15 =	simm.s32 $0x9880;
	v3 =	vsel vm0, v4, v3;
	v4 =	vunpack.c.0.s8.s32 v7;
	v7 =	vunpack.c.0.s8.s32 v8  }
0xf: {  	v11 =	vimm.s32 $0x7B7A7978;
	s9 =	simm.s32 $0x3;
	s10 =	simm.s32 $0x2;
	s2 =	sand.u32 $0x1, s2;
	v8 =	vimm.s32 $0x6F6E6D6C;
	v5 =	vsel vm0, v6, v5  }
0x10: {  	s4 =	sshll.u32 s4, $0xB;
	[smem:$0x7FF] =	sst s3;
	s7 =	sadd.s32 $0x1F800, s0;
	v6 =	vimm.s32 $0x6B6A6968;
	v2 =	vcombine.low v3, v2;
	v4 =	vsel vm0, v7, v4  }
0x11: {  	s12 =	sadd.s32 $0x6300, s0;
	s5 =	sshll.u32 s2, $0xA;
	_ =	strace $0x80000047;
	v6 =	vunpack.c.0.s8.s32 v6;
	v7 =	vunpack.c.0.s8.s32 v8;
	v8 =	vimm.s32 $0x77767574  }
0x12: {  	s2 =	ssub.s32 $0x2, s2;
	[dreg:$0x3] =	wrdreg s7;
	s4 =	sor.u32 s5, s4;
	v3 =	vcombine.low v4, v5;
	v5 =	vimm.s32 $0x4B4A4948;
	v8 =	vunpack.c.0.s8.s32 v8  }
0x13: {  	s5 =	sadd.s32 $0x6200, s0;
	s22 =	sshrl.u32 s2, $0x1;
	s6 =	sshrl.u32 s4, $0x3;
	v4 =	vsel vm0, v7, v6;
	v6 =	vimm.s32 $0x4F4E4D4C;
	v7 =	vimm.s32 $0x73727170  }
0x14: {  	s2 =	ssub.s32 s2, s22;
	s6 =	sadd.s32 s6, s0;
	s0 =	sadd.s32 $0x1FC00, s0;
	v5 =	vunpack.c.0.s8.s32 v5;
	v6 =	vunpack.c.0.s8.s32 v6;
	v7 =	vunpack.c.0.s8.s32 v7  }
0x15: {  	v12 =	vimm.s32 $0x7F7E7D7C;
	s11 =	simm.s32 $0x4;
	v9 =	vunpack.c.0.s8.s32 v9;
	v10 =	vunpack.c.0.s8.s32 v10;
	s26 =	smax.u32 s2, $0x1;
	[dreg:$0x9] =	wrdreg s0  }
0x16: {  	s14 =	simm.s32 $0x0;
	s8 =	sadd.s32 $0x1200, s6;
	[dreg:$0xa] =	wrdreg s26;
	v5 =	vsel vm0, v6, v5;
	v6 =	vsel vm0, v8, v7;
	v7 =	vimm.s32 $0x5B5A5958  }
0x17: {  	s7 =	simm.s32 $0xC080;
	s23 =	sadd.s32 $0x2200, s6;
	[dreg:$0x4] =	wrdreg s8;
	v8 =	vsel vm0, v10, v9;
	v9 =	vunpack.c.0.s8.s32 v11;
	v10 =	vimm.s32 $0x5F5E5D5C  }
0x18: {  	s22 =	simm.s32 $0x5;
	s24 =	sadd.s32 $0x3200, s6;
	[dreg:$0x5] =	wrdreg s23;
	v11 =	vunpack.c.0.s8.s32 v12;
	v7 =	vunpack.c.0.s8.s32 v7;
	v10 =	vunpack.c.0.s8.s32 v10  }
0x19: {  	s2 =	simm.s32 $0x8080;
	s25 =	sadd.s32 $0x4200, s6;
	[dreg:$0x6] =	wrdreg s24;
	v4 =	vcombine.low v5, v4;
	v5 =	vcombine.low v8, v6  }
0x1a: {  	s6 =	sadd.s32 $0x5200, s6;
	s26 =	simm.s32 $0x5080;
	[dreg:$0x7] =	wrdreg s25;
	v6 =	vsel vm0, v11, v9;
	v9 =	vlaneseq.u32;
	v7 =	vsel vm0, v10, v7  }
0x1b: {  	s0 =	simm.s32 $0x7880;
	[dreg:$0x8] =	wrdreg s6;
	s24 =	simm.s32 $0x4080;
	v8 =	vshrl.u32 v9, $0x3;
	vm0 =	vmmov $0xffff;
	v6 =	vcombine.low v7, v6  }
0x1c: {  	s25 =	simm.s32 $0x4880;
	s6 =	simm.s32 $0xA080;
	s8 =	simm.s32 $0x1;
	v7 =	vand.u32 $0x7, v9;
	v8 =	vmul.u32 $0x8, v8;
	v9 =	vor.u32 $0x8, v9  }
.LBB2_1:
0x1d: {  	[dreg:$0xb] =	wrdreg s14  }
0x1e: {  	s13 =	rddreg [dreg:$0x4]  }
0x1f: {  	[tilespmem:s3], [sflag:$0x5] =	stream.linear.gather [hbm4b:s13+s3], $0x400, $0x38;
	[tilespmem:$0xE080] =	vst v63  }
0x20: {  	_ =	swait.ge [sflag:s22], $0x400  }
0x21: {  	[sflag:s22] =	ssyncset.done $0x0  }
0x22: {  	s23 =	rddreg [dreg:$0x5];
	[sflag:s22] =	ssyncadd.s32 $0xFFFFFC00  }
0x23: {  	[tilespmem:s21], [sflag:$0x5] =	stream.linear.gather [hbm4b:s23+s3], $0x400, $0x38;
	[tilespmem:$0xE080] =	vst v63  }
0x24: {  	_ =	swait.ge [sflag:s22], $0x400  }
0x25: {  	[sflag:s22] =	ssyncset.done $0x0  }
0x26: {  	s19 =	simm.s32 $0x800;
	s14 =	rddreg [dreg:$0x6];
	[sflag:s22] =	ssyncadd.s32 $0xFFFFFC00  }
0x27: {  	[tilespmem:s19], [sflag:$0x5] =	stream.linear.gather [hbm4b:s14+s3], $0x400, $0x38;
	[tilespmem:$0xE080] =	vst v63  }
0x28: {  	_ =	swait.ge [sflag:s22], $0x400  }
0x29: {  	[sflag:s22] =	ssyncset.done $0x0  }
0x2a: {  	s23 =	simm.s32 $0xC00;
	s20 =	rddreg [dreg:$0x7];
	[sflag:s22] =	ssyncadd.s32 $0xFFFFFC00  }
0x2b: {  	[tilespmem:s23], [sflag:$0x5] =	stream.linear.gather [hbm4b:s20+s3], $0x400, $0x38;
	[tilespmem:$0xE080] =	vst v63  }
0x2c: {  	_ =	swait.ge [sflag:s22], $0x400  }
0x2d: {  	[sflag:s22] =	ssyncset.done $0x0  }
0x2e: {  	s13 =	simm.s32 $0x20;
	[sflag:s22] =	ssyncadd.s32 $0xFFFFFC00  }
0x2f: {  	s14 =	simm.s32 $0x420;
	v13 =	vld [tilespmem:s13+$0x10]  }
0x30: {  	v14 =	vld [tilespmem:s14+$0x10]  }
0x31: {  	v15 =	vld [tilespmem:s13+$0xFFFFFFF0]  }
0x32: {  	v10 =	vld [tilespmem:s13+$0x0]  }
0x33: {  	v11 =	vld [tilespmem:s13+$0xFFFFFFE0]  }
0x34: {  	v12 =	vld [tilespmem:s14+$0xFFFFFFE0];
	v16 =	vshll.u32 v13, $0x8  }
0x35: {  	v13 =	vld [tilespmem:s14+$0xFFFFFFF0];
	v16 =	vadd.s32 v14, v16  }
0x36: {  	s19 =	simm.s32 $0x0;
	s20 =	simm.s32 $0x60;
	v15 =	vshll.u32 v15, $0x8;
	v14 =	vld [tilespmem:s14+$0x0];
	[tilespmem:s13+$0x10] =	vst v16  }
.LBB2_2:
0x37: {  	v16 =	vld [tilespmem:s20+$0x10];
	s19 =	sadd.s32 $0x4, s19;
	v17 =	vshll.u32 v10, $0x8;
	s14 =	sadd.s32 $0x40, s14  }
0x38: {  	v18 =	vld [tilespmem:s14+$0x10];
	p0 =	slt.u32 s19, $0x3C;
	v10 =	vshll.u32 v11, $0x8  }
0x39: {  	v19 =	vld [tilespmem:s20+$0xFFFFFFF0];
	v11 =	vadd.s32 v12, v10  }
.Ltmp0:
0x3a: {  	v10 =	vld [tilespmem:s20+$0x0];
	[tilespmem:s13+$0xFFFFFFE0] =	vst v11;
	v12 =	vadd.s32 v13, v15;
	(pc) =	sbr.rel @p0 .LBB2_2-.Ltmp0, $4  }
0x3b: {  	v11 =	vld [tilespmem:s20+$0xFFFFFFE0];
	[tilespmem:s13+$0xFFFFFFF0] =	vst v12;
	v13 =	vadd.s32 v14, v17  }
0x3c: {  	v12 =	vld [tilespmem:s14+$0xFFFFFFE0];
	v14 =	vshll.u32 v16, $0x8;
	[tilespmem:s13+$0x0] =	vst v13;
	s13 =	smov.u32 s20  }
0x3d: {  	v13 =	vld [tilespmem:s14+$0xFFFFFFF0];
	v16 =	vadd.s32 v18, v14  }
0x3e: {  	s20 =	sadd.s32 $0x40, s20;
	v15 =	vshll.u32 v19, $0x8;
	v14 =	vld [tilespmem:s14+$0x0];
	[tilespmem:s13+$0x10] =	vst v16  }
0x3f: {  	_ = 	snop  }
0x40: {  	v11 =	vshll.u32 v11, $0x8  }
0x41: {  	v11 =	vadd.s32 v12, v11  }
0x42: {  	v10 =	vshll.u32 v10, $0x8;
	[tilespmem:s13+$0xFFFFFFE0] =	vst v11;
	v11 =	vadd.s32 v13, v15  }
0x43: {  	[tilespmem:s13+$0xFFFFFFF0] =	vst v11;
	v10 =	vadd.s32 v14, v10  }
0x44: {  	[tilespmem:s13+$0x0] =	vst v10  }
0x45: {  	s20 =	simm.s32 $0x0;
	s14 =	rddreg [dreg:$0x8]  }
0x46: {  	[tilespmem:s21], [sflag:$0x5] =	stream.linear.gather [hbm4b:s14+s20], $0x400, $0x38;
	[tilespmem:$0xE080] =	vst v63  }
0x47: {  	_ =	swait.ge [sflag:s22], $0x400  }
0x48: {  	[sflag:s22] =	ssyncset.done $0x0  }
0x49: {  	s23 =	simm.s32 $0x0;
	[sflag:s22] =	ssyncadd.s32 $0xFFFFFC00  }
0x4a: {  	s19 =	simm.s32 $0x40;
	v22 =	vld [tilespmem:s23+$0x10]  }
0x4b: {  	v23 =	vor.u32 s19, v0;
	v21 =	vld [tilespmem:s23+$0x410]  }
0x4c: {  	v19 =	vor.u32 s19, v4;
	v14 =	vld [tilespmem:s23+$0x810]  }
0x4d: {  	v20 =	vor.u32 s19, v5;
	v16 =	vld [tilespmem:s23+$0x400]  }
0x4e: {  	v18 =	vor.u32 s19, v6;
	v15 =	vld [tilespmem:s23+$0x800]  }
0x4f: {  	v12 =	vor.u32 s20, v3;
	v13 =	vor.u32 s20, v0;
	v17 =	vld [tilespmem:s23+$0x0]  }
0x50: {  	v11 =	vor.u32 s20, v2;
	v10 =	vor.u32 s20, v1;
	s13 =	simm.s32 $0x0;
	s14 =	simm.s32 $0x80;
	v21 =	vadd.s32 $0x200, v21;
	[tilespmem:v23+s18+$0x0] =	vst.idx.msk $0xffff, v22  }
.LBB2_4:
0x51: {  	s19 =	sshra.s32 s14, $0x2;
	v22 =	vor.u32 s14, v0;
	v23 =	vor.u32 s14, v1;
	[tilespmem:v19+s18+$0x0] =	vst.idx.msk $0xffff, v21;
	v19 =	vadd.s32 $0x268, v14  }
0x52: {  	v21 =	vor.u32 s14, v2;
	s20 =	sadd.s32 $0x40, s14;
	v14 =	vadd.s32 $0x269, v14;
	s13 =	sadd.s32 $0x2, s13;
	v24 =	vld [tilespmem:s19+$0x10];
	v25 =	vadd.s32 $0x200, v16;
	[tilespmem:v20+s18+$0x0] =	vst.idx.msk $0xffff, v19  }
0x53: {  	v27 =	vor.u32 s20, v0;
	p0 =	slt.u32 s13, $0x3E;
	v26 =	vld [tilespmem:s19+$0x410];
	v28 =	vadd.s32 $0x268, v15;
	v29 =	vadd.s32 $0x269, v15;
	[tilespmem:v18+s18+$0x0] =	vst.idx.msk $0xffff, v14  }
.Ltmp1:
0x54: {  	v30 =	vor.u32 s14, v3;
	v19 =	vor.u32 s20, v4;
	v14 =	vld [tilespmem:s19+$0x810];
	[tilespmem:v13+s18+$0x0] =	vst.idx.msk $0xffff, v17;
	v13 =	vmov v22;
	(pc) =	sbr.rel @p0 .LBB2_4-.Ltmp1, $4  }
0x55: {  	v20 =	vor.u32 s20, v5;
	v16 =	vld [tilespmem:s19+$0x400];
	[tilespmem:v10+s18+$0x0] =	vst.idx.msk $0xffff, v25;
	v10 =	vmov v23  }
0x56: {  	v18 =	vor.u32 s20, v6;
	v15 =	vld [tilespmem:s19+$0x800];
	[tilespmem:v11+s18+$0x0] =	vst.idx.msk $0xffff, v28;
	v11 =	vmov v21  }
0x57: {  	v17 =	vld [tilespmem:s19+$0x0];
	[tilespmem:v12+s18+$0x0] =	vst.idx.msk $0xffff, v29;
	v12 =	vmov v30  }
0x58: {  	s14 =	sadd.s32 $0x80, s14;
	v21 =	vadd.s32 $0x200, v26;
	[tilespmem:v27+s18+$0x0] =	vst.idx.msk $0xffff, v24  }
0x59: {  	_ =	sdelay $0x3  }
0x5a: {  	[tilespmem:v19+s18+$0x0] =	vst.idx.msk $0xffff, v21;
	v60 =	vadd.s32 $0x268, v14  }
0x5b: {  	v61 =	vadd.s32 $0x269, v14;
	[tilespmem:v20+s18+$0x0] =	vst.idx.msk $0xffff, v60  }
0x5c: {  	[tilespmem:v18+s18+$0x0] =	vst.idx.msk $0xffff, v61  }
0x5d: {  	v62 =	vadd.s32 $0x200, v16;
	[tilespmem:v13+s18+$0x0] =	vst.idx.msk $0xffff, v17  }
0x5e: {  	v63 =	vadd.s32 $0x268, v15;
	[tilespmem:v10+s18+$0x0] =	vst.idx.msk $0xffff, v62  }
0x5f: {  	v10 =	vadd.s32 $0x269, v15;
	[tilespmem:v11+s18+$0x0] =	vst.idx.msk $0xffff, v63  }
0x60: {  	[tilespmem:v12+s18+$0x0] =	vst.idx.msk $0xffff, v10  }
0x61: {  	v10 =	vld [tilespmem:$0x1080];
	_ =	sdelay $0x4  }
0x62: {  	v11 =	vshll.u32 v10, $0x2  }
0x63: {  	v10 =	vand.u32 $0x7, v10;
	v11 =	vand.u32 $0xFFFFFFE0, v11  }
0x64: {  	v10 =	vor.u32 v10, v11  }
0x65: {  	v11 =	vperm.xlane v10, v7;
	_ =	sdelay $0x1  }
0x66: {  	v11 =	vadd.s32 v8, v11;
	_ =	sdelay $0x1  }
0x67: {  	v10 =	vperm.xlane v10, v9;
	_ =	sdelay $0x1  }
0x68: {  	s14 =	simm.s32 $0x0;
	s13 =	simm.s32 $0x2080;
	v10 =	vadd.s32 v8, v10  }
0x69: {  	[tilespmem:s13], [sflag:$0x1] =	stream.indirect_vreg.gather [hbm4b:s5+s14], $0x80, v11, vm0, $0xb8;
	[tilespmem:$0xE080] =	vst v63  }
0x6a: {  	s19 =	simm.s32 $0x2880  }
0x6b: {  	[tilespmem:s19], [sflag:$0x1] =	stream.indirect_vreg.gather [hbm4b:s12+s14], $0x80, v11, vm0, $0xb8;
	[tilespmem:$0xE080] =	vst v63  }
0x6c: {  	s20 =	simm.s32 $0x3080  }
0x6d: {  	[tilespmem:s20], [sflag:$0x1] =	stream.indirect_vreg.gather [hbm4b:s5+s14], $0x80, v10, vm0, $0xb8;
	[tilespmem:$0xE080] =	vst v63  }
0x6e: {  	s21 =	simm.s32 $0x3880  }
0x6f: {  	[tilespmem:s21], [sflag:$0x1] =	stream.indirect_vreg.gather [hbm4b:s12+s14], $0x80, v10, vm0, $0xb8;
	[tilespmem:$0xE080] =	vst v63  }
0x70: {  	v10 =	vld [tilespmem:$0x1090];
	_ =	sdelay $0x4  }
0x71: {  	v11 =	vshll.u32 v10, $0x2  }
0x72: {  	v10 =	vand.u32 $0x7, v10;
	v11 =	vand.u32 $0xFFFFFFE0, v11  }
0x73: {  	v10 =	vor.u32 v10, v11  }
0x74: {  	v11 =	vperm.xlane v10, v7;
	_ =	sdelay $0x1  }
0x75: {  	v11 =	vadd.s32 v8, v11;
	_ =	sdelay $0x1  }
0x76: {  	v10 =	vperm.xlane v10, v9;
	_ =	sdelay $0x1  }
0x77: {  	v10 =	vadd.s32 v8, v10  }
0x78: {  	[tilespmem:s24], [sflag:$0x1] =	stream.indirect_vreg.gather [hbm4b:s5+s14], $0x80, v11, vm0, $0xb8;
	[tilespmem:$0xE080] =	vst v63  }
0x79: {  	_ = 	snop  }
0x7a: {  	[tilespmem:s25], [sflag:$0x1] =	stream.indirect_vreg.gather [hbm4b:s12+s14], $0x80, v11, vm0, $0xb8;
	[tilespmem:$0xE080] =	vst v63  }
0x7b: {  	_ = 	snop  }
0x7c: {  	[tilespmem:s26], [sflag:$0x1] =	stream.indirect_vreg.gather [hbm4b:s5+s14], $0x80, v10, vm0, $0xb8;
	[tilespmem:$0xE080] =	vst v63  }
0x7d: {  	_ = 	snop  }
0x7e: {  	[tilespmem:s28], [sflag:$0x1] =	stream.indirect_vreg.gather [hbm4b:s12+s14], $0x80, v10, vm0, $0xb8;
	[tilespmem:$0xE080] =	vst v63  }
0x7f: {  	v10 =	vld [tilespmem:$0x10A0];
	_ =	sdelay $0x4  }
0x80: {  	v11 =	vshll.u32 v10, $0x2  }
0x81: {  	v10 =	vand.u32 $0x7, v10;
	v11 =	vand.u32 $0xFFFFFFE0, v11  }
0x82: {  	v10 =	vor.u32 v10, v11  }
0x83: {  	v11 =	vperm.xlane v10, v7;
	_ =	sdelay $0x1  }
0x84: {  	v11 =	vadd.s32 v8, v11;
	_ =	sdelay $0x1  }
0x85: {  	v10 =	vperm.xlane v10, v9;
	_ =	sdelay $0x1  }
0x86: {  	v10 =	vadd.s32 v8, v10  }
0x87: {  	[tilespmem:s29], [sflag:$0x2] =	stream.indirect_vreg.gather [hbm4b:s5+s14], $0x80, v11, vm0, $0xb8;
	[tilespmem:$0xE080] =	vst v63  }
0x88: {  	_ = 	snop  }
0x89: {  	[tilespmem:s30], [sflag:$0x2] =	stream.indirect_vreg.gather [hbm4b:s12+s14], $0x80, v11, vm0, $0xb8;
	[tilespmem:$0xE080] =	vst v63  }
0x8a: {  	_ = 	snop  }
0x8b: {  	[tilespmem:s31], [sflag:$0x2] =	stream.indirect_vreg.gather [hbm4b:s5+s14], $0x80, v10, vm0, $0xb8;
	[tilespmem:$0xE080] =	vst v63  }
0x8c: {  	_ = 	snop  }
0x8d: {  	[tilespmem:s0], [sflag:$0x2] =	stream.indirect_vreg.gather [hbm4b:s12+s14], $0x80, v10, vm0, $0xb8;
	[tilespmem:$0xE080] =	vst v63  }
0x8e: {  	v10 =	vld [tilespmem:$0x10B0];
	_ =	sdelay $0x4  }
0x8f: {  	v11 =	vshll.u32 v10, $0x2  }
0x90: {  	v10 =	vand.u32 $0x7, v10;
	v11 =	vand.u32 $0xFFFFFFE0, v11  }
0x91: {  	v10 =	vor.u32 v10, v11  }
0x92: {  	v11 =	vperm.xlane v10, v7;
	_ =	sdelay $0x1  }
0x93: {  	v11 =	vadd.s32 v8, v11;
	_ =	sdelay $0x1  }
0x94: {  	v10 =	vperm.xlane v10, v9;
	_ =	sdelay $0x1  }
0x95: {  	v10 =	vadd.s32 v8, v10  }
0x96: {  	[tilespmem:s2], [sflag:$0x2] =	stream.indirect_vreg.gather [hbm4b:s5+s14], $0x80, v11, vm0, $0xb8;
	[tilespmem:$0xE080] =	vst v63  }
0x97: {  	_ = 	snop  }
0x98: {  	[tilespmem:s16], [sflag:$0x2] =	stream.indirect_vreg.gather [hbm4b:s12+s14], $0x80, v11, vm0, $0xb8;
	[tilespmem:$0xE080] =	vst v63  }
0x99: {  	_ = 	snop  }
0x9a: {  	[tilespmem:s17], [sflag:$0x2] =	stream.indirect_vreg.gather [hbm4b:s5+s14], $0x80, v10, vm0, $0xb8;
	[tilespmem:$0xE080] =	vst v63  }
0x9b: {  	_ = 	snop  }
0x9c: {  	[tilespmem:s15], [sflag:$0x2] =	stream.indirect_vreg.gather [hbm4b:s12+s14], $0x80, v10, vm0, $0xb8;
	[tilespmem:$0xE080] =	vst v63  }
0x9d: {  	s22 =	rddreg [dreg:$0x3]  }
0x9e: {  	[hbm4b:s22+s14] =	stream.linear.scatter [tilespmem:s6], [sflag:$0x3], $0x2000, $0x38;
	[tilespmem:$0xE080] =	vst v63  }
0x9f: {  	s23 =	rddreg [dreg:$0x9]  }
0xa0: {  	[hbm4b:s23+s14] =	stream.linear.scatter [tilespmem:s7], [sflag:$0x4], $0x2000, $0x38;
	[tilespmem:$0xE080] =	vst v63  }
.LBB2_6:
0xa1: {  	_ =	swait.ge [sflag:s8], $0x4000  }
0xa2: {  	[sflag:s8] =	ssyncset.done $0x0  }
0xa3: {  	[sflag:s8] =	ssyncadd.s32 $0xFFFFC000  }
0xa4: {  	_ =	swait.ge [sflag:s9], $0x2000  }
0xa5: {  	[sflag:s9] =	ssyncset.done $0x0  }
0xa6: {  	s13 =	sshll.u32 s14, $0x4;
	[sflag:s9] =	ssyncadd.s32 $0xFFFFE000  }
0xa7: {  	s20 =	simm.s32 $0x4080;
	v10 =	vld [tilespmem:s13+$0xC00]  }
0xa8: {  	v11 =	vld [tilespmem:s20+$0xFFFFE070]  }
0xa9: {  	v13 =	vld [tilespmem:s20+$0xFFFFF070]  }
0xaa: {  	v14 =	vld [tilespmem:s20+$0x70]  }
0xab: {  	v17 =	vld [tilespmem:s20+$0xFFFFF000]  }
0xac: {  	v15 =	vld [tilespmem:s20+$0x1070]  }
0xad: {  	v16 =	vld [tilespmem:s20+$0x0]  }
0xae: {  	v18 =	vld [tilespmem:s20+$0xFFFFE010]  }
0xaf: {  	v19 =	vld [tilespmem:s20+$0xFFFFF010]  }
0xb0: {  	v20 =	vld [tilespmem:s20+$0x10]  }
0xb1: {  	v21 =	vld [tilespmem:s20+$0xFFFFE020]  }
0xb2: {  	v22 =	vld [tilespmem:s20+$0xFFFFF020]  }
0xb3: {  	v23 =	vld [tilespmem:s20+$0x20]  }
0xb4: {  	v24 =	vld [tilespmem:s20+$0xFFFFE030]  }
0xb5: {  	v26 =	vld [tilespmem:s20+$0xFFFFF030]  }
0xb6: {  	v27 =	vld [tilespmem:s20+$0x30];
	v25 =	vbroadcast v10, $0x0  }
0xb7: {  	v28 =	vld [tilespmem:s20+$0xFFFFE040]  }
0xb8: {  	v29 =	vld [tilespmem:s20+$0xFFFFF040];
	v12 =	vsub.f32 $1.000000000e+00, v25  }
0xb9: {  	v30 =	vld [tilespmem:s20+$0x40]  }
0xba: {  	v31 =	vld [tilespmem:s20+$0xFFFFE050];
	v12 =	vpack.i.f32.bf16 v12, v12  }
0xbb: {  	v32 =	vld [tilespmem:s20+$0x50];
	v13 =	vadd.bf16 v13, v11;
	v14 =	vmul.bf16 v14, v12  }
0xbc: {  	v33 =	vld [tilespmem:s20+$0xFFFFE060];
	v11 =	vpack.i.f32.bf16 v25, v25  }
0xbd: {  	v35 =	vld [tilespmem:s20+$0xFFFFF060];
	v13 =	vadd.bf16 v14, v13;
	v14 =	vmul.bf16 v15, v11  }
0xbe: {  	v25 =	vld [tilespmem:s20+$0xFFFFF050]  }
0xbf: {  	v15 =	vmul.bf16 v20, v12;
	v34 =	vadd.bf16 v14, v13;
	v13 =	vadd.bf16 v19, v18;
	v18 =	vld [tilespmem:s20+$0x60]  }
0xc0: {  	v20 =	vadd.bf16 v26, v24;
	v14 =	vadd.bf16 v22, v21;
	v19 =	vmul.bf16 v23, v12;
	v21 =	vld [tilespmem:s20+$0xFFFFE000]  }
0xc1: {  	v24 =	vmul.bf16 v30, v12;
	v26 =	vld [tilespmem:s20+$0x1000];
	v22 =	vmul.bf16 v27, v12;
	v23 =	vadd.bf16 v29, v28  }
0xc2: {  	v13 =	vadd.bf16 v15, v13;
	v14 =	vadd.bf16 v19, v14;
	v19 =	vld [tilespmem:s20+$0x1010]  }
0xc3: {  	v27 =	vmul.bf16 v16, v12;
	v15 =	vadd.bf16 v22, v20;
	v16 =	vadd.bf16 v24, v23;
	v23 =	vld [tilespmem:s20+$0x1020]  }
0xc4: {  	v20 =	vadd.bf16 v25, v31;
	v24 =	vmul.bf16 v32, v12;
	v25 =	vadd.bf16 v35, v33;
	v22 =	vld [tilespmem:s20+$0x1030]  }
0xc5: {  	s19 =	simm.s32 $0xB080;
	v61 =	vand.u32 $0xFFFF0000, v34;
	v18 =	vmul.bf16 v18, v12;
	v62 =	vadd.bf16 v17, v21;
	v21 =	vld [tilespmem:s20+$0x1040]  }
0xc6: {  	v63 =	vshll.u32 v34, $0x10;
	[tilespmem:s19+$0x70] =	vst v61;
	v17 =	vadd.bf16 v24, v20;
	v24 =	vmul.bf16 v26, v11;
	v20 =	vld [tilespmem:s20+$0x1050]  }
0xc7: {  	s21 =	simm.s32 $0x0;
	s22 =	simm.s32 $0x4480;
	[tilespmem:s19+$0xFFFFF070] =	vst v63;
	v18 =	vadd.bf16 v18, v25;
	v26 =	vadd.bf16 v27, v62;
	v25 =	vmul.bf16 v19, v11;
	v19 =	vld [tilespmem:s20+$0x1060];
	s20 =	simm.s32 $0xB080  }
.LBB2_7:
0xc8: {  	v27 =	vld [tilespmem:s22+$0xFFFFE070];
	v23 =	vmul.bf16 v23, v11  }
0xc9: {  	v28 =	vld [tilespmem:s22+$0xFFFFF070];
	v24 =	vadd.bf16 v24, v26;
	v13 =	vadd.bf16 v25, v13;
	v22 =	vmul.bf16 v22, v11  }
0xca: {  	s21 =	sadd.s32 $0x8, s21;
	v25 =	vld [tilespmem:s22+$0x70];
	v14 =	vadd.bf16 v23, v14;
	v21 =	vmul.bf16 v21, v11  }
0xcb: {  	p0 =	slt.u32 s21, $0x18;
	v26 =	vld [tilespmem:s22+$0xFFFFF000];
	v23 =	vshll.u32 v24, $0x10;
	v15 =	vadd.bf16 v22, v15;
	v20 =	vmul.bf16 v20, v11  }
0xcc: {  	v24 =	vand.u32 $0xFFFF0000, v24;
	v22 =	vld [tilespmem:s22+$0x1070];
	[tilespmem:s19+$0xFFFFF000] =	vst v23;
	v16 =	vadd.bf16 v21, v16;
	v19 =	vmul.bf16 v19, v11  }
0xcd: {  	v23 =	vshll.u32 v13, $0x10;
	v13 =	vand.u32 $0xFFFF0000, v13;
	v21 =	vld [tilespmem:s22+$0x0];
	[tilespmem:s19+$0x0] =	vst v24;
	v17 =	vadd.bf16 v20, v17  }
0xce: {  	v20 =	vld [tilespmem:s22+$0xFFFFE010];
	[tilespmem:s19+$0xFFFFF010] =	vst v23;
	v23 =	vshll.u32 v14, $0x10;
	v14 =	vand.u32 $0xFFFF0000, v14;
	v18 =	vadd.bf16 v19, v18  }
0xcf: {  	v24 =	vadd.bf16 v28, v27;
	v19 =	vld [tilespmem:s22+$0xFFFFF010];
	v25 =	vmul.bf16 v25, v12;
	[tilespmem:s19+$0x10] =	vst v13;
	v13 =	vshll.u32 v15, $0x10  }
0xd0: {  	v15 =	vand.u32 $0xFFFF0000, v15;
	v27 =	vld [tilespmem:s22+$0x10];
	[tilespmem:s19+$0xFFFFF020] =	vst v23;
	v23 =	vshll.u32 v16, $0x10;
	v16 =	vand.u32 $0xFFFF0000, v16  }
0xd1: {  	v28 =	vld [tilespmem:s22+$0xFFFFE020];
	v24 =	vadd.bf16 v25, v24;
	v22 =	vmul.bf16 v22, v11;
	[tilespmem:s19+$0x20] =	vst v14;
	v14 =	vshll.u32 v17, $0x10  }
0xd2: {  	v29 =	vshll.u32 v18, $0x10;
	v17 =	vand.u32 $0xFFFF0000, v17;
	v25 =	vmul.bf16 v21, v12;
	v21 =	vld [tilespmem:s22+$0xFFFFF020];
	[tilespmem:s19+$0xFFFFF030] =	vst v13  }
0xd3: {  	v30 =	vld [tilespmem:s22+$0x20];
	v13 =	vadd.bf16 v22, v24;
	[tilespmem:s19+$0x30] =	vst v15;
	v15 =	vand.u32 $0xFFFF0000, v18  }
0xd4: {  	v18 =	vadd.bf16 v19, v20;
	v19 =	vld [tilespmem:s22+$0xFFFFE030];
	[tilespmem:s19+$0xFFFFF040] =	vst v23  }
0xd5: {  	s19 =	sadd.s32 $0x400, s19;
	v20 =	vmul.bf16 v27, v12;
	v22 =	vld [tilespmem:s22+$0xFFFFF030];
	v23 =	vshll.u32 v13, $0x10;
	v13 =	vand.u32 $0xFFFF0000, v13;
	[tilespmem:s20+$0x40] =	vst v16  }
0xd6: {  	v16 =	vld [tilespmem:s22+$0x30];
	[tilespmem:s19+$0x70] =	vst v13  }
0xd7: {  	v13 =	vadd.bf16 v20, v18;
	v18 =	vadd.bf16 v21, v28;
	v20 =	vld [tilespmem:s22+$0xFFFFE040];
	[tilespmem:s20+$0xFFFFF050] =	vst v14  }
0xd8: {  	v14 =	vmul.bf16 v30, v12;
	v21 =	vld [tilespmem:s22+$0xFFFFF040];
	[tilespmem:s20+$0x50] =	vst v17  }
0xd9: {  	v17 =	vld [tilespmem:s22+$0x40];
	[tilespmem:s20+$0xFFFFF060] =	vst v29  }
0xda: {  	v14 =	vadd.bf16 v14, v18;
	v18 =	vadd.bf16 v22, v19;
	v19 =	vld [tilespmem:s22+$0xFFFFE050];
	[tilespmem:s20+$0x60] =	vst v15;
	s20 =	smov.u32 s19  }
0xdb: {  	v15 =	vmul.bf16 v16, v12;
	v22 =	vld [tilespmem:s22+$0xFFFFF050];
	[tilespmem:s19+$0xFFFFF070] =	vst v23  }
0xdc: {  	v23 =	vld [tilespmem:s22+$0x50]  }
0xdd: {  	v15 =	vadd.bf16 v15, v18;
	v16 =	vadd.bf16 v21, v20;
	v18 =	vld [tilespmem:s22+$0xFFFFE060]  }
0xde: {  	v17 =	vmul.bf16 v17, v12;
	v20 =	vld [tilespmem:s22+$0xFFFFF060]  }
0xdf: {  	v21 =	vld [tilespmem:s22+$0x60]  }
0xe0: {  	v24 =	vld [tilespmem:s22+$0xFFFFE000];
	v16 =	vadd.bf16 v17, v16;
	v17 =	vadd.bf16 v22, v19  }
0xe1: {  	v19 =	vld [tilespmem:s22+$0x1000];
	v22 =	vmul.bf16 v23, v12  }
0xe2: {  	v27 =	vld [tilespmem:s22+$0x1010]  }
.Ltmp2:
0xe3: {  	v23 =	vld [tilespmem:s22+$0x1020];
	v17 =	vadd.bf16 v22, v17;
	v18 =	vadd.bf16 v20, v18;
	(pc) =	sbr.rel @p0 .LBB2_7-.Ltmp2, $4  }
0xe4: {  	v22 =	vld [tilespmem:s22+$0x1030];
	v28 =	vmul.bf16 v21, v12  }
0xe5: {  	v26 =	vadd.bf16 v26, v24;
	v21 =	vld [tilespmem:s22+$0x1040]  }
0xe6: {  	v24 =	vmul.bf16 v19, v11;
	v20 =	vld [tilespmem:s22+$0x1050];
	v18 =	vadd.bf16 v28, v18  }
0xe7: {  	v26 =	vadd.bf16 v25, v26;
	v25 =	vmul.bf16 v27, v11;
	v19 =	vld [tilespmem:s22+$0x1060];
	s22 =	sadd.s32 $0x400, s22  }
0xe8: {  	_ = 	snop  }
0xe9: {  	v12 =	vadd.bf16 v24, v26;
	_ =	sdelay $0x1  }
0xea: {  	v23 =	vmul.bf16 v23, v11;
	v13 =	vadd.bf16 v25, v13;
	v24 =	vshll.u32 v12, $0x10  }
0xeb: {  	v12 =	vand.u32 $0xFFFF0000, v12;
	[tilespmem:s19+$0xFFFFF000] =	vst v24  }
0xec: {  	v22 =	vmul.bf16 v22, v11;
	v14 =	vadd.bf16 v23, v14;
	[tilespmem:s19+$0x0] =	vst v12;
	v12 =	vshll.u32 v13, $0x10  }
0xed: {  	v13 =	vand.u32 $0xFFFF0000, v13;
	[tilespmem:s19+$0xFFFFF010] =	vst v12  }
0xee: {  	v15 =	vadd.bf16 v22, v15;
	v12 =	vmul.bf16 v21, v11;
	v21 =	vshll.u32 v14, $0x10;
	[tilespmem:s19+$0x10] =	vst v13  }
0xef: {  	v13 =	vand.u32 $0xFFFF0000, v14;
	v14 =	vmul.bf16 v20, v11;
	[tilespmem:s19+$0xFFFFF020] =	vst v21  }
0xf0: {  	[tilespmem:s19+$0x20] =	vst v13;
	v13 =	vand.u32 $0xFFFF0000, v15;
	v12 =	vadd.bf16 v12, v16  }
0xf1: {  	v11 =	vmul.bf16 v19, v11;
	v16 =	vshll.u32 v15, $0x10;
	v14 =	vadd.bf16 v14, v17;
	[tilespmem:s19+$0x30] =	vst v13  }
0xf2: {  	[tilespmem:s19+$0xFFFFF030] =	vst v16;
	v15 =	vshll.u32 v12, $0x10  }
0xf3: {  	v11 =	vadd.bf16 v11, v18;
	v13 =	vshll.u32 v14, $0x10;
	[tilespmem:s19+$0xFFFFF040] =	vst v15  }
0xf4: {  	v12 =	vand.u32 $0xFFFF0000, v12;
	[tilespmem:s20+$0xFFFFF050] =	vst v13  }
0xf5: {  	v13 =	vshll.u32 v11, $0x10;
	[tilespmem:s20+$0x40] =	vst v12  }
0xf6: {  	v11 =	vand.u32 $0xFFFF0000, v11;
	[tilespmem:s20+$0xFFFFF060] =	vst v13  }
0xf7: {  	v12 =	vand.u32 $0xFFFF0000, v14;
	[tilespmem:s20+$0x60] =	vst v11  }
0xf8: {  	s23 =	simm.s32 $0x4100;
	[tilespmem:s20+$0x50] =	vst v12  }
0xf9: {  	v11 =	vld [tilespmem:s23+$0xFFFFE070]  }
0xfa: {  	v13 =	vld [tilespmem:s23+$0xFFFFF070]  }
0xfb: {  	v14 =	vld [tilespmem:s23+$0x70]  }
0xfc: {  	v17 =	vld [tilespmem:s23+$0xFFFFF000]  }
0xfd: {  	v15 =	vld [tilespmem:s23+$0x1070]  }
0xfe: {  	v16 =	vld [tilespmem:s23+$0x0]  }
0xff: {  	v18 =	vld [tilespmem:s23+$0xFFFFE010]  }
0x100: {  	v19 =	vld [tilespmem:s23+$0xFFFFF010]  }
0x101: {  	v20 =	vld [tilespmem:s23+$0x10]  }
0x102: {  	v21 =	vld [tilespmem:s23+$0xFFFFE020]  }
0x103: {  	v22 =	vld [tilespmem:s23+$0xFFFFF020]  }
0x104: {  	v23 =	vld [tilespmem:s23+$0x20]  }
0x105: {  	v24 =	vld [tilespmem:s23+$0xFFFFE030]  }
0x106: {  	v26 =	vld [tilespmem:s23+$0xFFFFF030]  }
0x107: {  	v25 =	vbroadcast v10, $0x1;
	v27 =	vld [tilespmem:s23+$0x30]  }
0x108: {  	v28 =	vld [tilespmem:s23+$0xFFFFE040]  }
0x109: {  	v12 =	vsub.f32 $1.000000000e+00, v25;
	v29 =	vld [tilespmem:s23+$0xFFFFF040]  }
0x10a: {  	v30 =	vld [tilespmem:s23+$0x40]  }
0x10b: {  	v31 =	vld [tilespmem:s23+$0xFFFFE050];
	v12 =	vpack.i.f32.bf16 v12, v12  }
0x10c: {  	v32 =	vld [tilespmem:s23+$0x50];
	v13 =	vadd.bf16 v13, v11;
	v14 =	vmul.bf16 v14, v12  }
0x10d: {  	v33 =	vld [tilespmem:s23+$0xFFFFE060];
	v11 =	vpack.i.f32.bf16 v25, v25  }
0x10e: {  	v35 =	vld [tilespmem:s23+$0xFFFFF060];
	v13 =	vadd.bf16 v14, v13;
	v14 =	vmul.bf16 v15, v11  }
0x10f: {  	v25 =	vld [tilespmem:s23+$0xFFFFF050]  }
0x110: {  	v15 =	vmul.bf16 v20, v12;
	v34 =	vadd.bf16 v14, v13;
	v13 =	vadd.bf16 v19, v18;
	v18 =	vld [tilespmem:s23+$0x60]  }
0x111: {  	v20 =	vadd.bf16 v26, v24;
	v14 =	vadd.bf16 v22, v21;
	v19 =	vmul.bf16 v23, v12;
	v21 =	vld [tilespmem:s23+$0xFFFFE000]  }
0x112: {  	v24 =	vmul.bf16 v30, v12;
	v26 =	vld [tilespmem:s23+$0x1000];
	v22 =	vmul.bf16 v27, v12;
	v23 =	vadd.bf16 v29, v28  }
0x113: {  	v13 =	vadd.bf16 v15, v13;
	v14 =	vadd.bf16 v19, v14;
	v19 =	vld [tilespmem:s23+$0x1010]  }
0x114: {  	v27 =	vmul.bf16 v16, v12;
	v15 =	vadd.bf16 v22, v20;
	v16 =	vadd.bf16 v24, v23;
	v23 =	vld [tilespmem:s23+$0x1020]  }
0x115: {  	v20 =	vadd.bf16 v25, v31;
	v24 =	vmul.bf16 v32, v12;
	v25 =	vadd.bf16 v35, v33;
	v22 =	vld [tilespmem:s23+$0x1030]  }
0x116: {  	s19 =	simm.s32 $0xB100;
	v61 =	vand.u32 $0xFFFF0000, v34;
	v18 =	vmul.bf16 v18, v12;
	v62 =	vadd.bf16 v17, v21;
	v21 =	vld [tilespmem:s23+$0x1040]  }
0x117: {  	v63 =	vshll.u32 v34, $0x10;
	[tilespmem:s19+$0x70] =	vst v61;
	v17 =	vadd.bf16 v24, v20;
	v24 =	vmul.bf16 v26, v11;
	v20 =	vld [tilespmem:s23+$0x1050]  }
0x118: {  	s21 =	simm.s32 $0x0;
	s22 =	simm.s32 $0x4500;
	s20 =	simm.s32 $0xB100;
	[tilespmem:s19+$0xFFFFF070] =	vst v63;
	v18 =	vadd.bf16 v18, v25;
	v26 =	vadd.bf16 v27, v62;
	v25 =	vmul.bf16 v19, v11;
	v19 =	vld [tilespmem:s23+$0x1060]  }
.LBB2_9:
0x119: {  	v27 =	vld [tilespmem:s22+$0xFFFFE070];
	v23 =	vmul.bf16 v23, v11  }
0x11a: {  	v28 =	vld [tilespmem:s22+$0xFFFFF070];
	v24 =	vadd.bf16 v24, v26;
	v13 =	vadd.bf16 v25, v13;
	v22 =	vmul.bf16 v22, v11  }
0x11b: {  	s21 =	sadd.s32 $0x8, s21;
	v25 =	vld [tilespmem:s22+$0x70];
	v14 =	vadd.bf16 v23, v14;
	v21 =	vmul.bf16 v21, v11  }
0x11c: {  	p0 =	slt.u32 s21, $0x18;
	v26 =	vld [tilespmem:s22+$0xFFFFF000];
	v23 =	vshll.u32 v24, $0x10;
	v15 =	vadd.bf16 v22, v15;
	v20 =	vmul.bf16 v20, v11  }
0x11d: {  	v24 =	vand.u32 $0xFFFF0000, v24;
	v22 =	vld [tilespmem:s22+$0x1070];
	[tilespmem:s19+$0xFFFFF000] =	vst v23;
	v16 =	vadd.bf16 v21, v16;
	v19 =	vmul.bf16 v19, v11  }
0x11e: {  	v23 =	vshll.u32 v13, $0x10;
	v13 =	vand.u32 $0xFFFF0000, v13;
	v21 =	vld [tilespmem:s22+$0x0];
	[tilespmem:s19+$0x0] =	vst v24;
	v17 =	vadd.bf16 v20, v17  }
0x11f: {  	v20 =	vld [tilespmem:s22+$0xFFFFE010];
	[tilespmem:s19+$0xFFFFF010] =	vst v23;
	v23 =	vshll.u32 v14, $0x10;
	v14 =	vand.u32 $0xFFFF0000, v14;
	v18 =	vadd.bf16 v19, v18  }
0x120: {  	v24 =	vadd.bf16 v28, v27;
	v19 =	vld [tilespmem:s22+$0xFFFFF010];
	v25 =	vmul.bf16 v25, v12;
	[tilespmem:s19+$0x10] =	vst v13;
	v13 =	vshll.u32 v15, $0x10  }
0x121: {  	v15 =	vand.u32 $0xFFFF0000, v15;
	v27 =	vld [tilespmem:s22+$0x10];
	[tilespmem:s19+$0xFFFFF020] =	vst v23;
	v23 =	vshll.u32 v16, $0x10;
	v16 =	vand.u32 $0xFFFF0000, v16  }
0x122: {  	v28 =	vld [tilespmem:s22+$0xFFFFE020];
	v24 =	vadd.bf16 v25, v24;
	v22 =	vmul.bf16 v22, v11;
	[tilespmem:s19+$0x20] =	vst v14;
	v14 =	vshll.u32 v17, $0x10  }
0x123: {  	v29 =	vshll.u32 v18, $0x10;
	v17 =	vand.u32 $0xFFFF0000, v17;
	v25 =	vmul.bf16 v21, v12;
	v21 =	vld [tilespmem:s22+$0xFFFFF020];
	[tilespmem:s19+$0xFFFFF030] =	vst v13  }
0x124: {  	v30 =	vld [tilespmem:s22+$0x20];
	v13 =	vadd.bf16 v22, v24;
	[tilespmem:s19+$0x30] =	vst v15;
	v15 =	vand.u32 $0xFFFF0000, v18  }
0x125: {  	v18 =	vadd.bf16 v19, v20;
	v19 =	vld [tilespmem:s22+$0xFFFFE030];
	[tilespmem:s19+$0xFFFFF040] =	vst v23  }
0x126: {  	s19 =	sadd.s32 $0x400, s19;
	v20 =	vmul.bf16 v27, v12;
	v22 =	vld [tilespmem:s22+$0xFFFFF030];
	v23 =	vshll.u32 v13, $0x10;
	v13 =	vand.u32 $0xFFFF0000, v13;
	[tilespmem:s20+$0x40] =	vst v16  }
0x127: {  	v16 =	vld [tilespmem:s22+$0x30];
	[tilespmem:s19+$0x70] =	vst v13  }
0x128: {  	v13 =	vadd.bf16 v20, v18;
	v18 =	vadd.bf16 v21, v28;
	v20 =	vld [tilespmem:s22+$0xFFFFE040];
	[tilespmem:s20+$0xFFFFF050] =	vst v14  }
0x129: {  	v14 =	vmul.bf16 v30, v12;
	v21 =	vld [tilespmem:s22+$0xFFFFF040];
	[tilespmem:s20+$0x50] =	vst v17  }
0x12a: {  	v17 =	vld [tilespmem:s22+$0x40];
	[tilespmem:s20+$0xFFFFF060] =	vst v29  }
0x12b: {  	v14 =	vadd.bf16 v14, v18;
	v18 =	vadd.bf16 v22, v19;
	v19 =	vld [tilespmem:s22+$0xFFFFE050];
	[tilespmem:s20+$0x60] =	vst v15;
	s20 =	smov.u32 s19  }
0x12c: {  	v15 =	vmul.bf16 v16, v12;
	v22 =	vld [tilespmem:s22+$0xFFFFF050];
	[tilespmem:s19+$0xFFFFF070] =	vst v23  }
0x12d: {  	v23 =	vld [tilespmem:s22+$0x50]  }
0x12e: {  	v15 =	vadd.bf16 v15, v18;
	v16 =	vadd.bf16 v21, v20;
	v18 =	vld [tilespmem:s22+$0xFFFFE060]  }
0x12f: {  	v17 =	vmul.bf16 v17, v12;
	v20 =	vld [tilespmem:s22+$0xFFFFF060]  }
0x130: {  	v21 =	vld [tilespmem:s22+$0x60]  }
0x131: {  	v24 =	vld [tilespmem:s22+$0xFFFFE000];
	v16 =	vadd.bf16 v17, v16;
	v17 =	vadd.bf16 v22, v19  }
0x132: {  	v19 =	vld [tilespmem:s22+$0x1000];
	v22 =	vmul.bf16 v23, v12  }
0x133: {  	v27 =	vld [tilespmem:s22+$0x1010]  }
.Ltmp3:
0x134: {  	v23 =	vld [tilespmem:s22+$0x1020];
	v17 =	vadd.bf16 v22, v17;
	v18 =	vadd.bf16 v20, v18;
	(pc) =	sbr.rel @p0 .LBB2_9-.Ltmp3, $4  }
0x135: {  	v22 =	vld [tilespmem:s22+$0x1030];
	v28 =	vmul.bf16 v21, v12  }
0x136: {  	v26 =	vadd.bf16 v26, v24;
	v21 =	vld [tilespmem:s22+$0x1040]  }
0x137: {  	v24 =	vmul.bf16 v19, v11;
	v20 =	vld [tilespmem:s22+$0x1050];
	v18 =	vadd.bf16 v28, v18  }
0x138: {  	v26 =	vadd.bf16 v25, v26;
	v25 =	vmul.bf16 v27, v11;
	v19 =	vld [tilespmem:s22+$0x1060];
	s22 =	sadd.s32 $0x400, s22  }
0x139: {  	_ = 	snop  }
0x13a: {  	v12 =	vadd.bf16 v24, v26;
	_ =	sdelay $0x1  }
0x13b: {  	v23 =	vmul.bf16 v23, v11;
	v13 =	vadd.bf16 v25, v13;
	v24 =	vshll.u32 v12, $0x10  }
0x13c: {  	v12 =	vand.u32 $0xFFFF0000, v12;
	[tilespmem:s19+$0xFFFFF000] =	vst v24  }
0x13d: {  	v22 =	vmul.bf16 v22, v11;
	v14 =	vadd.bf16 v23, v14;
	[tilespmem:s19+$0x0] =	vst v12;
	v12 =	vshll.u32 v13, $0x10  }
0x13e: {  	v13 =	vand.u32 $0xFFFF0000, v13;
	[tilespmem:s19+$0xFFFFF010] =	vst v12  }
0x13f: {  	v15 =	vadd.bf16 v22, v15;
	v12 =	vmul.bf16 v21, v11;
	v21 =	vshll.u32 v14, $0x10;
	[tilespmem:s19+$0x10] =	vst v13  }
0x140: {  	v13 =	vand.u32 $0xFFFF0000, v14;
	v14 =	vmul.bf16 v20, v11;
	[tilespmem:s19+$0xFFFFF020] =	vst v21  }
0x141: {  	[tilespmem:s19+$0x20] =	vst v13;
	v13 =	vand.u32 $0xFFFF0000, v15;
	v12 =	vadd.bf16 v12, v16  }
0x142: {  	v11 =	vmul.bf16 v19, v11;
	v16 =	vshll.u32 v15, $0x10;
	v14 =	vadd.bf16 v14, v17;
	[tilespmem:s19+$0x30] =	vst v13  }
0x143: {  	[tilespmem:s19+$0xFFFFF030] =	vst v16;
	v15 =	vshll.u32 v12, $0x10  }
0x144: {  	v11 =	vadd.bf16 v11, v18;
	v13 =	vshll.u32 v14, $0x10;
	[tilespmem:s19+$0xFFFFF040] =	vst v15  }
0x145: {  	v12 =	vand.u32 $0xFFFF0000, v12;
	[tilespmem:s20+$0xFFFFF050] =	vst v13  }
0x146: {  	v13 =	vshll.u32 v11, $0x10;
	[tilespmem:s20+$0x40] =	vst v12  }
0x147: {  	v11 =	vand.u32 $0xFFFF0000, v11;
	[tilespmem:s20+$0xFFFFF060] =	vst v13  }
0x148: {  	v12 =	vand.u32 $0xFFFF0000, v14;
	[tilespmem:s20+$0x60] =	vst v11  }
0x149: {  	s23 =	simm.s32 $0x4180;
	[tilespmem:s20+$0x50] =	vst v12  }
0x14a: {  	v11 =	vld [tilespmem:s23+$0xFFFFE070]  }
0x14b: {  	v13 =	vld [tilespmem:s23+$0xFFFFF070]  }
0x14c: {  	v14 =	vld [tilespmem:s23+$0x70]  }
0x14d: {  	v17 =	vld [tilespmem:s23+$0xFFFFF000]  }
0x14e: {  	v15 =	vld [tilespmem:s23+$0x1070]  }
0x14f: {  	v16 =	vld [tilespmem:s23+$0x0]  }
0x150: {  	v18 =	vld [tilespmem:s23+$0xFFFFE010]  }
0x151: {  	v19 =	vld [tilespmem:s23+$0xFFFFF010]  }
0x152: {  	v20 =	vld [tilespmem:s23+$0x10]  }
0x153: {  	v21 =	vld [tilespmem:s23+$0xFFFFE020]  }
0x154: {  	v22 =	vld [tilespmem:s23+$0xFFFFF020]  }
0x155: {  	v23 =	vld [tilespmem:s23+$0x20]  }
0x156: {  	v24 =	vld [tilespmem:s23+$0xFFFFE030]  }
0x157: {  	v26 =	vld [tilespmem:s23+$0xFFFFF030]  }
0x158: {  	v25 =	vbroadcast v10, $0x2;
	v27 =	vld [tilespmem:s23+$0x30]  }
0x159: {  	v28 =	vld [tilespmem:s23+$0xFFFFE040]  }
0x15a: {  	v12 =	vsub.f32 $1.000000000e+00, v25;
	v29 =	vld [tilespmem:s23+$0xFFFFF040]  }
0x15b: {  	v30 =	vld [tilespmem:s23+$0x40]  }
0x15c: {  	v31 =	vld [tilespmem:s23+$0xFFFFE050];
	v12 =	vpack.i.f32.bf16 v12, v12  }
0x15d: {  	v32 =	vld [tilespmem:s23+$0x50];
	v13 =	vadd.bf16 v13, v11;
	v14 =	vmul.bf16 v14, v12  }
0x15e: {  	v33 =	vld [tilespmem:s23+$0xFFFFE060];
	v11 =	vpack.i.f32.bf16 v25, v25  }
0x15f: {  	v35 =	vld [tilespmem:s23+$0xFFFFF060];
	v13 =	vadd.bf16 v14, v13;
	v14 =	vmul.bf16 v15, v11  }
0x160: {  	v25 =	vld [tilespmem:s23+$0xFFFFF050]  }
0x161: {  	v15 =	vmul.bf16 v20, v12;
	v34 =	vadd.bf16 v14, v13;
	v13 =	vadd.bf16 v19, v18;
	v18 =	vld [tilespmem:s23+$0x60]  }
0x162: {  	v20 =	vadd.bf16 v26, v24;
	v14 =	vadd.bf16 v22, v21;
	v19 =	vmul.bf16 v23, v12;
	v21 =	vld [tilespmem:s23+$0xFFFFE000]  }
0x163: {  	v24 =	vmul.bf16 v30, v12;
	v26 =	vld [tilespmem:s23+$0x1000];
	v22 =	vmul.bf16 v27, v12;
	v23 =	vadd.bf16 v29, v28  }
0x164: {  	v13 =	vadd.bf16 v15, v13;
	v14 =	vadd.bf16 v19, v14;
	v19 =	vld [tilespmem:s23+$0x1010]  }
0x165: {  	v27 =	vmul.bf16 v16, v12;
	v15 =	vadd.bf16 v22, v20;
	v16 =	vadd.bf16 v24, v23;
	v23 =	vld [tilespmem:s23+$0x1020]  }
0x166: {  	v20 =	vadd.bf16 v25, v31;
	v24 =	vmul.bf16 v32, v12;
	v25 =	vadd.bf16 v35, v33;
	v22 =	vld [tilespmem:s23+$0x1030]  }
0x167: {  	s19 =	simm.s32 $0xB180;
	v61 =	vand.u32 $0xFFFF0000, v34;
	v18 =	vmul.bf16 v18, v12;
	v62 =	vadd.bf16 v17, v21;
	v21 =	vld [tilespmem:s23+$0x1040]  }
0x168: {  	v63 =	vshll.u32 v34, $0x10;
	[tilespmem:s19+$0x70] =	vst v61;
	v17 =	vadd.bf16 v24, v20;
	v24 =	vmul.bf16 v26, v11;
	v20 =	vld [tilespmem:s23+$0x1050]  }
0x169: {  	s21 =	simm.s32 $0x0;
	s22 =	simm.s32 $0x4580;
	s20 =	simm.s32 $0xB180;
	[tilespmem:s19+$0xFFFFF070] =	vst v63;
	v18 =	vadd.bf16 v18, v25;
	v26 =	vadd.bf16 v27, v62;
	v25 =	vmul.bf16 v19, v11;
	v19 =	vld [tilespmem:s23+$0x1060]  }
.LBB2_11:
0x16a: {  	v27 =	vld [tilespmem:s22+$0xFFFFE070];
	v23 =	vmul.bf16 v23, v11  }
0x16b: {  	v28 =	vld [tilespmem:s22+$0xFFFFF070];
	v24 =	vadd.bf16 v24, v26;
	v13 =	vadd.bf16 v25, v13;
	v22 =	vmul.bf16 v22, v11  }
0x16c: {  	s21 =	sadd.s32 $0x8, s21;
	v25 =	vld [tilespmem:s22+$0x70];
	v14 =	vadd.bf16 v23, v14;
	v21 =	vmul.bf16 v21, v11  }
0x16d: {  	p0 =	slt.u32 s21, $0x18;
	v26 =	vld [tilespmem:s22+$0xFFFFF000];
	v23 =	vshll.u32 v24, $0x10;
	v15 =	vadd.bf16 v22, v15;
	v20 =	vmul.bf16 v20, v11  }
0x16e: {  	v24 =	vand.u32 $0xFFFF0000, v24;
	v22 =	vld [tilespmem:s22+$0x1070];
	[tilespmem:s19+$0xFFFFF000] =	vst v23;
	v16 =	vadd.bf16 v21, v16;
	v19 =	vmul.bf16 v19, v11  }
0x16f: {  	v23 =	vshll.u32 v13, $0x10;
	v13 =	vand.u32 $0xFFFF0000, v13;
	v21 =	vld [tilespmem:s22+$0x0];
	[tilespmem:s19+$0x0] =	vst v24;
	v17 =	vadd.bf16 v20, v17  }
0x170: {  	v20 =	vld [tilespmem:s22+$0xFFFFE010];
	[tilespmem:s19+$0xFFFFF010] =	vst v23;
	v23 =	vshll.u32 v14, $0x10;
	v14 =	vand.u32 $0xFFFF0000, v14;
	v18 =	vadd.bf16 v19, v18  }
0x171: {  	v24 =	vadd.bf16 v28, v27;
	v19 =	vld [tilespmem:s22+$0xFFFFF010];
	v25 =	vmul.bf16 v25, v12;
	[tilespmem:s19+$0x10] =	vst v13;
	v13 =	vshll.u32 v15, $0x10  }
0x172: {  	v15 =	vand.u32 $0xFFFF0000, v15;
	v27 =	vld [tilespmem:s22+$0x10];
	[tilespmem:s19+$0xFFFFF020] =	vst v23;
	v23 =	vshll.u32 v16, $0x10;
	v16 =	vand.u32 $0xFFFF0000, v16  }
0x173: {  	v28 =	vld [tilespmem:s22+$0xFFFFE020];
	v24 =	vadd.bf16 v25, v24;
	v22 =	vmul.bf16 v22, v11;
	[tilespmem:s19+$0x20] =	vst v14;
	v14 =	vshll.u32 v17, $0x10  }
0x174: {  	v29 =	vshll.u32 v18, $0x10;
	v17 =	vand.u32 $0xFFFF0000, v17;
	v25 =	vmul.bf16 v21, v12;
	v21 =	vld [tilespmem:s22+$0xFFFFF020];
	[tilespmem:s19+$0xFFFFF030] =	vst v13  }
0x175: {  	v30 =	vld [tilespmem:s22+$0x20];
	v13 =	vadd.bf16 v22, v24;
	[tilespmem:s19+$0x30] =	vst v15;
	v15 =	vand.u32 $0xFFFF0000, v18  }
0x176: {  	v18 =	vadd.bf16 v19, v20;
	v19 =	vld [tilespmem:s22+$0xFFFFE030];
	[tilespmem:s19+$0xFFFFF040] =	vst v23  }
0x177: {  	s19 =	sadd.s32 $0x400, s19;
	v20 =	vmul.bf16 v27, v12;
	v22 =	vld [tilespmem:s22+$0xFFFFF030];
	v23 =	vshll.u32 v13, $0x10;
	v13 =	vand.u32 $0xFFFF0000, v13;
	[tilespmem:s20+$0x40] =	vst v16  }
0x178: {  	v16 =	vld [tilespmem:s22+$0x30];
	[tilespmem:s19+$0x70] =	vst v13  }
0x179: {  	v13 =	vadd.bf16 v20, v18;
	v18 =	vadd.bf16 v21, v28;
	v20 =	vld [tilespmem:s22+$0xFFFFE040];
	[tilespmem:s20+$0xFFFFF050] =	vst v14  }
0x17a: {  	v14 =	vmul.bf16 v30, v12;
	v21 =	vld [tilespmem:s22+$0xFFFFF040];
	[tilespmem:s20+$0x50] =	vst v17  }
0x17b: {  	v17 =	vld [tilespmem:s22+$0x40];
	[tilespmem:s20+$0xFFFFF060] =	vst v29  }
0x17c: {  	v14 =	vadd.bf16 v14, v18;
	v18 =	vadd.bf16 v22, v19;
	v19 =	vld [tilespmem:s22+$0xFFFFE050];
	[tilespmem:s20+$0x60] =	vst v15;
	s20 =	smov.u32 s19  }
0x17d: {  	v15 =	vmul.bf16 v16, v12;
	v22 =	vld [tilespmem:s22+$0xFFFFF050];
	[tilespmem:s19+$0xFFFFF070] =	vst v23  }
0x17e: {  	v23 =	vld [tilespmem:s22+$0x50]  }
0x17f: {  	v15 =	vadd.bf16 v15, v18;
	v16 =	vadd.bf16 v21, v20;
	v18 =	vld [tilespmem:s22+$0xFFFFE060]  }
0x180: {  	v17 =	vmul.bf16 v17, v12;
	v20 =	vld [tilespmem:s22+$0xFFFFF060]  }
0x181: {  	v21 =	vld [tilespmem:s22+$0x60]  }
0x182: {  	v24 =	vld [tilespmem:s22+$0xFFFFE000];
	v16 =	vadd.bf16 v17, v16;
	v17 =	vadd.bf16 v22, v19  }
0x183: {  	v19 =	vld [tilespmem:s22+$0x1000];
	v22 =	vmul.bf16 v23, v12  }
0x184: {  	v27 =	vld [tilespmem:s22+$0x1010]  }
.Ltmp4:
0x185: {  	v23 =	vld [tilespmem:s22+$0x1020];
	v17 =	vadd.bf16 v22, v17;
	v18 =	vadd.bf16 v20, v18;
	(pc) =	sbr.rel @p0 .LBB2_11-.Ltmp4, $4  }
0x186: {  	v22 =	vld [tilespmem:s22+$0x1030];
	v28 =	vmul.bf16 v21, v12  }
0x187: {  	v26 =	vadd.bf16 v26, v24;
	v21 =	vld [tilespmem:s22+$0x1040]  }
0x188: {  	v24 =	vmul.bf16 v19, v11;
	v20 =	vld [tilespmem:s22+$0x1050];
	v18 =	vadd.bf16 v28, v18  }
0x189: {  	v26 =	vadd.bf16 v25, v26;
	v25 =	vmul.bf16 v27, v11;
	v19 =	vld [tilespmem:s22+$0x1060];
	s22 =	sadd.s32 $0x400, s22  }
0x18a: {  	_ = 	snop  }
0x18b: {  	v12 =	vadd.bf16 v24, v26;
	_ =	sdelay $0x1  }
0x18c: {  	v23 =	vmul.bf16 v23, v11;
	v13 =	vadd.bf16 v25, v13;
	v24 =	vshll.u32 v12, $0x10  }
0x18d: {  	v12 =	vand.u32 $0xFFFF0000, v12;
	[tilespmem:s19+$0xFFFFF000] =	vst v24  }
0x18e: {  	v22 =	vmul.bf16 v22, v11;
	v14 =	vadd.bf16 v23, v14;
	[tilespmem:s19+$0x0] =	vst v12;
	v12 =	vshll.u32 v13, $0x10  }
0x18f: {  	v13 =	vand.u32 $0xFFFF0000, v13;
	[tilespmem:s19+$0xFFFFF010] =	vst v12  }
0x190: {  	v15 =	vadd.bf16 v22, v15;
	v12 =	vmul.bf16 v21, v11;
	v21 =	vshll.u32 v14, $0x10;
	[tilespmem:s19+$0x10] =	vst v13  }
0x191: {  	v13 =	vand.u32 $0xFFFF0000, v14;
	v14 =	vmul.bf16 v20, v11;
	[tilespmem:s19+$0xFFFFF020] =	vst v21  }
0x192: {  	[tilespmem:s19+$0x20] =	vst v13;
	v13 =	vand.u32 $0xFFFF0000, v15;
	v12 =	vadd.bf16 v12, v16  }
0x193: {  	v11 =	vmul.bf16 v19, v11;
	v16 =	vshll.u32 v15, $0x10;
	v14 =	vadd.bf16 v14, v17;
	[tilespmem:s19+$0x30] =	vst v13  }
0x194: {  	[tilespmem:s19+$0xFFFFF030] =	vst v16;
	v15 =	vshll.u32 v12, $0x10  }
0x195: {  	v11 =	vadd.bf16 v11, v18;
	v13 =	vshll.u32 v14, $0x10;
	[tilespmem:s19+$0xFFFFF040] =	vst v15  }
0x196: {  	v12 =	vand.u32 $0xFFFF0000, v12;
	[tilespmem:s20+$0xFFFFF050] =	vst v13  }
0x197: {  	v13 =	vshll.u32 v11, $0x10;
	[tilespmem:s20+$0x40] =	vst v12  }
0x198: {  	v11 =	vand.u32 $0xFFFF0000, v11;
	[tilespmem:s20+$0xFFFFF060] =	vst v13  }
0x199: {  	v12 =	vand.u32 $0xFFFF0000, v14;
	[tilespmem:s20+$0x60] =	vst v11  }
0x19a: {  	s23 =	simm.s32 $0x4200;
	[tilespmem:s20+$0x50] =	vst v12  }
0x19b: {  	v11 =	vld [tilespmem:s23+$0xFFFFE070]  }
0x19c: {  	v13 =	vld [tilespmem:s23+$0xFFFFF070]  }
0x19d: {  	v14 =	vld [tilespmem:s23+$0x70]  }
0x19e: {  	v17 =	vld [tilespmem:s23+$0xFFFFF000]  }
0x19f: {  	v15 =	vld [tilespmem:s23+$0x1070]  }
0x1a0: {  	v16 =	vld [tilespmem:s23+$0x0]  }
0x1a1: {  	v18 =	vld [tilespmem:s23+$0xFFFFE010]  }
0x1a2: {  	v19 =	vld [tilespmem:s23+$0xFFFFF010]  }
0x1a3: {  	v20 =	vld [tilespmem:s23+$0x10]  }
0x1a4: {  	v21 =	vld [tilespmem:s23+$0xFFFFE020]  }
0x1a5: {  	v22 =	vld [tilespmem:s23+$0xFFFFF020]  }
0x1a6: {  	v23 =	vld [tilespmem:s23+$0x20]  }
0x1a7: {  	v24 =	vld [tilespmem:s23+$0xFFFFE030]  }
0x1a8: {  	v26 =	vld [tilespmem:s23+$0xFFFFF030]  }
0x1a9: {  	v25 =	vbroadcast v10, $0x3;
	v27 =	vld [tilespmem:s23+$0x30]  }
0x1aa: {  	v28 =	vld [tilespmem:s23+$0xFFFFE040]  }
0x1ab: {  	v12 =	vsub.f32 $1.000000000e+00, v25;
	v29 =	vld [tilespmem:s23+$0xFFFFF040]  }
0x1ac: {  	v30 =	vld [tilespmem:s23+$0x40]  }
0x1ad: {  	v31 =	vld [tilespmem:s23+$0xFFFFE050];
	v12 =	vpack.i.f32.bf16 v12, v12  }
0x1ae: {  	v32 =	vld [tilespmem:s23+$0x50];
	v13 =	vadd.bf16 v13, v11;
	v14 =	vmul.bf16 v14, v12  }
0x1af: {  	v33 =	vld [tilespmem:s23+$0xFFFFE060];
	v11 =	vpack.i.f32.bf16 v25, v25  }
0x1b0: {  	v35 =	vld [tilespmem:s23+$0xFFFFF060];
	v13 =	vadd.bf16 v14, v13;
	v14 =	vmul.bf16 v15, v11  }
0x1b1: {  	v25 =	vld [tilespmem:s23+$0xFFFFF050]  }
0x1b2: {  	v15 =	vmul.bf16 v20, v12;
	v34 =	vadd.bf16 v14, v13;
	v13 =	vadd.bf16 v19, v18;
	v18 =	vld [tilespmem:s23+$0x60]  }
0x1b3: {  	v20 =	vadd.bf16 v26, v24;
	v14 =	vadd.bf16 v22, v21;
	v19 =	vmul.bf16 v23, v12;
	v21 =	vld [tilespmem:s23+$0xFFFFE000]  }
0x1b4: {  	v24 =	vmul.bf16 v30, v12;
	v26 =	vld [tilespmem:s23+$0x1000];
	v22 =	vmul.bf16 v27, v12;
	v23 =	vadd.bf16 v29, v28  }
0x1b5: {  	v13 =	vadd.bf16 v15, v13;
	v14 =	vadd.bf16 v19, v14;
	v19 =	vld [tilespmem:s23+$0x1010]  }
0x1b6: {  	v27 =	vmul.bf16 v16, v12;
	v15 =	vadd.bf16 v22, v20;
	v16 =	vadd.bf16 v24, v23;
	v23 =	vld [tilespmem:s23+$0x1020]  }
0x1b7: {  	v20 =	vadd.bf16 v25, v31;
	v24 =	vmul.bf16 v32, v12;
	v25 =	vadd.bf16 v35, v33;
	v22 =	vld [tilespmem:s23+$0x1030]  }
0x1b8: {  	s19 =	simm.s32 $0xB200;
	v61 =	vand.u32 $0xFFFF0000, v34;
	v18 =	vmul.bf16 v18, v12;
	v62 =	vadd.bf16 v17, v21;
	v21 =	vld [tilespmem:s23+$0x1040]  }
0x1b9: {  	v63 =	vshll.u32 v34, $0x10;
	[tilespmem:s19+$0x70] =	vst v61;
	v17 =	vadd.bf16 v24, v20;
	v24 =	vmul.bf16 v26, v11;
	v20 =	vld [tilespmem:s23+$0x1050]  }
0x1ba: {  	s21 =	simm.s32 $0x0;
	s22 =	simm.s32 $0x4600;
	s20 =	simm.s32 $0xB200;
	[tilespmem:s19+$0xFFFFF070] =	vst v63;
	v18 =	vadd.bf16 v18, v25;
	v26 =	vadd.bf16 v27, v62;
	v25 =	vmul.bf16 v19, v11;
	v19 =	vld [tilespmem:s23+$0x1060]  }
.LBB2_13:
0x1bb: {  	v27 =	vld [tilespmem:s22+$0xFFFFE070];
	v23 =	vmul.bf16 v23, v11  }
0x1bc: {  	v28 =	vld [tilespmem:s22+$0xFFFFF070];
	v24 =	vadd.bf16 v24, v26;
	v13 =	vadd.bf16 v25, v13;
	v22 =	vmul.bf16 v22, v11  }
0x1bd: {  	s21 =	sadd.s32 $0x8, s21;
	v25 =	vld [tilespmem:s22+$0x70];
	v14 =	vadd.bf16 v23, v14;
	v21 =	vmul.bf16 v21, v11  }
0x1be: {  	p0 =	slt.u32 s21, $0x18;
	v26 =	vld [tilespmem:s22+$0xFFFFF000];
	v23 =	vshll.u32 v24, $0x10;
	v15 =	vadd.bf16 v22, v15;
	v20 =	vmul.bf16 v20, v11  }
0x1bf: {  	v24 =	vand.u32 $0xFFFF0000, v24;
	v22 =	vld [tilespmem:s22+$0x1070];
	[tilespmem:s19+$0xFFFFF000] =	vst v23;
	v16 =	vadd.bf16 v21, v16;
	v19 =	vmul.bf16 v19, v11  }
0x1c0: {  	v23 =	vshll.u32 v13, $0x10;
	v13 =	vand.u32 $0xFFFF0000, v13;
	v21 =	vld [tilespmem:s22+$0x0];
	[tilespmem:s19+$0x0] =	vst v24;
	v17 =	vadd.bf16 v20, v17  }
0x1c1: {  	v20 =	vld [tilespmem:s22+$0xFFFFE010];
	[tilespmem:s19+$0xFFFFF010] =	vst v23;
	v23 =	vshll.u32 v14, $0x10;
	v14 =	vand.u32 $0xFFFF0000, v14;
	v18 =	vadd.bf16 v19, v18  }
0x1c2: {  	v24 =	vadd.bf16 v28, v27;
	v19 =	vld [tilespmem:s22+$0xFFFFF010];
	v25 =	vmul.bf16 v25, v12;
	[tilespmem:s19+$0x10] =	vst v13;
	v13 =	vshll.u32 v15, $0x10  }
0x1c3: {  	v15 =	vand.u32 $0xFFFF0000, v15;
	v27 =	vld [tilespmem:s22+$0x10];
	[tilespmem:s19+$0xFFFFF020] =	vst v23;
	v23 =	vshll.u32 v16, $0x10;
	v16 =	vand.u32 $0xFFFF0000, v16  }
0x1c4: {  	v28 =	vld [tilespmem:s22+$0xFFFFE020];
	v24 =	vadd.bf16 v25, v24;
	v22 =	vmul.bf16 v22, v11;
	[tilespmem:s19+$0x20] =	vst v14;
	v14 =	vshll.u32 v17, $0x10  }
0x1c5: {  	v29 =	vshll.u32 v18, $0x10;
	v17 =	vand.u32 $0xFFFF0000, v17;
	v25 =	vmul.bf16 v21, v12;
	v21 =	vld [tilespmem:s22+$0xFFFFF020];
	[tilespmem:s19+$0xFFFFF030] =	vst v13  }
0x1c6: {  	v30 =	vld [tilespmem:s22+$0x20];
	v13 =	vadd.bf16 v22, v24;
	[tilespmem:s19+$0x30] =	vst v15;
	v15 =	vand.u32 $0xFFFF0000, v18  }
0x1c7: {  	v18 =	vadd.bf16 v19, v20;
	v19 =	vld [tilespmem:s22+$0xFFFFE030];
	[tilespmem:s19+$0xFFFFF040] =	vst v23  }
0x1c8: {  	s19 =	sadd.s32 $0x400, s19;
	v20 =	vmul.bf16 v27, v12;
	v22 =	vld [tilespmem:s22+$0xFFFFF030];
	v23 =	vshll.u32 v13, $0x10;
	v13 =	vand.u32 $0xFFFF0000, v13;
	[tilespmem:s20+$0x40] =	vst v16  }
0x1c9: {  	v16 =	vld [tilespmem:s22+$0x30];
	[tilespmem:s19+$0x70] =	vst v13  }
0x1ca: {  	v13 =	vadd.bf16 v20, v18;
	v18 =	vadd.bf16 v21, v28;
	v20 =	vld [tilespmem:s22+$0xFFFFE040];
	[tilespmem:s20+$0xFFFFF050] =	vst v14  }
0x1cb: {  	v14 =	vmul.bf16 v30, v12;
	v21 =	vld [tilespmem:s22+$0xFFFFF040];
	[tilespmem:s20+$0x50] =	vst v17  }
0x1cc: {  	v17 =	vld [tilespmem:s22+$0x40];
	[tilespmem:s20+$0xFFFFF060] =	vst v29  }
0x1cd: {  	v14 =	vadd.bf16 v14, v18;
	v18 =	vadd.bf16 v22, v19;
	v19 =	vld [tilespmem:s22+$0xFFFFE050];
	[tilespmem:s20+$0x60] =	vst v15;
	s20 =	smov.u32 s19  }
0x1ce: {  	v15 =	vmul.bf16 v16, v12;
	v22 =	vld [tilespmem:s22+$0xFFFFF050];
	[tilespmem:s19+$0xFFFFF070] =	vst v23  }
0x1cf: {  	v23 =	vld [tilespmem:s22+$0x50]  }
0x1d0: {  	v15 =	vadd.bf16 v15, v18;
	v16 =	vadd.bf16 v21, v20;
	v18 =	vld [tilespmem:s22+$0xFFFFE060]  }
0x1d1: {  	v17 =	vmul.bf16 v17, v12;
	v20 =	vld [tilespmem:s22+$0xFFFFF060]  }
0x1d2: {  	v21 =	vld [tilespmem:s22+$0x60]  }
0x1d3: {  	v24 =	vld [tilespmem:s22+$0xFFFFE000];
	v16 =	vadd.bf16 v17, v16;
	v17 =	vadd.bf16 v22, v19  }
0x1d4: {  	v19 =	vld [tilespmem:s22+$0x1000];
	v22 =	vmul.bf16 v23, v12  }
0x1d5: {  	v27 =	vld [tilespmem:s22+$0x1010]  }
.Ltmp5:
0x1d6: {  	v23 =	vld [tilespmem:s22+$0x1020];
	v17 =	vadd.bf16 v22, v17;
	v18 =	vadd.bf16 v20, v18;
	(pc) =	sbr.rel @p0 .LBB2_13-.Ltmp5, $4  }
0x1d7: {  	v22 =	vld [tilespmem:s22+$0x1030];
	v28 =	vmul.bf16 v21, v12  }
0x1d8: {  	v26 =	vadd.bf16 v26, v24;
	v21 =	vld [tilespmem:s22+$0x1040]  }
0x1d9: {  	v24 =	vmul.bf16 v19, v11;
	v20 =	vld [tilespmem:s22+$0x1050];
	v18 =	vadd.bf16 v28, v18  }
0x1da: {  	v26 =	vadd.bf16 v25, v26;
	v25 =	vmul.bf16 v27, v11;
	v19 =	vld [tilespmem:s22+$0x1060];
	s22 =	sadd.s32 $0x400, s22  }
0x1db: {  	_ = 	snop  }
0x1dc: {  	v12 =	vadd.bf16 v24, v26;
	_ =	sdelay $0x1  }
0x1dd: {  	v23 =	vmul.bf16 v23, v11;
	v13 =	vadd.bf16 v25, v13;
	v24 =	vshll.u32 v12, $0x10  }
0x1de: {  	v12 =	vand.u32 $0xFFFF0000, v12;
	[tilespmem:s19+$0xFFFFF000] =	vst v24  }
0x1df: {  	v22 =	vmul.bf16 v22, v11;
	v14 =	vadd.bf16 v23, v14;
	[tilespmem:s19+$0x0] =	vst v12;
	v12 =	vshll.u32 v13, $0x10  }
0x1e0: {  	v13 =	vand.u32 $0xFFFF0000, v13;
	[tilespmem:s19+$0xFFFFF010] =	vst v12  }
0x1e1: {  	v15 =	vadd.bf16 v22, v15;
	v12 =	vmul.bf16 v21, v11;
	v21 =	vshll.u32 v14, $0x10;
	[tilespmem:s19+$0x10] =	vst v13  }
0x1e2: {  	v13 =	vand.u32 $0xFFFF0000, v14;
	v14 =	vmul.bf16 v20, v11;
	[tilespmem:s19+$0xFFFFF020] =	vst v21  }
0x1e3: {  	[tilespmem:s19+$0x20] =	vst v13;
	v13 =	vand.u32 $0xFFFF0000, v15;
	v12 =	vadd.bf16 v12, v16  }
0x1e4: {  	v11 =	vmul.bf16 v19, v11;
	v16 =	vshll.u32 v15, $0x10;
	v14 =	vadd.bf16 v14, v17;
	[tilespmem:s19+$0x30] =	vst v13  }
0x1e5: {  	[tilespmem:s19+$0xFFFFF030] =	vst v16;
	v15 =	vshll.u32 v12, $0x10  }
0x1e6: {  	v11 =	vadd.bf16 v11, v18;
	v13 =	vshll.u32 v14, $0x10;
	[tilespmem:s19+$0xFFFFF040] =	vst v15  }
0x1e7: {  	v12 =	vand.u32 $0xFFFF0000, v12;
	[tilespmem:s20+$0xFFFFF050] =	vst v13  }
0x1e8: {  	v13 =	vshll.u32 v11, $0x10;
	[tilespmem:s20+$0x40] =	vst v12  }
0x1e9: {  	v11 =	vand.u32 $0xFFFF0000, v11;
	[tilespmem:s20+$0xFFFFF060] =	vst v13  }
0x1ea: {  	v12 =	vand.u32 $0xFFFF0000, v14;
	[tilespmem:s20+$0x60] =	vst v11  }
0x1eb: {  	s23 =	simm.s32 $0x4280;
	[tilespmem:s20+$0x50] =	vst v12  }
0x1ec: {  	v11 =	vld [tilespmem:s23+$0xFFFFE070]  }
0x1ed: {  	v13 =	vld [tilespmem:s23+$0xFFFFF070]  }
0x1ee: {  	v14 =	vld [tilespmem:s23+$0x70]  }
0x1ef: {  	v17 =	vld [tilespmem:s23+$0xFFFFF000]  }
0x1f0: {  	v15 =	vld [tilespmem:s23+$0x1070]  }
0x1f1: {  	v16 =	vld [tilespmem:s23+$0x0]  }
0x1f2: {  	v18 =	vld [tilespmem:s23+$0xFFFFE010]  }
0x1f3: {  	v19 =	vld [tilespmem:s23+$0xFFFFF010]  }
0x1f4: {  	v20 =	vld [tilespmem:s23+$0x10]  }
0x1f5: {  	v21 =	vld [tilespmem:s23+$0xFFFFE020]  }
0x1f6: {  	v22 =	vld [tilespmem:s23+$0xFFFFF020]  }
0x1f7: {  	v23 =	vld [tilespmem:s23+$0x20]  }
0x1f8: {  	v24 =	vld [tilespmem:s23+$0xFFFFE030]  }
0x1f9: {  	v26 =	vld [tilespmem:s23+$0xFFFFF030]  }
0x1fa: {  	v25 =	vbroadcast v10, $0x4;
	v27 =	vld [tilespmem:s23+$0x30]  }
0x1fb: {  	v28 =	vld [tilespmem:s23+$0xFFFFE040]  }
0x1fc: {  	v12 =	vsub.f32 $1.000000000e+00, v25;
	v29 =	vld [tilespmem:s23+$0xFFFFF040]  }
0x1fd: {  	v30 =	vld [tilespmem:s23+$0x40]  }
0x1fe: {  	v31 =	vld [tilespmem:s23+$0xFFFFE050];
	v12 =	vpack.i.f32.bf16 v12, v12  }
0x1ff: {  	v32 =	vld [tilespmem:s23+$0x50];
	v13 =	vadd.bf16 v13, v11;
	v14 =	vmul.bf16 v14, v12  }
0x200: {  	v33 =	vld [tilespmem:s23+$0xFFFFE060];
	v11 =	vpack.i.f32.bf16 v25, v25  }
0x201: {  	v35 =	vld [tilespmem:s23+$0xFFFFF060];
	v13 =	vadd.bf16 v14, v13;
	v14 =	vmul.bf16 v15, v11  }
0x202: {  	v25 =	vld [tilespmem:s23+$0xFFFFF050]  }
0x203: {  	v15 =	vmul.bf16 v20, v12;
	v34 =	vadd.bf16 v14, v13;
	v13 =	vadd.bf16 v19, v18;
	v18 =	vld [tilespmem:s23+$0x60]  }
0x204: {  	v20 =	vadd.bf16 v26, v24;
	v14 =	vadd.bf16 v22, v21;
	v19 =	vmul.bf16 v23, v12;
	v21 =	vld [tilespmem:s23+$0xFFFFE000]  }
0x205: {  	v24 =	vmul.bf16 v30, v12;
	v26 =	vld [tilespmem:s23+$0x1000];
	v22 =	vmul.bf16 v27, v12;
	v23 =	vadd.bf16 v29, v28  }
0x206: {  	v13 =	vadd.bf16 v15, v13;
	v14 =	vadd.bf16 v19, v14;
	v19 =	vld [tilespmem:s23+$0x1010]  }
0x207: {  	v27 =	vmul.bf16 v16, v12;
	v15 =	vadd.bf16 v22, v20;
	v16 =	vadd.bf16 v24, v23;
	v23 =	vld [tilespmem:s23+$0x1020]  }
0x208: {  	v20 =	vadd.bf16 v25, v31;
	v24 =	vmul.bf16 v32, v12;
	v25 =	vadd.bf16 v35, v33;
	v22 =	vld [tilespmem:s23+$0x1030]  }
0x209: {  	s19 =	simm.s32 $0xB280;
	v61 =	vand.u32 $0xFFFF0000, v34;
	v18 =	vmul.bf16 v18, v12;
	v62 =	vadd.bf16 v17, v21;
	v21 =	vld [tilespmem:s23+$0x1040]  }
0x20a: {  	v63 =	vshll.u32 v34, $0x10;
	[tilespmem:s19+$0x70] =	vst v61;
	v17 =	vadd.bf16 v24, v20;
	v24 =	vmul.bf16 v26, v11;
	v20 =	vld [tilespmem:s23+$0x1050]  }
0x20b: {  	s21 =	simm.s32 $0x0;
	s22 =	simm.s32 $0x4680;
	s20 =	simm.s32 $0xB280;
	[tilespmem:s19+$0xFFFFF070] =	vst v63;
	v18 =	vadd.bf16 v18, v25;
	v26 =	vadd.bf16 v27, v62;
	v25 =	vmul.bf16 v19, v11;
	v19 =	vld [tilespmem:s23+$0x1060]  }
.LBB2_15:
0x20c: {  	v27 =	vld [tilespmem:s22+$0xFFFFE070];
	v23 =	vmul.bf16 v23, v11  }
0x20d: {  	v28 =	vld [tilespmem:s22+$0xFFFFF070];
	v24 =	vadd.bf16 v24, v26;
	v13 =	vadd.bf16 v25, v13;
	v22 =	vmul.bf16 v22, v11  }
0x20e: {  	s21 =	sadd.s32 $0x8, s21;
	v25 =	vld [tilespmem:s22+$0x70];
	v14 =	vadd.bf16 v23, v14;
	v21 =	vmul.bf16 v21, v11  }
0x20f: {  	p0 =	slt.u32 s21, $0x18;
	v26 =	vld [tilespmem:s22+$0xFFFFF000];
	v23 =	vshll.u32 v24, $0x10;
	v15 =	vadd.bf16 v22, v15;
	v20 =	vmul.bf16 v20, v11  }
0x210: {  	v24 =	vand.u32 $0xFFFF0000, v24;
	v22 =	vld [tilespmem:s22+$0x1070];
	[tilespmem:s19+$0xFFFFF000] =	vst v23;
	v16 =	vadd.bf16 v21, v16;
	v19 =	vmul.bf16 v19, v11  }
0x211: {  	v23 =	vshll.u32 v13, $0x10;
	v13 =	vand.u32 $0xFFFF0000, v13;
	v21 =	vld [tilespmem:s22+$0x0];
	[tilespmem:s19+$0x0] =	vst v24;
	v17 =	vadd.bf16 v20, v17  }
0x212: {  	v20 =	vld [tilespmem:s22+$0xFFFFE010];
	[tilespmem:s19+$0xFFFFF010] =	vst v23;
	v23 =	vshll.u32 v14, $0x10;
	v14 =	vand.u32 $0xFFFF0000, v14;
	v18 =	vadd.bf16 v19, v18  }
0x213: {  	v24 =	vadd.bf16 v28, v27;
	v19 =	vld [tilespmem:s22+$0xFFFFF010];
	v25 =	vmul.bf16 v25, v12;
	[tilespmem:s19+$0x10] =	vst v13;
	v13 =	vshll.u32 v15, $0x10  }
0x214: {  	v15 =	vand.u32 $0xFFFF0000, v15;
	v27 =	vld [tilespmem:s22+$0x10];
	[tilespmem:s19+$0xFFFFF020] =	vst v23;
	v23 =	vshll.u32 v16, $0x10;
	v16 =	vand.u32 $0xFFFF0000, v16  }
0x215: {  	v28 =	vld [tilespmem:s22+$0xFFFFE020];
	v24 =	vadd.bf16 v25, v24;
	v22 =	vmul.bf16 v22, v11;
	[tilespmem:s19+$0x20] =	vst v14;
	v14 =	vshll.u32 v17, $0x10  }
0x216: {  	v29 =	vshll.u32 v18, $0x10;
	v17 =	vand.u32 $0xFFFF0000, v17;
	v25 =	vmul.bf16 v21, v12;
	v21 =	vld [tilespmem:s22+$0xFFFFF020];
	[tilespmem:s19+$0xFFFFF030] =	vst v13  }
0x217: {  	v30 =	vld [tilespmem:s22+$0x20];
	v13 =	vadd.bf16 v22, v24;
	[tilespmem:s19+$0x30] =	vst v15;
	v15 =	vand.u32 $0xFFFF0000, v18  }
0x218: {  	v18 =	vadd.bf16 v19, v20;
	v19 =	vld [tilespmem:s22+$0xFFFFE030];
	[tilespmem:s19+$0xFFFFF040] =	vst v23  }
0x219: {  	s19 =	sadd.s32 $0x400, s19;
	v20 =	vmul.bf16 v27, v12;
	v22 =	vld [tilespmem:s22+$0xFFFFF030];
	v23 =	vshll.u32 v13, $0x10;
	v13 =	vand.u32 $0xFFFF0000, v13;
	[tilespmem:s20+$0x40] =	vst v16  }
0x21a: {  	v16 =	vld [tilespmem:s22+$0x30];
	[tilespmem:s19+$0x70] =	vst v13  }
0x21b: {  	v13 =	vadd.bf16 v20, v18;
	v18 =	vadd.bf16 v21, v28;
	v20 =	vld [tilespmem:s22+$0xFFFFE040];
	[tilespmem:s20+$0xFFFFF050] =	vst v14  }
0x21c: {  	v14 =	vmul.bf16 v30, v12;
	v21 =	vld [tilespmem:s22+$0xFFFFF040];
	[tilespmem:s20+$0x50] =	vst v17  }
0x21d: {  	v17 =	vld [tilespmem:s22+$0x40];
	[tilespmem:s20+$0xFFFFF060] =	vst v29  }
0x21e: {  	v14 =	vadd.bf16 v14, v18;
	v18 =	vadd.bf16 v22, v19;
	v19 =	vld [tilespmem:s22+$0xFFFFE050];
	[tilespmem:s20+$0x60] =	vst v15;
	s20 =	smov.u32 s19  }
0x21f: {  	v15 =	vmul.bf16 v16, v12;
	v22 =	vld [tilespmem:s22+$0xFFFFF050];
	[tilespmem:s19+$0xFFFFF070] =	vst v23  }
0x220: {  	v23 =	vld [tilespmem:s22+$0x50]  }
0x221: {  	v15 =	vadd.bf16 v15, v18;
	v16 =	vadd.bf16 v21, v20;
	v18 =	vld [tilespmem:s22+$0xFFFFE060]  }
0x222: {  	v17 =	vmul.bf16 v17, v12;
	v20 =	vld [tilespmem:s22+$0xFFFFF060]  }
0x223: {  	v21 =	vld [tilespmem:s22+$0x60]  }
0x224: {  	v24 =	vld [tilespmem:s22+$0xFFFFE000];
	v16 =	vadd.bf16 v17, v16;
	v17 =	vadd.bf16 v22, v19  }
0x225: {  	v19 =	vld [tilespmem:s22+$0x1000];
	v22 =	vmul.bf16 v23, v12  }
0x226: {  	v27 =	vld [tilespmem:s22+$0x1010]  }
.Ltmp6:
0x227: {  	v23 =	vld [tilespmem:s22+$0x1020];
	v17 =	vadd.bf16 v22, v17;
	v18 =	vadd.bf16 v20, v18;
	(pc) =	sbr.rel @p0 .LBB2_15-.Ltmp6, $4  }
0x228: {  	v22 =	vld [tilespmem:s22+$0x1030];
	v28 =	vmul.bf16 v21, v12  }
0x229: {  	v26 =	vadd.bf16 v26, v24;
	v21 =	vld [tilespmem:s22+$0x1040]  }
0x22a: {  	v24 =	vmul.bf16 v19, v11;
	v20 =	vld [tilespmem:s22+$0x1050];
	v18 =	vadd.bf16 v28, v18  }
0x22b: {  	v26 =	vadd.bf16 v25, v26;
	v25 =	vmul.bf16 v27, v11;
	v19 =	vld [tilespmem:s22+$0x1060];
	s22 =	sadd.s32 $0x400, s22  }
0x22c: {  	_ = 	snop  }
0x22d: {  	v12 =	vadd.bf16 v24, v26;
	_ =	sdelay $0x1  }
0x22e: {  	v23 =	vmul.bf16 v23, v11;
	v13 =	vadd.bf16 v25, v13;
	v24 =	vshll.u32 v12, $0x10  }
0x22f: {  	v12 =	vand.u32 $0xFFFF0000, v12;
	[tilespmem:s19+$0xFFFFF000] =	vst v24  }
0x230: {  	v22 =	vmul.bf16 v22, v11;
	v14 =	vadd.bf16 v23, v14;
	[tilespmem:s19+$0x0] =	vst v12;
	v12 =	vshll.u32 v13, $0x10  }
0x231: {  	v13 =	vand.u32 $0xFFFF0000, v13;
	[tilespmem:s19+$0xFFFFF010] =	vst v12  }
0x232: {  	v15 =	vadd.bf16 v22, v15;
	v12 =	vmul.bf16 v21, v11;
	v21 =	vshll.u32 v14, $0x10;
	[tilespmem:s19+$0x10] =	vst v13  }
0x233: {  	v13 =	vand.u32 $0xFFFF0000, v14;
	v14 =	vmul.bf16 v20, v11;
	[tilespmem:s19+$0xFFFFF020] =	vst v21  }
0x234: {  	[tilespmem:s19+$0x20] =	vst v13;
	v13 =	vand.u32 $0xFFFF0000, v15;
	v12 =	vadd.bf16 v12, v16  }
0x235: {  	v11 =	vmul.bf16 v19, v11;
	v16 =	vshll.u32 v15, $0x10;
	v14 =	vadd.bf16 v14, v17;
	[tilespmem:s19+$0x30] =	vst v13  }
0x236: {  	[tilespmem:s19+$0xFFFFF030] =	vst v16;
	v15 =	vshll.u32 v12, $0x10  }
0x237: {  	v11 =	vadd.bf16 v11, v18;
	v13 =	vshll.u32 v14, $0x10;
	[tilespmem:s19+$0xFFFFF040] =	vst v15  }
0x238: {  	v12 =	vand.u32 $0xFFFF0000, v12;
	[tilespmem:s20+$0xFFFFF050] =	vst v13  }
0x239: {  	v13 =	vshll.u32 v11, $0x10;
	[tilespmem:s20+$0x40] =	vst v12  }
0x23a: {  	v11 =	vand.u32 $0xFFFF0000, v11;
	[tilespmem:s20+$0xFFFFF060] =	vst v13  }
0x23b: {  	v12 =	vand.u32 $0xFFFF0000, v14;
	[tilespmem:s20+$0x60] =	vst v11  }
0x23c: {  	s23 =	simm.s32 $0x4300;
	[tilespmem:s20+$0x50] =	vst v12  }
0x23d: {  	v11 =	vld [tilespmem:s23+$0xFFFFE070]  }
0x23e: {  	v13 =	vld [tilespmem:s23+$0xFFFFF070]  }
0x23f: {  	v14 =	vld [tilespmem:s23+$0x70]  }
0x240: {  	v17 =	vld [tilespmem:s23+$0xFFFFF000]  }
0x241: {  	v15 =	vld [tilespmem:s23+$0x1070]  }
0x242: {  	v16 =	vld [tilespmem:s23+$0x0]  }
0x243: {  	v18 =	vld [tilespmem:s23+$0xFFFFE010]  }
0x244: {  	v19 =	vld [tilespmem:s23+$0xFFFFF010]  }
0x245: {  	v20 =	vld [tilespmem:s23+$0x10]  }
0x246: {  	v21 =	vld [tilespmem:s23+$0xFFFFE020]  }
0x247: {  	v22 =	vld [tilespmem:s23+$0xFFFFF020]  }
0x248: {  	v23 =	vld [tilespmem:s23+$0x20]  }
0x249: {  	v24 =	vld [tilespmem:s23+$0xFFFFE030]  }
0x24a: {  	v26 =	vld [tilespmem:s23+$0xFFFFF030]  }
0x24b: {  	v25 =	vbroadcast v10, $0x5;
	v27 =	vld [tilespmem:s23+$0x30]  }
0x24c: {  	v28 =	vld [tilespmem:s23+$0xFFFFE040]  }
0x24d: {  	v12 =	vsub.f32 $1.000000000e+00, v25;
	v29 =	vld [tilespmem:s23+$0xFFFFF040]  }
0x24e: {  	v30 =	vld [tilespmem:s23+$0x40]  }
0x24f: {  	v31 =	vld [tilespmem:s23+$0xFFFFE050];
	v12 =	vpack.i.f32.bf16 v12, v12  }
0x250: {  	v32 =	vld [tilespmem:s23+$0x50];
	v13 =	vadd.bf16 v13, v11;
	v14 =	vmul.bf16 v14, v12  }
0x251: {  	v33 =	vld [tilespmem:s23+$0xFFFFE060];
	v11 =	vpack.i.f32.bf16 v25, v25  }
0x252: {  	v35 =	vld [tilespmem:s23+$0xFFFFF060];
	v13 =	vadd.bf16 v14, v13;
	v14 =	vmul.bf16 v15, v11  }
0x253: {  	v25 =	vld [tilespmem:s23+$0xFFFFF050]  }
0x254: {  	v15 =	vmul.bf16 v20, v12;
	v34 =	vadd.bf16 v14, v13;
	v13 =	vadd.bf16 v19, v18;
	v18 =	vld [tilespmem:s23+$0x60]  }
0x255: {  	v20 =	vadd.bf16 v26, v24;
	v14 =	vadd.bf16 v22, v21;
	v19 =	vmul.bf16 v23, v12;
	v21 =	vld [tilespmem:s23+$0xFFFFE000]  }
0x256: {  	v24 =	vmul.bf16 v30, v12;
	v26 =	vld [tilespmem:s23+$0x1000];
	v22 =	vmul.bf16 v27, v12;
	v23 =	vadd.bf16 v29, v28  }
0x257: {  	v13 =	vadd.bf16 v15, v13;
	v14 =	vadd.bf16 v19, v14;
	v19 =	vld [tilespmem:s23+$0x1010]  }
0x258: {  	v27 =	vmul.bf16 v16, v12;
	v15 =	vadd.bf16 v22, v20;
	v16 =	vadd.bf16 v24, v23;
	v23 =	vld [tilespmem:s23+$0x1020]  }
0x259: {  	v20 =	vadd.bf16 v25, v31;
	v24 =	vmul.bf16 v32, v12;
	v25 =	vadd.bf16 v35, v33;
	v22 =	vld [tilespmem:s23+$0x1030]  }
0x25a: {  	s19 =	simm.s32 $0xB300;
	v61 =	vand.u32 $0xFFFF0000, v34;
	v18 =	vmul.bf16 v18, v12;
	v62 =	vadd.bf16 v17, v21;
	v21 =	vld [tilespmem:s23+$0x1040]  }
0x25b: {  	v63 =	vshll.u32 v34, $0x10;
	[tilespmem:s19+$0x70] =	vst v61;
	v17 =	vadd.bf16 v24, v20;
	v24 =	vmul.bf16 v26, v11;
	v20 =	vld [tilespmem:s23+$0x1050]  }
0x25c: {  	s21 =	simm.s32 $0x0;
	s22 =	simm.s32 $0x4700;
	s20 =	simm.s32 $0xB300;
	[tilespmem:s19+$0xFFFFF070] =	vst v63;
	v18 =	vadd.bf16 v18, v25;
	v26 =	vadd.bf16 v27, v62;
	v25 =	vmul.bf16 v19, v11;
	v19 =	vld [tilespmem:s23+$0x1060]  }
.LBB2_17:
0x25d: {  	v27 =	vld [tilespmem:s22+$0xFFFFE070];
	v23 =	vmul.bf16 v23, v11  }
0x25e: {  	v28 =	vld [tilespmem:s22+$0xFFFFF070];
	v24 =	vadd.bf16 v24, v26;
	v13 =	vadd.bf16 v25, v13;
	v22 =	vmul.bf16 v22, v11  }
0x25f: {  	s21 =	sadd.s32 $0x8, s21;
	v25 =	vld [tilespmem:s22+$0x70];
	v14 =	vadd.bf16 v23, v14;
	v21 =	vmul.bf16 v21, v11  }
0x260: {  	p0 =	slt.u32 s21, $0x18;
	v26 =	vld [tilespmem:s22+$0xFFFFF000];
	v23 =	vshll.u32 v24, $0x10;
	v15 =	vadd.bf16 v22, v15;
	v20 =	vmul.bf16 v20, v11  }
0x261: {  	v24 =	vand.u32 $0xFFFF0000, v24;
	v22 =	vld [tilespmem:s22+$0x1070];
	[tilespmem:s19+$0xFFFFF000] =	vst v23;
	v16 =	vadd.bf16 v21, v16;
	v19 =	vmul.bf16 v19, v11  }
0x262: {  	v23 =	vshll.u32 v13, $0x10;
	v13 =	vand.u32 $0xFFFF0000, v13;
	v21 =	vld [tilespmem:s22+$0x0];
	[tilespmem:s19+$0x0] =	vst v24;
	v17 =	vadd.bf16 v20, v17  }
0x263: {  	v20 =	vld [tilespmem:s22+$0xFFFFE010];
	[tilespmem:s19+$0xFFFFF010] =	vst v23;
	v23 =	vshll.u32 v14, $0x10;
	v14 =	vand.u32 $0xFFFF0000, v14;
	v18 =	vadd.bf16 v19, v18  }
0x264: {  	v24 =	vadd.bf16 v28, v27;
	v19 =	vld [tilespmem:s22+$0xFFFFF010];
	v25 =	vmul.bf16 v25, v12;
	[tilespmem:s19+$0x10] =	vst v13;
	v13 =	vshll.u32 v15, $0x10  }
0x265: {  	v15 =	vand.u32 $0xFFFF0000, v15;
	v27 =	vld [tilespmem:s22+$0x10];
	[tilespmem:s19+$0xFFFFF020] =	vst v23;
	v23 =	vshll.u32 v16, $0x10;
	v16 =	vand.u32 $0xFFFF0000, v16  }
0x266: {  	v28 =	vld [tilespmem:s22+$0xFFFFE020];
	v24 =	vadd.bf16 v25, v24;
	v22 =	vmul.bf16 v22, v11;
	[tilespmem:s19+$0x20] =	vst v14;
	v14 =	vshll.u32 v17, $0x10  }
0x267: {  	v29 =	vshll.u32 v18, $0x10;
	v17 =	vand.u32 $0xFFFF0000, v17;
	v25 =	vmul.bf16 v21, v12;
	v21 =	vld [tilespmem:s22+$0xFFFFF020];
	[tilespmem:s19+$0xFFFFF030] =	vst v13  }
0x268: {  	v30 =	vld [tilespmem:s22+$0x20];
	v13 =	vadd.bf16 v22, v24;
	[tilespmem:s19+$0x30] =	vst v15;
	v15 =	vand.u32 $0xFFFF0000, v18  }
0x269: {  	v18 =	vadd.bf16 v19, v20;
	v19 =	vld [tilespmem:s22+$0xFFFFE030];
	[tilespmem:s19+$0xFFFFF040] =	vst v23  }
0x26a: {  	s19 =	sadd.s32 $0x400, s19;
	v20 =	vmul.bf16 v27, v12;
	v22 =	vld [tilespmem:s22+$0xFFFFF030];
	v23 =	vshll.u32 v13, $0x10;
	v13 =	vand.u32 $0xFFFF0000, v13;
	[tilespmem:s20+$0x40] =	vst v16  }
0x26b: {  	v16 =	vld [tilespmem:s22+$0x30];
	[tilespmem:s19+$0x70] =	vst v13  }
0x26c: {  	v13 =	vadd.bf16 v20, v18;
	v18 =	vadd.bf16 v21, v28;
	v20 =	vld [tilespmem:s22+$0xFFFFE040];
	[tilespmem:s20+$0xFFFFF050] =	vst v14  }
0x26d: {  	v14 =	vmul.bf16 v30, v12;
	v21 =	vld [tilespmem:s22+$0xFFFFF040];
	[tilespmem:s20+$0x50] =	vst v17  }
0x26e: {  	v17 =	vld [tilespmem:s22+$0x40];
	[tilespmem:s20+$0xFFFFF060] =	vst v29  }
0x26f: {  	v14 =	vadd.bf16 v14, v18;
	v18 =	vadd.bf16 v22, v19;
	v19 =	vld [tilespmem:s22+$0xFFFFE050];
	[tilespmem:s20+$0x60] =	vst v15;
	s20 =	smov.u32 s19  }
0x270: {  	v15 =	vmul.bf16 v16, v12;
	v22 =	vld [tilespmem:s22+$0xFFFFF050];
	[tilespmem:s19+$0xFFFFF070] =	vst v23  }
0x271: {  	v23 =	vld [tilespmem:s22+$0x50]  }
0x272: {  	v15 =	vadd.bf16 v15, v18;
	v16 =	vadd.bf16 v21, v20;
	v18 =	vld [tilespmem:s22+$0xFFFFE060]  }
0x273: {  	v17 =	vmul.bf16 v17, v12;
	v20 =	vld [tilespmem:s22+$0xFFFFF060]  }
0x274: {  	v21 =	vld [tilespmem:s22+$0x60]  }
0x275: {  	v24 =	vld [tilespmem:s22+$0xFFFFE000];
	v16 =	vadd.bf16 v17, v16;
	v17 =	vadd.bf16 v22, v19  }
0x276: {  	v19 =	vld [tilespmem:s22+$0x1000];
	v22 =	vmul.bf16 v23, v12  }
0x277: {  	v27 =	vld [tilespmem:s22+$0x1010]  }
.Ltmp7:
0x278: {  	v23 =	vld [tilespmem:s22+$0x1020];
	v17 =	vadd.bf16 v22, v17;
	v18 =	vadd.bf16 v20, v18;
	(pc) =	sbr.rel @p0 .LBB2_17-.Ltmp7, $4  }
0x279: {  	v22 =	vld [tilespmem:s22+$0x1030];
	v28 =	vmul.bf16 v21, v12  }
0x27a: {  	v26 =	vadd.bf16 v26, v24;
	v21 =	vld [tilespmem:s22+$0x1040]  }
0x27b: {  	v24 =	vmul.bf16 v19, v11;
	v20 =	vld [tilespmem:s22+$0x1050];
	v18 =	vadd.bf16 v28, v18  }
0x27c: {  	v26 =	vadd.bf16 v25, v26;
	v25 =	vmul.bf16 v27, v11;
	v19 =	vld [tilespmem:s22+$0x1060];
	s22 =	sadd.s32 $0x400, s22  }
0x27d: {  	_ = 	snop  }
0x27e: {  	v12 =	vadd.bf16 v24, v26;
	_ =	sdelay $0x1  }
0x27f: {  	v23 =	vmul.bf16 v23, v11;
	v13 =	vadd.bf16 v25, v13;
	v24 =	vshll.u32 v12, $0x10  }
0x280: {  	v12 =	vand.u32 $0xFFFF0000, v12;
	[tilespmem:s19+$0xFFFFF000] =	vst v24  }
0x281: {  	v22 =	vmul.bf16 v22, v11;
	v14 =	vadd.bf16 v23, v14;
	[tilespmem:s19+$0x0] =	vst v12;
	v12 =	vshll.u32 v13, $0x10  }
0x282: {  	v13 =	vand.u32 $0xFFFF0000, v13;
	[tilespmem:s19+$0xFFFFF010] =	vst v12  }
0x283: {  	v15 =	vadd.bf16 v22, v15;
	v12 =	vmul.bf16 v21, v11;
	v21 =	vshll.u32 v14, $0x10;
	[tilespmem:s19+$0x10] =	vst v13  }
0x284: {  	v13 =	vand.u32 $0xFFFF0000, v14;
	v14 =	vmul.bf16 v20, v11;
	[tilespmem:s19+$0xFFFFF020] =	vst v21  }
0x285: {  	[tilespmem:s19+$0x20] =	vst v13;
	v13 =	vand.u32 $0xFFFF0000, v15;
	v12 =	vadd.bf16 v12, v16  }
0x286: {  	v11 =	vmul.bf16 v19, v11;
	v16 =	vshll.u32 v15, $0x10;
	v14 =	vadd.bf16 v14, v17;
	[tilespmem:s19+$0x30] =	vst v13  }
0x287: {  	[tilespmem:s19+$0xFFFFF030] =	vst v16;
	v15 =	vshll.u32 v12, $0x10  }
0x288: {  	v11 =	vadd.bf16 v11, v18;
	v13 =	vshll.u32 v14, $0x10;
	[tilespmem:s19+$0xFFFFF040] =	vst v15  }
0x289: {  	v12 =	vand.u32 $0xFFFF0000, v12;
	[tilespmem:s20+$0xFFFFF050] =	vst v13  }
0x28a: {  	v13 =	vshll.u32 v11, $0x10;
	[tilespmem:s20+$0x40] =	vst v12  }
0x28b: {  	v11 =	vand.u32 $0xFFFF0000, v11;
	[tilespmem:s20+$0xFFFFF060] =	vst v13  }
0x28c: {  	v12 =	vand.u32 $0xFFFF0000, v14;
	[tilespmem:s20+$0x60] =	vst v11  }
0x28d: {  	s23 =	simm.s32 $0x4380;
	[tilespmem:s20+$0x50] =	vst v12  }
0x28e: {  	v11 =	vld [tilespmem:s23+$0xFFFFE070]  }
0x28f: {  	v13 =	vld [tilespmem:s23+$0xFFFFF070]  }
0x290: {  	v14 =	vld [tilespmem:s23+$0x70]  }
0x291: {  	v17 =	vld [tilespmem:s23+$0xFFFFF000]  }
0x292: {  	v15 =	vld [tilespmem:s23+$0x1070]  }
0x293: {  	v16 =	vld [tilespmem:s23+$0x0]  }
0x294: {  	v18 =	vld [tilespmem:s23+$0xFFFFE010]  }
0x295: {  	v19 =	vld [tilespmem:s23+$0xFFFFF010]  }
0x296: {  	v20 =	vld [tilespmem:s23+$0x10]  }
0x297: {  	v21 =	vld [tilespmem:s23+$0xFFFFE020]  }
0x298: {  	v22 =	vld [tilespmem:s23+$0xFFFFF020]  }
0x299: {  	v23 =	vld [tilespmem:s23+$0x20]  }
0x29a: {  	v24 =	vld [tilespmem:s23+$0xFFFFE030]  }
0x29b: {  	v26 =	vld [tilespmem:s23+$0xFFFFF030]  }
0x29c: {  	v25 =	vbroadcast v10, $0x6;
	v27 =	vld [tilespmem:s23+$0x30]  }
0x29d: {  	v28 =	vld [tilespmem:s23+$0xFFFFE040]  }
0x29e: {  	v12 =	vsub.f32 $1.000000000e+00, v25;
	v29 =	vld [tilespmem:s23+$0xFFFFF040]  }
0x29f: {  	v30 =	vld [tilespmem:s23+$0x40]  }
0x2a0: {  	v31 =	vld [tilespmem:s23+$0xFFFFE050];
	v12 =	vpack.i.f32.bf16 v12, v12  }
0x2a1: {  	v32 =	vld [tilespmem:s23+$0x50];
	v13 =	vadd.bf16 v13, v11;
	v14 =	vmul.bf16 v14, v12  }
0x2a2: {  	v33 =	vld [tilespmem:s23+$0xFFFFE060];
	v11 =	vpack.i.f32.bf16 v25, v25  }
0x2a3: {  	v35 =	vld [tilespmem:s23+$0xFFFFF060];
	v13 =	vadd.bf16 v14, v13;
	v14 =	vmul.bf16 v15, v11  }
0x2a4: {  	v25 =	vld [tilespmem:s23+$0xFFFFF050]  }
0x2a5: {  	v15 =	vmul.bf16 v20, v12;
	v34 =	vadd.bf16 v14, v13;
	v13 =	vadd.bf16 v19, v18;
	v18 =	vld [tilespmem:s23+$0x60]  }
0x2a6: {  	v20 =	vadd.bf16 v26, v24;
	v14 =	vadd.bf16 v22, v21;
	v19 =	vmul.bf16 v23, v12;
	v21 =	vld [tilespmem:s23+$0xFFFFE000]  }
0x2a7: {  	v24 =	vmul.bf16 v30, v12;
	v26 =	vld [tilespmem:s23+$0x1000];
	v22 =	vmul.bf16 v27, v12;
	v23 =	vadd.bf16 v29, v28  }
0x2a8: {  	v13 =	vadd.bf16 v15, v13;
	v14 =	vadd.bf16 v19, v14;
	v19 =	vld [tilespmem:s23+$0x1010]  }
0x2a9: {  	v27 =	vmul.bf16 v16, v12;
	v15 =	vadd.bf16 v22, v20;
	v16 =	vadd.bf16 v24, v23;
	v23 =	vld [tilespmem:s23+$0x1020]  }
0x2aa: {  	v20 =	vadd.bf16 v25, v31;
	v24 =	vmul.bf16 v32, v12;
	v25 =	vadd.bf16 v35, v33;
	v22 =	vld [tilespmem:s23+$0x1030]  }
0x2ab: {  	s19 =	simm.s32 $0xB380;
	v61 =	vand.u32 $0xFFFF0000, v34;
	v18 =	vmul.bf16 v18, v12;
	v62 =	vadd.bf16 v17, v21;
	v21 =	vld [tilespmem:s23+$0x1040]  }
0x2ac: {  	v63 =	vshll.u32 v34, $0x10;
	[tilespmem:s19+$0x70] =	vst v61;
	v17 =	vadd.bf16 v24, v20;
	v24 =	vmul.bf16 v26, v11;
	v20 =	vld [tilespmem:s23+$0x1050]  }
0x2ad: {  	s21 =	simm.s32 $0x0;
	s22 =	simm.s32 $0x4780;
	s20 =	simm.s32 $0xB380;
	[tilespmem:s19+$0xFFFFF070] =	vst v63;
	v18 =	vadd.bf16 v18, v25;
	v26 =	vadd.bf16 v27, v62;
	v25 =	vmul.bf16 v19, v11;
	v19 =	vld [tilespmem:s23+$0x1060]  }
.LBB2_19:
0x2ae: {  	v27 =	vld [tilespmem:s22+$0xFFFFE070];
	v23 =	vmul.bf16 v23, v11  }
0x2af: {  	v28 =	vld [tilespmem:s22+$0xFFFFF070];
	v24 =	vadd.bf16 v24, v26;
	v13 =	vadd.bf16 v25, v13;
	v22 =	vmul.bf16 v22, v11  }
0x2b0: {  	s21 =	sadd.s32 $0x8, s21;
	v25 =	vld [tilespmem:s22+$0x70];
	v14 =	vadd.bf16 v23, v14;
	v21 =	vmul.bf16 v21, v11  }
0x2b1: {  	p0 =	slt.u32 s21, $0x18;
	v26 =	vld [tilespmem:s22+$0xFFFFF000];
	v23 =	vshll.u32 v24, $0x10;
	v15 =	vadd.bf16 v22, v15;
	v20 =	vmul.bf16 v20, v11  }
0x2b2: {  	v24 =	vand.u32 $0xFFFF0000, v24;
	v22 =	vld [tilespmem:s22+$0x1070];
	[tilespmem:s19+$0xFFFFF000] =	vst v23;
	v16 =	vadd.bf16 v21, v16;
	v19 =	vmul.bf16 v19, v11  }
0x2b3: {  	v23 =	vshll.u32 v13, $0x10;
	v13 =	vand.u32 $0xFFFF0000, v13;
	v21 =	vld [tilespmem:s22+$0x0];
	[tilespmem:s19+$0x0] =	vst v24;
	v17 =	vadd.bf16 v20, v17  }
0x2b4: {  	v20 =	vld [tilespmem:s22+$0xFFFFE010];
	[tilespmem:s19+$0xFFFFF010] =	vst v23;
	v23 =	vshll.u32 v14, $0x10;
	v14 =	vand.u32 $0xFFFF0000, v14;
	v18 =	vadd.bf16 v19, v18  }
0x2b5: {  	v24 =	vadd.bf16 v28, v27;
	v19 =	vld [tilespmem:s22+$0xFFFFF010];
	v25 =	vmul.bf16 v25, v12;
	[tilespmem:s19+$0x10] =	vst v13;
	v13 =	vshll.u32 v15, $0x10  }
0x2b6: {  	v15 =	vand.u32 $0xFFFF0000, v15;
	v27 =	vld [tilespmem:s22+$0x10];
	[tilespmem:s19+$0xFFFFF020] =	vst v23;
	v23 =	vshll.u32 v16, $0x10;
	v16 =	vand.u32 $0xFFFF0000, v16  }
0x2b7: {  	v28 =	vld [tilespmem:s22+$0xFFFFE020];
	v24 =	vadd.bf16 v25, v24;
	v22 =	vmul.bf16 v22, v11;
	[tilespmem:s19+$0x20] =	vst v14;
	v14 =	vshll.u32 v17, $0x10  }
0x2b8: {  	v29 =	vshll.u32 v18, $0x10;
	v17 =	vand.u32 $0xFFFF0000, v17;
	v25 =	vmul.bf16 v21, v12;
	v21 =	vld [tilespmem:s22+$0xFFFFF020];
	[tilespmem:s19+$0xFFFFF030] =	vst v13  }
0x2b9: {  	v30 =	vld [tilespmem:s22+$0x20];
	v13 =	vadd.bf16 v22, v24;
	[tilespmem:s19+$0x30] =	vst v15;
	v15 =	vand.u32 $0xFFFF0000, v18  }
0x2ba: {  	v18 =	vadd.bf16 v19, v20;
	v19 =	vld [tilespmem:s22+$0xFFFFE030];
	[tilespmem:s19+$0xFFFFF040] =	vst v23  }
0x2bb: {  	s19 =	sadd.s32 $0x400, s19;
	v20 =	vmul.bf16 v27, v12;
	v22 =	vld [tilespmem:s22+$0xFFFFF030];
	v23 =	vshll.u32 v13, $0x10;
	v13 =	vand.u32 $0xFFFF0000, v13;
	[tilespmem:s20+$0x40] =	vst v16  }
0x2bc: {  	v16 =	vld [tilespmem:s22+$0x30];
	[tilespmem:s19+$0x70] =	vst v13  }
0x2bd: {  	v13 =	vadd.bf16 v20, v18;
	v18 =	vadd.bf16 v21, v28;
	v20 =	vld [tilespmem:s22+$0xFFFFE040];
	[tilespmem:s20+$0xFFFFF050] =	vst v14  }
0x2be: {  	v14 =	vmul.bf16 v30, v12;
	v21 =	vld [tilespmem:s22+$0xFFFFF040];
	[tilespmem:s20+$0x50] =	vst v17  }
0x2bf: {  	v17 =	vld [tilespmem:s22+$0x40];
	[tilespmem:s20+$0xFFFFF060] =	vst v29  }
0x2c0: {  	v14 =	vadd.bf16 v14, v18;
	v18 =	vadd.bf16 v22, v19;
	v19 =	vld [tilespmem:s22+$0xFFFFE050];
	[tilespmem:s20+$0x60] =	vst v15;
	s20 =	smov.u32 s19  }
0x2c1: {  	v15 =	vmul.bf16 v16, v12;
	v22 =	vld [tilespmem:s22+$0xFFFFF050];
	[tilespmem:s19+$0xFFFFF070] =	vst v23  }
0x2c2: {  	v23 =	vld [tilespmem:s22+$0x50]  }
0x2c3: {  	v15 =	vadd.bf16 v15, v18;
	v16 =	vadd.bf16 v21, v20;
	v18 =	vld [tilespmem:s22+$0xFFFFE060]  }
0x2c4: {  	v17 =	vmul.bf16 v17, v12;
	v20 =	vld [tilespmem:s22+$0xFFFFF060]  }
0x2c5: {  	v21 =	vld [tilespmem:s22+$0x60]  }
0x2c6: {  	v24 =	vld [tilespmem:s22+$0xFFFFE000];
	v16 =	vadd.bf16 v17, v16;
	v17 =	vadd.bf16 v22, v19  }
0x2c7: {  	v19 =	vld [tilespmem:s22+$0x1000];
	v22 =	vmul.bf16 v23, v12  }
0x2c8: {  	v27 =	vld [tilespmem:s22+$0x1010]  }
.Ltmp8:
0x2c9: {  	v23 =	vld [tilespmem:s22+$0x1020];
	v17 =	vadd.bf16 v22, v17;
	v18 =	vadd.bf16 v20, v18;
	(pc) =	sbr.rel @p0 .LBB2_19-.Ltmp8, $4  }
0x2ca: {  	v22 =	vld [tilespmem:s22+$0x1030];
	v28 =	vmul.bf16 v21, v12  }
0x2cb: {  	v26 =	vadd.bf16 v26, v24;
	v21 =	vld [tilespmem:s22+$0x1040]  }
0x2cc: {  	v24 =	vmul.bf16 v19, v11;
	v20 =	vld [tilespmem:s22+$0x1050];
	v18 =	vadd.bf16 v28, v18  }
0x2cd: {  	v26 =	vadd.bf16 v25, v26;
	v25 =	vmul.bf16 v27, v11;
	v19 =	vld [tilespmem:s22+$0x1060];
	s22 =	sadd.s32 $0x400, s22  }
0x2ce: {  	_ = 	snop  }
0x2cf: {  	v12 =	vadd.bf16 v24, v26;
	_ =	sdelay $0x1  }
0x2d0: {  	v23 =	vmul.bf16 v23, v11;
	v13 =	vadd.bf16 v25, v13;
	v24 =	vshll.u32 v12, $0x10  }
0x2d1: {  	v12 =	vand.u32 $0xFFFF0000, v12;
	[tilespmem:s19+$0xFFFFF000] =	vst v24  }
0x2d2: {  	v22 =	vmul.bf16 v22, v11;
	v14 =	vadd.bf16 v23, v14;
	[tilespmem:s19+$0x0] =	vst v12;
	v12 =	vshll.u32 v13, $0x10  }
0x2d3: {  	v13 =	vand.u32 $0xFFFF0000, v13;
	[tilespmem:s19+$0xFFFFF010] =	vst v12  }
0x2d4: {  	v15 =	vadd.bf16 v22, v15;
	v12 =	vmul.bf16 v21, v11;
	v21 =	vshll.u32 v14, $0x10;
	[tilespmem:s19+$0x10] =	vst v13  }
0x2d5: {  	v13 =	vand.u32 $0xFFFF0000, v14;
	v14 =	vmul.bf16 v20, v11;
	[tilespmem:s19+$0xFFFFF020] =	vst v21  }
0x2d6: {  	[tilespmem:s19+$0x20] =	vst v13;
	v13 =	vand.u32 $0xFFFF0000, v15;
	v12 =	vadd.bf16 v12, v16  }
0x2d7: {  	v11 =	vmul.bf16 v19, v11;
	v16 =	vshll.u32 v15, $0x10;
	v14 =	vadd.bf16 v14, v17;
	[tilespmem:s19+$0x30] =	vst v13  }
0x2d8: {  	[tilespmem:s19+$0xFFFFF030] =	vst v16;
	v15 =	vshll.u32 v12, $0x10  }
0x2d9: {  	v11 =	vadd.bf16 v11, v18;
	v13 =	vshll.u32 v14, $0x10;
	[tilespmem:s19+$0xFFFFF040] =	vst v15  }
0x2da: {  	v12 =	vand.u32 $0xFFFF0000, v12;
	[tilespmem:s20+$0xFFFFF050] =	vst v13  }
0x2db: {  	v13 =	vshll.u32 v11, $0x10;
	[tilespmem:s20+$0x40] =	vst v12  }
0x2dc: {  	v11 =	vand.u32 $0xFFFF0000, v11;
	[tilespmem:s20+$0xFFFFF060] =	vst v13  }
0x2dd: {  	v12 =	vand.u32 $0xFFFF0000, v14;
	[tilespmem:s20+$0x60] =	vst v11  }
0x2de: {  	s23 =	simm.s32 $0x4400;
	[tilespmem:s20+$0x50] =	vst v12  }
0x2df: {  	v12 =	vld [tilespmem:s23+$0xFFFFE070]  }
0x2e0: {  	v13 =	vld [tilespmem:s23+$0xFFFFF070]  }
0x2e1: {  	v14 =	vld [tilespmem:s23+$0x70]  }
0x2e2: {  	v16 =	vld [tilespmem:s23+$0xFFFFF000]  }
0x2e3: {  	v15 =	vld [tilespmem:s23+$0x1070]  }
0x2e4: {  	v17 =	vld [tilespmem:s23+$0x0]  }
0x2e5: {  	v18 =	vld [tilespmem:s23+$0xFFFFE010]  }
0x2e6: {  	v19 =	vld [tilespmem:s23+$0xFFFFF010]  }
0x2e7: {  	v20 =	vld [tilespmem:s23+$0x10]  }
0x2e8: {  	v21 =	vld [tilespmem:s23+$0xFFFFE020]  }
0x2e9: {  	v22 =	vld [tilespmem:s23+$0xFFFFF020]  }
0x2ea: {  	v23 =	vld [tilespmem:s23+$0x20]  }
0x2eb: {  	v24 =	vld [tilespmem:s23+$0xFFFFE030]  }
0x2ec: {  	v25 =	vld [tilespmem:s23+$0xFFFFF030]  }
0x2ed: {  	v10 =	vbroadcast v10, $0x7;
	v26 =	vld [tilespmem:s23+$0x30]  }
0x2ee: {  	v27 =	vld [tilespmem:s23+$0xFFFFE040]  }
0x2ef: {  	v11 =	vsub.f32 $1.000000000e+00, v10;
	v28 =	vld [tilespmem:s23+$0xFFFFF040]  }
0x2f0: {  	v29 =	vld [tilespmem:s23+$0x40]  }
0x2f1: {  	v11 =	vpack.i.f32.bf16 v11, v11;
	v30 =	vld [tilespmem:s23+$0xFFFFE050]  }
0x2f2: {  	v31 =	vld [tilespmem:s23+$0xFFFFF050];
	v12 =	vadd.bf16 v13, v12;
	v13 =	vmul.bf16 v14, v11  }
0x2f3: {  	v10 =	vpack.i.f32.bf16 v10, v10;
	v32 =	vld [tilespmem:s23+$0x50]  }
0x2f4: {  	v14 =	vmul.bf16 v20, v11;
	v20 =	vld [tilespmem:s23+$0xFFFFE000];
	v12 =	vadd.bf16 v13, v12;
	v13 =	vmul.bf16 v15, v10  }
0x2f5: {  	v33 =	vld [tilespmem:s23+$0xFFFFE060]  }
0x2f6: {  	v35 =	vld [tilespmem:s23+$0xFFFFF060];
	v15 =	vmul.bf16 v23, v11;
	v34 =	vadd.bf16 v13, v12  }
0x2f7: {  	v23 =	vmul.bf16 v29, v11;
	v12 =	vadd.bf16 v19, v18;
	v13 =	vadd.bf16 v22, v21;
	v18 =	vld [tilespmem:s23+$0x60]  }
0x2f8: {  	v19 =	vadd.bf16 v25, v24;
	v21 =	vmul.bf16 v26, v11;
	v22 =	vadd.bf16 v28, v27;
	v24 =	vld [tilespmem:s23+$0x1000]  }
0x2f9: {  	v26 =	vld [tilespmem:s23+$0x1010];
	v25 =	vmul.bf16 v17, v11;
	v17 =	vadd.bf16 v31, v30;
	v62 =	vadd.bf16 v16, v20  }
0x2fa: {  	v13 =	vadd.bf16 v15, v13;
	v15 =	vadd.bf16 v23, v22;
	v22 =	vld [tilespmem:s23+$0x1020]  }
0x2fb: {  	v12 =	vadd.bf16 v14, v12;
	v14 =	vadd.bf16 v21, v19;
	v19 =	vmul.bf16 v32, v11;
	v21 =	vld [tilespmem:s23+$0x1030]  }
0x2fc: {  	s19 =	simm.s32 $0xB400;
	v27 =	vadd.bf16 v35, v33;
	v20 =	vld [tilespmem:s23+$0x1040];
	v23 =	vand.u32 $0xFFFF0000, v34;
	v18 =	vmul.bf16 v18, v11  }
0x2fd: {  	v63 =	vshll.u32 v34, $0x10;
	[tilespmem:s19+$0x70] =	vst v23;
	v25 =	vadd.bf16 v25, v62;
	v16 =	vadd.bf16 v19, v17;
	v19 =	vld [tilespmem:s23+$0x1050]  }
0x2fe: {  	s21 =	simm.s32 $0x0;
	s22 =	simm.s32 $0x4800;
	s20 =	simm.s32 $0xB400;
	[tilespmem:s19+$0xFFFFF070] =	vst v63;
	v23 =	vmul.bf16 v24, v10;
	v24 =	vmul.bf16 v26, v10;
	v17 =	vadd.bf16 v18, v27;
	v18 =	vld [tilespmem:s23+$0x1060]  }
.LBB2_21:
0x2ff: {  	v26 =	vld [tilespmem:s22+$0xFFFFE070];
	v22 =	vmul.bf16 v22, v10  }
0x300: {  	v27 =	vld [tilespmem:s22+$0xFFFFF070];
	v23 =	vadd.bf16 v23, v25;
	v12 =	vadd.bf16 v24, v12;
	v21 =	vmul.bf16 v21, v10  }
0x301: {  	s21 =	sadd.s32 $0x8, s21;
	v24 =	vld [tilespmem:s22+$0x70];
	v13 =	vadd.bf16 v22, v13;
	v20 =	vmul.bf16 v20, v10  }
0x302: {  	p0 =	slt.u32 s21, $0x18;
	v25 =	vld [tilespmem:s22+$0xFFFFF000];
	v22 =	vshll.u32 v23, $0x10;
	v14 =	vadd.bf16 v21, v14;
	v19 =	vmul.bf16 v19, v10  }
0x303: {  	v23 =	vand.u32 $0xFFFF0000, v23;
	v21 =	vld [tilespmem:s22+$0x1070];
	[tilespmem:s19+$0xFFFFF000] =	vst v22;
	v15 =	vadd.bf16 v20, v15;
	v18 =	vmul.bf16 v18, v10  }
0x304: {  	v22 =	vshll.u32 v12, $0x10;
	v12 =	vand.u32 $0xFFFF0000, v12;
	v20 =	vld [tilespmem:s22+$0x0];
	[tilespmem:s19+$0x0] =	vst v23;
	v16 =	vadd.bf16 v19, v16  }
0x305: {  	v19 =	vld [tilespmem:s22+$0xFFFFE010];
	[tilespmem:s19+$0xFFFFF010] =	vst v22;
	v22 =	vshll.u32 v13, $0x10;
	v13 =	vand.u32 $0xFFFF0000, v13;
	v17 =	vadd.bf16 v18, v17  }
0x306: {  	v23 =	vadd.bf16 v27, v26;
	v18 =	vld [tilespmem:s22+$0xFFFFF010];
	v24 =	vmul.bf16 v24, v11;
	[tilespmem:s19+$0x10] =	vst v12;
	v12 =	vshll.u32 v14, $0x10  }
0x307: {  	v14 =	vand.u32 $0xFFFF0000, v14;
	v26 =	vld [tilespmem:s22+$0x10];
	[tilespmem:s19+$0xFFFFF020] =	vst v22;
	v22 =	vshll.u32 v15, $0x10;
	v15 =	vand.u32 $0xFFFF0000, v15  }
0x308: {  	v27 =	vld [tilespmem:s22+$0xFFFFE020];
	v23 =	vadd.bf16 v24, v23;
	v21 =	vmul.bf16 v21, v10;
	[tilespmem:s19+$0x20] =	vst v13;
	v13 =	vshll.u32 v16, $0x10  }
0x309: {  	v28 =	vshll.u32 v17, $0x10;
	v16 =	vand.u32 $0xFFFF0000, v16;
	v24 =	vmul.bf16 v20, v11;
	v20 =	vld [tilespmem:s22+$0xFFFFF020];
	[tilespmem:s19+$0xFFFFF030] =	vst v12  }
0x30a: {  	v29 =	vld [tilespmem:s22+$0x20];
	v12 =	vadd.bf16 v21, v23;
	[tilespmem:s19+$0x30] =	vst v14;
	v14 =	vand.u32 $0xFFFF0000, v17  }
0x30b: {  	v17 =	vadd.bf16 v18, v19;
	v18 =	vld [tilespmem:s22+$0xFFFFE030];
	[tilespmem:s19+$0xFFFFF040] =	vst v22  }
0x30c: {  	s19 =	sadd.s32 $0x400, s19;
	v19 =	vmul.bf16 v26, v11;
	v21 =	vld [tilespmem:s22+$0xFFFFF030];
	v22 =	vshll.u32 v12, $0x10;
	v12 =	vand.u32 $0xFFFF0000, v12;
	[tilespmem:s20+$0x40] =	vst v15  }
0x30d: {  	v15 =	vld [tilespmem:s22+$0x30];
	[tilespmem:s19+$0x70] =	vst v12  }
0x30e: {  	v12 =	vadd.bf16 v19, v17;
	v17 =	vadd.bf16 v20, v27;
	v19 =	vld [tilespmem:s22+$0xFFFFE040];
	[tilespmem:s20+$0xFFFFF050] =	vst v13  }
0x30f: {  	v13 =	vmul.bf16 v29, v11;
	v20 =	vld [tilespmem:s22+$0xFFFFF040];
	[tilespmem:s20+$0x50] =	vst v16  }
0x310: {  	v16 =	vld [tilespmem:s22+$0x40];
	[tilespmem:s20+$0xFFFFF060] =	vst v28  }
0x311: {  	v13 =	vadd.bf16 v13, v17;
	v17 =	vadd.bf16 v21, v18;
	v18 =	vld [tilespmem:s22+$0xFFFFE050];
	[tilespmem:s20+$0x60] =	vst v14;
	s20 =	smov.u32 s19  }
0x312: {  	v14 =	vmul.bf16 v15, v11;
	v21 =	vld [tilespmem:s22+$0xFFFFF050];
	[tilespmem:s19+$0xFFFFF070] =	vst v22  }
0x313: {  	v22 =	vld [tilespmem:s22+$0x50]  }
0x314: {  	v14 =	vadd.bf16 v14, v17;
	v15 =	vadd.bf16 v20, v19;
	v17 =	vld [tilespmem:s22+$0xFFFFE060]  }
0x315: {  	v16 =	vmul.bf16 v16, v11;
	v19 =	vld [tilespmem:s22+$0xFFFFF060]  }
0x316: {  	v20 =	vld [tilespmem:s22+$0x60]  }
0x317: {  	v23 =	vld [tilespmem:s22+$0xFFFFE000];
	v15 =	vadd.bf16 v16, v15;
	v16 =	vadd.bf16 v21, v18  }
0x318: {  	v18 =	vld [tilespmem:s22+$0x1000];
	v21 =	vmul.bf16 v22, v11  }
0x319: {  	v26 =	vld [tilespmem:s22+$0x1010]  }
.Ltmp9:
0x31a: {  	v22 =	vld [tilespmem:s22+$0x1020];
	v16 =	vadd.bf16 v21, v16;
	v17 =	vadd.bf16 v19, v17;
	(pc) =	sbr.rel @p0 .LBB2_21-.Ltmp9, $4  }
0x31b: {  	v21 =	vld [tilespmem:s22+$0x1030];
	v27 =	vmul.bf16 v20, v11  }
0x31c: {  	v25 =	vadd.bf16 v25, v23;
	v20 =	vld [tilespmem:s22+$0x1040]  }
0x31d: {  	v23 =	vmul.bf16 v18, v10;
	v19 =	vld [tilespmem:s22+$0x1050];
	v17 =	vadd.bf16 v27, v17  }
0x31e: {  	v25 =	vadd.bf16 v24, v25;
	v24 =	vmul.bf16 v26, v10;
	v18 =	vld [tilespmem:s22+$0x1060];
	s22 =	sadd.s32 $0x400, s22  }
0x31f: {  	_ = 	snop  }
0x320: {  	v11 =	vadd.bf16 v23, v25;
	_ =	sdelay $0x1  }
0x321: {  	v22 =	vmul.bf16 v22, v10;
	v12 =	vadd.bf16 v24, v12;
	v23 =	vshll.u32 v11, $0x10  }
0x322: {  	v11 =	vand.u32 $0xFFFF0000, v11;
	[tilespmem:s19+$0xFFFFF000] =	vst v23  }
0x323: {  	v21 =	vmul.bf16 v21, v10;
	v13 =	vadd.bf16 v22, v13;
	[tilespmem:s19+$0x0] =	vst v11;
	v11 =	vshll.u32 v12, $0x10  }
0x324: {  	v12 =	vand.u32 $0xFFFF0000, v12;
	[tilespmem:s19+$0xFFFFF010] =	vst v11  }
0x325: {  	v14 =	vadd.bf16 v21, v14;
	v11 =	vmul.bf16 v20, v10;
	v20 =	vshll.u32 v13, $0x10;
	[tilespmem:s19+$0x10] =	vst v12  }
0x326: {  	v12 =	vand.u32 $0xFFFF0000, v13;
	v13 =	vmul.bf16 v19, v10;
	[tilespmem:s19+$0xFFFFF020] =	vst v20  }
0x327: {  	[tilespmem:s19+$0x20] =	vst v12;
	v12 =	vand.u32 $0xFFFF0000, v14;
	v11 =	vadd.bf16 v11, v15  }
0x328: {  	v10 =	vmul.bf16 v18, v10;
	v15 =	vshll.u32 v14, $0x10;
	v13 =	vadd.bf16 v13, v16;
	[tilespmem:s19+$0x30] =	vst v12  }
0x329: {  	[tilespmem:s19+$0xFFFFF030] =	vst v15;
	v14 =	vshll.u32 v11, $0x10  }
0x32a: {  	v10 =	vadd.bf16 v10, v17;
	v12 =	vshll.u32 v13, $0x10;
	[tilespmem:s19+$0xFFFFF040] =	vst v14  }
0x32b: {  	v11 =	vand.u32 $0xFFFF0000, v11;
	[tilespmem:s20+$0xFFFFF050] =	vst v12  }
0x32c: {  	v12 =	vshll.u32 v10, $0x10;
	[tilespmem:s20+$0x40] =	vst v11  }
0x32d: {  	s23 =	sadd.s32 s4, s13;
	v10 =	vand.u32 $0xFFFF0000, v10;
	[tilespmem:s20+$0xFFFFF060] =	vst v12  }
0x32e: {  	s21 =	sshll.u32 s14, $0x1;
	s19 =	sshll.u32 s23, $0x7;
	v11 =	vand.u32 $0xFFFF0000, v13;
	[tilespmem:s20+$0x60] =	vst v10  }
0x32f: {  	s22 =	smin.u32 s21, $0x7C;
	s19 =	sadd.s32 s1, s19;
	[tilespmem:s20+$0x50] =	vst v11  }
0x330: {  	[hbm4b:s19+s3] =	stream.linear.scatter [tilespmem:s6], [sflag:$0x3], $0x2000, $0x38;
	[tilespmem:$0xE080] =	vst v63  }
0x331: {  	s19 =	sshll.u32 s22, $0x5  }
0x332: {  	v10 =	vld [tilespmem:s19+$0x10C0];
	_ =	sdelay $0x4  }
0x333: {  	v11 =	vshll.u32 v10, $0x2  }
0x334: {  	v10 =	vand.u32 $0x7, v10;
	v11 =	vand.u32 $0xFFFFFFE0, v11  }
0x335: {  	v10 =	vor.u32 v10, v11  }
0x336: {  	v11 =	vperm.xlane v10, v7;
	_ =	sdelay $0x1  }
0x337: {  	v11 =	vadd.s32 v8, v11;
	_ =	sdelay $0x1  }
0x338: {  	v10 =	vperm.xlane v10, v9;
	_ =	sdelay $0x1  }
0x339: {  	s23 =	simm.s32 $0x2080;
	v10 =	vadd.s32 v8, v10  }
0x33a: {  	[tilespmem:s23], [sflag:$0x1] =	stream.indirect_vreg.gather [hbm4b:s5+s3], $0x80, v11, vm0, $0xb8;
	[tilespmem:$0xE080] =	vst v63  }
0x33b: {  	s21 =	simm.s32 $0x2880  }
0x33c: {  	[tilespmem:s21], [sflag:$0x1] =	stream.indirect_vreg.gather [hbm4b:s12+s3], $0x80, v11, vm0, $0xb8;
	[tilespmem:$0xE080] =	vst v63  }
0x33d: {  	s22 =	simm.s32 $0x3080  }
0x33e: {  	[tilespmem:s22], [sflag:$0x1] =	stream.indirect_vreg.gather [hbm4b:s5+s3], $0x80, v10, vm0, $0xb8;
	[tilespmem:$0xE080] =	vst v63  }
0x33f: {  	s23 =	simm.s32 $0x3880  }
0x340: {  	[tilespmem:s23], [sflag:$0x1] =	stream.indirect_vreg.gather [hbm4b:s12+s3], $0x80, v10, vm0, $0xb8;
	[tilespmem:$0xE080] =	vst v63  }
0x341: {  	v10 =	vld [tilespmem:s19+$0x10D0];
	_ =	sdelay $0x4  }
0x342: {  	v11 =	vshll.u32 v10, $0x2  }
0x343: {  	v10 =	vand.u32 $0x7, v10;
	v11 =	vand.u32 $0xFFFFFFE0, v11  }
0x344: {  	v10 =	vor.u32 v10, v11  }
0x345: {  	v11 =	vperm.xlane v10, v7;
	_ =	sdelay $0x1  }
0x346: {  	v11 =	vadd.s32 v8, v11;
	_ =	sdelay $0x1  }
0x347: {  	v10 =	vperm.xlane v10, v9;
	_ =	sdelay $0x1  }
0x348: {  	v10 =	vadd.s32 v8, v10  }
0x349: {  	[tilespmem:s24], [sflag:$0x1] =	stream.indirect_vreg.gather [hbm4b:s5+s3], $0x80, v11, vm0, $0xb8;
	[tilespmem:$0xE080] =	vst v63  }
0x34a: {  	_ = 	snop  }
0x34b: {  	[tilespmem:s25], [sflag:$0x1] =	stream.indirect_vreg.gather [hbm4b:s12+s3], $0x80, v11, vm0, $0xb8;
	[tilespmem:$0xE080] =	vst v63  }
0x34c: {  	_ = 	snop  }
0x34d: {  	[tilespmem:s26], [sflag:$0x1] =	stream.indirect_vreg.gather [hbm4b:s5+s3], $0x80, v10, vm0, $0xb8;
	[tilespmem:$0xE080] =	vst v63  }
0x34e: {  	_ = 	snop  }
0x34f: {  	[tilespmem:s28], [sflag:$0x1] =	stream.indirect_vreg.gather [hbm4b:s12+s3], $0x80, v10, vm0, $0xb8;
	[tilespmem:$0xE080] =	vst v63  }
0x350: {  	_ =	swait.ge [sflag:s10], $0x4000  }
0x351: {  	[sflag:s10] =	ssyncset.done $0x0  }
0x352: {  	[sflag:s10] =	ssyncadd.s32 $0xFFFFC000  }
0x353: {  	_ =	swait.ge [sflag:s11], $0x2000  }
0x354: {  	[sflag:s11] =	ssyncset.done $0x0  }
0x355: {  	[sflag:s11] =	ssyncadd.s32 $0xFFFFE000  }
0x356: {  	s21 =	simm.s32 $0x8080;
	v10 =	vld [tilespmem:s13+$0xC08]  }
0x357: {  	v11 =	vld [tilespmem:s21+$0xFFFFE070]  }
0x358: {  	v13 =	vld [tilespmem:s21+$0xFFFFF070]  }
0x359: {  	v14 =	vld [tilespmem:s21+$0x70]  }
0x35a: {  	v17 =	vld [tilespmem:s21+$0xFFFFF000]  }
0x35b: {  	v15 =	vld [tilespmem:s21+$0x1070]  }
0x35c: {  	v16 =	vld [tilespmem:s21+$0x0]  }
0x35d: {  	v18 =	vld [tilespmem:s21+$0xFFFFE010]  }
0x35e: {  	v19 =	vld [tilespmem:s21+$0xFFFFF010]  }
0x35f: {  	v20 =	vld [tilespmem:s21+$0x10]  }
0x360: {  	v21 =	vld [tilespmem:s21+$0xFFFFE020]  }
0x361: {  	v22 =	vld [tilespmem:s21+$0xFFFFF020]  }
0x362: {  	v23 =	vld [tilespmem:s21+$0x20]  }
0x363: {  	v24 =	vld [tilespmem:s21+$0xFFFFE030]  }
0x364: {  	v26 =	vld [tilespmem:s21+$0xFFFFF030]  }
0x365: {  	v27 =	vld [tilespmem:s21+$0x30];
	v25 =	vbroadcast v10, $0x0  }
0x366: {  	v28 =	vld [tilespmem:s21+$0xFFFFE040]  }
0x367: {  	v29 =	vld [tilespmem:s21+$0xFFFFF040];
	v12 =	vsub.f32 $1.000000000e+00, v25  }
0x368: {  	v30 =	vld [tilespmem:s21+$0x40]  }
0x369: {  	v31 =	vld [tilespmem:s21+$0xFFFFE050];
	v12 =	vpack.i.f32.bf16 v12, v12  }
0x36a: {  	v32 =	vld [tilespmem:s21+$0x50];
	v13 =	vadd.bf16 v13, v11;
	v14 =	vmul.bf16 v14, v12  }
0x36b: {  	v33 =	vld [tilespmem:s21+$0xFFFFE060];
	v11 =	vpack.i.f32.bf16 v25, v25  }
0x36c: {  	v35 =	vld [tilespmem:s21+$0xFFFFF060];
	v13 =	vadd.bf16 v14, v13;
	v14 =	vmul.bf16 v15, v11  }
0x36d: {  	v25 =	vld [tilespmem:s21+$0xFFFFF050]  }
0x36e: {  	v15 =	vmul.bf16 v20, v12;
	v34 =	vadd.bf16 v14, v13;
	v13 =	vadd.bf16 v19, v18;
	v18 =	vld [tilespmem:s21+$0x60]  }
0x36f: {  	v20 =	vadd.bf16 v26, v24;
	v14 =	vadd.bf16 v22, v21;
	v19 =	vmul.bf16 v23, v12;
	v21 =	vld [tilespmem:s21+$0xFFFFE000]  }
0x370: {  	v24 =	vmul.bf16 v30, v12;
	v26 =	vld [tilespmem:s21+$0x1000];
	v22 =	vmul.bf16 v27, v12;
	v23 =	vadd.bf16 v29, v28  }
0x371: {  	v13 =	vadd.bf16 v15, v13;
	v14 =	vadd.bf16 v19, v14;
	v19 =	vld [tilespmem:s21+$0x1010]  }
0x372: {  	v27 =	vmul.bf16 v16, v12;
	v15 =	vadd.bf16 v22, v20;
	v16 =	vadd.bf16 v24, v23;
	v23 =	vld [tilespmem:s21+$0x1020]  }
0x373: {  	v20 =	vadd.bf16 v25, v31;
	v24 =	vmul.bf16 v32, v12;
	v25 =	vadd.bf16 v35, v33;
	v22 =	vld [tilespmem:s21+$0x1030]  }
0x374: {  	s20 =	simm.s32 $0xD080;
	v61 =	vand.u32 $0xFFFF0000, v34;
	v18 =	vmul.bf16 v18, v12;
	v62 =	vadd.bf16 v17, v21;
	v21 =	vld [tilespmem:s21+$0x1040]  }
0x375: {  	s22 =	simm.s32 $0x0;
	v63 =	vshll.u32 v34, $0x10;
	[tilespmem:s20+$0x70] =	vst v61;
	v17 =	vadd.bf16 v24, v20;
	v24 =	vmul.bf16 v26, v11;
	v20 =	vld [tilespmem:s21+$0x1050]  }
0x376: {  	s23 =	simm.s32 $0x8480;
	s13 =	sor.u32 $0x8, s13;
	[tilespmem:s20+$0xFFFFF070] =	vst v63;
	v18 =	vadd.bf16 v18, v25;
	v26 =	vadd.bf16 v27, v62;
	v25 =	vmul.bf16 v19, v11;
	v19 =	vld [tilespmem:s21+$0x1060];
	s21 =	simm.s32 $0xD080  }
.LBB2_23:
0x377: {  	v27 =	vld [tilespmem:s23+$0xFFFFE070];
	v23 =	vmul.bf16 v23, v11  }
0x378: {  	v28 =	vld [tilespmem:s23+$0xFFFFF070];
	v24 =	vadd.bf16 v24, v26;
	v13 =	vadd.bf16 v25, v13;
	v22 =	vmul.bf16 v22, v11  }
0x379: {  	s22 =	sadd.s32 $0x8, s22;
	v25 =	vld [tilespmem:s23+$0x70];
	v14 =	vadd.bf16 v23, v14;
	v21 =	vmul.bf16 v21, v11  }
0x37a: {  	p0 =	slt.u32 s22, $0x18;
	v26 =	vld [tilespmem:s23+$0xFFFFF000];
	v23 =	vshll.u32 v24, $0x10;
	v15 =	vadd.bf16 v22, v15;
	v20 =	vmul.bf16 v20, v11  }
0x37b: {  	v24 =	vand.u32 $0xFFFF0000, v24;
	v22 =	vld [tilespmem:s23+$0x1070];
	[tilespmem:s20+$0xFFFFF000] =	vst v23;
	v16 =	vadd.bf16 v21, v16;
	v19 =	vmul.bf16 v19, v11  }
0x37c: {  	v23 =	vshll.u32 v13, $0x10;
	v13 =	vand.u32 $0xFFFF0000, v13;
	v21 =	vld [tilespmem:s23+$0x0];
	[tilespmem:s20+$0x0] =	vst v24;
	v17 =	vadd.bf16 v20, v17  }
0x37d: {  	v20 =	vld [tilespmem:s23+$0xFFFFE010];
	[tilespmem:s20+$0xFFFFF010] =	vst v23;
	v23 =	vshll.u32 v14, $0x10;
	v14 =	vand.u32 $0xFFFF0000, v14;
	v18 =	vadd.bf16 v19, v18  }
0x37e: {  	v24 =	vadd.bf16 v28, v27;
	v19 =	vld [tilespmem:s23+$0xFFFFF010];
	v25 =	vmul.bf16 v25, v12;
	[tilespmem:s20+$0x10] =	vst v13;
	v13 =	vshll.u32 v15, $0x10  }
0x37f: {  	v15 =	vand.u32 $0xFFFF0000, v15;
	v27 =	vld [tilespmem:s23+$0x10];
	[tilespmem:s20+$0xFFFFF020] =	vst v23;
	v23 =	vshll.u32 v16, $0x10;
	v16 =	vand.u32 $0xFFFF0000, v16  }
0x380: {  	v28 =	vld [tilespmem:s23+$0xFFFFE020];
	v24 =	vadd.bf16 v25, v24;
	v22 =	vmul.bf16 v22, v11;
	[tilespmem:s20+$0x20] =	vst v14;
	v14 =	vshll.u32 v17, $0x10  }
0x381: {  	v29 =	vshll.u32 v18, $0x10;
	v17 =	vand.u32 $0xFFFF0000, v17;
	v25 =	vmul.bf16 v21, v12;
	v21 =	vld [tilespmem:s23+$0xFFFFF020];
	[tilespmem:s20+$0xFFFFF030] =	vst v13  }
0x382: {  	v30 =	vld [tilespmem:s23+$0x20];
	v13 =	vadd.bf16 v22, v24;
	[tilespmem:s20+$0x30] =	vst v15;
	v15 =	vand.u32 $0xFFFF0000, v18  }
0x383: {  	v18 =	vadd.bf16 v19, v20;
	v19 =	vld [tilespmem:s23+$0xFFFFE030];
	[tilespmem:s20+$0xFFFFF040] =	vst v23  }
0x384: {  	s20 =	sadd.s32 $0x400, s20;
	v20 =	vmul.bf16 v27, v12;
	v22 =	vld [tilespmem:s23+$0xFFFFF030];
	v23 =	vshll.u32 v13, $0x10;
	v13 =	vand.u32 $0xFFFF0000, v13;
	[tilespmem:s21+$0x40] =	vst v16  }
0x385: {  	v16 =	vld [tilespmem:s23+$0x30];
	[tilespmem:s20+$0x70] =	vst v13  }
0x386: {  	v13 =	vadd.bf16 v20, v18;
	v18 =	vadd.bf16 v21, v28;
	v20 =	vld [tilespmem:s23+$0xFFFFE040];
	[tilespmem:s21+$0xFFFFF050] =	vst v14  }
0x387: {  	v14 =	vmul.bf16 v30, v12;
	v21 =	vld [tilespmem:s23+$0xFFFFF040];
	[tilespmem:s21+$0x50] =	vst v17  }
0x388: {  	v17 =	vld [tilespmem:s23+$0x40];
	[tilespmem:s21+$0xFFFFF060] =	vst v29  }
0x389: {  	v14 =	vadd.bf16 v14, v18;
	v18 =	vadd.bf16 v22, v19;
	v19 =	vld [tilespmem:s23+$0xFFFFE050];
	[tilespmem:s21+$0x60] =	vst v15;
	s21 =	smov.u32 s20  }
0x38a: {  	v15 =	vmul.bf16 v16, v12;
	v22 =	vld [tilespmem:s23+$0xFFFFF050];
	[tilespmem:s20+$0xFFFFF070] =	vst v23  }
0x38b: {  	v23 =	vld [tilespmem:s23+$0x50]  }
0x38c: {  	v15 =	vadd.bf16 v15, v18;
	v16 =	vadd.bf16 v21, v20;
	v18 =	vld [tilespmem:s23+$0xFFFFE060]  }
0x38d: {  	v17 =	vmul.bf16 v17, v12;
	v20 =	vld [tilespmem:s23+$0xFFFFF060]  }
0x38e: {  	v21 =	vld [tilespmem:s23+$0x60]  }
0x38f: {  	v24 =	vld [tilespmem:s23+$0xFFFFE000];
	v16 =	vadd.bf16 v17, v16;
	v17 =	vadd.bf16 v22, v19  }
0x390: {  	v19 =	vld [tilespmem:s23+$0x1000];
	v22 =	vmul.bf16 v23, v12  }
0x391: {  	v27 =	vld [tilespmem:s23+$0x1010]  }
.Ltmp10:
0x392: {  	v23 =	vld [tilespmem:s23+$0x1020];
	v17 =	vadd.bf16 v22, v17;
	v18 =	vadd.bf16 v20, v18;
	(pc) =	sbr.rel @p0 .LBB2_23-.Ltmp10, $4  }
0x393: {  	v22 =	vld [tilespmem:s23+$0x1030];
	v28 =	vmul.bf16 v21, v12  }
0x394: {  	v26 =	vadd.bf16 v26, v24;
	v21 =	vld [tilespmem:s23+$0x1040]  }
0x395: {  	v24 =	vmul.bf16 v19, v11;
	v20 =	vld [tilespmem:s23+$0x1050];
	v18 =	vadd.bf16 v28, v18  }
0x396: {  	v26 =	vadd.bf16 v25, v26;
	v25 =	vmul.bf16 v27, v11;
	v19 =	vld [tilespmem:s23+$0x1060];
	s23 =	sadd.s32 $0x400, s23  }
0x397: {  	_ = 	snop  }
0x398: {  	v12 =	vadd.bf16 v24, v26;
	_ =	sdelay $0x1  }
0x399: {  	v23 =	vmul.bf16 v23, v11;
	v13 =	vadd.bf16 v25, v13;
	v24 =	vshll.u32 v12, $0x10  }
0x39a: {  	v12 =	vand.u32 $0xFFFF0000, v12;
	[tilespmem:s20+$0xFFFFF000] =	vst v24  }
0x39b: {  	v22 =	vmul.bf16 v22, v11;
	v14 =	vadd.bf16 v23, v14;
	[tilespmem:s20+$0x0] =	vst v12;
	v12 =	vshll.u32 v13, $0x10  }
0x39c: {  	v13 =	vand.u32 $0xFFFF0000, v13;
	[tilespmem:s20+$0xFFFFF010] =	vst v12  }
0x39d: {  	v15 =	vadd.bf16 v22, v15;
	v12 =	vmul.bf16 v21, v11;
	v21 =	vshll.u32 v14, $0x10;
	[tilespmem:s20+$0x10] =	vst v13  }
0x39e: {  	v13 =	vand.u32 $0xFFFF0000, v14;
	v14 =	vmul.bf16 v20, v11;
	[tilespmem:s20+$0xFFFFF020] =	vst v21  }
0x39f: {  	[tilespmem:s20+$0x20] =	vst v13;
	v13 =	vand.u32 $0xFFFF0000, v15;
	v12 =	vadd.bf16 v12, v16  }
0x3a0: {  	v11 =	vmul.bf16 v19, v11;
	v16 =	vshll.u32 v15, $0x10;
	v14 =	vadd.bf16 v14, v17;
	[tilespmem:s20+$0x30] =	vst v13  }
0x3a1: {  	[tilespmem:s20+$0xFFFFF030] =	vst v16;
	v15 =	vshll.u32 v12, $0x10  }
0x3a2: {  	v11 =	vadd.bf16 v11, v18;
	v13 =	vshll.u32 v14, $0x10;
	[tilespmem:s20+$0xFFFFF040] =	vst v15  }
0x3a3: {  	v12 =	vand.u32 $0xFFFF0000, v12;
	[tilespmem:s21+$0xFFFFF050] =	vst v13  }
0x3a4: {  	v13 =	vshll.u32 v11, $0x10;
	[tilespmem:s21+$0x40] =	vst v12  }
0x3a5: {  	v11 =	vand.u32 $0xFFFF0000, v11;
	[tilespmem:s21+$0xFFFFF060] =	vst v13  }
0x3a6: {  	v12 =	vand.u32 $0xFFFF0000, v14;
	[tilespmem:s21+$0x60] =	vst v11  }
0x3a7: {  	s23 =	simm.s32 $0x8100;
	[tilespmem:s21+$0x50] =	vst v12  }
0x3a8: {  	v11 =	vld [tilespmem:s23+$0xFFFFE070]  }
0x3a9: {  	v13 =	vld [tilespmem:s23+$0xFFFFF070]  }
0x3aa: {  	v14 =	vld [tilespmem:s23+$0x70]  }
0x3ab: {  	v17 =	vld [tilespmem:s23+$0xFFFFF000]  }
0x3ac: {  	v15 =	vld [tilespmem:s23+$0x1070]  }
0x3ad: {  	v16 =	vld [tilespmem:s23+$0x0]  }
0x3ae: {  	v18 =	vld [tilespmem:s23+$0xFFFFE010]  }
0x3af: {  	v19 =	vld [tilespmem:s23+$0xFFFFF010]  }
0x3b0: {  	v20 =	vld [tilespmem:s23+$0x10]  }
0x3b1: {  	v21 =	vld [tilespmem:s23+$0xFFFFE020]  }
0x3b2: {  	v22 =	vld [tilespmem:s23+$0xFFFFF020]  }
0x3b3: {  	v23 =	vld [tilespmem:s23+$0x20]  }
0x3b4: {  	v24 =	vld [tilespmem:s23+$0xFFFFE030]  }
0x3b5: {  	v26 =	vld [tilespmem:s23+$0xFFFFF030]  }
0x3b6: {  	v25 =	vbroadcast v10, $0x1;
	v27 =	vld [tilespmem:s23+$0x30]  }
0x3b7: {  	v28 =	vld [tilespmem:s23+$0xFFFFE040]  }
0x3b8: {  	v12 =	vsub.f32 $1.000000000e+00, v25;
	v29 =	vld [tilespmem:s23+$0xFFFFF040]  }
0x3b9: {  	v30 =	vld [tilespmem:s23+$0x40]  }
0x3ba: {  	v31 =	vld [tilespmem:s23+$0xFFFFE050];
	v12 =	vpack.i.f32.bf16 v12, v12  }
0x3bb: {  	v32 =	vld [tilespmem:s23+$0x50];
	v13 =	vadd.bf16 v13, v11;
	v14 =	vmul.bf16 v14, v12  }
0x3bc: {  	v33 =	vld [tilespmem:s23+$0xFFFFE060];
	v11 =	vpack.i.f32.bf16 v25, v25  }
0x3bd: {  	v35 =	vld [tilespmem:s23+$0xFFFFF060];
	v13 =	vadd.bf16 v14, v13;
	v14 =	vmul.bf16 v15, v11  }
0x3be: {  	v25 =	vld [tilespmem:s23+$0xFFFFF050]  }
0x3bf: {  	v15 =	vmul.bf16 v20, v12;
	v34 =	vadd.bf16 v14, v13;
	v13 =	vadd.bf16 v19, v18;
	v18 =	vld [tilespmem:s23+$0x60]  }
0x3c0: {  	v20 =	vadd.bf16 v26, v24;
	v14 =	vadd.bf16 v22, v21;
	v19 =	vmul.bf16 v23, v12;
	v21 =	vld [tilespmem:s23+$0xFFFFE000]  }
0x3c1: {  	v24 =	vmul.bf16 v30, v12;
	v26 =	vld [tilespmem:s23+$0x1000];
	v22 =	vmul.bf16 v27, v12;
	v23 =	vadd.bf16 v29, v28  }
0x3c2: {  	v13 =	vadd.bf16 v15, v13;
	v14 =	vadd.bf16 v19, v14;
	v19 =	vld [tilespmem:s23+$0x1010]  }
0x3c3: {  	v27 =	vmul.bf16 v16, v12;
	v15 =	vadd.bf16 v22, v20;
	v16 =	vadd.bf16 v24, v23;
	v23 =	vld [tilespmem:s23+$0x1020]  }
0x3c4: {  	v20 =	vadd.bf16 v25, v31;
	v24 =	vmul.bf16 v32, v12;
	v25 =	vadd.bf16 v35, v33;
	v22 =	vld [tilespmem:s23+$0x1030]  }
0x3c5: {  	s20 =	simm.s32 $0xD100;
	v61 =	vand.u32 $0xFFFF0000, v34;
	v18 =	vmul.bf16 v18, v12;
	v62 =	vadd.bf16 v17, v21;
	v21 =	vld [tilespmem:s23+$0x1040]  }
0x3c6: {  	v63 =	vshll.u32 v34, $0x10;
	[tilespmem:s20+$0x70] =	vst v61;
	v17 =	vadd.bf16 v24, v20;
	v24 =	vmul.bf16 v26, v11;
	v20 =	vld [tilespmem:s23+$0x1050]  }
0x3c7: {  	s22 =	simm.s32 $0x0;
	s21 =	simm.s32 $0xD100;
	[tilespmem:s20+$0xFFFFF070] =	vst v63;
	v18 =	vadd.bf16 v18, v25;
	v26 =	vadd.bf16 v27, v62;
	v25 =	vmul.bf16 v19, v11;
	v19 =	vld [tilespmem:s23+$0x1060];
	s23 =	simm.s32 $0x8500  }
.LBB2_25:
0x3c8: {  	v27 =	vld [tilespmem:s23+$0xFFFFE070];
	v23 =	vmul.bf16 v23, v11  }
0x3c9: {  	v28 =	vld [tilespmem:s23+$0xFFFFF070];
	v24 =	vadd.bf16 v24, v26;
	v13 =	vadd.bf16 v25, v13;
	v22 =	vmul.bf16 v22, v11  }
0x3ca: {  	s22 =	sadd.s32 $0x8, s22;
	v25 =	vld [tilespmem:s23+$0x70];
	v14 =	vadd.bf16 v23, v14;
	v21 =	vmul.bf16 v21, v11  }
0x3cb: {  	p0 =	slt.u32 s22, $0x18;
	v26 =	vld [tilespmem:s23+$0xFFFFF000];
	v23 =	vshll.u32 v24, $0x10;
	v15 =	vadd.bf16 v22, v15;
	v20 =	vmul.bf16 v20, v11  }
0x3cc: {  	v24 =	vand.u32 $0xFFFF0000, v24;
	v22 =	vld [tilespmem:s23+$0x1070];
	[tilespmem:s20+$0xFFFFF000] =	vst v23;
	v16 =	vadd.bf16 v21, v16;
	v19 =	vmul.bf16 v19, v11  }
0x3cd: {  	v23 =	vshll.u32 v13, $0x10;
	v13 =	vand.u32 $0xFFFF0000, v13;
	v21 =	vld [tilespmem:s23+$0x0];
	[tilespmem:s20+$0x0] =	vst v24;
	v17 =	vadd.bf16 v20, v17  }
0x3ce: {  	v20 =	vld [tilespmem:s23+$0xFFFFE010];
	[tilespmem:s20+$0xFFFFF010] =	vst v23;
	v23 =	vshll.u32 v14, $0x10;
	v14 =	vand.u32 $0xFFFF0000, v14;
	v18 =	vadd.bf16 v19, v18  }
0x3cf: {  	v24 =	vadd.bf16 v28, v27;
	v19 =	vld [tilespmem:s23+$0xFFFFF010];
	v25 =	vmul.bf16 v25, v12;
	[tilespmem:s20+$0x10] =	vst v13;
	v13 =	vshll.u32 v15, $0x10  }
0x3d0: {  	v15 =	vand.u32 $0xFFFF0000, v15;
	v27 =	vld [tilespmem:s23+$0x10];
	[tilespmem:s20+$0xFFFFF020] =	vst v23;
	v23 =	vshll.u32 v16, $0x10;
	v16 =	vand.u32 $0xFFFF0000, v16  }
0x3d1: {  	v28 =	vld [tilespmem:s23+$0xFFFFE020];
	v24 =	vadd.bf16 v25, v24;
	v22 =	vmul.bf16 v22, v11;
	[tilespmem:s20+$0x20] =	vst v14;
	v14 =	vshll.u32 v17, $0x10  }
0x3d2: {  	v29 =	vshll.u32 v18, $0x10;
	v17 =	vand.u32 $0xFFFF0000, v17;
	v25 =	vmul.bf16 v21, v12;
	v21 =	vld [tilespmem:s23+$0xFFFFF020];
	[tilespmem:s20+$0xFFFFF030] =	vst v13  }
0x3d3: {  	v30 =	vld [tilespmem:s23+$0x20];
	v13 =	vadd.bf16 v22, v24;
	[tilespmem:s20+$0x30] =	vst v15;
	v15 =	vand.u32 $0xFFFF0000, v18  }
0x3d4: {  	v18 =	vadd.bf16 v19, v20;
	v19 =	vld [tilespmem:s23+$0xFFFFE030];
	[tilespmem:s20+$0xFFFFF040] =	vst v23  }
0x3d5: {  	s20 =	sadd.s32 $0x400, s20;
	v20 =	vmul.bf16 v27, v12;
	v22 =	vld [tilespmem:s23+$0xFFFFF030];
	v23 =	vshll.u32 v13, $0x10;
	v13 =	vand.u32 $0xFFFF0000, v13;
	[tilespmem:s21+$0x40] =	vst v16  }
0x3d6: {  	v16 =	vld [tilespmem:s23+$0x30];
	[tilespmem:s20+$0x70] =	vst v13  }
0x3d7: {  	v13 =	vadd.bf16 v20, v18;
	v18 =	vadd.bf16 v21, v28;
	v20 =	vld [tilespmem:s23+$0xFFFFE040];
	[tilespmem:s21+$0xFFFFF050] =	vst v14  }
0x3d8: {  	v14 =	vmul.bf16 v30, v12;
	v21 =	vld [tilespmem:s23+$0xFFFFF040];
	[tilespmem:s21+$0x50] =	vst v17  }
0x3d9: {  	v17 =	vld [tilespmem:s23+$0x40];
	[tilespmem:s21+$0xFFFFF060] =	vst v29  }
0x3da: {  	v14 =	vadd.bf16 v14, v18;
	v18 =	vadd.bf16 v22, v19;
	v19 =	vld [tilespmem:s23+$0xFFFFE050];
	[tilespmem:s21+$0x60] =	vst v15;
	s21 =	smov.u32 s20  }
0x3db: {  	v15 =	vmul.bf16 v16, v12;
	v22 =	vld [tilespmem:s23+$0xFFFFF050];
	[tilespmem:s20+$0xFFFFF070] =	vst v23  }
0x3dc: {  	v23 =	vld [tilespmem:s23+$0x50]  }
0x3dd: {  	v15 =	vadd.bf16 v15, v18;
	v16 =	vadd.bf16 v21, v20;
	v18 =	vld [tilespmem:s23+$0xFFFFE060]  }
0x3de: {  	v17 =	vmul.bf16 v17, v12;
	v20 =	vld [tilespmem:s23+$0xFFFFF060]  }
0x3df: {  	v21 =	vld [tilespmem:s23+$0x60]  }
0x3e0: {  	v24 =	vld [tilespmem:s23+$0xFFFFE000];
	v16 =	vadd.bf16 v17, v16;
	v17 =	vadd.bf16 v22, v19  }
0x3e1: {  	v19 =	vld [tilespmem:s23+$0x1000];
	v22 =	vmul.bf16 v23, v12  }
0x3e2: {  	v27 =	vld [tilespmem:s23+$0x1010]  }
.Ltmp11:
0x3e3: {  	v23 =	vld [tilespmem:s23+$0x1020];
	v17 =	vadd.bf16 v22, v17;
	v18 =	vadd.bf16 v20, v18;
	(pc) =	sbr.rel @p0 .LBB2_25-.Ltmp11, $4  }
0x3e4: {  	v22 =	vld [tilespmem:s23+$0x1030];
	v28 =	vmul.bf16 v21, v12  }
0x3e5: {  	v26 =	vadd.bf16 v26, v24;
	v21 =	vld [tilespmem:s23+$0x1040]  }
0x3e6: {  	v24 =	vmul.bf16 v19, v11;
	v20 =	vld [tilespmem:s23+$0x1050];
	v18 =	vadd.bf16 v28, v18  }
0x3e7: {  	v26 =	vadd.bf16 v25, v26;
	v25 =	vmul.bf16 v27, v11;
	v19 =	vld [tilespmem:s23+$0x1060];
	s23 =	sadd.s32 $0x400, s23  }
0x3e8: {  	_ = 	snop  }
0x3e9: {  	v12 =	vadd.bf16 v24, v26;
	_ =	sdelay $0x1  }
0x3ea: {  	v23 =	vmul.bf16 v23, v11;
	v13 =	vadd.bf16 v25, v13;
	v24 =	vshll.u32 v12, $0x10  }
0x3eb: {  	v12 =	vand.u32 $0xFFFF0000, v12;
	[tilespmem:s20+$0xFFFFF000] =	vst v24  }
0x3ec: {  	v22 =	vmul.bf16 v22, v11;
	v14 =	vadd.bf16 v23, v14;
	[tilespmem:s20+$0x0] =	vst v12;
	v12 =	vshll.u32 v13, $0x10  }
0x3ed: {  	v13 =	vand.u32 $0xFFFF0000, v13;
	[tilespmem:s20+$0xFFFFF010] =	vst v12  }
0x3ee: {  	v15 =	vadd.bf16 v22, v15;
	v12 =	vmul.bf16 v21, v11;
	v21 =	vshll.u32 v14, $0x10;
	[tilespmem:s20+$0x10] =	vst v13  }
0x3ef: {  	v13 =	vand.u32 $0xFFFF0000, v14;
	v14 =	vmul.bf16 v20, v11;
	[tilespmem:s20+$0xFFFFF020] =	vst v21  }
0x3f0: {  	[tilespmem:s20+$0x20] =	vst v13;
	v13 =	vand.u32 $0xFFFF0000, v15;
	v12 =	vadd.bf16 v12, v16  }
0x3f1: {  	v11 =	vmul.bf16 v19, v11;
	v16 =	vshll.u32 v15, $0x10;
	v14 =	vadd.bf16 v14, v17;
	[tilespmem:s20+$0x30] =	vst v13  }
0x3f2: {  	[tilespmem:s20+$0xFFFFF030] =	vst v16;
	v15 =	vshll.u32 v12, $0x10  }
0x3f3: {  	v11 =	vadd.bf16 v11, v18;
	v13 =	vshll.u32 v14, $0x10;
	[tilespmem:s20+$0xFFFFF040] =	vst v15  }
0x3f4: {  	v12 =	vand.u32 $0xFFFF0000, v12;
	[tilespmem:s21+$0xFFFFF050] =	vst v13  }
0x3f5: {  	v13 =	vshll.u32 v11, $0x10;
	[tilespmem:s21+$0x40] =	vst v12  }
0x3f6: {  	v11 =	vand.u32 $0xFFFF0000, v11;
	[tilespmem:s21+$0xFFFFF060] =	vst v13  }
0x3f7: {  	v12 =	vand.u32 $0xFFFF0000, v14;
	[tilespmem:s21+$0x60] =	vst v11  }
0x3f8: {  	s23 =	simm.s32 $0x8180;
	[tilespmem:s21+$0x50] =	vst v12  }
0x3f9: {  	v11 =	vld [tilespmem:s23+$0xFFFFE070]  }
0x3fa: {  	v13 =	vld [tilespmem:s23+$0xFFFFF070]  }
0x3fb: {  	v14 =	vld [tilespmem:s23+$0x70]  }
0x3fc: {  	v17 =	vld [tilespmem:s23+$0xFFFFF000]  }
0x3fd: {  	v15 =	vld [tilespmem:s23+$0x1070]  }
0x3fe: {  	v16 =	vld [tilespmem:s23+$0x0]  }
0x3ff: {  	v18 =	vld [tilespmem:s23+$0xFFFFE010]  }
0x400: {  	v19 =	vld [tilespmem:s23+$0xFFFFF010]  }
0x401: {  	v20 =	vld [tilespmem:s23+$0x10]  }
0x402: {  	v21 =	vld [tilespmem:s23+$0xFFFFE020]  }
0x403: {  	v22 =	vld [tilespmem:s23+$0xFFFFF020]  }
0x404: {  	v23 =	vld [tilespmem:s23+$0x20]  }
0x405: {  	v24 =	vld [tilespmem:s23+$0xFFFFE030]  }
0x406: {  	v26 =	vld [tilespmem:s23+$0xFFFFF030]  }
0x407: {  	v25 =	vbroadcast v10, $0x2;
	v27 =	vld [tilespmem:s23+$0x30]  }
0x408: {  	v28 =	vld [tilespmem:s23+$0xFFFFE040]  }
0x409: {  	v12 =	vsub.f32 $1.000000000e+00, v25;
	v29 =	vld [tilespmem:s23+$0xFFFFF040]  }
0x40a: {  	v30 =	vld [tilespmem:s23+$0x40]  }
0x40b: {  	v31 =	vld [tilespmem:s23+$0xFFFFE050];
	v12 =	vpack.i.f32.bf16 v12, v12  }
0x40c: {  	v32 =	vld [tilespmem:s23+$0x50];
	v13 =	vadd.bf16 v13, v11;
	v14 =	vmul.bf16 v14, v12  }
0x40d: {  	v33 =	vld [tilespmem:s23+$0xFFFFE060];
	v11 =	vpack.i.f32.bf16 v25, v25  }
0x40e: {  	v35 =	vld [tilespmem:s23+$0xFFFFF060];
	v13 =	vadd.bf16 v14, v13;
	v14 =	vmul.bf16 v15, v11  }
0x40f: {  	v25 =	vld [tilespmem:s23+$0xFFFFF050]  }
0x410: {  	v15 =	vmul.bf16 v20, v12;
	v34 =	vadd.bf16 v14, v13;
	v13 =	vadd.bf16 v19, v18;
	v18 =	vld [tilespmem:s23+$0x60]  }
0x411: {  	v20 =	vadd.bf16 v26, v24;
	v14 =	vadd.bf16 v22, v21;
	v19 =	vmul.bf16 v23, v12;
	v21 =	vld [tilespmem:s23+$0xFFFFE000]  }
0x412: {  	v24 =	vmul.bf16 v30, v12;
	v26 =	vld [tilespmem:s23+$0x1000];
	v22 =	vmul.bf16 v27, v12;
	v23 =	vadd.bf16 v29, v28  }
0x413: {  	v13 =	vadd.bf16 v15, v13;
	v14 =	vadd.bf16 v19, v14;
	v19 =	vld [tilespmem:s23+$0x1010]  }
0x414: {  	v27 =	vmul.bf16 v16, v12;
	v15 =	vadd.bf16 v22, v20;
	v16 =	vadd.bf16 v24, v23;
	v23 =	vld [tilespmem:s23+$0x1020]  }
0x415: {  	v20 =	vadd.bf16 v25, v31;
	v24 =	vmul.bf16 v32, v12;
	v25 =	vadd.bf16 v35, v33;
	v22 =	vld [tilespmem:s23+$0x1030]  }
0x416: {  	s20 =	simm.s32 $0xD180;
	v61 =	vand.u32 $0xFFFF0000, v34;
	v18 =	vmul.bf16 v18, v12;
	v62 =	vadd.bf16 v17, v21;
	v21 =	vld [tilespmem:s23+$0x1040]  }
0x417: {  	v63 =	vshll.u32 v34, $0x10;
	[tilespmem:s20+$0x70] =	vst v61;
	v17 =	vadd.bf16 v24, v20;
	v24 =	vmul.bf16 v26, v11;
	v20 =	vld [tilespmem:s23+$0x1050]  }
0x418: {  	s22 =	simm.s32 $0x0;
	s21 =	simm.s32 $0xD180;
	[tilespmem:s20+$0xFFFFF070] =	vst v63;
	v18 =	vadd.bf16 v18, v25;
	v26 =	vadd.bf16 v27, v62;
	v25 =	vmul.bf16 v19, v11;
	v19 =	vld [tilespmem:s23+$0x1060];
	s23 =	simm.s32 $0x8580  }
.LBB2_27:
0x419: {  	v27 =	vld [tilespmem:s23+$0xFFFFE070];
	v23 =	vmul.bf16 v23, v11  }
0x41a: {  	v28 =	vld [tilespmem:s23+$0xFFFFF070];
	v24 =	vadd.bf16 v24, v26;
	v13 =	vadd.bf16 v25, v13;
	v22 =	vmul.bf16 v22, v11  }
0x41b: {  	s22 =	sadd.s32 $0x8, s22;
	v25 =	vld [tilespmem:s23+$0x70];
	v14 =	vadd.bf16 v23, v14;
	v21 =	vmul.bf16 v21, v11  }
0x41c: {  	p0 =	slt.u32 s22, $0x18;
	v26 =	vld [tilespmem:s23+$0xFFFFF000];
	v23 =	vshll.u32 v24, $0x10;
	v15 =	vadd.bf16 v22, v15;
	v20 =	vmul.bf16 v20, v11  }
0x41d: {  	v24 =	vand.u32 $0xFFFF0000, v24;
	v22 =	vld [tilespmem:s23+$0x1070];
	[tilespmem:s20+$0xFFFFF000] =	vst v23;
	v16 =	vadd.bf16 v21, v16;
	v19 =	vmul.bf16 v19, v11  }
0x41e: {  	v23 =	vshll.u32 v13, $0x10;
	v13 =	vand.u32 $0xFFFF0000, v13;
	v21 =	vld [tilespmem:s23+$0x0];
	[tilespmem:s20+$0x0] =	vst v24;
	v17 =	vadd.bf16 v20, v17  }
0x41f: {  	v20 =	vld [tilespmem:s23+$0xFFFFE010];
	[tilespmem:s20+$0xFFFFF010] =	vst v23;
	v23 =	vshll.u32 v14, $0x10;
	v14 =	vand.u32 $0xFFFF0000, v14;
	v18 =	vadd.bf16 v19, v18  }
0x420: {  	v24 =	vadd.bf16 v28, v27;
	v19 =	vld [tilespmem:s23+$0xFFFFF010];
	v25 =	vmul.bf16 v25, v12;
	[tilespmem:s20+$0x10] =	vst v13;
	v13 =	vshll.u32 v15, $0x10  }
0x421: {  	v15 =	vand.u32 $0xFFFF0000, v15;
	v27 =	vld [tilespmem:s23+$0x10];
	[tilespmem:s20+$0xFFFFF020] =	vst v23;
	v23 =	vshll.u32 v16, $0x10;
	v16 =	vand.u32 $0xFFFF0000, v16  }
0x422: {  	v28 =	vld [tilespmem:s23+$0xFFFFE020];
	v24 =	vadd.bf16 v25, v24;
	v22 =	vmul.bf16 v22, v11;
	[tilespmem:s20+$0x20] =	vst v14;
	v14 =	vshll.u32 v17, $0x10  }
0x423: {  	v29 =	vshll.u32 v18, $0x10;
	v17 =	vand.u32 $0xFFFF0000, v17;
	v25 =	vmul.bf16 v21, v12;
	v21 =	vld [tilespmem:s23+$0xFFFFF020];
	[tilespmem:s20+$0xFFFFF030] =	vst v13  }
0x424: {  	v30 =	vld [tilespmem:s23+$0x20];
	v13 =	vadd.bf16 v22, v24;
	[tilespmem:s20+$0x30] =	vst v15;
	v15 =	vand.u32 $0xFFFF0000, v18  }
0x425: {  	v18 =	vadd.bf16 v19, v20;
	v19 =	vld [tilespmem:s23+$0xFFFFE030];
	[tilespmem:s20+$0xFFFFF040] =	vst v23  }
0x426: {  	s20 =	sadd.s32 $0x400, s20;
	v20 =	vmul.bf16 v27, v12;
	v22 =	vld [tilespmem:s23+$0xFFFFF030];
	v23 =	vshll.u32 v13, $0x10;
	v13 =	vand.u32 $0xFFFF0000, v13;
	[tilespmem:s21+$0x40] =	vst v16  }
0x427: {  	v16 =	vld [tilespmem:s23+$0x30];
	[tilespmem:s20+$0x70] =	vst v13  }
0x428: {  	v13 =	vadd.bf16 v20, v18;
	v18 =	vadd.bf16 v21, v28;
	v20 =	vld [tilespmem:s23+$0xFFFFE040];
	[tilespmem:s21+$0xFFFFF050] =	vst v14  }
0x429: {  	v14 =	vmul.bf16 v30, v12;
	v21 =	vld [tilespmem:s23+$0xFFFFF040];
	[tilespmem:s21+$0x50] =	vst v17  }
0x42a: {  	v17 =	vld [tilespmem:s23+$0x40];
	[tilespmem:s21+$0xFFFFF060] =	vst v29  }
0x42b: {  	v14 =	vadd.bf16 v14, v18;
	v18 =	vadd.bf16 v22, v19;
	v19 =	vld [tilespmem:s23+$0xFFFFE050];
	[tilespmem:s21+$0x60] =	vst v15;
	s21 =	smov.u32 s20  }
0x42c: {  	v15 =	vmul.bf16 v16, v12;
	v22 =	vld [tilespmem:s23+$0xFFFFF050];
	[tilespmem:s20+$0xFFFFF070] =	vst v23  }
0x42d: {  	v23 =	vld [tilespmem:s23+$0x50]  }
0x42e: {  	v15 =	vadd.bf16 v15, v18;
	v16 =	vadd.bf16 v21, v20;
	v18 =	vld [tilespmem:s23+$0xFFFFE060]  }
0x42f: {  	v17 =	vmul.bf16 v17, v12;
	v20 =	vld [tilespmem:s23+$0xFFFFF060]  }
0x430: {  	v21 =	vld [tilespmem:s23+$0x60]  }
0x431: {  	v24 =	vld [tilespmem:s23+$0xFFFFE000];
	v16 =	vadd.bf16 v17, v16;
	v17 =	vadd.bf16 v22, v19  }
0x432: {  	v19 =	vld [tilespmem:s23+$0x1000];
	v22 =	vmul.bf16 v23, v12  }
0x433: {  	v27 =	vld [tilespmem:s23+$0x1010]  }
.Ltmp12:
0x434: {  	v23 =	vld [tilespmem:s23+$0x1020];
	v17 =	vadd.bf16 v22, v17;
	v18 =	vadd.bf16 v20, v18;
	(pc) =	sbr.rel @p0 .LBB2_27-.Ltmp12, $4  }
0x435: {  	v22 =	vld [tilespmem:s23+$0x1030];
	v28 =	vmul.bf16 v21, v12  }
0x436: {  	v26 =	vadd.bf16 v26, v24;
	v21 =	vld [tilespmem:s23+$0x1040]  }
0x437: {  	v24 =	vmul.bf16 v19, v11;
	v20 =	vld [tilespmem:s23+$0x1050];
	v18 =	vadd.bf16 v28, v18  }
0x438: {  	v26 =	vadd.bf16 v25, v26;
	v25 =	vmul.bf16 v27, v11;
	v19 =	vld [tilespmem:s23+$0x1060];
	s23 =	sadd.s32 $0x400, s23  }
0x439: {  	_ = 	snop  }
0x43a: {  	v12 =	vadd.bf16 v24, v26;
	_ =	sdelay $0x1  }
0x43b: {  	v23 =	vmul.bf16 v23, v11;
	v13 =	vadd.bf16 v25, v13;
	v24 =	vshll.u32 v12, $0x10  }
0x43c: {  	v12 =	vand.u32 $0xFFFF0000, v12;
	[tilespmem:s20+$0xFFFFF000] =	vst v24  }
0x43d: {  	v22 =	vmul.bf16 v22, v11;
	v14 =	vadd.bf16 v23, v14;
	[tilespmem:s20+$0x0] =	vst v12;
	v12 =	vshll.u32 v13, $0x10  }
0x43e: {  	v13 =	vand.u32 $0xFFFF0000, v13;
	[tilespmem:s20+$0xFFFFF010] =	vst v12  }
0x43f: {  	v15 =	vadd.bf16 v22, v15;
	v12 =	vmul.bf16 v21, v11;
	v21 =	vshll.u32 v14, $0x10;
	[tilespmem:s20+$0x10] =	vst v13  }
0x440: {  	v13 =	vand.u32 $0xFFFF0000, v14;
	v14 =	vmul.bf16 v20, v11;
	[tilespmem:s20+$0xFFFFF020] =	vst v21  }
0x441: {  	[tilespmem:s20+$0x20] =	vst v13;
	v13 =	vand.u32 $0xFFFF0000, v15;
	v12 =	vadd.bf16 v12, v16  }
0x442: {  	v11 =	vmul.bf16 v19, v11;
	v16 =	vshll.u32 v15, $0x10;
	v14 =	vadd.bf16 v14, v17;
	[tilespmem:s20+$0x30] =	vst v13  }
0x443: {  	[tilespmem:s20+$0xFFFFF030] =	vst v16;
	v15 =	vshll.u32 v12, $0x10  }
0x444: {  	v11 =	vadd.bf16 v11, v18;
	v13 =	vshll.u32 v14, $0x10;
	[tilespmem:s20+$0xFFFFF040] =	vst v15  }
0x445: {  	v12 =	vand.u32 $0xFFFF0000, v12;
	[tilespmem:s21+$0xFFFFF050] =	vst v13  }
0x446: {  	v13 =	vshll.u32 v11, $0x10;
	[tilespmem:s21+$0x40] =	vst v12  }
0x447: {  	v11 =	vand.u32 $0xFFFF0000, v11;
	[tilespmem:s21+$0xFFFFF060] =	vst v13  }
0x448: {  	v12 =	vand.u32 $0xFFFF0000, v14;
	[tilespmem:s21+$0x60] =	vst v11  }
0x449: {  	s23 =	simm.s32 $0x8200;
	[tilespmem:s21+$0x50] =	vst v12  }
0x44a: {  	v11 =	vld [tilespmem:s23+$0xFFFFE070]  }
0x44b: {  	v13 =	vld [tilespmem:s23+$0xFFFFF070]  }
0x44c: {  	v14 =	vld [tilespmem:s23+$0x70]  }
0x44d: {  	v17 =	vld [tilespmem:s23+$0xFFFFF000]  }
0x44e: {  	v15 =	vld [tilespmem:s23+$0x1070]  }
0x44f: {  	v16 =	vld [tilespmem:s23+$0x0]  }
0x450: {  	v18 =	vld [tilespmem:s23+$0xFFFFE010]  }
0x451: {  	v19 =	vld [tilespmem:s23+$0xFFFFF010]  }
0x452: {  	v20 =	vld [tilespmem:s23+$0x10]  }
0x453: {  	v21 =	vld [tilespmem:s23+$0xFFFFE020]  }
0x454: {  	v22 =	vld [tilespmem:s23+$0xFFFFF020]  }
0x455: {  	v23 =	vld [tilespmem:s23+$0x20]  }
0x456: {  	v24 =	vld [tilespmem:s23+$0xFFFFE030]  }
0x457: {  	v26 =	vld [tilespmem:s23+$0xFFFFF030]  }
0x458: {  	v25 =	vbroadcast v10, $0x3;
	v27 =	vld [tilespmem:s23+$0x30]  }
0x459: {  	v28 =	vld [tilespmem:s23+$0xFFFFE040]  }
0x45a: {  	v12 =	vsub.f32 $1.000000000e+00, v25;
	v29 =	vld [tilespmem:s23+$0xFFFFF040]  }
0x45b: {  	v30 =	vld [tilespmem:s23+$0x40]  }
0x45c: {  	v31 =	vld [tilespmem:s23+$0xFFFFE050];
	v12 =	vpack.i.f32.bf16 v12, v12  }
0x45d: {  	v32 =	vld [tilespmem:s23+$0x50];
	v13 =	vadd.bf16 v13, v11;
	v14 =	vmul.bf16 v14, v12  }
0x45e: {  	v33 =	vld [tilespmem:s23+$0xFFFFE060];
	v11 =	vpack.i.f32.bf16 v25, v25  }
0x45f: {  	v35 =	vld [tilespmem:s23+$0xFFFFF060];
	v13 =	vadd.bf16 v14, v13;
	v14 =	vmul.bf16 v15, v11  }
0x460: {  	v25 =	vld [tilespmem:s23+$0xFFFFF050]  }
0x461: {  	v15 =	vmul.bf16 v20, v12;
	v34 =	vadd.bf16 v14, v13;
	v13 =	vadd.bf16 v19, v18;
	v18 =	vld [tilespmem:s23+$0x60]  }
0x462: {  	v20 =	vadd.bf16 v26, v24;
	v14 =	vadd.bf16 v22, v21;
	v19 =	vmul.bf16 v23, v12;
	v21 =	vld [tilespmem:s23+$0xFFFFE000]  }
0x463: {  	v24 =	vmul.bf16 v30, v12;
	v26 =	vld [tilespmem:s23+$0x1000];
	v22 =	vmul.bf16 v27, v12;
	v23 =	vadd.bf16 v29, v28  }
0x464: {  	v13 =	vadd.bf16 v15, v13;
	v14 =	vadd.bf16 v19, v14;
	v19 =	vld [tilespmem:s23+$0x1010]  }
0x465: {  	v27 =	vmul.bf16 v16, v12;
	v15 =	vadd.bf16 v22, v20;
	v16 =	vadd.bf16 v24, v23;
	v23 =	vld [tilespmem:s23+$0x1020]  }
0x466: {  	v20 =	vadd.bf16 v25, v31;
	v24 =	vmul.bf16 v32, v12;
	v25 =	vadd.bf16 v35, v33;
	v22 =	vld [tilespmem:s23+$0x1030]  }
0x467: {  	s20 =	simm.s32 $0xD200;
	v61 =	vand.u32 $0xFFFF0000, v34;
	v18 =	vmul.bf16 v18, v12;
	v62 =	vadd.bf16 v17, v21;
	v21 =	vld [tilespmem:s23+$0x1040]  }
0x468: {  	v63 =	vshll.u32 v34, $0x10;
	[tilespmem:s20+$0x70] =	vst v61;
	v17 =	vadd.bf16 v24, v20;
	v24 =	vmul.bf16 v26, v11;
	v20 =	vld [tilespmem:s23+$0x1050]  }
0x469: {  	s22 =	simm.s32 $0x0;
	s21 =	simm.s32 $0xD200;
	[tilespmem:s20+$0xFFFFF070] =	vst v63;
	v18 =	vadd.bf16 v18, v25;
	v26 =	vadd.bf16 v27, v62;
	v25 =	vmul.bf16 v19, v11;
	v19 =	vld [tilespmem:s23+$0x1060];
	s23 =	simm.s32 $0x8600  }
.LBB2_29:
0x46a: {  	v27 =	vld [tilespmem:s23+$0xFFFFE070];
	v23 =	vmul.bf16 v23, v11  }
0x46b: {  	v28 =	vld [tilespmem:s23+$0xFFFFF070];
	v24 =	vadd.bf16 v24, v26;
	v13 =	vadd.bf16 v25, v13;
	v22 =	vmul.bf16 v22, v11  }
0x46c: {  	s22 =	sadd.s32 $0x8, s22;
	v25 =	vld [tilespmem:s23+$0x70];
	v14 =	vadd.bf16 v23, v14;
	v21 =	vmul.bf16 v21, v11  }
0x46d: {  	p0 =	slt.u32 s22, $0x18;
	v26 =	vld [tilespmem:s23+$0xFFFFF000];
	v23 =	vshll.u32 v24, $0x10;
	v15 =	vadd.bf16 v22, v15;
	v20 =	vmul.bf16 v20, v11  }
0x46e: {  	v24 =	vand.u32 $0xFFFF0000, v24;
	v22 =	vld [tilespmem:s23+$0x1070];
	[tilespmem:s20+$0xFFFFF000] =	vst v23;
	v16 =	vadd.bf16 v21, v16;
	v19 =	vmul.bf16 v19, v11  }
0x46f: {  	v23 =	vshll.u32 v13, $0x10;
	v13 =	vand.u32 $0xFFFF0000, v13;
	v21 =	vld [tilespmem:s23+$0x0];
	[tilespmem:s20+$0x0] =	vst v24;
	v17 =	vadd.bf16 v20, v17  }
0x470: {  	v20 =	vld [tilespmem:s23+$0xFFFFE010];
	[tilespmem:s20+$0xFFFFF010] =	vst v23;
	v23 =	vshll.u32 v14, $0x10;
	v14 =	vand.u32 $0xFFFF0000, v14;
	v18 =	vadd.bf16 v19, v18  }
0x471: {  	v24 =	vadd.bf16 v28, v27;
	v19 =	vld [tilespmem:s23+$0xFFFFF010];
	v25 =	vmul.bf16 v25, v12;
	[tilespmem:s20+$0x10] =	vst v13;
	v13 =	vshll.u32 v15, $0x10  }
0x472: {  	v15 =	vand.u32 $0xFFFF0000, v15;
	v27 =	vld [tilespmem:s23+$0x10];
	[tilespmem:s20+$0xFFFFF020] =	vst v23;
	v23 =	vshll.u32 v16, $0x10;
	v16 =	vand.u32 $0xFFFF0000, v16  }
0x473: {  	v28 =	vld [tilespmem:s23+$0xFFFFE020];
	v24 =	vadd.bf16 v25, v24;
	v22 =	vmul.bf16 v22, v11;
	[tilespmem:s20+$0x20] =	vst v14;
	v14 =	vshll.u32 v17, $0x10  }
0x474: {  	v29 =	vshll.u32 v18, $0x10;
	v17 =	vand.u32 $0xFFFF0000, v17;
	v25 =	vmul.bf16 v21, v12;
	v21 =	vld [tilespmem:s23+$0xFFFFF020];
	[tilespmem:s20+$0xFFFFF030] =	vst v13  }
0x475: {  	v30 =	vld [tilespmem:s23+$0x20];
	v13 =	vadd.bf16 v22, v24;
	[tilespmem:s20+$0x30] =	vst v15;
	v15 =	vand.u32 $0xFFFF0000, v18  }
0x476: {  	v18 =	vadd.bf16 v19, v20;
	v19 =	vld [tilespmem:s23+$0xFFFFE030];
	[tilespmem:s20+$0xFFFFF040] =	vst v23  }
0x477: {  	s20 =	sadd.s32 $0x400, s20;
	v20 =	vmul.bf16 v27, v12;
	v22 =	vld [tilespmem:s23+$0xFFFFF030];
	v23 =	vshll.u32 v13, $0x10;
	v13 =	vand.u32 $0xFFFF0000, v13;
	[tilespmem:s21+$0x40] =	vst v16  }
0x478: {  	v16 =	vld [tilespmem:s23+$0x30];
	[tilespmem:s20+$0x70] =	vst v13  }
0x479: {  	v13 =	vadd.bf16 v20, v18;
	v18 =	vadd.bf16 v21, v28;
	v20 =	vld [tilespmem:s23+$0xFFFFE040];
	[tilespmem:s21+$0xFFFFF050] =	vst v14  }
0x47a: {  	v14 =	vmul.bf16 v30, v12;
	v21 =	vld [tilespmem:s23+$0xFFFFF040];
	[tilespmem:s21+$0x50] =	vst v17  }
0x47b: {  	v17 =	vld [tilespmem:s23+$0x40];
	[tilespmem:s21+$0xFFFFF060] =	vst v29  }
0x47c: {  	v14 =	vadd.bf16 v14, v18;
	v18 =	vadd.bf16 v22, v19;
	v19 =	vld [tilespmem:s23+$0xFFFFE050];
	[tilespmem:s21+$0x60] =	vst v15;
	s21 =	smov.u32 s20  }
0x47d: {  	v15 =	vmul.bf16 v16, v12;
	v22 =	vld [tilespmem:s23+$0xFFFFF050];
	[tilespmem:s20+$0xFFFFF070] =	vst v23  }
0x47e: {  	v23 =	vld [tilespmem:s23+$0x50]  }
0x47f: {  	v15 =	vadd.bf16 v15, v18;
	v16 =	vadd.bf16 v21, v20;
	v18 =	vld [tilespmem:s23+$0xFFFFE060]  }
0x480: {  	v17 =	vmul.bf16 v17, v12;
	v20 =	vld [tilespmem:s23+$0xFFFFF060]  }
0x481: {  	v21 =	vld [tilespmem:s23+$0x60]  }
0x482: {  	v24 =	vld [tilespmem:s23+$0xFFFFE000];
	v16 =	vadd.bf16 v17, v16;
	v17 =	vadd.bf16 v22, v19  }
0x483: {  	v19 =	vld [tilespmem:s23+$0x1000];
	v22 =	vmul.bf16 v23, v12  }
0x484: {  	v27 =	vld [tilespmem:s23+$0x1010]  }
.Ltmp13:
0x485: {  	v23 =	vld [tilespmem:s23+$0x1020];
	v17 =	vadd.bf16 v22, v17;
	v18 =	vadd.bf16 v20, v18;
	(pc) =	sbr.rel @p0 .LBB2_29-.Ltmp13, $4  }
0x486: {  	v22 =	vld [tilespmem:s23+$0x1030];
	v28 =	vmul.bf16 v21, v12  }
0x487: {  	v26 =	vadd.bf16 v26, v24;
	v21 =	vld [tilespmem:s23+$0x1040]  }
0x488: {  	v24 =	vmul.bf16 v19, v11;
	v20 =	vld [tilespmem:s23+$0x1050];
	v18 =	vadd.bf16 v28, v18  }
0x489: {  	v26 =	vadd.bf16 v25, v26;
	v25 =	vmul.bf16 v27, v11;
	v19 =	vld [tilespmem:s23+$0x1060];
	s23 =	sadd.s32 $0x400, s23  }
0x48a: {  	_ = 	snop  }
0x48b: {  	v12 =	vadd.bf16 v24, v26;
	_ =	sdelay $0x1  }
0x48c: {  	v23 =	vmul.bf16 v23, v11;
	v13 =	vadd.bf16 v25, v13;
	v24 =	vshll.u32 v12, $0x10  }
0x48d: {  	v12 =	vand.u32 $0xFFFF0000, v12;
	[tilespmem:s20+$0xFFFFF000] =	vst v24  }
0x48e: {  	v22 =	vmul.bf16 v22, v11;
	v14 =	vadd.bf16 v23, v14;
	[tilespmem:s20+$0x0] =	vst v12;
	v12 =	vshll.u32 v13, $0x10  }
0x48f: {  	v13 =	vand.u32 $0xFFFF0000, v13;
	[tilespmem:s20+$0xFFFFF010] =	vst v12  }
0x490: {  	v15 =	vadd.bf16 v22, v15;
	v12 =	vmul.bf16 v21, v11;
	v21 =	vshll.u32 v14, $0x10;
	[tilespmem:s20+$0x10] =	vst v13  }
0x491: {  	v13 =	vand.u32 $0xFFFF0000, v14;
	v14 =	vmul.bf16 v20, v11;
	[tilespmem:s20+$0xFFFFF020] =	vst v21  }
0x492: {  	[tilespmem:s20+$0x20] =	vst v13;
	v13 =	vand.u32 $0xFFFF0000, v15;
	v12 =	vadd.bf16 v12, v16  }
0x493: {  	v11 =	vmul.bf16 v19, v11;
	v16 =	vshll.u32 v15, $0x10;
	v14 =	vadd.bf16 v14, v17;
	[tilespmem:s20+$0x30] =	vst v13  }
0x494: {  	[tilespmem:s20+$0xFFFFF030] =	vst v16;
	v15 =	vshll.u32 v12, $0x10  }
0x495: {  	v11 =	vadd.bf16 v11, v18;
	v13 =	vshll.u32 v14, $0x10;
	[tilespmem:s20+$0xFFFFF040] =	vst v15  }
0x496: {  	v12 =	vand.u32 $0xFFFF0000, v12;
	[tilespmem:s21+$0xFFFFF050] =	vst v13  }
0x497: {  	v13 =	vshll.u32 v11, $0x10;
	[tilespmem:s21+$0x40] =	vst v12  }
0x498: {  	v11 =	vand.u32 $0xFFFF0000, v11;
	[tilespmem:s21+$0xFFFFF060] =	vst v13  }
0x499: {  	v12 =	vand.u32 $0xFFFF0000, v14;
	[tilespmem:s21+$0x60] =	vst v11  }
0x49a: {  	s23 =	simm.s32 $0x8280;
	[tilespmem:s21+$0x50] =	vst v12  }
0x49b: {  	v11 =	vld [tilespmem:s23+$0xFFFFE070]  }
0x49c: {  	v13 =	vld [tilespmem:s23+$0xFFFFF070]  }
0x49d: {  	v14 =	vld [tilespmem:s23+$0x70]  }
0x49e: {  	v17 =	vld [tilespmem:s23+$0xFFFFF000]  }
0x49f: {  	v15 =	vld [tilespmem:s23+$0x1070]  }
0x4a0: {  	v16 =	vld [tilespmem:s23+$0x0]  }
0x4a1: {  	v18 =	vld [tilespmem:s23+$0xFFFFE010]  }
0x4a2: {  	v19 =	vld [tilespmem:s23+$0xFFFFF010]  }
0x4a3: {  	v20 =	vld [tilespmem:s23+$0x10]  }
0x4a4: {  	v21 =	vld [tilespmem:s23+$0xFFFFE020]  }
0x4a5: {  	v22 =	vld [tilespmem:s23+$0xFFFFF020]  }
0x4a6: {  	v23 =	vld [tilespmem:s23+$0x20]  }
0x4a7: {  	v24 =	vld [tilespmem:s23+$0xFFFFE030]  }
0x4a8: {  	v26 =	vld [tilespmem:s23+$0xFFFFF030]  }
0x4a9: {  	v25 =	vbroadcast v10, $0x4;
	v27 =	vld [tilespmem:s23+$0x30]  }
0x4aa: {  	v28 =	vld [tilespmem:s23+$0xFFFFE040]  }
0x4ab: {  	v12 =	vsub.f32 $1.000000000e+00, v25;
	v29 =	vld [tilespmem:s23+$0xFFFFF040]  }
0x4ac: {  	v30 =	vld [tilespmem:s23+$0x40]  }
0x4ad: {  	v31 =	vld [tilespmem:s23+$0xFFFFE050];
	v12 =	vpack.i.f32.bf16 v12, v12  }
0x4ae: {  	v32 =	vld [tilespmem:s23+$0x50];
	v13 =	vadd.bf16 v13, v11;
	v14 =	vmul.bf16 v14, v12  }
0x4af: {  	v33 =	vld [tilespmem:s23+$0xFFFFE060];
	v11 =	vpack.i.f32.bf16 v25, v25  }
0x4b0: {  	v35 =	vld [tilespmem:s23+$0xFFFFF060];
	v13 =	vadd.bf16 v14, v13;
	v14 =	vmul.bf16 v15, v11  }
0x4b1: {  	v25 =	vld [tilespmem:s23+$0xFFFFF050]  }
0x4b2: {  	v15 =	vmul.bf16 v20, v12;
	v34 =	vadd.bf16 v14, v13;
	v13 =	vadd.bf16 v19, v18;
	v18 =	vld [tilespmem:s23+$0x60]  }
0x4b3: {  	v20 =	vadd.bf16 v26, v24;
	v14 =	vadd.bf16 v22, v21;
	v19 =	vmul.bf16 v23, v12;
	v21 =	vld [tilespmem:s23+$0xFFFFE000]  }
0x4b4: {  	v24 =	vmul.bf16 v30, v12;
	v26 =	vld [tilespmem:s23+$0x1000];
	v22 =	vmul.bf16 v27, v12;
	v23 =	vadd.bf16 v29, v28  }
0x4b5: {  	v13 =	vadd.bf16 v15, v13;
	v14 =	vadd.bf16 v19, v14;
	v19 =	vld [tilespmem:s23+$0x1010]  }
0x4b6: {  	v27 =	vmul.bf16 v16, v12;
	v15 =	vadd.bf16 v22, v20;
	v16 =	vadd.bf16 v24, v23;
	v23 =	vld [tilespmem:s23+$0x1020]  }
0x4b7: {  	v20 =	vadd.bf16 v25, v31;
	v24 =	vmul.bf16 v32, v12;
	v25 =	vadd.bf16 v35, v33;
	v22 =	vld [tilespmem:s23+$0x1030]  }
0x4b8: {  	s20 =	simm.s32 $0xD280;
	v61 =	vand.u32 $0xFFFF0000, v34;
	v18 =	vmul.bf16 v18, v12;
	v62 =	vadd.bf16 v17, v21;
	v21 =	vld [tilespmem:s23+$0x1040]  }
0x4b9: {  	v63 =	vshll.u32 v34, $0x10;
	[tilespmem:s20+$0x70] =	vst v61;
	v17 =	vadd.bf16 v24, v20;
	v24 =	vmul.bf16 v26, v11;
	v20 =	vld [tilespmem:s23+$0x1050]  }
0x4ba: {  	s22 =	simm.s32 $0x0;
	s21 =	simm.s32 $0xD280;
	[tilespmem:s20+$0xFFFFF070] =	vst v63;
	v18 =	vadd.bf16 v18, v25;
	v26 =	vadd.bf16 v27, v62;
	v25 =	vmul.bf16 v19, v11;
	v19 =	vld [tilespmem:s23+$0x1060];
	s23 =	simm.s32 $0x8680  }
.LBB2_31:
0x4bb: {  	v27 =	vld [tilespmem:s23+$0xFFFFE070];
	v23 =	vmul.bf16 v23, v11  }
0x4bc: {  	v28 =	vld [tilespmem:s23+$0xFFFFF070];
	v24 =	vadd.bf16 v24, v26;
	v13 =	vadd.bf16 v25, v13;
	v22 =	vmul.bf16 v22, v11  }
0x4bd: {  	s22 =	sadd.s32 $0x8, s22;
	v25 =	vld [tilespmem:s23+$0x70];
	v14 =	vadd.bf16 v23, v14;
	v21 =	vmul.bf16 v21, v11  }
0x4be: {  	p0 =	slt.u32 s22, $0x18;
	v26 =	vld [tilespmem:s23+$0xFFFFF000];
	v23 =	vshll.u32 v24, $0x10;
	v15 =	vadd.bf16 v22, v15;
	v20 =	vmul.bf16 v20, v11  }
0x4bf: {  	v24 =	vand.u32 $0xFFFF0000, v24;
	v22 =	vld [tilespmem:s23+$0x1070];
	[tilespmem:s20+$0xFFFFF000] =	vst v23;
	v16 =	vadd.bf16 v21, v16;
	v19 =	vmul.bf16 v19, v11  }
0x4c0: {  	v23 =	vshll.u32 v13, $0x10;
	v13 =	vand.u32 $0xFFFF0000, v13;
	v21 =	vld [tilespmem:s23+$0x0];
	[tilespmem:s20+$0x0] =	vst v24;
	v17 =	vadd.bf16 v20, v17  }
0x4c1: {  	v20 =	vld [tilespmem:s23+$0xFFFFE010];
	[tilespmem:s20+$0xFFFFF010] =	vst v23;
	v23 =	vshll.u32 v14, $0x10;
	v14 =	vand.u32 $0xFFFF0000, v14;
	v18 =	vadd.bf16 v19, v18  }
0x4c2: {  	v24 =	vadd.bf16 v28, v27;
	v19 =	vld [tilespmem:s23+$0xFFFFF010];
	v25 =	vmul.bf16 v25, v12;
	[tilespmem:s20+$0x10] =	vst v13;
	v13 =	vshll.u32 v15, $0x10  }
0x4c3: {  	v15 =	vand.u32 $0xFFFF0000, v15;
	v27 =	vld [tilespmem:s23+$0x10];
	[tilespmem:s20+$0xFFFFF020] =	vst v23;
	v23 =	vshll.u32 v16, $0x10;
	v16 =	vand.u32 $0xFFFF0000, v16  }
0x4c4: {  	v28 =	vld [tilespmem:s23+$0xFFFFE020];
	v24 =	vadd.bf16 v25, v24;
	v22 =	vmul.bf16 v22, v11;
	[tilespmem:s20+$0x20] =	vst v14;
	v14 =	vshll.u32 v17, $0x10  }
0x4c5: {  	v29 =	vshll.u32 v18, $0x10;
	v17 =	vand.u32 $0xFFFF0000, v17;
	v25 =	vmul.bf16 v21, v12;
	v21 =	vld [tilespmem:s23+$0xFFFFF020];
	[tilespmem:s20+$0xFFFFF030] =	vst v13  }
0x4c6: {  	v30 =	vld [tilespmem:s23+$0x20];
	v13 =	vadd.bf16 v22, v24;
	[tilespmem:s20+$0x30] =	vst v15;
	v15 =	vand.u32 $0xFFFF0000, v18  }
0x4c7: {  	v18 =	vadd.bf16 v19, v20;
	v19 =	vld [tilespmem:s23+$0xFFFFE030];
	[tilespmem:s20+$0xFFFFF040] =	vst v23  }
0x4c8: {  	s20 =	sadd.s32 $0x400, s20;
	v20 =	vmul.bf16 v27, v12;
	v22 =	vld [tilespmem:s23+$0xFFFFF030];
	v23 =	vshll.u32 v13, $0x10;
	v13 =	vand.u32 $0xFFFF0000, v13;
	[tilespmem:s21+$0x40] =	vst v16  }
0x4c9: {  	v16 =	vld [tilespmem:s23+$0x30];
	[tilespmem:s20+$0x70] =	vst v13  }
0x4ca: {  	v13 =	vadd.bf16 v20, v18;
	v18 =	vadd.bf16 v21, v28;
	v20 =	vld [tilespmem:s23+$0xFFFFE040];
	[tilespmem:s21+$0xFFFFF050] =	vst v14  }
0x4cb: {  	v14 =	vmul.bf16 v30, v12;
	v21 =	vld [tilespmem:s23+$0xFFFFF040];
	[tilespmem:s21+$0x50] =	vst v17  }
0x4cc: {  	v17 =	vld [tilespmem:s23+$0x40];
	[tilespmem:s21+$0xFFFFF060] =	vst v29  }
0x4cd: {  	v14 =	vadd.bf16 v14, v18;
	v18 =	vadd.bf16 v22, v19;
	v19 =	vld [tilespmem:s23+$0xFFFFE050];
	[tilespmem:s21+$0x60] =	vst v15;
	s21 =	smov.u32 s20  }
0x4ce: {  	v15 =	vmul.bf16 v16, v12;
	v22 =	vld [tilespmem:s23+$0xFFFFF050];
	[tilespmem:s20+$0xFFFFF070] =	vst v23  }
0x4cf: {  	v23 =	vld [tilespmem:s23+$0x50]  }
0x4d0: {  	v15 =	vadd.bf16 v15, v18;
	v16 =	vadd.bf16 v21, v20;
	v18 =	vld [tilespmem:s23+$0xFFFFE060]  }
0x4d1: {  	v17 =	vmul.bf16 v17, v12;
	v20 =	vld [tilespmem:s23+$0xFFFFF060]  }
0x4d2: {  	v21 =	vld [tilespmem:s23+$0x60]  }
0x4d3: {  	v24 =	vld [tilespmem:s23+$0xFFFFE000];
	v16 =	vadd.bf16 v17, v16;
	v17 =	vadd.bf16 v22, v19  }
0x4d4: {  	v19 =	vld [tilespmem:s23+$0x1000];
	v22 =	vmul.bf16 v23, v12  }
0x4d5: {  	v27 =	vld [tilespmem:s23+$0x1010]  }
.Ltmp14:
0x4d6: {  	v23 =	vld [tilespmem:s23+$0x1020];
	v17 =	vadd.bf16 v22, v17;
	v18 =	vadd.bf16 v20, v18;
	(pc) =	sbr.rel @p0 .LBB2_31-.Ltmp14, $4  }
0x4d7: {  	v22 =	vld [tilespmem:s23+$0x1030];
	v28 =	vmul.bf16 v21, v12  }
0x4d8: {  	v26 =	vadd.bf16 v26, v24;
	v21 =	vld [tilespmem:s23+$0x1040]  }
0x4d9: {  	v24 =	vmul.bf16 v19, v11;
	v20 =	vld [tilespmem:s23+$0x1050];
	v18 =	vadd.bf16 v28, v18  }
0x4da: {  	v26 =	vadd.bf16 v25, v26;
	v25 =	vmul.bf16 v27, v11;
	v19 =	vld [tilespmem:s23+$0x1060];
	s23 =	sadd.s32 $0x400, s23  }
0x4db: {  	_ = 	snop  }
0x4dc: {  	v12 =	vadd.bf16 v24, v26;
	_ =	sdelay $0x1  }
0x4dd: {  	v23 =	vmul.bf16 v23, v11;
	v13 =	vadd.bf16 v25, v13;
	v24 =	vshll.u32 v12, $0x10  }
0x4de: {  	v12 =	vand.u32 $0xFFFF0000, v12;
	[tilespmem:s20+$0xFFFFF000] =	vst v24  }
0x4df: {  	v22 =	vmul.bf16 v22, v11;
	v14 =	vadd.bf16 v23, v14;
	[tilespmem:s20+$0x0] =	vst v12;
	v12 =	vshll.u32 v13, $0x10  }
0x4e0: {  	v13 =	vand.u32 $0xFFFF0000, v13;
	[tilespmem:s20+$0xFFFFF010] =	vst v12  }
0x4e1: {  	v15 =	vadd.bf16 v22, v15;
	v12 =	vmul.bf16 v21, v11;
	v21 =	vshll.u32 v14, $0x10;
	[tilespmem:s20+$0x10] =	vst v13  }
0x4e2: {  	v13 =	vand.u32 $0xFFFF0000, v14;
	v14 =	vmul.bf16 v20, v11;
	[tilespmem:s20+$0xFFFFF020] =	vst v21  }
0x4e3: {  	[tilespmem:s20+$0x20] =	vst v13;
	v13 =	vand.u32 $0xFFFF0000, v15;
	v12 =	vadd.bf16 v12, v16  }
0x4e4: {  	v11 =	vmul.bf16 v19, v11;
	v16 =	vshll.u32 v15, $0x10;
	v14 =	vadd.bf16 v14, v17;
	[tilespmem:s20+$0x30] =	vst v13  }
0x4e5: {  	[tilespmem:s20+$0xFFFFF030] =	vst v16;
	v15 =	vshll.u32 v12, $0x10  }
0x4e6: {  	v11 =	vadd.bf16 v11, v18;
	v13 =	vshll.u32 v14, $0x10;
	[tilespmem:s20+$0xFFFFF040] =	vst v15  }
0x4e7: {  	v12 =	vand.u32 $0xFFFF0000, v12;
	[tilespmem:s21+$0xFFFFF050] =	vst v13  }
0x4e8: {  	v13 =	vshll.u32 v11, $0x10;
	[tilespmem:s21+$0x40] =	vst v12  }
0x4e9: {  	v11 =	vand.u32 $0xFFFF0000, v11;
	[tilespmem:s21+$0xFFFFF060] =	vst v13  }
0x4ea: {  	v12 =	vand.u32 $0xFFFF0000, v14;
	[tilespmem:s21+$0x60] =	vst v11  }
0x4eb: {  	s23 =	simm.s32 $0x8300;
	[tilespmem:s21+$0x50] =	vst v12  }
0x4ec: {  	v11 =	vld [tilespmem:s23+$0xFFFFE070]  }
0x4ed: {  	v13 =	vld [tilespmem:s23+$0xFFFFF070]  }
0x4ee: {  	v14 =	vld [tilespmem:s23+$0x70]  }
0x4ef: {  	v17 =	vld [tilespmem:s23+$0xFFFFF000]  }
0x4f0: {  	v15 =	vld [tilespmem:s23+$0x1070]  }
0x4f1: {  	v16 =	vld [tilespmem:s23+$0x0]  }
0x4f2: {  	v18 =	vld [tilespmem:s23+$0xFFFFE010]  }
0x4f3: {  	v19 =	vld [tilespmem:s23+$0xFFFFF010]  }
0x4f4: {  	v20 =	vld [tilespmem:s23+$0x10]  }
0x4f5: {  	v21 =	vld [tilespmem:s23+$0xFFFFE020]  }
0x4f6: {  	v22 =	vld [tilespmem:s23+$0xFFFFF020]  }
0x4f7: {  	v23 =	vld [tilespmem:s23+$0x20]  }
0x4f8: {  	v24 =	vld [tilespmem:s23+$0xFFFFE030]  }
0x4f9: {  	v26 =	vld [tilespmem:s23+$0xFFFFF030]  }
0x4fa: {  	v25 =	vbroadcast v10, $0x5;
	v27 =	vld [tilespmem:s23+$0x30]  }
0x4fb: {  	v28 =	vld [tilespmem:s23+$0xFFFFE040]  }
0x4fc: {  	v12 =	vsub.f32 $1.000000000e+00, v25;
	v29 =	vld [tilespmem:s23+$0xFFFFF040]  }
0x4fd: {  	v30 =	vld [tilespmem:s23+$0x40]  }
0x4fe: {  	v31 =	vld [tilespmem:s23+$0xFFFFE050];
	v12 =	vpack.i.f32.bf16 v12, v12  }
0x4ff: {  	v32 =	vld [tilespmem:s23+$0x50];
	v13 =	vadd.bf16 v13, v11;
	v14 =	vmul.bf16 v14, v12  }
0x500: {  	v33 =	vld [tilespmem:s23+$0xFFFFE060];
	v11 =	vpack.i.f32.bf16 v25, v25  }
0x501: {  	v35 =	vld [tilespmem:s23+$0xFFFFF060];
	v13 =	vadd.bf16 v14, v13;
	v14 =	vmul.bf16 v15, v11  }
0x502: {  	v25 =	vld [tilespmem:s23+$0xFFFFF050]  }
0x503: {  	v15 =	vmul.bf16 v20, v12;
	v34 =	vadd.bf16 v14, v13;
	v13 =	vadd.bf16 v19, v18;
	v18 =	vld [tilespmem:s23+$0x60]  }
0x504: {  	v20 =	vadd.bf16 v26, v24;
	v14 =	vadd.bf16 v22, v21;
	v19 =	vmul.bf16 v23, v12;
	v21 =	vld [tilespmem:s23+$0xFFFFE000]  }
0x505: {  	v24 =	vmul.bf16 v30, v12;
	v26 =	vld [tilespmem:s23+$0x1000];
	v22 =	vmul.bf16 v27, v12;
	v23 =	vadd.bf16 v29, v28  }
0x506: {  	v13 =	vadd.bf16 v15, v13;
	v14 =	vadd.bf16 v19, v14;
	v19 =	vld [tilespmem:s23+$0x1010]  }
0x507: {  	v27 =	vmul.bf16 v16, v12;
	v15 =	vadd.bf16 v22, v20;
	v16 =	vadd.bf16 v24, v23;
	v23 =	vld [tilespmem:s23+$0x1020]  }
0x508: {  	v20 =	vadd.bf16 v25, v31;
	v24 =	vmul.bf16 v32, v12;
	v25 =	vadd.bf16 v35, v33;
	v22 =	vld [tilespmem:s23+$0x1030]  }
0x509: {  	s20 =	simm.s32 $0xD300;
	v61 =	vand.u32 $0xFFFF0000, v34;
	v18 =	vmul.bf16 v18, v12;
	v62 =	vadd.bf16 v17, v21;
	v21 =	vld [tilespmem:s23+$0x1040]  }
0x50a: {  	v63 =	vshll.u32 v34, $0x10;
	[tilespmem:s20+$0x70] =	vst v61;
	v17 =	vadd.bf16 v24, v20;
	v24 =	vmul.bf16 v26, v11;
	v20 =	vld [tilespmem:s23+$0x1050]  }
0x50b: {  	s22 =	simm.s32 $0x0;
	s21 =	simm.s32 $0xD300;
	[tilespmem:s20+$0xFFFFF070] =	vst v63;
	v18 =	vadd.bf16 v18, v25;
	v26 =	vadd.bf16 v27, v62;
	v25 =	vmul.bf16 v19, v11;
	v19 =	vld [tilespmem:s23+$0x1060];
	s23 =	simm.s32 $0x8700  }
.LBB2_33:
0x50c: {  	v27 =	vld [tilespmem:s23+$0xFFFFE070];
	v23 =	vmul.bf16 v23, v11  }
0x50d: {  	v28 =	vld [tilespmem:s23+$0xFFFFF070];
	v24 =	vadd.bf16 v24, v26;
	v13 =	vadd.bf16 v25, v13;
	v22 =	vmul.bf16 v22, v11  }
0x50e: {  	s22 =	sadd.s32 $0x8, s22;
	v25 =	vld [tilespmem:s23+$0x70];
	v14 =	vadd.bf16 v23, v14;
	v21 =	vmul.bf16 v21, v11  }
0x50f: {  	p0 =	slt.u32 s22, $0x18;
	v26 =	vld [tilespmem:s23+$0xFFFFF000];
	v23 =	vshll.u32 v24, $0x10;
	v15 =	vadd.bf16 v22, v15;
	v20 =	vmul.bf16 v20, v11  }
0x510: {  	v24 =	vand.u32 $0xFFFF0000, v24;
	v22 =	vld [tilespmem:s23+$0x1070];
	[tilespmem:s20+$0xFFFFF000] =	vst v23;
	v16 =	vadd.bf16 v21, v16;
	v19 =	vmul.bf16 v19, v11  }
0x511: {  	v23 =	vshll.u32 v13, $0x10;
	v13 =	vand.u32 $0xFFFF0000, v13;
	v21 =	vld [tilespmem:s23+$0x0];
	[tilespmem:s20+$0x0] =	vst v24;
	v17 =	vadd.bf16 v20, v17  }
0x512: {  	v20 =	vld [tilespmem:s23+$0xFFFFE010];
	[tilespmem:s20+$0xFFFFF010] =	vst v23;
	v23 =	vshll.u32 v14, $0x10;
	v14 =	vand.u32 $0xFFFF0000, v14;
	v18 =	vadd.bf16 v19, v18  }
0x513: {  	v24 =	vadd.bf16 v28, v27;
	v19 =	vld [tilespmem:s23+$0xFFFFF010];
	v25 =	vmul.bf16 v25, v12;
	[tilespmem:s20+$0x10] =	vst v13;
	v13 =	vshll.u32 v15, $0x10  }
0x514: {  	v15 =	vand.u32 $0xFFFF0000, v15;
	v27 =	vld [tilespmem:s23+$0x10];
	[tilespmem:s20+$0xFFFFF020] =	vst v23;
	v23 =	vshll.u32 v16, $0x10;
	v16 =	vand.u32 $0xFFFF0000, v16  }
0x515: {  	v28 =	vld [tilespmem:s23+$0xFFFFE020];
	v24 =	vadd.bf16 v25, v24;
	v22 =	vmul.bf16 v22, v11;
	[tilespmem:s20+$0x20] =	vst v14;
	v14 =	vshll.u32 v17, $0x10  }
0x516: {  	v29 =	vshll.u32 v18, $0x10;
	v17 =	vand.u32 $0xFFFF0000, v17;
	v25 =	vmul.bf16 v21, v12;
	v21 =	vld [tilespmem:s23+$0xFFFFF020];
	[tilespmem:s20+$0xFFFFF030] =	vst v13  }
0x517: {  	v30 =	vld [tilespmem:s23+$0x20];
	v13 =	vadd.bf16 v22, v24;
	[tilespmem:s20+$0x30] =	vst v15;
	v15 =	vand.u32 $0xFFFF0000, v18  }
0x518: {  	v18 =	vadd.bf16 v19, v20;
	v19 =	vld [tilespmem:s23+$0xFFFFE030];
	[tilespmem:s20+$0xFFFFF040] =	vst v23  }
0x519: {  	s20 =	sadd.s32 $0x400, s20;
	v20 =	vmul.bf16 v27, v12;
	v22 =	vld [tilespmem:s23+$0xFFFFF030];
	v23 =	vshll.u32 v13, $0x10;
	v13 =	vand.u32 $0xFFFF0000, v13;
	[tilespmem:s21+$0x40] =	vst v16  }
0x51a: {  	v16 =	vld [tilespmem:s23+$0x30];
	[tilespmem:s20+$0x70] =	vst v13  }
0x51b: {  	v13 =	vadd.bf16 v20, v18;
	v18 =	vadd.bf16 v21, v28;
	v20 =	vld [tilespmem:s23+$0xFFFFE040];
	[tilespmem:s21+$0xFFFFF050] =	vst v14  }
0x51c: {  	v14 =	vmul.bf16 v30, v12;
	v21 =	vld [tilespmem:s23+$0xFFFFF040];
	[tilespmem:s21+$0x50] =	vst v17  }
0x51d: {  	v17 =	vld [tilespmem:s23+$0x40];
	[tilespmem:s21+$0xFFFFF060] =	vst v29  }
0x51e: {  	v14 =	vadd.bf16 v14, v18;
	v18 =	vadd.bf16 v22, v19;
	v19 =	vld [tilespmem:s23+$0xFFFFE050];
	[tilespmem:s21+$0x60] =	vst v15;
	s21 =	smov.u32 s20  }
0x51f: {  	v15 =	vmul.bf16 v16, v12;
	v22 =	vld [tilespmem:s23+$0xFFFFF050];
	[tilespmem:s20+$0xFFFFF070] =	vst v23  }
0x520: {  	v23 =	vld [tilespmem:s23+$0x50]  }
0x521: {  	v15 =	vadd.bf16 v15, v18;
	v16 =	vadd.bf16 v21, v20;
	v18 =	vld [tilespmem:s23+$0xFFFFE060]  }
0x522: {  	v17 =	vmul.bf16 v17, v12;
	v20 =	vld [tilespmem:s23+$0xFFFFF060]  }
0x523: {  	v21 =	vld [tilespmem:s23+$0x60]  }
0x524: {  	v24 =	vld [tilespmem:s23+$0xFFFFE000];
	v16 =	vadd.bf16 v17, v16;
	v17 =	vadd.bf16 v22, v19  }
0x525: {  	v19 =	vld [tilespmem:s23+$0x1000];
	v22 =	vmul.bf16 v23, v12  }
0x526: {  	v27 =	vld [tilespmem:s23+$0x1010]  }
.Ltmp15:
0x527: {  	v23 =	vld [tilespmem:s23+$0x1020];
	v17 =	vadd.bf16 v22, v17;
	v18 =	vadd.bf16 v20, v18;
	(pc) =	sbr.rel @p0 .LBB2_33-.Ltmp15, $4  }
0x528: {  	v22 =	vld [tilespmem:s23+$0x1030];
	v28 =	vmul.bf16 v21, v12  }
0x529: {  	v26 =	vadd.bf16 v26, v24;
	v21 =	vld [tilespmem:s23+$0x1040]  }
0x52a: {  	v24 =	vmul.bf16 v19, v11;
	v20 =	vld [tilespmem:s23+$0x1050];
	v18 =	vadd.bf16 v28, v18  }
0x52b: {  	v26 =	vadd.bf16 v25, v26;
	v25 =	vmul.bf16 v27, v11;
	v19 =	vld [tilespmem:s23+$0x1060];
	s23 =	sadd.s32 $0x400, s23  }
0x52c: {  	_ = 	snop  }
0x52d: {  	v12 =	vadd.bf16 v24, v26;
	_ =	sdelay $0x1  }
0x52e: {  	v23 =	vmul.bf16 v23, v11;
	v13 =	vadd.bf16 v25, v13;
	v24 =	vshll.u32 v12, $0x10  }
0x52f: {  	v12 =	vand.u32 $0xFFFF0000, v12;
	[tilespmem:s20+$0xFFFFF000] =	vst v24  }
0x530: {  	v22 =	vmul.bf16 v22, v11;
	v14 =	vadd.bf16 v23, v14;
	[tilespmem:s20+$0x0] =	vst v12;
	v12 =	vshll.u32 v13, $0x10  }
0x531: {  	v13 =	vand.u32 $0xFFFF0000, v13;
	[tilespmem:s20+$0xFFFFF010] =	vst v12  }
0x532: {  	v15 =	vadd.bf16 v22, v15;
	v12 =	vmul.bf16 v21, v11;
	v21 =	vshll.u32 v14, $0x10;
	[tilespmem:s20+$0x10] =	vst v13  }
0x533: {  	v13 =	vand.u32 $0xFFFF0000, v14;
	v14 =	vmul.bf16 v20, v11;
	[tilespmem:s20+$0xFFFFF020] =	vst v21  }
0x534: {  	[tilespmem:s20+$0x20] =	vst v13;
	v13 =	vand.u32 $0xFFFF0000, v15;
	v12 =	vadd.bf16 v12, v16  }
0x535: {  	v11 =	vmul.bf16 v19, v11;
	v16 =	vshll.u32 v15, $0x10;
	v14 =	vadd.bf16 v14, v17;
	[tilespmem:s20+$0x30] =	vst v13  }
0x536: {  	[tilespmem:s20+$0xFFFFF030] =	vst v16;
	v15 =	vshll.u32 v12, $0x10  }
0x537: {  	v11 =	vadd.bf16 v11, v18;
	v13 =	vshll.u32 v14, $0x10;
	[tilespmem:s20+$0xFFFFF040] =	vst v15  }
0x538: {  	v12 =	vand.u32 $0xFFFF0000, v12;
	[tilespmem:s21+$0xFFFFF050] =	vst v13  }
0x539: {  	v13 =	vshll.u32 v11, $0x10;
	[tilespmem:s21+$0x40] =	vst v12  }
0x53a: {  	v11 =	vand.u32 $0xFFFF0000, v11;
	[tilespmem:s21+$0xFFFFF060] =	vst v13  }
0x53b: {  	v12 =	vand.u32 $0xFFFF0000, v14;
	[tilespmem:s21+$0x60] =	vst v11  }
0x53c: {  	s23 =	simm.s32 $0x8380;
	[tilespmem:s21+$0x50] =	vst v12  }
0x53d: {  	v11 =	vld [tilespmem:s23+$0xFFFFE070]  }
0x53e: {  	v13 =	vld [tilespmem:s23+$0xFFFFF070]  }
0x53f: {  	v14 =	vld [tilespmem:s23+$0x70]  }
0x540: {  	v17 =	vld [tilespmem:s23+$0xFFFFF000]  }
0x541: {  	v15 =	vld [tilespmem:s23+$0x1070]  }
0x542: {  	v16 =	vld [tilespmem:s23+$0x0]  }
0x543: {  	v18 =	vld [tilespmem:s23+$0xFFFFE010]  }
0x544: {  	v19 =	vld [tilespmem:s23+$0xFFFFF010]  }
0x545: {  	v20 =	vld [tilespmem:s23+$0x10]  }
0x546: {  	v21 =	vld [tilespmem:s23+$0xFFFFE020]  }
0x547: {  	v22 =	vld [tilespmem:s23+$0xFFFFF020]  }
0x548: {  	v23 =	vld [tilespmem:s23+$0x20]  }
0x549: {  	v24 =	vld [tilespmem:s23+$0xFFFFE030]  }
0x54a: {  	v26 =	vld [tilespmem:s23+$0xFFFFF030]  }
0x54b: {  	v25 =	vbroadcast v10, $0x6;
	v27 =	vld [tilespmem:s23+$0x30]  }
0x54c: {  	v28 =	vld [tilespmem:s23+$0xFFFFE040]  }
0x54d: {  	v12 =	vsub.f32 $1.000000000e+00, v25;
	v29 =	vld [tilespmem:s23+$0xFFFFF040]  }
0x54e: {  	v30 =	vld [tilespmem:s23+$0x40]  }
0x54f: {  	v31 =	vld [tilespmem:s23+$0xFFFFE050];
	v12 =	vpack.i.f32.bf16 v12, v12  }
0x550: {  	v32 =	vld [tilespmem:s23+$0x50];
	v13 =	vadd.bf16 v13, v11;
	v14 =	vmul.bf16 v14, v12  }
0x551: {  	v33 =	vld [tilespmem:s23+$0xFFFFE060];
	v11 =	vpack.i.f32.bf16 v25, v25  }
0x552: {  	v35 =	vld [tilespmem:s23+$0xFFFFF060];
	v13 =	vadd.bf16 v14, v13;
	v14 =	vmul.bf16 v15, v11  }
0x553: {  	v25 =	vld [tilespmem:s23+$0xFFFFF050]  }
0x554: {  	v15 =	vmul.bf16 v20, v12;
	v34 =	vadd.bf16 v14, v13;
	v13 =	vadd.bf16 v19, v18;
	v18 =	vld [tilespmem:s23+$0x60]  }
0x555: {  	v20 =	vadd.bf16 v26, v24;
	v14 =	vadd.bf16 v22, v21;
	v19 =	vmul.bf16 v23, v12;
	v21 =	vld [tilespmem:s23+$0xFFFFE000]  }
0x556: {  	v24 =	vmul.bf16 v30, v12;
	v26 =	vld [tilespmem:s23+$0x1000];
	v22 =	vmul.bf16 v27, v12;
	v23 =	vadd.bf16 v29, v28  }
0x557: {  	v13 =	vadd.bf16 v15, v13;
	v14 =	vadd.bf16 v19, v14;
	v19 =	vld [tilespmem:s23+$0x1010]  }
0x558: {  	v27 =	vmul.bf16 v16, v12;
	v15 =	vadd.bf16 v22, v20;
	v16 =	vadd.bf16 v24, v23;
	v23 =	vld [tilespmem:s23+$0x1020]  }
0x559: {  	v20 =	vadd.bf16 v25, v31;
	v24 =	vmul.bf16 v32, v12;
	v25 =	vadd.bf16 v35, v33;
	v22 =	vld [tilespmem:s23+$0x1030]  }
0x55a: {  	s20 =	simm.s32 $0xD380;
	v61 =	vand.u32 $0xFFFF0000, v34;
	v18 =	vmul.bf16 v18, v12;
	v62 =	vadd.bf16 v17, v21;
	v21 =	vld [tilespmem:s23+$0x1040]  }
0x55b: {  	v63 =	vshll.u32 v34, $0x10;
	[tilespmem:s20+$0x70] =	vst v61;
	v17 =	vadd.bf16 v24, v20;
	v24 =	vmul.bf16 v26, v11;
	v20 =	vld [tilespmem:s23+$0x1050]  }
0x55c: {  	s22 =	simm.s32 $0x0;
	s21 =	simm.s32 $0xD380;
	[tilespmem:s20+$0xFFFFF070] =	vst v63;
	v18 =	vadd.bf16 v18, v25;
	v26 =	vadd.bf16 v27, v62;
	v25 =	vmul.bf16 v19, v11;
	v19 =	vld [tilespmem:s23+$0x1060];
	s23 =	simm.s32 $0x8780  }
.LBB2_35:
0x55d: {  	v27 =	vld [tilespmem:s23+$0xFFFFE070];
	v23 =	vmul.bf16 v23, v11  }
0x55e: {  	v28 =	vld [tilespmem:s23+$0xFFFFF070];
	v24 =	vadd.bf16 v24, v26;
	v13 =	vadd.bf16 v25, v13;
	v22 =	vmul.bf16 v22, v11  }
0x55f: {  	s22 =	sadd.s32 $0x8, s22;
	v25 =	vld [tilespmem:s23+$0x70];
	v14 =	vadd.bf16 v23, v14;
	v21 =	vmul.bf16 v21, v11  }
0x560: {  	p0 =	slt.u32 s22, $0x18;
	v26 =	vld [tilespmem:s23+$0xFFFFF000];
	v23 =	vshll.u32 v24, $0x10;
	v15 =	vadd.bf16 v22, v15;
	v20 =	vmul.bf16 v20, v11  }
0x561: {  	v24 =	vand.u32 $0xFFFF0000, v24;
	v22 =	vld [tilespmem:s23+$0x1070];
	[tilespmem:s20+$0xFFFFF000] =	vst v23;
	v16 =	vadd.bf16 v21, v16;
	v19 =	vmul.bf16 v19, v11  }
0x562: {  	v23 =	vshll.u32 v13, $0x10;
	v13 =	vand.u32 $0xFFFF0000, v13;
	v21 =	vld [tilespmem:s23+$0x0];
	[tilespmem:s20+$0x0] =	vst v24;
	v17 =	vadd.bf16 v20, v17  }
0x563: {  	v20 =	vld [tilespmem:s23+$0xFFFFE010];
	[tilespmem:s20+$0xFFFFF010] =	vst v23;
	v23 =	vshll.u32 v14, $0x10;
	v14 =	vand.u32 $0xFFFF0000, v14;
	v18 =	vadd.bf16 v19, v18  }
0x564: {  	v24 =	vadd.bf16 v28, v27;
	v19 =	vld [tilespmem:s23+$0xFFFFF010];
	v25 =	vmul.bf16 v25, v12;
	[tilespmem:s20+$0x10] =	vst v13;
	v13 =	vshll.u32 v15, $0x10  }
0x565: {  	v15 =	vand.u32 $0xFFFF0000, v15;
	v27 =	vld [tilespmem:s23+$0x10];
	[tilespmem:s20+$0xFFFFF020] =	vst v23;
	v23 =	vshll.u32 v16, $0x10;
	v16 =	vand.u32 $0xFFFF0000, v16  }
0x566: {  	v28 =	vld [tilespmem:s23+$0xFFFFE020];
	v24 =	vadd.bf16 v25, v24;
	v22 =	vmul.bf16 v22, v11;
	[tilespmem:s20+$0x20] =	vst v14;
	v14 =	vshll.u32 v17, $0x10  }
0x567: {  	v29 =	vshll.u32 v18, $0x10;
	v17 =	vand.u32 $0xFFFF0000, v17;
	v25 =	vmul.bf16 v21, v12;
	v21 =	vld [tilespmem:s23+$0xFFFFF020];
	[tilespmem:s20+$0xFFFFF030] =	vst v13  }
0x568: {  	v30 =	vld [tilespmem:s23+$0x20];
	v13 =	vadd.bf16 v22, v24;
	[tilespmem:s20+$0x30] =	vst v15;
	v15 =	vand.u32 $0xFFFF0000, v18  }
0x569: {  	v18 =	vadd.bf16 v19, v20;
	v19 =	vld [tilespmem:s23+$0xFFFFE030];
	[tilespmem:s20+$0xFFFFF040] =	vst v23  }
0x56a: {  	s20 =	sadd.s32 $0x400, s20;
	v20 =	vmul.bf16 v27, v12;
	v22 =	vld [tilespmem:s23+$0xFFFFF030];
	v23 =	vshll.u32 v13, $0x10;
	v13 =	vand.u32 $0xFFFF0000, v13;
	[tilespmem:s21+$0x40] =	vst v16  }
0x56b: {  	v16 =	vld [tilespmem:s23+$0x30];
	[tilespmem:s20+$0x70] =	vst v13  }
0x56c: {  	v13 =	vadd.bf16 v20, v18;
	v18 =	vadd.bf16 v21, v28;
	v20 =	vld [tilespmem:s23+$0xFFFFE040];
	[tilespmem:s21+$0xFFFFF050] =	vst v14  }
0x56d: {  	v14 =	vmul.bf16 v30, v12;
	v21 =	vld [tilespmem:s23+$0xFFFFF040];
	[tilespmem:s21+$0x50] =	vst v17  }
0x56e: {  	v17 =	vld [tilespmem:s23+$0x40];
	[tilespmem:s21+$0xFFFFF060] =	vst v29  }
0x56f: {  	v14 =	vadd.bf16 v14, v18;
	v18 =	vadd.bf16 v22, v19;
	v19 =	vld [tilespmem:s23+$0xFFFFE050];
	[tilespmem:s21+$0x60] =	vst v15;
	s21 =	smov.u32 s20  }
0x570: {  	v15 =	vmul.bf16 v16, v12;
	v22 =	vld [tilespmem:s23+$0xFFFFF050];
	[tilespmem:s20+$0xFFFFF070] =	vst v23  }
0x571: {  	v23 =	vld [tilespmem:s23+$0x50]  }
0x572: {  	v15 =	vadd.bf16 v15, v18;
	v16 =	vadd.bf16 v21, v20;
	v18 =	vld [tilespmem:s23+$0xFFFFE060]  }
0x573: {  	v17 =	vmul.bf16 v17, v12;
	v20 =	vld [tilespmem:s23+$0xFFFFF060]  }
0x574: {  	v21 =	vld [tilespmem:s23+$0x60]  }
0x575: {  	v24 =	vld [tilespmem:s23+$0xFFFFE000];
	v16 =	vadd.bf16 v17, v16;
	v17 =	vadd.bf16 v22, v19  }
0x576: {  	v19 =	vld [tilespmem:s23+$0x1000];
	v22 =	vmul.bf16 v23, v12  }
0x577: {  	v27 =	vld [tilespmem:s23+$0x1010]  }
.Ltmp16:
0x578: {  	v23 =	vld [tilespmem:s23+$0x1020];
	v17 =	vadd.bf16 v22, v17;
	v18 =	vadd.bf16 v20, v18;
	(pc) =	sbr.rel @p0 .LBB2_35-.Ltmp16, $4  }
0x579: {  	v22 =	vld [tilespmem:s23+$0x1030];
	v28 =	vmul.bf16 v21, v12  }
0x57a: {  	v26 =	vadd.bf16 v26, v24;
	v21 =	vld [tilespmem:s23+$0x1040]  }
0x57b: {  	v24 =	vmul.bf16 v19, v11;
	v20 =	vld [tilespmem:s23+$0x1050];
	v18 =	vadd.bf16 v28, v18  }
0x57c: {  	v26 =	vadd.bf16 v25, v26;
	v25 =	vmul.bf16 v27, v11;
	v19 =	vld [tilespmem:s23+$0x1060];
	s23 =	sadd.s32 $0x400, s23  }
0x57d: {  	_ = 	snop  }
0x57e: {  	v12 =	vadd.bf16 v24, v26;
	_ =	sdelay $0x1  }
0x57f: {  	v23 =	vmul.bf16 v23, v11;
	v13 =	vadd.bf16 v25, v13;
	v24 =	vshll.u32 v12, $0x10  }
0x580: {  	v12 =	vand.u32 $0xFFFF0000, v12;
	[tilespmem:s20+$0xFFFFF000] =	vst v24  }
0x581: {  	v22 =	vmul.bf16 v22, v11;
	v14 =	vadd.bf16 v23, v14;
	[tilespmem:s20+$0x0] =	vst v12;
	v12 =	vshll.u32 v13, $0x10  }
0x582: {  	v13 =	vand.u32 $0xFFFF0000, v13;
	[tilespmem:s20+$0xFFFFF010] =	vst v12  }
0x583: {  	v15 =	vadd.bf16 v22, v15;
	v12 =	vmul.bf16 v21, v11;
	v21 =	vshll.u32 v14, $0x10;
	[tilespmem:s20+$0x10] =	vst v13  }
0x584: {  	v13 =	vand.u32 $0xFFFF0000, v14;
	v14 =	vmul.bf16 v20, v11;
	[tilespmem:s20+$0xFFFFF020] =	vst v21  }
0x585: {  	[tilespmem:s20+$0x20] =	vst v13;
	v13 =	vand.u32 $0xFFFF0000, v15;
	v12 =	vadd.bf16 v12, v16  }
0x586: {  	v11 =	vmul.bf16 v19, v11;
	v16 =	vshll.u32 v15, $0x10;
	v14 =	vadd.bf16 v14, v17;
	[tilespmem:s20+$0x30] =	vst v13  }
0x587: {  	[tilespmem:s20+$0xFFFFF030] =	vst v16;
	v15 =	vshll.u32 v12, $0x10  }
0x588: {  	v11 =	vadd.bf16 v11, v18;
	v13 =	vshll.u32 v14, $0x10;
	[tilespmem:s20+$0xFFFFF040] =	vst v15  }
0x589: {  	v12 =	vand.u32 $0xFFFF0000, v12;
	[tilespmem:s21+$0xFFFFF050] =	vst v13  }
0x58a: {  	v13 =	vshll.u32 v11, $0x10;
	[tilespmem:s21+$0x40] =	vst v12  }
0x58b: {  	v11 =	vand.u32 $0xFFFF0000, v11;
	[tilespmem:s21+$0xFFFFF060] =	vst v13  }
0x58c: {  	v12 =	vand.u32 $0xFFFF0000, v14;
	[tilespmem:s21+$0x60] =	vst v11  }
0x58d: {  	s23 =	simm.s32 $0x8400;
	[tilespmem:s21+$0x50] =	vst v12  }
0x58e: {  	v12 =	vld [tilespmem:s23+$0xFFFFE070]  }
0x58f: {  	v13 =	vld [tilespmem:s23+$0xFFFFF070]  }
0x590: {  	v14 =	vld [tilespmem:s23+$0x70]  }
0x591: {  	v16 =	vld [tilespmem:s23+$0xFFFFF000]  }
0x592: {  	v15 =	vld [tilespmem:s23+$0x1070]  }
0x593: {  	v17 =	vld [tilespmem:s23+$0x0]  }
0x594: {  	v18 =	vld [tilespmem:s23+$0xFFFFE010]  }
0x595: {  	v19 =	vld [tilespmem:s23+$0xFFFFF010]  }
0x596: {  	v20 =	vld [tilespmem:s23+$0x10]  }
0x597: {  	v21 =	vld [tilespmem:s23+$0xFFFFE020]  }
0x598: {  	v22 =	vld [tilespmem:s23+$0xFFFFF020]  }
0x599: {  	v23 =	vld [tilespmem:s23+$0x20]  }
0x59a: {  	v24 =	vld [tilespmem:s23+$0xFFFFE030]  }
0x59b: {  	v25 =	vld [tilespmem:s23+$0xFFFFF030]  }
0x59c: {  	v10 =	vbroadcast v10, $0x7;
	v26 =	vld [tilespmem:s23+$0x30]  }
0x59d: {  	v27 =	vld [tilespmem:s23+$0xFFFFE040]  }
0x59e: {  	v11 =	vsub.f32 $1.000000000e+00, v10;
	v28 =	vld [tilespmem:s23+$0xFFFFF040]  }
0x59f: {  	v29 =	vld [tilespmem:s23+$0x40]  }
0x5a0: {  	v11 =	vpack.i.f32.bf16 v11, v11;
	v30 =	vld [tilespmem:s23+$0xFFFFE050]  }
0x5a1: {  	v31 =	vld [tilespmem:s23+$0xFFFFF050];
	v12 =	vadd.bf16 v13, v12;
	v13 =	vmul.bf16 v14, v11  }
0x5a2: {  	v10 =	vpack.i.f32.bf16 v10, v10;
	v32 =	vld [tilespmem:s23+$0x50]  }
0x5a3: {  	v14 =	vmul.bf16 v20, v11;
	v20 =	vld [tilespmem:s23+$0xFFFFE000];
	v12 =	vadd.bf16 v13, v12;
	v13 =	vmul.bf16 v15, v10  }
0x5a4: {  	v33 =	vld [tilespmem:s23+$0xFFFFE060]  }
0x5a5: {  	v35 =	vld [tilespmem:s23+$0xFFFFF060];
	v15 =	vmul.bf16 v23, v11;
	v34 =	vadd.bf16 v13, v12  }
0x5a6: {  	v23 =	vmul.bf16 v29, v11;
	v12 =	vadd.bf16 v19, v18;
	v13 =	vadd.bf16 v22, v21;
	v18 =	vld [tilespmem:s23+$0x60]  }
0x5a7: {  	v19 =	vadd.bf16 v25, v24;
	v21 =	vmul.bf16 v26, v11;
	v22 =	vadd.bf16 v28, v27;
	v24 =	vld [tilespmem:s23+$0x1000]  }
0x5a8: {  	v26 =	vld [tilespmem:s23+$0x1010];
	v25 =	vmul.bf16 v17, v11;
	v17 =	vadd.bf16 v31, v30;
	v62 =	vadd.bf16 v16, v20  }
0x5a9: {  	v13 =	vadd.bf16 v15, v13;
	v15 =	vadd.bf16 v23, v22;
	v22 =	vld [tilespmem:s23+$0x1020]  }
0x5aa: {  	v12 =	vadd.bf16 v14, v12;
	v14 =	vadd.bf16 v21, v19;
	v19 =	vmul.bf16 v32, v11;
	v21 =	vld [tilespmem:s23+$0x1030]  }
0x5ab: {  	s20 =	simm.s32 $0xD400;
	v27 =	vadd.bf16 v35, v33;
	v20 =	vld [tilespmem:s23+$0x1040];
	v23 =	vand.u32 $0xFFFF0000, v34;
	v18 =	vmul.bf16 v18, v11  }
0x5ac: {  	v63 =	vshll.u32 v34, $0x10;
	[tilespmem:s20+$0x70] =	vst v23;
	v25 =	vadd.bf16 v25, v62;
	v16 =	vadd.bf16 v19, v17;
	v19 =	vld [tilespmem:s23+$0x1050]  }
0x5ad: {  	s22 =	simm.s32 $0x0;
	s21 =	simm.s32 $0xD400;
	[tilespmem:s20+$0xFFFFF070] =	vst v63;
	v23 =	vmul.bf16 v24, v10;
	v24 =	vmul.bf16 v26, v10;
	v17 =	vadd.bf16 v18, v27;
	v18 =	vld [tilespmem:s23+$0x1060];
	s23 =	simm.s32 $0x8800  }
.LBB2_37:
0x5ae: {  	v26 =	vld [tilespmem:s23+$0xFFFFE070];
	v22 =	vmul.bf16 v22, v10  }
0x5af: {  	v27 =	vld [tilespmem:s23+$0xFFFFF070];
	v23 =	vadd.bf16 v23, v25;
	v12 =	vadd.bf16 v24, v12;
	v21 =	vmul.bf16 v21, v10  }
0x5b0: {  	s22 =	sadd.s32 $0x8, s22;
	v24 =	vld [tilespmem:s23+$0x70];
	v13 =	vadd.bf16 v22, v13;
	v20 =	vmul.bf16 v20, v10  }
0x5b1: {  	p0 =	slt.u32 s22, $0x18;
	v25 =	vld [tilespmem:s23+$0xFFFFF000];
	v22 =	vshll.u32 v23, $0x10;
	v14 =	vadd.bf16 v21, v14;
	v19 =	vmul.bf16 v19, v10  }
0x5b2: {  	v23 =	vand.u32 $0xFFFF0000, v23;
	v21 =	vld [tilespmem:s23+$0x1070];
	[tilespmem:s20+$0xFFFFF000] =	vst v22;
	v15 =	vadd.bf16 v20, v15;
	v18 =	vmul.bf16 v18, v10  }
0x5b3: {  	v22 =	vshll.u32 v12, $0x10;
	v12 =	vand.u32 $0xFFFF0000, v12;
	v20 =	vld [tilespmem:s23+$0x0];
	[tilespmem:s20+$0x0] =	vst v23;
	v16 =	vadd.bf16 v19, v16  }
0x5b4: {  	v19 =	vld [tilespmem:s23+$0xFFFFE010];
	[tilespmem:s20+$0xFFFFF010] =	vst v22;
	v22 =	vshll.u32 v13, $0x10;
	v13 =	vand.u32 $0xFFFF0000, v13;
	v17 =	vadd.bf16 v18, v17  }
0x5b5: {  	v23 =	vadd.bf16 v27, v26;
	v18 =	vld [tilespmem:s23+$0xFFFFF010];
	v24 =	vmul.bf16 v24, v11;
	[tilespmem:s20+$0x10] =	vst v12;
	v12 =	vshll.u32 v14, $0x10  }
0x5b6: {  	v14 =	vand.u32 $0xFFFF0000, v14;
	v26 =	vld [tilespmem:s23+$0x10];
	[tilespmem:s20+$0xFFFFF020] =	vst v22;
	v22 =	vshll.u32 v15, $0x10;
	v15 =	vand.u32 $0xFFFF0000, v15  }
0x5b7: {  	v27 =	vld [tilespmem:s23+$0xFFFFE020];
	v23 =	vadd.bf16 v24, v23;
	v21 =	vmul.bf16 v21, v10;
	[tilespmem:s20+$0x20] =	vst v13;
	v13 =	vshll.u32 v16, $0x10  }
0x5b8: {  	v28 =	vshll.u32 v17, $0x10;
	v16 =	vand.u32 $0xFFFF0000, v16;
	v24 =	vmul.bf16 v20, v11;
	v20 =	vld [tilespmem:s23+$0xFFFFF020];
	[tilespmem:s20+$0xFFFFF030] =	vst v12  }
0x5b9: {  	v29 =	vld [tilespmem:s23+$0x20];
	v12 =	vadd.bf16 v21, v23;
	[tilespmem:s20+$0x30] =	vst v14;
	v14 =	vand.u32 $0xFFFF0000, v17  }
0x5ba: {  	v17 =	vadd.bf16 v18, v19;
	v18 =	vld [tilespmem:s23+$0xFFFFE030];
	[tilespmem:s20+$0xFFFFF040] =	vst v22  }
0x5bb: {  	s20 =	sadd.s32 $0x400, s20;
	v19 =	vmul.bf16 v26, v11;
	v21 =	vld [tilespmem:s23+$0xFFFFF030];
	v22 =	vshll.u32 v12, $0x10;
	v12 =	vand.u32 $0xFFFF0000, v12;
	[tilespmem:s21+$0x40] =	vst v15  }
0x5bc: {  	v15 =	vld [tilespmem:s23+$0x30];
	[tilespmem:s20+$0x70] =	vst v12  }
0x5bd: {  	v12 =	vadd.bf16 v19, v17;
	v17 =	vadd.bf16 v20, v27;
	v19 =	vld [tilespmem:s23+$0xFFFFE040];
	[tilespmem:s21+$0xFFFFF050] =	vst v13  }
0x5be: {  	v13 =	vmul.bf16 v29, v11;
	v20 =	vld [tilespmem:s23+$0xFFFFF040];
	[tilespmem:s21+$0x50] =	vst v16  }
0x5bf: {  	v16 =	vld [tilespmem:s23+$0x40];
	[tilespmem:s21+$0xFFFFF060] =	vst v28  }
0x5c0: {  	v13 =	vadd.bf16 v13, v17;
	v17 =	vadd.bf16 v21, v18;
	v18 =	vld [tilespmem:s23+$0xFFFFE050];
	[tilespmem:s21+$0x60] =	vst v14;
	s21 =	smov.u32 s20  }
0x5c1: {  	v14 =	vmul.bf16 v15, v11;
	v21 =	vld [tilespmem:s23+$0xFFFFF050];
	[tilespmem:s20+$0xFFFFF070] =	vst v22  }
0x5c2: {  	v22 =	vld [tilespmem:s23+$0x50]  }
0x5c3: {  	v14 =	vadd.bf16 v14, v17;
	v15 =	vadd.bf16 v20, v19;
	v17 =	vld [tilespmem:s23+$0xFFFFE060]  }
0x5c4: {  	v16 =	vmul.bf16 v16, v11;
	v19 =	vld [tilespmem:s23+$0xFFFFF060]  }
0x5c5: {  	v20 =	vld [tilespmem:s23+$0x60]  }
0x5c6: {  	v23 =	vld [tilespmem:s23+$0xFFFFE000];
	v15 =	vadd.bf16 v16, v15;
	v16 =	vadd.bf16 v21, v18  }
0x5c7: {  	v18 =	vld [tilespmem:s23+$0x1000];
	v21 =	vmul.bf16 v22, v11  }
0x5c8: {  	v26 =	vld [tilespmem:s23+$0x1010]  }
.Ltmp17:
0x5c9: {  	v22 =	vld [tilespmem:s23+$0x1020];
	v16 =	vadd.bf16 v21, v16;
	v17 =	vadd.bf16 v19, v17;
	(pc) =	sbr.rel @p0 .LBB2_37-.Ltmp17, $4  }
0x5ca: {  	v21 =	vld [tilespmem:s23+$0x1030];
	v27 =	vmul.bf16 v20, v11  }
0x5cb: {  	v25 =	vadd.bf16 v25, v23;
	v20 =	vld [tilespmem:s23+$0x1040]  }
0x5cc: {  	v23 =	vmul.bf16 v18, v10;
	v19 =	vld [tilespmem:s23+$0x1050];
	v17 =	vadd.bf16 v27, v17  }
0x5cd: {  	v25 =	vadd.bf16 v24, v25;
	v24 =	vmul.bf16 v26, v10;
	v18 =	vld [tilespmem:s23+$0x1060];
	s23 =	sadd.s32 $0x400, s23  }
0x5ce: {  	_ = 	snop  }
0x5cf: {  	v11 =	vadd.bf16 v23, v25;
	_ =	sdelay $0x1  }
0x5d0: {  	v22 =	vmul.bf16 v22, v10;
	v12 =	vadd.bf16 v24, v12;
	v23 =	vshll.u32 v11, $0x10  }
0x5d1: {  	v11 =	vand.u32 $0xFFFF0000, v11;
	[tilespmem:s20+$0xFFFFF000] =	vst v23  }
0x5d2: {  	v21 =	vmul.bf16 v21, v10;
	v13 =	vadd.bf16 v22, v13;
	[tilespmem:s20+$0x0] =	vst v11;
	v11 =	vshll.u32 v12, $0x10  }
0x5d3: {  	v12 =	vand.u32 $0xFFFF0000, v12;
	[tilespmem:s20+$0xFFFFF010] =	vst v11  }
0x5d4: {  	v14 =	vadd.bf16 v21, v14;
	v58 =	vmul.bf16 v19, v10;
	v56 =	vshll.u32 v13, $0x10;
	[tilespmem:s20+$0x10] =	vst v12  }
0x5d5: {  	v57 =	vand.u32 $0xFFFF0000, v13;
	v11 =	vmul.bf16 v20, v10;
	[tilespmem:s20+$0xFFFFF020] =	vst v56  }
0x5d6: {  	v59 =	vshll.u32 v14, $0x10;
	[tilespmem:s20+$0x20] =	vst v57;
	v10 =	vmul.bf16 v18, v10;
	v13 =	vadd.bf16 v58, v16  }
0x5d7: {  	v60 =	vand.u32 $0xFFFF0000, v14;
	[tilespmem:s20+$0xFFFFF030] =	vst v59;
	v11 =	vadd.bf16 v11, v15  }
0x5d8: {  	[tilespmem:s20+$0x30] =	vst v60;
	v10 =	vadd.bf16 v10, v17;
	v62 =	vshll.u32 v13, $0x10  }
0x5d9: {  	[tilespmem:s21+$0xFFFFF050] =	vst v62;
	v61 =	vshll.u32 v11, $0x10  }
0x5da: {  	v63 =	vshll.u32 v10, $0x10;
	[tilespmem:s20+$0xFFFFF040] =	vst v61  }
0x5db: {  	v10 =	vand.u32 $0xFFFF0000, v10;
	[tilespmem:s21+$0xFFFFF060] =	vst v63  }
0x5dc: {  	s13 =	sadd.s32 s4, s13;
	v11 =	vand.u32 $0xFFFF0000, v11;
	[tilespmem:s21+$0x60] =	vst v10  }
0x5dd: {  	s13 =	sshll.u32 s13, $0x7;
	[tilespmem:s21+$0x40] =	vst v11;
	v11 =	vand.u32 $0xFFFF0000, v13  }
0x5de: {  	s13 =	sadd.s32 s1, s13;
	[tilespmem:s21+$0x50] =	vst v11  }
0x5df: {  	[hbm4b:s13+s3] =	stream.linear.scatter [tilespmem:s7], [sflag:$0x4], $0x2000, $0x38;
	[tilespmem:$0xE080] =	vst v63  }
0x5e0: {  	v10 =	vld [tilespmem:s19+$0x10E0];
	_ =	sdelay $0x4  }
0x5e1: {  	v11 =	vshll.u32 v10, $0x2  }
0x5e2: {  	v10 =	vand.u32 $0x7, v10;
	v11 =	vand.u32 $0xFFFFFFE0, v11  }
0x5e3: {  	v10 =	vor.u32 v10, v11  }
0x5e4: {  	v11 =	vperm.xlane v10, v7;
	_ =	sdelay $0x1  }
0x5e5: {  	v11 =	vadd.s32 v8, v11;
	_ =	sdelay $0x1  }
0x5e6: {  	v10 =	vperm.xlane v10, v9;
	_ =	sdelay $0x1  }
0x5e7: {  	v10 =	vadd.s32 v8, v10  }
0x5e8: {  	[tilespmem:s29], [sflag:$0x2] =	stream.indirect_vreg.gather [hbm4b:s5+s3], $0x80, v11, vm0, $0xb8;
	[tilespmem:$0xE080] =	vst v63  }
0x5e9: {  	_ = 	snop  }
0x5ea: {  	[tilespmem:s30], [sflag:$0x2] =	stream.indirect_vreg.gather [hbm4b:s12+s3], $0x80, v11, vm0, $0xb8;
	[tilespmem:$0xE080] =	vst v63  }
0x5eb: {  	_ = 	snop  }
0x5ec: {  	[tilespmem:s31], [sflag:$0x2] =	stream.indirect_vreg.gather [hbm4b:s5+s3], $0x80, v10, vm0, $0xb8;
	[tilespmem:$0xE080] =	vst v63  }
0x5ed: {  	_ = 	snop  }
0x5ee: {  	[tilespmem:s0], [sflag:$0x2] =	stream.indirect_vreg.gather [hbm4b:s12+s3], $0x80, v10, vm0, $0xb8;
	[tilespmem:$0xE080] =	vst v63  }
0x5ef: {  	v10 =	vld [tilespmem:s19+$0x10F0];
	_ =	sdelay $0x4  }
0x5f0: {  	v11 =	vshll.u32 v10, $0x2  }
0x5f1: {  	v10 =	vand.u32 $0x7, v10;
	v11 =	vand.u32 $0xFFFFFFE0, v11  }
0x5f2: {  	v10 =	vor.u32 v10, v11  }
0x5f3: {  	v11 =	vperm.xlane v10, v7;
	_ =	sdelay $0x1  }
0x5f4: {  	v11 =	vadd.s32 v8, v11;
	_ =	sdelay $0x2  }
0x5f5: {  	v10 =	vperm.xlane v10, v9  }
0x5f6: {  	s14 =	sadd.s32 $0x1, s14  }
0x5f7: {  	v10 =	vadd.s32 v8, v10;
	[tilespmem:s2], [sflag:$0x2] =	stream.indirect_vreg.gather [hbm4b:s5+s3], $0x80, v11, vm0, $0xb8;
	[tilespmem:$0xE080] =	vst v63  }
0x5f8: {  	p0 =	sne.s32 s14, $0x40  }
0x5f9: {  	[tilespmem:s16], [sflag:$0x2] =	stream.indirect_vreg.gather [hbm4b:s12+s3], $0x80, v11, vm0, $0xb8;
	[tilespmem:$0xE080] =	vst v63  }
.Ltmp18:
0x5fa: {  	_ = 	snop;
	(pc) =	sbr.rel @p0 .LBB2_6-.Ltmp18, $4  }
0x5fb: {  	_ = 	snop  }
0x5fc: {  	[tilespmem:s17], [sflag:$0x2] =	stream.indirect_vreg.gather [hbm4b:s5+s3], $0x80, v10, vm0, $0xb8;
	[tilespmem:$0xE080] =	vst v63  }
0x5fd: {  	_ = 	snop  }
0x5fe: {  	[tilespmem:s15], [sflag:$0x2] =	stream.indirect_vreg.gather [hbm4b:s12+s3], $0x80, v10, vm0, $0xb8;
	[tilespmem:$0xE080] =	vst v63  }
0x5ff: {  	_ =	swait.ge [sflag:s8], $0x4000  }
0x600: {  	[sflag:s8] =	ssyncset.done $0x0  }
0x601: {  	[sflag:s8] =	ssyncadd.s32 $0xFFFFC000  }
0x602: {  	_ =	swait.ge [sflag:s10], $0x4000  }
0x603: {  	[sflag:s10] =	ssyncset.done $0x0  }
0x604: {  	[sflag:s10] =	ssyncadd.s32 $0xFFFFC000  }
0x605: {  	_ =	swait.ge [sflag:s9], $0x2000  }
0x606: {  	[sflag:s9] =	ssyncset.done $0x0  }
0x607: {  	[sflag:s9] =	ssyncadd.s32 $0xFFFFE000  }
0x608: {  	_ =	swait.ge [sflag:s11], $0x2000  }
0x609: {  	s14 =	rddreg [dreg:$0xb]  }
0x60a: {  	s13 =	rddreg [dreg:$0xa];
	s14 =	sadd.s32 $0x1, s14  }
0x60b: {  	p0 =	sne.s32 s14, s13  }
.Ltmp19:
0x60c: {  	_ = 	snop;
	(pc) =	sbr.rel @p0 .LBB2_1-.Ltmp19, $3  }
0x60d: {  	_ =	sdelay $0x1  }
0x60e: {  	[sflag:s11] =	ssyncset.done $0x0  }
0x60f: {  	s21 =	simm.s32 $0x400;
	s22 =	simm.s32 $0x5;
	[sflag:s11] =	ssyncadd.s32 $0xFFFFE000  }
0x610: {  	_ =	sfence.sel $0x180000  }
0x611: {  	[bflag:$0x0] =	sbarrier.arrive $0xFFFF  }
0x612: {  	_ =	strace $0x90000047  }
0x613: {  	s0 =	stileid.u32;
	[bflag:$0x2] =	sbarrier.arrive $0xFFFF  }
0x614: {  	p0 =	sne.s32 s0, $0x0;
	s0 =	rddreg [dreg:$0x2]  }
0x615: {  	s0 =	sadd.s32 @!p0 $0x100000, s0  }
0x616: {  	[sflag:s0] =	ssyncadd.tile.s32 @!p0 $0x1;
	_ =	shalt  }
.Lfunc_end2:
_tile_overlayer_lowered:
.L_overlay_start_2:
0x617: {  	(tag) =	ssettag $0x2  }
0x618: {  	s0 =	rddreg [dreg:$0x0];
	s2 =	stileid.u32  }
0x619: {  	s1 =	rddreg [dreg:$0x1];
	p0 =	sne.s32 s2, $0x0  }
0x61a: {  	s3 =	rddreg [dreg:$0x2];
	[bflag:$0x3] =	sbarrier.arrive $0xFFFF;
	s2 =	simm.s32 @!p0 $0x1C05  }
0x61b: {  	[timem:s3], [sflag:s2] =	dma.local @!p0 [hbm:s0], s1  }
0x61c: {  	s0 =	simm.s32 @!p0 $0x5  }
0x61d: {  	_ =	swait.ge @!p0 [sflag:s0], s1  }
0x61e: {  	s1 =	ssub.s32 @!p0 $0x0, s1;
	[sflag:s0] =	ssyncset.done @!p0 $0x0  }
0x61f: {  	[sflag:s0] =	ssyncadd.s32 @!p0 s1  }
0x620: {  	[bflag:$0x3] =	sbarrier.arrive $0xFFFF  }
0x621: {  	_ =	shalt  }

</sc_bundles>
